<compile_context>
chip_gen: v7x
topology: tpu7x:2x2x1
jax: 0.10.2.dev20260603
libtpu: 0.0.44.dev20260713+nightly
codegen_flags: <defaults>
</compile_context>

<pallas_src>
import jax
import jax.numpy as jnp
from jax import lax
from jax.experimental import pallas as pl
from jax.experimental.pallas import tpu as pltpu
from jax.experimental.pallas import tpu_sc as plsc

_DIM = 128
_EPS = 1e-12

_NC, _NS = 2, 16
_NW = _NC * _NS
_N = 4 * 8192
_PER_W = _N // _NW
_CHUNK = 128
_NCHUNK = _PER_W // _CHUNK
_NRB = 4
_NOB = 2

_L = 16
_J = _DIM // _L


def _sc_kernel(ids_hbm, ttid_hbm, word_hbm, type_hbm, out_hbm,
               idx_v, ttid_v, type_v, rbufs, obufs, gsems, osems):
    wid = lax.axis_index("s") * _NC + lax.axis_index("c")
    base = wid * _PER_W

    def fire_gather(c):
        return pltpu.async_copy(
            word_hbm.at[idx_v.at[c]], rbufs[c % _NRB], gsems[c % _NRB])

    pltpu.sync_copy(ids_hbm.at[pl.ds(wid * _NCHUNK, _NCHUNK)], idx_v)
    gcps = {c: fire_gather(c) for c in range(min(_NRB, _NCHUNK))}
    ocps = {}

    pltpu.sync_copy(ttid_hbm.at[pl.ds(base, _PER_W)], ttid_v)
    pltpu.sync_copy(type_hbm, type_v)

    e0 = [type_v[0, pl.ds(_L * j, _L)] for j in range(_J)]
    dt = [type_v[1, pl.ds(_L * j, _L)] - e0[j] for j in range(_J)]

    for c in range(_NCHUNK):
        rb = rbufs[c % _NRB]
        ob = obufs[c % _NOB]
        gcps[c].wait()
        if c >= _NOB:
            ocps[c - _NOB].wait()

        @plsc.parallel_loop(0, _CHUNK, step=1, unroll=1)
        def _row(r):
            tid = plsc.load_gather(
                ttid_v,
                [jnp.full((_L,), c * _CHUNK + r, jnp.int32)]).astype(jnp.float32)
            xs = []
            acc = jnp.zeros((_L,), jnp.float32)
            for j in range(_J):
                x = rb[r, pl.ds(_L * j, _L)] + e0[j] + tid * dt[j]
                xs.append(x)
                acc = acc + x * x
            s = jnp.sum(acc) * (1.0 / _DIM) + _EPS
            i = lax.bitcast_convert_type(s, jnp.int32)
            i = jnp.int32(0x5F3759DF) - lax.shift_right_logical(i, 1)
            y = lax.bitcast_convert_type(i, jnp.float32)
            for _ in range(1):
                y = y * (1.5 - 0.5 * s * y * y)
            ybc = jnp.full((_L,), y, jnp.float32)
            for j in range(_J):
                ob[r, pl.ds(_L * j, _L)] = xs[j] * ybc

        ocps[c] = pltpu.async_copy(
            ob, out_hbm.at[pl.ds(base + c * _CHUNK, _CHUNK)], osems[c % _NOB])
        if c + _NRB < _NCHUNK:
            gcps[c + _NRB] = fire_gather(c + _NRB)

    for c in range(max(0, _NCHUNK - _NOB), _NCHUNK):
        ocps[c].wait()


@jax.jit
def kernel(input_ids, token_type_ids, word_emb, type_emb):
    B, S = input_ids.shape
    ids2d = input_ids.reshape(_N // _CHUNK, _CHUNK)
    ttid = token_type_ids.reshape(_N)

    mesh = plsc.VectorSubcoreMesh(
        core_axis_name="c", subcore_axis_name="s",
        num_cores=_NC, num_subcores=_NS)
    out = pl.kernel(
        _sc_kernel,
        out_type=jax.ShapeDtypeStruct((_N, _DIM), jnp.float32),
        mesh=mesh,
        compiler_params=pltpu.CompilerParams(needs_layout_passes=False),
        scratch_types=[
            pltpu.VMEM((_NCHUNK, _CHUNK), jnp.int32),
            pltpu.VMEM((_PER_W,), jnp.int32),
            pltpu.VMEM((2, _DIM), jnp.float32),
            [pltpu.VMEM((_CHUNK, _DIM), jnp.float32) for _ in range(_NRB)],
            [pltpu.VMEM((_CHUNK, _DIM), jnp.float32) for _ in range(_NOB)],
            [pltpu.SemaphoreType.DMA for _ in range(_NRB)],
            [pltpu.SemaphoreType.DMA for _ in range(_NOB)],
        ],
    )(ids2d, ttid, word_emb, type_emb)
    return out.reshape(B, S, _DIM)

# --- scband reference (transcript-rebuilt; emitter-appended) ---
"""Pipeline reference for scband-gaualpha-embeddings-8186207666273 (READ-ONLY COPY).

The authoritative reference and input builder live on the scoring server;
editing this copy changes nothing except your own understanding.
"""

import jax, jax.numpy as jnp
import numpy as np

VOCAB = 1000000
TYPE_VOCAB = 2
DIM = 128
B, S = 4, 8192
EPS = 1e-12

def setup_inputs(seed: int = 0) -> dict:
    key = jax.random.key(seed)
    k1, k2, k3, k4 = jax.random.split(key, 4)
    input_ids = jax.random.randint(k1, (B, S), 0, VOCAB, dtype=jnp.int64 if jax.config.jax_enable_x64 else jnp.int32).astype(jnp.int32)
    token_type_ids = jax.random.randint(k2, (B, S), 0, TYPE_VOCAB).astype(jnp.int32)
    word_emb = jax.random.normal(k3, (VOCAB, DIM), dtype=jnp.float32) * 0.02
    # padding_idx=0: torch initializes that row to zeros
    word_emb = word_emb.at[0].set(0.0)
    type_emb = jax.random.normal(k4, (TYPE_VOCAB, DIM), dtype=jnp.float32) * 0.02
    return {"input_ids": input_ids, "token_type_ids": token_type_ids, "word_emb": word_emb, "type_emb": type_emb}

def _norm(x, eps=EPS):
    # GAU-alpha Norm: RMS normalization without learnable scale
    variance = jnp.mean(jnp.square(x), axis=-1, keepdims=True)
    return x * jax.lax.rsqrt(variance + eps)

def reference(input_ids, token_type_ids, word_emb, type_emb):
    inputs_embeds = jnp.take(word_emb, input_ids, axis=0)
    token_type_embeddings = jnp.take(type_emb, token_type_ids, axis=0)
    embeddings = inputs_embeds + token_type_embeddings
    embeddings = _norm(embeddings)
    # dropout is identity in eval mode
    return embeddings

if __name__ == "__main__":
    import jax
    _d = setup_inputs()
    print(jax.jit(kernel)(*tuple(_d.values())))

</pallas_src>

<mosaic_0001>
#map = affine_map<(d0, d1) -> (0, 0)>
#map1 = affine_map<(d0, d1) -> (0)>
module attributes {stable_mosaic.version = 14 : i64} {
  func.func @_sc_kernel(%arg0: i32, %arg1: i32, %arg2: memref<256x128xi32, #tpu.memory_space<hbm>>, %arg3: memref<32768xi32, #tpu.memory_space<hbm>>, %arg4: memref<1000000x128xf32, #tpu.memory_space<hbm>>, %arg5: memref<2x128xf32, #tpu.memory_space<hbm>>, %arg6: memref<32768x128xf32, #tpu.memory_space<hbm>>, %arg7: memref<8x128xi32, #tpu.memory_space<vmem>>, %arg8: memref<1024xi32, #tpu.memory_space<vmem>>, %arg9: memref<2x128xf32, #tpu.memory_space<vmem>>, %arg10: memref<128x128xf32, #tpu.memory_space<vmem>>, %arg11: memref<128x128xf32, #tpu.memory_space<vmem>>, %arg12: memref<128x128xf32, #tpu.memory_space<vmem>>, %arg13: memref<128x128xf32, #tpu.memory_space<vmem>>, %arg14: memref<128x128xf32, #tpu.memory_space<vmem>>, %arg15: memref<128x128xf32, #tpu.memory_space<vmem>>, %arg16: memref<!tpu.dma_semaphore, #tpu.memory_space<semaphore_mem>>, %arg17: memref<!tpu.dma_semaphore, #tpu.memory_space<semaphore_mem>>, %arg18: memref<!tpu.dma_semaphore, #tpu.memory_space<semaphore_mem>>, %arg19: memref<!tpu.dma_semaphore, #tpu.memory_space<semaphore_mem>>, %arg20: memref<!tpu.dma_semaphore, #tpu.memory_space<semaphore_mem>>, %arg21: memref<!tpu.dma_semaphore, #tpu.memory_space<semaphore_mem>>) attributes {dimension_semantics = [#tpu.dimension_semantics<core_parallel>, #tpu.dimension_semantics<subcore_parallel>], iteration_bounds = array<i64: 2, 16>, scalar_prefetch = 0 : i64, scratch_operands = 15 : i64, tpu.core_type = #tpu.core_type<sc_vector_subcore>, window_params = [{transform_indices = #map}, {transform_indices = #map1}, {transform_indices = #map}, {transform_indices = #map}, {transform_indices = #map}]} {
    %mul3A = arith.constant 2 : i32
    %mul3A_0 = arith.muli %arg1, %mul3A : i32
    %add3A = arith.addi %mul3A_0, %arg0 : i32
    %mul3A_1 = arith.constant 1024 : i32
    %mul3A_2 = arith.muli %add3A, %mul3A_1 : i32
    %mul3A_3 = arith.constant 8 : i32
    %mul3A_4 = arith.muli %add3A, %mul3A_3 : i32
    "tpu.region"() ({
      %run_scoped3A = tpu.sem_alloc : memref<!tpu.dma_semaphore, #tpu.memory_space<semaphore_mem>>
      %dma_start3A_288 = arith.constant 0 : i32
      %dma_start3A_289 = tpu.memref_slice %arg2[%mul3A_4, %dma_start3A_288] : memref<256x128xi32, #tpu.memory_space<hbm>> -> memref<8x128xi32, #tpu.memory_space<hbm>>
      %dma_start3A_290 = arith.constant 0 : i32
      %dma_start3A_291 = tpu.memref_slice %arg2[%mul3A_4, %dma_start3A_290] : memref<256x128xi32, #tpu.memory_space<hbm>> -> memref<8x128xi32, #tpu.memory_space<hbm>>
      tpu.enqueue_dma source(%dma_start3A_291 : memref<8x128xi32, #tpu.memory_space<hbm>>) target(%arg7 : memref<8x128xi32, #tpu.memory_space<vmem>>) target_semaphore(%run_scoped3A : memref<!tpu.dma_semaphore, #tpu.memory_space<semaphore_mem>>)
      %dma_wait3A_292 = arith.constant 0 : i32
      %dma_wait3A_293 = tpu.memref_slice %arg2[%mul3A_4, %dma_wait3A_292] : memref<256x128xi32, #tpu.memory_space<hbm>> -> memref<8x128xi32, #tpu.memory_space<hbm>>
      %dma_wait3A_294 = arith.constant 0 : i32
      %dma_wait3A_295 = tpu.memref_slice %arg2[%mul3A_4, %dma_wait3A_294] : memref<256x128xi32, #tpu.memory_space<hbm>> -> memref<8x128xi32, #tpu.memory_space<hbm>>
      tpu.wait_dma2 semaphore(%run_scoped3A : memref<!tpu.dma_semaphore, #tpu.memory_space<semaphore_mem>>) src(%dma_wait3A_295 : memref<8x128xi32, #tpu.memory_space<hbm>>) dst(%arg7 : memref<8x128xi32, #tpu.memory_space<vmem>>)
      tpu.yield
    }) : () -> ()
    %dma_start3A = arith.constant 0 : i32
    %dma_start3A_5 = arith.constant 0 : i32
    %dma_start3A_6 = tpu.memref_slice %arg7[%dma_start3A, %dma_start3A_5] : memref<8x128xi32, #tpu.memory_space<vmem>> -> memref<1x128xi32, #tpu.memory_space<vmem>>
    %dma_start3A_7 = tpu.memref_squeeze %dma_start3A_6 : memref<1x128xi32, #tpu.memory_space<vmem>> -> memref<128xi32, #tpu.memory_space<vmem>>
    %dma_start3A_8 = arith.constant 0 : i32
    %dma_start3A_9 = arith.constant 0 : i32
    %dma_start3A_10 = tpu.memref_slice %arg4[%dma_start3A_8, %dma_start3A_9] : memref<1000000x128xf32, #tpu.memory_space<hbm>> -> memref<1000000x128xf32, #tpu.memory_space<hbm>>
    tpu.enqueue_indirect_dma source(%dma_start3A_10 : memref<1000000x128xf32, #tpu.memory_space<hbm>>) target(%arg10 : memref<128x128xf32, #tpu.memory_space<vmem>>) offsets(%dma_start3A_7 : memref<128xi32, #tpu.memory_space<vmem>>) semaphore(%arg16 : memref<!tpu.dma_semaphore, #tpu.memory_space<semaphore_mem>>)
    %dma_start3A_11 = arith.constant 1 : i32
    %dma_start3A_12 = arith.constant 0 : i32
    %dma_start3A_13 = tpu.memref_slice %arg7[%dma_start3A_11, %dma_start3A_12] : memref<8x128xi32, #tpu.memory_space<vmem>> -> memref<1x128xi32, #tpu.memory_space<vmem>>
    %dma_start3A_14 = tpu.memref_squeeze %dma_start3A_13 : memref<1x128xi32, #tpu.memory_space<vmem>> -> memref<128xi32, #tpu.memory_space<vmem>>
    %dma_start3A_15 = arith.constant 0 : i32
    %dma_start3A_16 = arith.constant 0 : i32
    %dma_start3A_17 = tpu.memref_slice %arg4[%dma_start3A_15, %dma_start3A_16] : memref<1000000x128xf32, #tpu.memory_space<hbm>> -> memref<1000000x128xf32, #tpu.memory_space<hbm>>
    tpu.enqueue_indirect_dma source(%dma_start3A_17 : memref<1000000x128xf32, #tpu.memory_space<hbm>>) target(%arg11 : memref<128x128xf32, #tpu.memory_space<vmem>>) offsets(%dma_start3A_14 : memref<128xi32, #tpu.memory_space<vmem>>) semaphore(%arg17 : memref<!tpu.dma_semaphore, #tpu.memory_space<semaphore_mem>>)
    %dma_start3A_18 = arith.constant 2 : i32
    %dma_start3A_19 = arith.constant 0 : i32
    %dma_start3A_20 = tpu.memref_slice %arg7[%dma_start3A_18, %dma_start3A_19] : memref<8x128xi32, #tpu.memory_space<vmem>> -> memref<1x128xi32, #tpu.memory_space<vmem>>
    %dma_start3A_21 = tpu.memref_squeeze %dma_start3A_20 : memref<1x128xi32, #tpu.memory_space<vmem>> -> memref<128xi32, #tpu.memory_space<vmem>>
    %dma_start3A_22 = arith.constant 0 : i32
    %dma_start3A_23 = arith.constant 0 : i32
    %dma_start3A_24 = tpu.memref_slice %arg4[%dma_start3A_22, %dma_start3A_23] : memref<1000000x128xf32, #tpu.memory_space<hbm>> -> memref<1000000x128xf32, #tpu.memory_space<hbm>>
    tpu.enqueue_indirect_dma source(%dma_start3A_24 : memref<1000000x128xf32, #tpu.memory_space<hbm>>) target(%arg12 : memref<128x128xf32, #tpu.memory_space<vmem>>) offsets(%dma_start3A_21 : memref<128xi32, #tpu.memory_space<vmem>>) semaphore(%arg18 : memref<!tpu.dma_semaphore, #tpu.memory_space<semaphore_mem>>)
    %dma_start3A_25 = arith.constant 3 : i32
    %dma_start3A_26 = arith.constant 0 : i32
    %dma_start3A_27 = tpu.memref_slice %arg7[%dma_start3A_25, %dma_start3A_26] : memref<8x128xi32, #tpu.memory_space<vmem>> -> memref<1x128xi32, #tpu.memory_space<vmem>>
    %dma_start3A_28 = tpu.memref_squeeze %dma_start3A_27 : memref<1x128xi32, #tpu.memory_space<vmem>> -> memref<128xi32, #tpu.memory_space<vmem>>
    %dma_start3A_29 = arith.constant 0 : i32
    %dma_start3A_30 = arith.constant 0 : i32
    %dma_start3A_31 = tpu.memref_slice %arg4[%dma_start3A_29, %dma_start3A_30] : memref<1000000x128xf32, #tpu.memory_space<hbm>> -> memref<1000000x128xf32, #tpu.memory_space<hbm>>
    tpu.enqueue_indirect_dma source(%dma_start3A_31 : memref<1000000x128xf32, #tpu.memory_space<hbm>>) target(%arg13 : memref<128x128xf32, #tpu.memory_space<vmem>>) offsets(%dma_start3A_28 : memref<128xi32, #tpu.memory_space<vmem>>) semaphore(%arg19 : memref<!tpu.dma_semaphore, #tpu.memory_space<semaphore_mem>>)
    "tpu.region"() ({
      %run_scoped3A = tpu.sem_alloc : memref<!tpu.dma_semaphore, #tpu.memory_space<semaphore_mem>>
      %dma_start3A_288 = tpu.memref_slice %arg3[%mul3A_2] : memref<32768xi32, #tpu.memory_space<hbm>> -> memref<1024xi32, #tpu.memory_space<hbm>>
      %dma_start3A_289 = tpu.memref_slice %arg3[%mul3A_2] : memref<32768xi32, #tpu.memory_space<hbm>> -> memref<1024xi32, #tpu.memory_space<hbm>>
      tpu.enqueue_dma source(%dma_start3A_289 : memref<1024xi32, #tpu.memory_space<hbm>>) target(%arg8 : memref<1024xi32, #tpu.memory_space<vmem>>) target_semaphore(%run_scoped3A : memref<!tpu.dma_semaphore, #tpu.memory_space<semaphore_mem>>)
      %dma_wait3A_290 = tpu.memref_slice %arg3[%mul3A_2] : memref<32768xi32, #tpu.memory_space<hbm>> -> memref<1024xi32, #tpu.memory_space<hbm>>
      %dma_wait3A_291 = tpu.memref_slice %arg3[%mul3A_2] : memref<32768xi32, #tpu.memory_space<hbm>> -> memref<1024xi32, #tpu.memory_space<hbm>>
      tpu.wait_dma2 semaphore(%run_scoped3A : memref<!tpu.dma_semaphore, #tpu.memory_space<semaphore_mem>>) src(%dma_wait3A_291 : memref<1024xi32, #tpu.memory_space<hbm>>) dst(%arg8 : memref<1024xi32, #tpu.memory_space<vmem>>)
      tpu.yield
    }) : () -> ()
    "tpu.region"() ({
      %run_scoped3A = tpu.sem_alloc : memref<!tpu.dma_semaphore, #tpu.memory_space<semaphore_mem>>
      tpu.enqueue_dma source(%arg5 : memref<2x128xf32, #tpu.memory_space<hbm>>) target(%arg9 : memref<2x128xf32, #tpu.memory_space<vmem>>) target_semaphore(%run_scoped3A : memref<!tpu.dma_semaphore, #tpu.memory_space<semaphore_mem>>)
      tpu.wait_dma2 semaphore(%run_scoped3A : memref<!tpu.dma_semaphore, #tpu.memory_space<semaphore_mem>>) src(%arg5 : memref<2x128xf32, #tpu.memory_space<hbm>>) dst(%arg9 : memref<2x128xf32, #tpu.memory_space<vmem>>)
      tpu.yield
    }) : () -> ()
    %get3A = arith.constant 0 : i32
    %get3A_32 = arith.index_cast %get3A : i32 to index
    %get3A_33 = arith.constant 0 : index
    %get3A_34 = tpu.vector_load %arg9[%get3A_32, %get3A_33] {strides = array<i32>} : memref<2x128xf32, #tpu.memory_space<vmem>>, vector<16xf32>,
    %get3A_35 = arith.constant 0 : i32
    %get3A_36 = arith.index_cast %get3A_35 : i32 to index
    %get3A_37 = arith.constant 16 : index
    %get3A_38 = tpu.vector_load %arg9[%get3A_36, %get3A_37] {strides = array<i32>} : memref<2x128xf32, #tpu.memory_space<vmem>>, vector<16xf32>,
    %get3A_39 = arith.constant 0 : i32
    %get3A_40 = arith.index_cast %get3A_39 : i32 to index
    %get3A_41 = arith.constant 32 : index
    %get3A_42 = tpu.vector_load %arg9[%get3A_40, %get3A_41] {strides = array<i32>} : memref<2x128xf32, #tpu.memory_space<vmem>>, vector<16xf32>,
    %get3A_43 = arith.constant 0 : i32
    %get3A_44 = arith.index_cast %get3A_43 : i32 to index
    %get3A_45 = arith.constant 48 : index
    %get3A_46 = tpu.vector_load %arg9[%get3A_44, %get3A_45] {strides = array<i32>} : memref<2x128xf32, #tpu.memory_space<vmem>>, vector<16xf32>,
    %get3A_47 = arith.constant 0 : i32
    %get3A_48 = arith.index_cast %get3A_47 : i32 to index
    %get3A_49 = arith.constant 64 : index
    %get3A_50 = tpu.vector_load %arg9[%get3A_48, %get3A_49] {strides = array<i32>} : memref<2x128xf32, #tpu.memory_space<vmem>>, vector<16xf32>,
    %get3A_51 = arith.constant 0 : i32
    %get3A_52 = arith.index_cast %get3A_51 : i32 to index
    %get3A_53 = arith.constant 80 : index
    %get3A_54 = tpu.vector_load %arg9[%get3A_52, %get3A_53] {strides = array<i32>} : memref<2x128xf32, #tpu.memory_space<vmem>>, vector<16xf32>,
    %get3A_55 = arith.constant 0 : i32
    %get3A_56 = arith.index_cast %get3A_55 : i32 to index
    %get3A_57 = arith.constant 96 : index
    %get3A_58 = tpu.vector_load %arg9[%get3A_56, %get3A_57] {strides = array<i32>} : memref<2x128xf32, #tpu.memory_space<vmem>>, vector<16xf32>,
    %get3A_59 = arith.constant 0 : i32
    %get3A_60 = arith.index_cast %get3A_59 : i32 to index
    %get3A_61 = arith.constant 112 : index
    %get3A_62 = tpu.vector_load %arg9[%get3A_60, %get3A_61] {strides = array<i32>} : memref<2x128xf32, #tpu.memory_space<vmem>>, vector<16xf32>,
    %get3A_63 = arith.constant 1 : i32
    %get3A_64 = arith.index_cast %get3A_63 : i32 to index
    %get3A_65 = arith.constant 0 : index
    %get3A_66 = tpu.vector_load %arg9[%get3A_64, %get3A_65] {strides = array<i32>} : memref<2x128xf32, #tpu.memory_space<vmem>>, vector<16xf32>,
    %sub3A = arith.subf %get3A_66, %get3A_34 : vector<16xf32>
    %get3A_67 = arith.constant 1 : i32
    %get3A_68 = arith.index_cast %get3A_67 : i32 to index
    %get3A_69 = arith.constant 16 : index
    %get3A_70 = tpu.vector_load %arg9[%get3A_68, %get3A_69] {strides = array<i32>} : memref<2x128xf32, #tpu.memory_space<vmem>>, vector<16xf32>,
    %sub3A_71 = arith.subf %get3A_70, %get3A_38 : vector<16xf32>
    %get3A_72 = arith.constant 1 : i32
    %get3A_73 = arith.index_cast %get3A_72 : i32 to index
    %get3A_74 = arith.constant 32 : index
    %get3A_75 = tpu.vector_load %arg9[%get3A_73, %get3A_74] {strides = array<i32>} : memref<2x128xf32, #tpu.memory_space<vmem>>, vector<16xf32>,
    %sub3A_76 = arith.subf %get3A_75, %get3A_42 : vector<16xf32>
    %get3A_77 = arith.constant 1 : i32
    %get3A_78 = arith.index_cast %get3A_77 : i32 to index
    %get3A_79 = arith.constant 48 : index
    %get3A_80 = tpu.vector_load %arg9[%get3A_78, %get3A_79] {strides = array<i32>} : memref<2x128xf32, #tpu.memory_space<vmem>>, vector<16xf32>,
    %sub3A_81 = arith.subf %get3A_80, %get3A_46 : vector<16xf32>
    %get3A_82 = arith.constant 1 : i32
    %get3A_83 = arith.index_cast %get3A_82 : i32 to index
    %get3A_84 = arith.constant 64 : index
    %get3A_85 = tpu.vector_load %arg9[%get3A_83, %get3A_84] {strides = array<i32>} : memref<2x128xf32, #tpu.memory_space<vmem>>, vector<16xf32>,
    %sub3A_86 = arith.subf %get3A_85, %get3A_50 : vector<16xf32>
    %get3A_87 = arith.constant 1 : i32
    %get3A_88 = arith.index_cast %get3A_87 : i32 to index
    %get3A_89 = arith.constant 80 : index
    %get3A_90 = tpu.vector_load %arg9[%get3A_88, %get3A_89] {strides = array<i32>} : memref<2x128xf32, #tpu.memory_space<vmem>>, vector<16xf32>,
    %sub3A_91 = arith.subf %get3A_90, %get3A_54 : vector<16xf32>
    %get3A_92 = arith.constant 1 : i32
    %get3A_93 = arith.index_cast %get3A_92 : i32 to index
    %get3A_94 = arith.constant 96 : index
    %get3A_95 = tpu.vector_load %arg9[%get3A_93, %get3A_94] {strides = array<i32>} : memref<2x128xf32, #tpu.memory_space<vmem>>, vector<16xf32>,
    %sub3A_96 = arith.subf %get3A_95, %get3A_58 : vector<16xf32>
    %get3A_97 = arith.constant 1 : i32
    %get3A_98 = arith.index_cast %get3A_97 : i32 to index
    %get3A_99 = arith.constant 112 : index
    %get3A_100 = tpu.vector_load %arg9[%get3A_98, %get3A_99] {strides = array<i32>} : memref<2x128xf32, #tpu.memory_space<vmem>>, vector<16xf32>,
    %sub3A_101 = arith.subf %get3A_100, %get3A_62 : vector<16xf32>
    %dma_wait3A = arith.constant 0 : i32
    %dma_wait3A_102 = arith.constant 0 : i32
    %dma_wait3A_103 = tpu.memref_slice %arg7[%dma_wait3A, %dma_wait3A_102] : memref<8x128xi32, #tpu.memory_space<vmem>> -> memref<1x128xi32, #tpu.memory_space<vmem>>
    %dma_wait3A_104 = tpu.memref_squeeze %dma_wait3A_103 : memref<1x128xi32, #tpu.memory_space<vmem>> -> memref<128xi32, #tpu.memory_space<vmem>>
    %dma_wait3A_105 = arith.constant 0 : i32
    %dma_wait3A_106 = arith.constant 0 : i32
    %dma_wait3A_107 = tpu.memref_slice %arg4[%dma_wait3A_105, %dma_wait3A_106] : memref<1000000x128xf32, #tpu.memory_space<hbm>> -> memref<1000000x128xf32, #tpu.memory_space<hbm>>
    tpu.wait_indirect_dma semaphore(%arg16 : memref<!tpu.dma_semaphore, #tpu.memory_space<semaphore_mem>>) src(%dma_wait3A_107 : memref<1000000x128xf32, #tpu.memory_space<hbm>>) dst(%arg10 : memref<128x128xf32, #tpu.memory_space<vmem>>)
    %parallel_loop3A = arith.constant 0 : i32
    %parallel_loop3A_108 = arith.constant 128 : i32
    %parallel_loop3A_109 = arith.constant 1 : i32
    scf.for %parallel_loop3A_288 = %parallel_loop3A to %parallel_loop3A_108 step %parallel_loop3A_109  : i32 {
      %parallel_loop3A_289 = arith.constant 0 : i32
      %parallel_loop3A_290 = arith.addi %parallel_loop3A_289, %parallel_loop3A_288 : i32
      %parallel_loop3A_291 = vector.broadcast %parallel_loop3A_290 : i32 to vector<16xi32>
      %parallel_loop3A_292 = tpu.vector_load_idx %arg8[%parallel_loop3A_291] : memref<1024xi32, #tpu.memory_space<vmem>>[vector<16xi32>], vector<16xi32>,
      %parallel_loop3A_293 = arith.sitofp %parallel_loop3A_292 : vector<16xi32> to vector<16xf32>
      %parallel_loop3A_294 = arith.constant 0.000000e+00 : f32
      %parallel_loop3A_295 = vector.broadcast %parallel_loop3A_294 : f32 to vector<16xf32>
      %parallel_loop3A_296 = arith.index_cast %parallel_loop3A_288 : i32 to index
      %parallel_loop3A_297 = arith.constant 0 : index
      %parallel_loop3A_298 = tpu.vector_load %arg10[%parallel_loop3A_296, %parallel_loop3A_297] {strides = array<i32>} : memref<128x128xf32, #tpu.memory_space<vmem>>, vector<16xf32>,
      %parallel_loop3A_299 = arith.addf %parallel_loop3A_298, %get3A_34 : vector<16xf32>
      %parallel_loop3A_300 = arith.mulf %parallel_loop3A_293, %sub3A : vector<16xf32>
      %parallel_loop3A_301 = arith.addf %parallel_loop3A_299, %parallel_loop3A_300 : vector<16xf32>
      %parallel_loop3A_302 = arith.mulf %parallel_loop3A_301, %parallel_loop3A_301 : vector<16xf32>
      %parallel_loop3A_303 = arith.addf %parallel_loop3A_295, %parallel_loop3A_302 : vector<16xf32>
      %parallel_loop3A_304 = arith.index_cast %parallel_loop3A_288 : i32 to index
      %parallel_loop3A_305 = arith.constant 16 : index
      %parallel_loop3A_306 = tpu.vector_load %arg10[%parallel_loop3A_304, %parallel_loop3A_305] {strides = array<i32>} : memref<128x128xf32, #tpu.memory_space<vmem>>, vector<16xf32>,
      %parallel_loop3A_307 = arith.addf %parallel_loop3A_306, %get3A_38 : vector<16xf32>
      %parallel_loop3A_308 = arith.mulf %parallel_loop3A_293, %sub3A_71 : vector<16xf32>
      %parallel_loop3A_309 = arith.addf %parallel_loop3A_307, %parallel_loop3A_308 : vector<16xf32>
      %parallel_loop3A_310 = arith.mulf %parallel_loop3A_309, %parallel_loop3A_309 : vector<16xf32>
      %parallel_loop3A_311 = arith.addf %parallel_loop3A_303, %parallel_loop3A_310 : vector<16xf32>
      %parallel_loop3A_312 = arith.index_cast %parallel_loop3A_288 : i32 to index
      %parallel_loop3A_313 = arith.constant 32 : index
      %parallel_loop3A_314 = tpu.vector_load %arg10[%parallel_loop3A_312, %parallel_loop3A_313] {strides = array<i32>} : memref<128x128xf32, #tpu.memory_space<vmem>>, vector<16xf32>,
      %parallel_loop3A_315 = arith.addf %parallel_loop3A_314, %get3A_42 : vector<16xf32>
      %parallel_loop3A_316 = arith.mulf %parallel_loop3A_293, %sub3A_76 : vector<16xf32>
      %parallel_loop3A_317 = arith.addf %parallel_loop3A_315, %parallel_loop3A_316 : vector<16xf32>
      %parallel_loop3A_318 = arith.mulf %parallel_loop3A_317, %parallel_loop3A_317 : vector<16xf32>
      %parallel_loop3A_319 = arith.addf %parallel_loop3A_311, %parallel_loop3A_318 : vector<16xf32>
      %parallel_loop3A_320 = arith.index_cast %parallel_loop3A_288 : i32 to index
      %parallel_loop3A_321 = arith.constant 48 : index
      %parallel_loop3A_322 = tpu.vector_load %arg10[%parallel_loop3A_320, %parallel_loop3A_321] {strides = array<i32>} : memref<128x128xf32, #tpu.memory_space<vmem>>, vector<16xf32>,
      %parallel_loop3A_323 = arith.addf %parallel_loop3A_322, %get3A_46 : vector<16xf32>
      %parallel_loop3A_324 = arith.mulf %parallel_loop3A_293, %sub3A_81 : vector<16xf32>
      %parallel_loop3A_325 = arith.addf %parallel_loop3A_323, %parallel_loop3A_324 : vector<16xf32>
      %parallel_loop3A_326 = arith.mulf %parallel_loop3A_325, %parallel_loop3A_325 : vector<16xf32>
      %parallel_loop3A_327 = arith.addf %parallel_loop3A_319, %parallel_loop3A_326 : vector<16xf32>
      %parallel_loop3A_328 = arith.index_cast %parallel_loop3A_288 : i32 to index
      %parallel_loop3A_329 = arith.constant 64 : index
      %parallel_loop3A_330 = tpu.vector_load %arg10[%parallel_loop3A_328, %parallel_loop3A_329] {strides = array<i32>} : memref<128x128xf32, #tpu.memory_space<vmem>>, vector<16xf32>,
      %parallel_loop3A_331 = arith.addf %parallel_loop3A_330, %get3A_50 : vector<16xf32>
      %parallel_loop3A_332 = arith.mulf %parallel_loop3A_293, %sub3A_86 : vector<16xf32>
      %parallel_loop3A_333 = arith.addf %parallel_loop3A_331, %parallel_loop3A_332 : vector<16xf32>
      %parallel_loop3A_334 = arith.mulf %parallel_loop3A_333, %parallel_loop3A_333 : vector<16xf32>
      %parallel_loop3A_335 = arith.addf %parallel_loop3A_327, %parallel_loop3A_334 : vector<16xf32>
      %parallel_loop3A_336 = arith.index_cast %parallel_loop3A_288 : i32 to index
      %parallel_loop3A_337 = arith.constant 80 : index
      %parallel_loop3A_338 = tpu.vector_load %arg10[%parallel_loop3A_336, %parallel_loop3A_337] {strides = array<i32>} : memref<128x128xf32, #tpu.memory_space<vmem>>, vector<16xf32>,
      %parallel_loop3A_339 = arith.addf %parallel_loop3A_338, %get3A_54 : vector<16xf32>
      %parallel_loop3A_340 = arith.mulf %parallel_loop3A_293, %sub3A_91 : vector<16xf32>
      %parallel_loop3A_341 = arith.addf %parallel_loop3A_339, %parallel_loop3A_340 : vector<16xf32>
      %parallel_loop3A_342 = arith.mulf %parallel_loop3A_341, %parallel_loop3A_341 : vector<16xf32>
      %parallel_loop3A_343 = arith.addf %parallel_loop3A_335, %parallel_loop3A_342 : vector<16xf32>
      %parallel_loop3A_344 = arith.index_cast %parallel_loop3A_288 : i32 to index
      %parallel_loop3A_345 = arith.constant 96 : index
      %parallel_loop3A_346 = tpu.vector_load %arg10[%parallel_loop3A_344, %parallel_loop3A_345] {strides = array<i32>} : memref<128x128xf32, #tpu.memory_space<vmem>>, vector<16xf32>,
      %parallel_loop3A_347 = arith.addf %parallel_loop3A_346, %get3A_58 : vector<16xf32>
      %parallel_loop3A_348 = arith.mulf %parallel_loop3A_293, %sub3A_96 : vector<16xf32>
      %parallel_loop3A_349 = arith.addf %parallel_loop3A_347, %parallel_loop3A_348 : vector<16xf32>
      %parallel_loop3A_350 = arith.mulf %parallel_loop3A_349, %parallel_loop3A_349 : vector<16xf32>
      %parallel_loop3A_351 = arith.addf %parallel_loop3A_343, %parallel_loop3A_350 : vector<16xf32>
      %parallel_loop3A_352 = arith.index_cast %parallel_loop3A_288 : i32 to index
      %parallel_loop3A_353 = arith.constant 112 : index
      %parallel_loop3A_354 = tpu.vector_load %arg10[%parallel_loop3A_352, %parallel_loop3A_353] {strides = array<i32>} : memref<128x128xf32, #tpu.memory_space<vmem>>, vector<16xf32>,
      %parallel_loop3A_355 = arith.addf %parallel_loop3A_354, %get3A_62 : vector<16xf32>
      %parallel_loop3A_356 = arith.mulf %parallel_loop3A_293, %sub3A_101 : vector<16xf32>
      %parallel_loop3A_357 = arith.addf %parallel_loop3A_355, %parallel_loop3A_356 : vector<16xf32>
      %parallel_loop3A_358 = arith.mulf %parallel_loop3A_357, %parallel_loop3A_357 : vector<16xf32>
      %parallel_loop3A_359 = arith.addf %parallel_loop3A_351, %parallel_loop3A_358 : vector<16xf32>
      %parallel_loop3A_360 = arith.constant true
      %parallel_loop3A_361 = vector.broadcast %parallel_loop3A_360 : i1 to vector<16xi1>
      %parallel_loop3A_362 = tpu.scan <sum>, %parallel_loop3A_359 masked %parallel_loop3A_361 : vector<16xf32>, vector<16xi1> -> vector<16xf32>
      %parallel_loop3A_363 = vector.extract %parallel_loop3A_362[15] : f32 from vector<16xf32>
      %parallel_loop3A_364 = arith.constant 7.812500e-03 : f32
      %parallel_loop3A_365 = arith.mulf %parallel_loop3A_363, %parallel_loop3A_364 : f32
      %parallel_loop3A_366 = arith.constant 9.99999996E-13 : f32
      %parallel_loop3A_367 = arith.addf %parallel_loop3A_365, %parallel_loop3A_366 : f32
      %parallel_loop3A_368 = arith.bitcast %parallel_loop3A_367 : f32 to i32
      %parallel_loop3A_369 = arith.constant 1 : i32
      %parallel_loop3A_370 = arith.shrui %parallel_loop3A_368, %parallel_loop3A_369 : i32
      %parallel_loop3A_371 = arith.constant 1597463007 : i32
      %parallel_loop3A_372 = arith.subi %parallel_loop3A_371, %parallel_loop3A_370 : i32
      %parallel_loop3A_373 = arith.bitcast %parallel_loop3A_372 : i32 to f32
      %parallel_loop3A_374 = arith.constant 5.000000e-01 : f32
      %parallel_loop3A_375 = arith.mulf %parallel_loop3A_374, %parallel_loop3A_367 : f32
      %parallel_loop3A_376 = arith.mulf %parallel_loop3A_375, %parallel_loop3A_373 : f32
      %parallel_loop3A_377 = arith.mulf %parallel_loop3A_376, %parallel_loop3A_373 : f32
      %parallel_loop3A_378 = arith.constant 1.500000e+00 : f32
      %parallel_loop3A_379 = arith.subf %parallel_loop3A_378, %parallel_loop3A_377 : f32
      %parallel_loop3A_380 = arith.mulf %parallel_loop3A_373, %parallel_loop3A_379 : f32
      %parallel_loop3A_381 = vector.broadcast %parallel_loop3A_380 : f32 to vector<16xf32>
      %parallel_loop3A_382 = arith.mulf %parallel_loop3A_301, %parallel_loop3A_381 : vector<16xf32>
      %parallel_loop3A_383 = arith.index_cast %parallel_loop3A_288 : i32 to index
      %parallel_loop3A_384 = arith.constant 0 : index
      %parallel_loop3A_385 = tpu.vector_load %arg14[%parallel_loop3A_383, %parallel_loop3A_384] {strides = array<i32>} : memref<128x128xf32, #tpu.memory_space<vmem>>, vector<16xf32>,
      tpu.vector_store %arg14[%parallel_loop3A_383, %parallel_loop3A_384], %parallel_loop3A_382 {strides = array<i32>} : memref<128x128xf32, #tpu.memory_space<vmem>>, vector<16xf32>,
      %parallel_loop3A_386 = arith.mulf %parallel_loop3A_309, %parallel_loop3A_381 : vector<16xf32>
      %parallel_loop3A_387 = arith.index_cast %parallel_loop3A_288 : i32 to index
      %parallel_loop3A_388 = arith.constant 16 : index
      %parallel_loop3A_389 = tpu.vector_load %arg14[%parallel_loop3A_387, %parallel_loop3A_388] {strides = array<i32>} : memref<128x128xf32, #tpu.memory_space<vmem>>, vector<16xf32>,
      tpu.vector_store %arg14[%parallel_loop3A_387, %parallel_loop3A_388], %parallel_loop3A_386 {strides = array<i32>} : memref<128x128xf32, #tpu.memory_space<vmem>>, vector<16xf32>,
      %parallel_loop3A_390 = arith.mulf %parallel_loop3A_317, %parallel_loop3A_381 : vector<16xf32>
      %parallel_loop3A_391 = arith.index_cast %parallel_loop3A_288 : i32 to index
      %parallel_loop3A_392 = arith.constant 32 : index
      %parallel_loop3A_393 = tpu.vector_load %arg14[%parallel_loop3A_391, %parallel_loop3A_392] {strides = array<i32>} : memref<128x128xf32, #tpu.memory_space<vmem>>, vector<16xf32>,
      tpu.vector_store %arg14[%parallel_loop3A_391, %parallel_loop3A_392], %parallel_loop3A_390 {strides = array<i32>} : memref<128x128xf32, #tpu.memory_space<vmem>>, vector<16xf32>,
      %parallel_loop3A_394 = arith.mulf %parallel_loop3A_325, %parallel_loop3A_381 : vector<16xf32>
      %parallel_loop3A_395 = arith.index_cast %parallel_loop3A_288 : i32 to index
      %parallel_loop3A_396 = arith.constant 48 : index
      %parallel_loop3A_397 = tpu.vector_load %arg14[%parallel_loop3A_395, %parallel_loop3A_396] {strides = array<i32>} : memref<128x128xf32, #tpu.memory_space<vmem>>, vector<16xf32>,
      tpu.vector_store %arg14[%parallel_loop3A_395, %parallel_loop3A_396], %parallel_loop3A_394 {strides = array<i32>} : memref<128x128xf32, #tpu.memory_space<vmem>>, vector<16xf32>,
      %parallel_loop3A_398 = arith.mulf %parallel_loop3A_333, %parallel_loop3A_381 : vector<16xf32>
      %parallel_loop3A_399 = arith.index_cast %parallel_loop3A_288 : i32 to index
      %parallel_loop3A_400 = arith.constant 64 : index
      %parallel_loop3A_401 = tpu.vector_load %arg14[%parallel_loop3A_399, %parallel_loop3A_400] {strides = array<i32>} : memref<128x128xf32, #tpu.memory_space<vmem>>, vector<16xf32>,
      tpu.vector_store %arg14[%parallel_loop3A_399, %parallel_loop3A_400], %parallel_loop3A_398 {strides = array<i32>} : memref<128x128xf32, #tpu.memory_space<vmem>>, vector<16xf32>,
      %parallel_loop3A_402 = arith.mulf %parallel_loop3A_341, %parallel_loop3A_381 : vector<16xf32>
      %parallel_loop3A_403 = arith.index_cast %parallel_loop3A_288 : i32 to index
      %parallel_loop3A_404 = arith.constant 80 : index
      %parallel_loop3A_405 = tpu.vector_load %arg14[%parallel_loop3A_403, %parallel_loop3A_404] {strides = array<i32>} : memref<128x128xf32, #tpu.memory_space<vmem>>, vector<16xf32>,
      tpu.vector_store %arg14[%parallel_loop3A_403, %parallel_loop3A_404], %parallel_loop3A_402 {strides = array<i32>} : memref<128x128xf32, #tpu.memory_space<vmem>>, vector<16xf32>,
      %parallel_loop3A_406 = arith.mulf %parallel_loop3A_349, %parallel_loop3A_381 : vector<16xf32>
      %parallel_loop3A_407 = arith.index_cast %parallel_loop3A_288 : i32 to index
      %parallel_loop3A_408 = arith.constant 96 : index
      %parallel_loop3A_409 = tpu.vector_load %arg14[%parallel_loop3A_407, %parallel_loop3A_408] {strides = array<i32>} : memref<128x128xf32, #tpu.memory_space<vmem>>, vector<16xf32>,
      tpu.vector_store %arg14[%parallel_loop3A_407, %parallel_loop3A_408], %parallel_loop3A_406 {strides = array<i32>} : memref<128x128xf32, #tpu.memory_space<vmem>>, vector<16xf32>,
      %parallel_loop3A_410 = arith.mulf %parallel_loop3A_357, %parallel_loop3A_381 : vector<16xf32>
      %parallel_loop3A_411 = arith.index_cast %parallel_loop3A_288 : i32 to index
      %parallel_loop3A_412 = arith.constant 112 : index
      %parallel_loop3A_413 = tpu.vector_load %arg14[%parallel_loop3A_411, %parallel_loop3A_412] {strides = array<i32>} : memref<128x128xf32, #tpu.memory_space<vmem>>, vector<16xf32>,
      tpu.vector_store %arg14[%parallel_loop3A_411, %parallel_loop3A_412], %parallel_loop3A_410 {strides = array<i32>} : memref<128x128xf32, #tpu.memory_space<vmem>>, vector<16xf32>,
    } {sc.loop_unroll_factor = 1 : i64, sc.parallel_access}
    %add3A_110 = arith.constant 0 : i32
    %add3A_111 = arith.addi %mul3A_2, %add3A_110 : i32
    %dma_start3A_112 = arith.constant 0 : i32
    %dma_start3A_113 = tpu.memref_slice %arg6[%add3A_111, %dma_start3A_112] : memref<32768x128xf32, #tpu.memory_space<hbm>> -> memref<128x128xf32, #tpu.memory_space<hbm>>
    %dma_start3A_114 = arith.constant 0 : i32
    %dma_start3A_115 = tpu.memref_slice %arg6[%add3A_111, %dma_start3A_114] : memref<32768x128xf32, #tpu.memory_space<hbm>> -> memref<128x128xf32, #tpu.memory_space<hbm>>
    tpu.enqueue_dma source(%arg14 : memref<128x128xf32, #tpu.memory_space<vmem>>) target(%dma_start3A_115 : memref<128x128xf32, #tpu.memory_space<hbm>>) target_semaphore(%arg20 : memref<!tpu.dma_semaphore, #tpu.memory_space<semaphore_mem>>)
    %dma_start3A_116 = arith.constant 4 : i32
    %dma_start3A_117 = arith.constant 0 : i32
    %dma_start3A_118 = tpu.memref_slice %arg7[%dma_start3A_116, %dma_start3A_117] : memref<8x128xi32, #tpu.memory_space<vmem>> -> memref<1x128xi32, #tpu.memory_space<vmem>>
    %dma_start3A_119 = tpu.memref_squeeze %dma_start3A_118 : memref<1x128xi32, #tpu.memory_space<vmem>> -> memref<128xi32, #tpu.memory_space<vmem>>
    %dma_start3A_120 = arith.constant 0 : i32
    %dma_start3A_121 = arith.constant 0 : i32
    %dma_start3A_122 = tpu.memref_slice %arg4[%dma_start3A_120, %dma_start3A_121] : memref<1000000x128xf32, #tpu.memory_space<hbm>> -> memref<1000000x128xf32, #tpu.memory_space<hbm>>
    tpu.enqueue_indirect_dma source(%dma_start3A_122 : memref<1000000x128xf32, #tpu.memory_space<hbm>>) target(%arg10 : memref<128x128xf32, #tpu.memory_space<vmem>>) offsets(%dma_start3A_119 : memref<128xi32, #tpu.memory_space<vmem>>) semaphore(%arg16 : memref<!tpu.dma_semaphore, #tpu.memory_space<semaphore_mem>>)
    %dma_wait3A_123 = arith.constant 1 : i32
    %dma_wait3A_124 = arith.constant 0 : i32
    %dma_wait3A_125 = tpu.memref_slice %arg7[%dma_wait3A_123, %dma_wait3A_124] : memref<8x128xi32, #tpu.memory_space<vmem>> -> memref<1x128xi32, #tpu.memory_space<vmem>>
    %dma_wait3A_126 = tpu.memref_squeeze %dma_wait3A_125 : memref<1x128xi32, #tpu.memory_space<vmem>> -> memref<128xi32, #tpu.memory_space<vmem>>
    %dma_wait3A_127 = arith.constant 0 : i32
    %dma_wait3A_128 = arith.constant 0 : i32
    %dma_wait3A_129 = tpu.memref_slice %arg4[%dma_wait3A_127, %dma_wait3A_128] : memref<1000000x128xf32, #tpu.memory_space<hbm>> -> memref<1000000x128xf32, #tpu.memory_space<hbm>>
    tpu.wait_indirect_dma semaphore(%arg17 : memref<!tpu.dma_semaphore, #tpu.memory_space<semaphore_mem>>) src(%dma_wait3A_129 : memref<1000000x128xf32, #tpu.memory_space<hbm>>) dst(%arg11 : memref<128x128xf32, #tpu.memory_space<vmem>>)
    %parallel_loop3A_130 = arith.constant 0 : i32
    %parallel_loop3A_131 = arith.constant 128 : i32
    %parallel_loop3A_132 = arith.constant 1 : i32
    scf.for %parallel_loop3A_288 = %parallel_loop3A_130 to %parallel_loop3A_131 step %parallel_loop3A_132  : i32 {
      %parallel_loop3A_289 = arith.constant 128 : i32
      %parallel_loop3A_290 = arith.addi %parallel_loop3A_289, %parallel_loop3A_288 : i32
      %parallel_loop3A_291 = vector.broadcast %parallel_loop3A_290 : i32 to vector<16xi32>
      %parallel_loop3A_292 = tpu.vector_load_idx %arg8[%parallel_loop3A_291] : memref<1024xi32, #tpu.memory_space<vmem>>[vector<16xi32>], vector<16xi32>,
      %parallel_loop3A_293 = arith.sitofp %parallel_loop3A_292 : vector<16xi32> to vector<16xf32>
      %parallel_loop3A_294 = arith.constant 0.000000e+00 : f32
      %parallel_loop3A_295 = vector.broadcast %parallel_loop3A_294 : f32 to vector<16xf32>
      %parallel_loop3A_296 = arith.index_cast %parallel_loop3A_288 : i32 to index
      %parallel_loop3A_297 = arith.constant 0 : index
      %parallel_loop3A_298 = tpu.vector_load %arg11[%parallel_loop3A_296, %parallel_loop3A_297] {strides = array<i32>} : memref<128x128xf32, #tpu.memory_space<vmem>>, vector<16xf32>,
      %parallel_loop3A_299 = arith.addf %parallel_loop3A_298, %get3A_34 : vector<16xf32>
      %parallel_loop3A_300 = arith.mulf %parallel_loop3A_293, %sub3A : vector<16xf32>
      %parallel_loop3A_301 = arith.addf %parallel_loop3A_299, %parallel_loop3A_300 : vector<16xf32>
      %parallel_loop3A_302 = arith.mulf %parallel_loop3A_301, %parallel_loop3A_301 : vector<16xf32>
      %parallel_loop3A_303 = arith.addf %parallel_loop3A_295, %parallel_loop3A_302 : vector<16xf32>
      %parallel_loop3A_304 = arith.index_cast %parallel_loop3A_288 : i32 to index
      %parallel_loop3A_305 = arith.constant 16 : index
      %parallel_loop3A_306 = tpu.vector_load %arg11[%parallel_loop3A_304, %parallel_loop3A_305] {strides = array<i32>} : memref<128x128xf32, #tpu.memory_space<vmem>>, vector<16xf32>,
      %parallel_loop3A_307 = arith.addf %parallel_loop3A_306, %get3A_38 : vector<16xf32>
      %parallel_loop3A_308 = arith.mulf %parallel_loop3A_293, %sub3A_71 : vector<16xf32>
      %parallel_loop3A_309 = arith.addf %parallel_loop3A_307, %parallel_loop3A_308 : vector<16xf32>
      %parallel_loop3A_310 = arith.mulf %parallel_loop3A_309, %parallel_loop3A_309 : vector<16xf32>
      %parallel_loop3A_311 = arith.addf %parallel_loop3A_303, %parallel_loop3A_310 : vector<16xf32>
      %parallel_loop3A_312 = arith.index_cast %parallel_loop3A_288 : i32 to index
      %parallel_loop3A_313 = arith.constant 32 : index
      %parallel_loop3A_314 = tpu.vector_load %arg11[%parallel_loop3A_312, %parallel_loop3A_313] {strides = array<i32>} : memref<128x128xf32, #tpu.memory_space<vmem>>, vector<16xf32>,
      %parallel_loop3A_315 = arith.addf %parallel_loop3A_314, %get3A_42 : vector<16xf32>
      %parallel_loop3A_316 = arith.mulf %parallel_loop3A_293, %sub3A_76 : vector<16xf32>
      %parallel_loop3A_317 = arith.addf %parallel_loop3A_315, %parallel_loop3A_316 : vector<16xf32>
      %parallel_loop3A_318 = arith.mulf %parallel_loop3A_317, %parallel_loop3A_317 : vector<16xf32>
      %parallel_loop3A_319 = arith.addf %parallel_loop3A_311, %parallel_loop3A_318 : vector<16xf32>
      %parallel_loop3A_320 = arith.index_cast %parallel_loop3A_288 : i32 to index
      %parallel_loop3A_321 = arith.constant 48 : index
      %parallel_loop3A_322 = tpu.vector_load %arg11[%parallel_loop3A_320, %parallel_loop3A_321] {strides = array<i32>} : memref<128x128xf32, #tpu.memory_space<vmem>>, vector<16xf32>,
      %parallel_loop3A_323 = arith.addf %parallel_loop3A_322, %get3A_46 : vector<16xf32>
      %parallel_loop3A_324 = arith.mulf %parallel_loop3A_293, %sub3A_81 : vector<16xf32>
      %parallel_loop3A_325 = arith.addf %parallel_loop3A_323, %parallel_loop3A_324 : vector<16xf32>
      %parallel_loop3A_326 = arith.mulf %parallel_loop3A_325, %parallel_loop3A_325 : vector<16xf32>
      %parallel_loop3A_327 = arith.addf %parallel_loop3A_319, %parallel_loop3A_326 : vector<16xf32>
      %parallel_loop3A_328 = arith.index_cast %parallel_loop3A_288 : i32 to index
      %parallel_loop3A_329 = arith.constant 64 : index
      %parallel_loop3A_330 = tpu.vector_load %arg11[%parallel_loop3A_328, %parallel_loop3A_329] {strides = array<i32>} : memref<128x128xf32, #tpu.memory_space<vmem>>, vector<16xf32>,
      %parallel_loop3A_331 = arith.addf %parallel_loop3A_330, %get3A_50 : vector<16xf32>
      %parallel_loop3A_332 = arith.mulf %parallel_loop3A_293, %sub3A_86 : vector<16xf32>
      %parallel_loop3A_333 = arith.addf %parallel_loop3A_331, %parallel_loop3A_332 : vector<16xf32>
      %parallel_loop3A_334 = arith.mulf %parallel_loop3A_333, %parallel_loop3A_333 : vector<16xf32>
      %parallel_loop3A_335 = arith.addf %parallel_loop3A_327, %parallel_loop3A_334 : vector<16xf32>
      %parallel_loop3A_336 = arith.index_cast %parallel_loop3A_288 : i32 to index
      %parallel_loop3A_337 = arith.constant 80 : index
      %parallel_loop3A_338 = tpu.vector_load %arg11[%parallel_loop3A_336, %parallel_loop3A_337] {strides = array<i32>} : memref<128x128xf32, #tpu.memory_space<vmem>>, vector<16xf32>,
      %parallel_loop3A_339 = arith.addf %parallel_loop3A_338, %get3A_54 : vector<16xf32>
      %parallel_loop3A_340 = arith.mulf %parallel_loop3A_293, %sub3A_91 : vector<16xf32>
      %parallel_loop3A_341 = arith.addf %parallel_loop3A_339, %parallel_loop3A_340 : vector<16xf32>
      %parallel_loop3A_342 = arith.mulf %parallel_loop3A_341, %parallel_loop3A_341 : vector<16xf32>
      %parallel_loop3A_343 = arith.addf %parallel_loop3A_335, %parallel_loop3A_342 : vector<16xf32>
      %parallel_loop3A_344 = arith.index_cast %parallel_loop3A_288 : i32 to index
      %parallel_loop3A_345 = arith.constant 96 : index
      %parallel_loop3A_346 = tpu.vector_load %arg11[%parallel_loop3A_344, %parallel_loop3A_345] {strides = array<i32>} : memref<128x128xf32, #tpu.memory_space<vmem>>, vector<16xf32>,
      %parallel_loop3A_347 = arith.addf %parallel_loop3A_346, %get3A_58 : vector<16xf32>
      %parallel_loop3A_348 = arith.mulf %parallel_loop3A_293, %sub3A_96 : vector<16xf32>
      %parallel_loop3A_349 = arith.addf %parallel_loop3A_347, %parallel_loop3A_348 : vector<16xf32>
      %parallel_loop3A_350 = arith.mulf %parallel_loop3A_349, %parallel_loop3A_349 : vector<16xf32>
      %parallel_loop3A_351 = arith.addf %parallel_loop3A_343, %parallel_loop3A_350 : vector<16xf32>
      %parallel_loop3A_352 = arith.index_cast %parallel_loop3A_288 : i32 to index
      %parallel_loop3A_353 = arith.constant 112 : index
      %parallel_loop3A_354 = tpu.vector_load %arg11[%parallel_loop3A_352, %parallel_loop3A_353] {strides = array<i32>} : memref<128x128xf32, #tpu.memory_space<vmem>>, vector<16xf32>,
      %parallel_loop3A_355 = arith.addf %parallel_loop3A_354, %get3A_62 : vector<16xf32>
      %parallel_loop3A_356 = arith.mulf %parallel_loop3A_293, %sub3A_101 : vector<16xf32>
      %parallel_loop3A_357 = arith.addf %parallel_loop3A_355, %parallel_loop3A_356 : vector<16xf32>
      %parallel_loop3A_358 = arith.mulf %parallel_loop3A_357, %parallel_loop3A_357 : vector<16xf32>
      %parallel_loop3A_359 = arith.addf %parallel_loop3A_351, %parallel_loop3A_358 : vector<16xf32>
      %parallel_loop3A_360 = arith.constant true
      %parallel_loop3A_361 = vector.broadcast %parallel_loop3A_360 : i1 to vector<16xi1>
      %parallel_loop3A_362 = tpu.scan <sum>, %parallel_loop3A_359 masked %parallel_loop3A_361 : vector<16xf32>, vector<16xi1> -> vector<16xf32>
      %parallel_loop3A_363 = vector.extract %parallel_loop3A_362[15] : f32 from vector<16xf32>
      %parallel_loop3A_364 = arith.constant 7.812500e-03 : f32
      %parallel_loop3A_365 = arith.mulf %parallel_loop3A_363, %parallel_loop3A_364 : f32
      %parallel_loop3A_366 = arith.constant 9.99999996E-13 : f32
      %parallel_loop3A_367 = arith.addf %parallel_loop3A_365, %parallel_loop3A_366 : f32
      %parallel_loop3A_368 = arith.bitcast %parallel_loop3A_367 : f32 to i32
      %parallel_loop3A_369 = arith.constant 1 : i32
      %parallel_loop3A_370 = arith.shrui %parallel_loop3A_368, %parallel_loop3A_369 : i32
      %parallel_loop3A_371 = arith.constant 1597463007 : i32
      %parallel_loop3A_372 = arith.subi %parallel_loop3A_371, %parallel_loop3A_370 : i32
      %parallel_loop3A_373 = arith.bitcast %parallel_loop3A_372 : i32 to f32
      %parallel_loop3A_374 = arith.constant 5.000000e-01 : f32
      %parallel_loop3A_375 = arith.mulf %parallel_loop3A_374, %parallel_loop3A_367 : f32
      %parallel_loop3A_376 = arith.mulf %parallel_loop3A_375, %parallel_loop3A_373 : f32
      %parallel_loop3A_377 = arith.mulf %parallel_loop3A_376, %parallel_loop3A_373 : f32
      %parallel_loop3A_378 = arith.constant 1.500000e+00 : f32
      %parallel_loop3A_379 = arith.subf %parallel_loop3A_378, %parallel_loop3A_377 : f32
      %parallel_loop3A_380 = arith.mulf %parallel_loop3A_373, %parallel_loop3A_379 : f32
      %parallel_loop3A_381 = vector.broadcast %parallel_loop3A_380 : f32 to vector<16xf32>
      %parallel_loop3A_382 = arith.mulf %parallel_loop3A_301, %parallel_loop3A_381 : vector<16xf32>
      %parallel_loop3A_383 = arith.index_cast %parallel_loop3A_288 : i32 to index
      %parallel_loop3A_384 = arith.constant 0 : index
      %parallel_loop3A_385 = tpu.vector_load %arg15[%parallel_loop3A_383, %parallel_loop3A_384] {strides = array<i32>} : memref<128x128xf32, #tpu.memory_space<vmem>>, vector<16xf32>,
      tpu.vector_store %arg15[%parallel_loop3A_383, %parallel_loop3A_384], %parallel_loop3A_382 {strides = array<i32>} : memref<128x128xf32, #tpu.memory_space<vmem>>, vector<16xf32>,
      %parallel_loop3A_386 = arith.mulf %parallel_loop3A_309, %parallel_loop3A_381 : vector<16xf32>
      %parallel_loop3A_387 = arith.index_cast %parallel_loop3A_288 : i32 to index
      %parallel_loop3A_388 = arith.constant 16 : index
      %parallel_loop3A_389 = tpu.vector_load %arg15[%parallel_loop3A_387, %parallel_loop3A_388] {strides = array<i32>} : memref<128x128xf32, #tpu.memory_space<vmem>>, vector<16xf32>,
      tpu.vector_store %arg15[%parallel_loop3A_387, %parallel_loop3A_388], %parallel_loop3A_386 {strides = array<i32>} : memref<128x128xf32, #tpu.memory_space<vmem>>, vector<16xf32>,
      %parallel_loop3A_390 = arith.mulf %parallel_loop3A_317, %parallel_loop3A_381 : vector<16xf32>
      %parallel_loop3A_391 = arith.index_cast %parallel_loop3A_288 : i32 to index
      %parallel_loop3A_392 = arith.constant 32 : index
      %parallel_loop3A_393 = tpu.vector_load %arg15[%parallel_loop3A_391, %parallel_loop3A_392] {strides = array<i32>} : memref<128x128xf32, #tpu.memory_space<vmem>>, vector<16xf32>,
      tpu.vector_store %arg15[%parallel_loop3A_391, %parallel_loop3A_392], %parallel_loop3A_390 {strides = array<i32>} : memref<128x128xf32, #tpu.memory_space<vmem>>, vector<16xf32>,
      %parallel_loop3A_394 = arith.mulf %parallel_loop3A_325, %parallel_loop3A_381 : vector<16xf32>
      %parallel_loop3A_395 = arith.index_cast %parallel_loop3A_288 : i32 to index
      %parallel_loop3A_396 = arith.constant 48 : index
      %parallel_loop3A_397 = tpu.vector_load %arg15[%parallel_loop3A_395, %parallel_loop3A_396] {strides = array<i32>} : memref<128x128xf32, #tpu.memory_space<vmem>>, vector<16xf32>,
      tpu.vector_store %arg15[%parallel_loop3A_395, %parallel_loop3A_396], %parallel_loop3A_394 {strides = array<i32>} : memref<128x128xf32, #tpu.memory_space<vmem>>, vector<16xf32>,
      %parallel_loop3A_398 = arith.mulf %parallel_loop3A_333, %parallel_loop3A_381 : vector<16xf32>
      %parallel_loop3A_399 = arith.index_cast %parallel_loop3A_288 : i32 to index
      %parallel_loop3A_400 = arith.constant 64 : index
      %parallel_loop3A_401 = tpu.vector_load %arg15[%parallel_loop3A_399, %parallel_loop3A_400] {strides = array<i32>} : memref<128x128xf32, #tpu.memory_space<vmem>>, vector<16xf32>,
      tpu.vector_store %arg15[%parallel_loop3A_399, %parallel_loop3A_400], %parallel_loop3A_398 {strides = array<i32>} : memref<128x128xf32, #tpu.memory_space<vmem>>, vector<16xf32>,
      %parallel_loop3A_402 = arith.mulf %parallel_loop3A_341, %parallel_loop3A_381 : vector<16xf32>
      %parallel_loop3A_403 = arith.index_cast %parallel_loop3A_288 : i32 to index
      %parallel_loop3A_404 = arith.constant 80 : index
      %parallel_loop3A_405 = tpu.vector_load %arg15[%parallel_loop3A_403, %parallel_loop3A_404] {strides = array<i32>} : memref<128x128xf32, #tpu.memory_space<vmem>>, vector<16xf32>,
      tpu.vector_store %arg15[%parallel_loop3A_403, %parallel_loop3A_404], %parallel_loop3A_402 {strides = array<i32>} : memref<128x128xf32, #tpu.memory_space<vmem>>, vector<16xf32>,
      %parallel_loop3A_406 = arith.mulf %parallel_loop3A_349, %parallel_loop3A_381 : vector<16xf32>
      %parallel_loop3A_407 = arith.index_cast %parallel_loop3A_288 : i32 to index
      %parallel_loop3A_408 = arith.constant 96 : index
      %parallel_loop3A_409 = tpu.vector_load %arg15[%parallel_loop3A_407, %parallel_loop3A_408] {strides = array<i32>} : memref<128x128xf32, #tpu.memory_space<vmem>>, vector<16xf32>,
      tpu.vector_store %arg15[%parallel_loop3A_407, %parallel_loop3A_408], %parallel_loop3A_406 {strides = array<i32>} : memref<128x128xf32, #tpu.memory_space<vmem>>, vector<16xf32>,
      %parallel_loop3A_410 = arith.mulf %parallel_loop3A_357, %parallel_loop3A_381 : vector<16xf32>
      %parallel_loop3A_411 = arith.index_cast %parallel_loop3A_288 : i32 to index
      %parallel_loop3A_412 = arith.constant 112 : index
      %parallel_loop3A_413 = tpu.vector_load %arg15[%parallel_loop3A_411, %parallel_loop3A_412] {strides = array<i32>} : memref<128x128xf32, #tpu.memory_space<vmem>>, vector<16xf32>,
      tpu.vector_store %arg15[%parallel_loop3A_411, %parallel_loop3A_412], %parallel_loop3A_410 {strides = array<i32>} : memref<128x128xf32, #tpu.memory_space<vmem>>, vector<16xf32>,
    } {sc.loop_unroll_factor = 1 : i64, sc.parallel_access}
    %add3A_133 = arith.constant 128 : i32
    %add3A_134 = arith.addi %mul3A_2, %add3A_133 : i32
    %dma_start3A_135 = arith.constant 0 : i32
    %dma_start3A_136 = tpu.memref_slice %arg6[%add3A_134, %dma_start3A_135] : memref<32768x128xf32, #tpu.memory_space<hbm>> -> memref<128x128xf32, #tpu.memory_space<hbm>>
    %dma_start3A_137 = arith.constant 0 : i32
    %dma_start3A_138 = tpu.memref_slice %arg6[%add3A_134, %dma_start3A_137] : memref<32768x128xf32, #tpu.memory_space<hbm>> -> memref<128x128xf32, #tpu.memory_space<hbm>>
    tpu.enqueue_dma source(%arg15 : memref<128x128xf32, #tpu.memory_space<vmem>>) target(%dma_start3A_138 : memref<128x128xf32, #tpu.memory_space<hbm>>) target_semaphore(%arg21 : memref<!tpu.dma_semaphore, #tpu.memory_space<semaphore_mem>>)
    %dma_start3A_139 = arith.constant 5 : i32
    %dma_start3A_140 = arith.constant 0 : i32
    %dma_start3A_141 = tpu.memref_slice %arg7[%dma_start3A_139, %dma_start3A_140] : memref<8x128xi32, #tpu.memory_space<vmem>> -> memref<1x128xi32, #tpu.memory_space<vmem>>
    %dma_start3A_142 = tpu.memref_squeeze %dma_start3A_141 : memref<1x128xi32, #tpu.memory_space<vmem>> -> memref<128xi32, #tpu.memory_space<vmem>>
    %dma_start3A_143 = arith.constant 0 : i32
    %dma_start3A_144 = arith.constant 0 : i32
    %dma_start3A_145 = tpu.memref_slice %arg4[%dma_start3A_143, %dma_start3A_144] : memref<1000000x128xf32, #tpu.memory_space<hbm>> -> memref<1000000x128xf32, #tpu.memory_space<hbm>>
    tpu.enqueue_indirect_dma source(%dma_start3A_145 : memref<1000000x128xf32, #tpu.memory_space<hbm>>) target(%arg11 : memref<128x128xf32, #tpu.memory_space<vmem>>) offsets(%dma_start3A_142 : memref<128xi32, #tpu.memory_space<vmem>>) semaphore(%arg17 : memref<!tpu.dma_semaphore, #tpu.memory_space<semaphore_mem>>)
    %dma_wait3A_146 = arith.constant 2 : i32
    %dma_wait3A_147 = arith.constant 0 : i32
    %dma_wait3A_148 = tpu.memref_slice %arg7[%dma_wait3A_146, %dma_wait3A_147] : memref<8x128xi32, #tpu.memory_space<vmem>> -> memref<1x128xi32, #tpu.memory_space<vmem>>
    %dma_wait3A_149 = tpu.memref_squeeze %dma_wait3A_148 : memref<1x128xi32, #tpu.memory_space<vmem>> -> memref<128xi32, #tpu.memory_space<vmem>>
    %dma_wait3A_150 = arith.constant 0 : i32
    %dma_wait3A_151 = arith.constant 0 : i32
    %dma_wait3A_152 = tpu.memref_slice %arg4[%dma_wait3A_150, %dma_wait3A_151] : memref<1000000x128xf32, #tpu.memory_space<hbm>> -> memref<1000000x128xf32, #tpu.memory_space<hbm>>
    tpu.wait_indirect_dma semaphore(%arg18 : memref<!tpu.dma_semaphore, #tpu.memory_space<semaphore_mem>>) src(%dma_wait3A_152 : memref<1000000x128xf32, #tpu.memory_space<hbm>>) dst(%arg12 : memref<128x128xf32, #tpu.memory_space<vmem>>)
    %dma_wait3A_153 = arith.constant 0 : i32
    %dma_wait3A_154 = tpu.memref_slice %arg6[%add3A_111, %dma_wait3A_153] : memref<32768x128xf32, #tpu.memory_space<hbm>> -> memref<128x128xf32, #tpu.memory_space<hbm>>
    %dma_wait3A_155 = arith.constant 0 : i32
    %dma_wait3A_156 = tpu.memref_slice %arg6[%add3A_111, %dma_wait3A_155] : memref<32768x128xf32, #tpu.memory_space<hbm>> -> memref<128x128xf32, #tpu.memory_space<hbm>>
    tpu.wait_dma2 semaphore(%arg20 : memref<!tpu.dma_semaphore, #tpu.memory_space<semaphore_mem>>) src(%arg14 : memref<128x128xf32, #tpu.memory_space<vmem>>) dst(%dma_wait3A_156 : memref<128x128xf32, #tpu.memory_space<hbm>>)
    %parallel_loop3A_157 = arith.constant 0 : i32
    %parallel_loop3A_158 = arith.constant 128 : i32
    %parallel_loop3A_159 = arith.constant 1 : i32
    scf.for %parallel_loop3A_288 = %parallel_loop3A_157 to %parallel_loop3A_158 step %parallel_loop3A_159  : i32 {
      %parallel_loop3A_289 = arith.constant 256 : i32
      %parallel_loop3A_290 = arith.addi %parallel_loop3A_289, %parallel_loop3A_288 : i32
      %parallel_loop3A_291 = vector.broadcast %parallel_loop3A_290 : i32 to vector<16xi32>
      %parallel_loop3A_292 = tpu.vector_load_idx %arg8[%parallel_loop3A_291] : memref<1024xi32, #tpu.memory_space<vmem>>[vector<16xi32>], vector<16xi32>,
      %parallel_loop3A_293 = arith.sitofp %parallel_loop3A_292 : vector<16xi32> to vector<16xf32>
      %parallel_loop3A_294 = arith.constant 0.000000e+00 : f32
      %parallel_loop3A_295 = vector.broadcast %parallel_loop3A_294 : f32 to vector<16xf32>
      %parallel_loop3A_296 = arith.index_cast %parallel_loop3A_288 : i32 to index
      %parallel_loop3A_297 = arith.constant 0 : index
      %parallel_loop3A_298 = tpu.vector_load %arg12[%parallel_loop3A_296, %parallel_loop3A_297] {strides = array<i32>} : memref<128x128xf32, #tpu.memory_space<vmem>>, vector<16xf32>,
      %parallel_loop3A_299 = arith.addf %parallel_loop3A_298, %get3A_34 : vector<16xf32>
      %parallel_loop3A_300 = arith.mulf %parallel_loop3A_293, %sub3A : vector<16xf32>
      %parallel_loop3A_301 = arith.addf %parallel_loop3A_299, %parallel_loop3A_300 : vector<16xf32>
      %parallel_loop3A_302 = arith.mulf %parallel_loop3A_301, %parallel_loop3A_301 : vector<16xf32>
      %parallel_loop3A_303 = arith.addf %parallel_loop3A_295, %parallel_loop3A_302 : vector<16xf32>
      %parallel_loop3A_304 = arith.index_cast %parallel_loop3A_288 : i32 to index
      %parallel_loop3A_305 = arith.constant 16 : index
      %parallel_loop3A_306 = tpu.vector_load %arg12[%parallel_loop3A_304, %parallel_loop3A_305] {strides = array<i32>} : memref<128x128xf32, #tpu.memory_space<vmem>>, vector<16xf32>,
      %parallel_loop3A_307 = arith.addf %parallel_loop3A_306, %get3A_38 : vector<16xf32>
      %parallel_loop3A_308 = arith.mulf %parallel_loop3A_293, %sub3A_71 : vector<16xf32>
      %parallel_loop3A_309 = arith.addf %parallel_loop3A_307, %parallel_loop3A_308 : vector<16xf32>
      %parallel_loop3A_310 = arith.mulf %parallel_loop3A_309, %parallel_loop3A_309 : vector<16xf32>
      %parallel_loop3A_311 = arith.addf %parallel_loop3A_303, %parallel_loop3A_310 : vector<16xf32>
      %parallel_loop3A_312 = arith.index_cast %parallel_loop3A_288 : i32 to index
      %parallel_loop3A_313 = arith.constant 32 : index
      %parallel_loop3A_314 = tpu.vector_load %arg12[%parallel_loop3A_312, %parallel_loop3A_313] {strides = array<i32>} : memref<128x128xf32, #tpu.memory_space<vmem>>, vector<16xf32>,
      %parallel_loop3A_315 = arith.addf %parallel_loop3A_314, %get3A_42 : vector<16xf32>
      %parallel_loop3A_316 = arith.mulf %parallel_loop3A_293, %sub3A_76 : vector<16xf32>
      %parallel_loop3A_317 = arith.addf %parallel_loop3A_315, %parallel_loop3A_316 : vector<16xf32>
      %parallel_loop3A_318 = arith.mulf %parallel_loop3A_317, %parallel_loop3A_317 : vector<16xf32>
      %parallel_loop3A_319 = arith.addf %parallel_loop3A_311, %parallel_loop3A_318 : vector<16xf32>
      %parallel_loop3A_320 = arith.index_cast %parallel_loop3A_288 : i32 to index
      %parallel_loop3A_321 = arith.constant 48 : index
      %parallel_loop3A_322 = tpu.vector_load %arg12[%parallel_loop3A_320, %parallel_loop3A_321] {strides = array<i32>} : memref<128x128xf32, #tpu.memory_space<vmem>>, vector<16xf32>,
      %parallel_loop3A_323 = arith.addf %parallel_loop3A_322, %get3A_46 : vector<16xf32>
      %parallel_loop3A_324 = arith.mulf %parallel_loop3A_293, %sub3A_81 : vector<16xf32>
      %parallel_loop3A_325 = arith.addf %parallel_loop3A_323, %parallel_loop3A_324 : vector<16xf32>
      %parallel_loop3A_326 = arith.mulf %parallel_loop3A_325, %parallel_loop3A_325 : vector<16xf32>
      %parallel_loop3A_327 = arith.addf %parallel_loop3A_319, %parallel_loop3A_326 : vector<16xf32>
      %parallel_loop3A_328 = arith.index_cast %parallel_loop3A_288 : i32 to index
      %parallel_loop3A_329 = arith.constant 64 : index
      %parallel_loop3A_330 = tpu.vector_load %arg12[%parallel_loop3A_328, %parallel_loop3A_329] {strides = array<i32>} : memref<128x128xf32, #tpu.memory_space<vmem>>, vector<16xf32>,
      %parallel_loop3A_331 = arith.addf %parallel_loop3A_330, %get3A_50 : vector<16xf32>
      %parallel_loop3A_332 = arith.mulf %parallel_loop3A_293, %sub3A_86 : vector<16xf32>
      %parallel_loop3A_333 = arith.addf %parallel_loop3A_331, %parallel_loop3A_332 : vector<16xf32>
      %parallel_loop3A_334 = arith.mulf %parallel_loop3A_333, %parallel_loop3A_333 : vector<16xf32>
      %parallel_loop3A_335 = arith.addf %parallel_loop3A_327, %parallel_loop3A_334 : vector<16xf32>
      %parallel_loop3A_336 = arith.index_cast %parallel_loop3A_288 : i32 to index
      %parallel_loop3A_337 = arith.constant 80 : index
      %parallel_loop3A_338 = tpu.vector_load %arg12[%parallel_loop3A_336, %parallel_loop3A_337] {strides = array<i32>} : memref<128x128xf32, #tpu.memory_space<vmem>>, vector<16xf32>,
      %parallel_loop3A_339 = arith.addf %parallel_loop3A_338, %get3A_54 : vector<16xf32>
      %parallel_loop3A_340 = arith.mulf %parallel_loop3A_293, %sub3A_91 : vector<16xf32>
      %parallel_loop3A_341 = arith.addf %parallel_loop3A_339, %parallel_loop3A_340 : vector<16xf32>
      %parallel_loop3A_342 = arith.mulf %parallel_loop3A_341, %parallel_loop3A_341 : vector<16xf32>
      %parallel_loop3A_343 = arith.addf %parallel_loop3A_335, %parallel_loop3A_342 : vector<16xf32>
      %parallel_loop3A_344 = arith.index_cast %parallel_loop3A_288 : i32 to index
      %parallel_loop3A_345 = arith.constant 96 : index
      %parallel_loop3A_346 = tpu.vector_load %arg12[%parallel_loop3A_344, %parallel_loop3A_345] {strides = array<i32>} : memref<128x128xf32, #tpu.memory_space<vmem>>, vector<16xf32>,
      %parallel_loop3A_347 = arith.addf %parallel_loop3A_346, %get3A_58 : vector<16xf32>
      %parallel_loop3A_348 = arith.mulf %parallel_loop3A_293, %sub3A_96 : vector<16xf32>
      %parallel_loop3A_349 = arith.addf %parallel_loop3A_347, %parallel_loop3A_348 : vector<16xf32>
      %parallel_loop3A_350 = arith.mulf %parallel_loop3A_349, %parallel_loop3A_349 : vector<16xf32>
      %parallel_loop3A_351 = arith.addf %parallel_loop3A_343, %parallel_loop3A_350 : vector<16xf32>
      %parallel_loop3A_352 = arith.index_cast %parallel_loop3A_288 : i32 to index
      %parallel_loop3A_353 = arith.constant 112 : index
      %parallel_loop3A_354 = tpu.vector_load %arg12[%parallel_loop3A_352, %parallel_loop3A_353] {strides = array<i32>} : memref<128x128xf32, #tpu.memory_space<vmem>>, vector<16xf32>,
      %parallel_loop3A_355 = arith.addf %parallel_loop3A_354, %get3A_62 : vector<16xf32>
      %parallel_loop3A_356 = arith.mulf %parallel_loop3A_293, %sub3A_101 : vector<16xf32>
      %parallel_loop3A_357 = arith.addf %parallel_loop3A_355, %parallel_loop3A_356 : vector<16xf32>
      %parallel_loop3A_358 = arith.mulf %parallel_loop3A_357, %parallel_loop3A_357 : vector<16xf32>
      %parallel_loop3A_359 = arith.addf %parallel_loop3A_351, %parallel_loop3A_358 : vector<16xf32>
      %parallel_loop3A_360 = arith.constant true
      %parallel_loop3A_361 = vector.broadcast %parallel_loop3A_360 : i1 to vector<16xi1>
      %parallel_loop3A_362 = tpu.scan <sum>, %parallel_loop3A_359 masked %parallel_loop3A_361 : vector<16xf32>, vector<16xi1> -> vector<16xf32>
      %parallel_loop3A_363 = vector.extract %parallel_loop3A_362[15] : f32 from vector<16xf32>
      %parallel_loop3A_364 = arith.constant 7.812500e-03 : f32
      %parallel_loop3A_365 = arith.mulf %parallel_loop3A_363, %parallel_loop3A_364 : f32
      %parallel_loop3A_366 = arith.constant 9.99999996E-13 : f32
      %parallel_loop3A_367 = arith.addf %parallel_loop3A_365, %parallel_loop3A_366 : f32
      %parallel_loop3A_368 = arith.bitcast %parallel_loop3A_367 : f32 to i32
      %parallel_loop3A_369 = arith.constant 1 : i32
      %parallel_loop3A_370 = arith.shrui %parallel_loop3A_368, %parallel_loop3A_369 : i32
      %parallel_loop3A_371 = arith.constant 1597463007 : i32
      %parallel_loop3A_372 = arith.subi %parallel_loop3A_371, %parallel_loop3A_370 : i32
      %parallel_loop3A_373 = arith.bitcast %parallel_loop3A_372 : i32 to f32
      %parallel_loop3A_374 = arith.constant 5.000000e-01 : f32
      %parallel_loop3A_375 = arith.mulf %parallel_loop3A_374, %parallel_loop3A_367 : f32
      %parallel_loop3A_376 = arith.mulf %parallel_loop3A_375, %parallel_loop3A_373 : f32
      %parallel_loop3A_377 = arith.mulf %parallel_loop3A_376, %parallel_loop3A_373 : f32
      %parallel_loop3A_378 = arith.constant 1.500000e+00 : f32
      %parallel_loop3A_379 = arith.subf %parallel_loop3A_378, %parallel_loop3A_377 : f32
      %parallel_loop3A_380 = arith.mulf %parallel_loop3A_373, %parallel_loop3A_379 : f32
      %parallel_loop3A_381 = vector.broadcast %parallel_loop3A_380 : f32 to vector<16xf32>
      %parallel_loop3A_382 = arith.mulf %parallel_loop3A_301, %parallel_loop3A_381 : vector<16xf32>
      %parallel_loop3A_383 = arith.index_cast %parallel_loop3A_288 : i32 to index
      %parallel_loop3A_384 = arith.constant 0 : index
      %parallel_loop3A_385 = tpu.vector_load %arg14[%parallel_loop3A_383, %parallel_loop3A_384] {strides = array<i32>} : memref<128x128xf32, #tpu.memory_space<vmem>>, vector<16xf32>,
      tpu.vector_store %arg14[%parallel_loop3A_383, %parallel_loop3A_384], %parallel_loop3A_382 {strides = array<i32>} : memref<128x128xf32, #tpu.memory_space<vmem>>, vector<16xf32>,
      %parallel_loop3A_386 = arith.mulf %parallel_loop3A_309, %parallel_loop3A_381 : vector<16xf32>
      %parallel_loop3A_387 = arith.index_cast %parallel_loop3A_288 : i32 to index
      %parallel_loop3A_388 = arith.constant 16 : index
      %parallel_loop3A_389 = tpu.vector_load %arg14[%parallel_loop3A_387, %parallel_loop3A_388] {strides = array<i32>} : memref<128x128xf32, #tpu.memory_space<vmem>>, vector<16xf32>,
      tpu.vector_store %arg14[%parallel_loop3A_387, %parallel_loop3A_388], %parallel_loop3A_386 {strides = array<i32>} : memref<128x128xf32, #tpu.memory_space<vmem>>, vector<16xf32>,
      %parallel_loop3A_390 = arith.mulf %parallel_loop3A_317, %parallel_loop3A_381 : vector<16xf32>
      %parallel_loop3A_391 = arith.index_cast %parallel_loop3A_288 : i32 to index
      %parallel_loop3A_392 = arith.constant 32 : index
      %parallel_loop3A_393 = tpu.vector_load %arg14[%parallel_loop3A_391, %parallel_loop3A_392] {strides = array<i32>} : memref<128x128xf32, #tpu.memory_space<vmem>>, vector<16xf32>,
      tpu.vector_store %arg14[%parallel_loop3A_391, %parallel_loop3A_392], %parallel_loop3A_390 {strides = array<i32>} : memref<128x128xf32, #tpu.memory_space<vmem>>, vector<16xf32>,
      %parallel_loop3A_394 = arith.mulf %parallel_loop3A_325, %parallel_loop3A_381 : vector<16xf32>
      %parallel_loop3A_395 = arith.index_cast %parallel_loop3A_288 : i32 to index
      %parallel_loop3A_396 = arith.constant 48 : index
      %parallel_loop3A_397 = tpu.vector_load %arg14[%parallel_loop3A_395, %parallel_loop3A_396] {strides = array<i32>} : memref<128x128xf32, #tpu.memory_space<vmem>>, vector<16xf32>,
      tpu.vector_store %arg14[%parallel_loop3A_395, %parallel_loop3A_396], %parallel_loop3A_394 {strides = array<i32>} : memref<128x128xf32, #tpu.memory_space<vmem>>, vector<16xf32>,
      %parallel_loop3A_398 = arith.mulf %parallel_loop3A_333, %parallel_loop3A_381 : vector<16xf32>
      %parallel_loop3A_399 = arith.index_cast %parallel_loop3A_288 : i32 to index
      %parallel_loop3A_400 = arith.constant 64 : index
      %parallel_loop3A_401 = tpu.vector_load %arg14[%parallel_loop3A_399, %parallel_loop3A_400] {strides = array<i32>} : memref<128x128xf32, #tpu.memory_space<vmem>>, vector<16xf32>,
      tpu.vector_store %arg14[%parallel_loop3A_399, %parallel_loop3A_400], %parallel_loop3A_398 {strides = array<i32>} : memref<128x128xf32, #tpu.memory_space<vmem>>, vector<16xf32>,
      %parallel_loop3A_402 = arith.mulf %parallel_loop3A_341, %parallel_loop3A_381 : vector<16xf32>
      %parallel_loop3A_403 = arith.index_cast %parallel_loop3A_288 : i32 to index
      %parallel_loop3A_404 = arith.constant 80 : index
      %parallel_loop3A_405 = tpu.vector_load %arg14[%parallel_loop3A_403, %parallel_loop3A_404] {strides = array<i32>} : memref<128x128xf32, #tpu.memory_space<vmem>>, vector<16xf32>,
      tpu.vector_store %arg14[%parallel_loop3A_403, %parallel_loop3A_404], %parallel_loop3A_402 {strides = array<i32>} : memref<128x128xf32, #tpu.memory_space<vmem>>, vector<16xf32>,
      %parallel_loop3A_406 = arith.mulf %parallel_loop3A_349, %parallel_loop3A_381 : vector<16xf32>
      %parallel_loop3A_407 = arith.index_cast %parallel_loop3A_288 : i32 to index
      %parallel_loop3A_408 = arith.constant 96 : index
      %parallel_loop3A_409 = tpu.vector_load %arg14[%parallel_loop3A_407, %parallel_loop3A_408] {strides = array<i32>} : memref<128x128xf32, #tpu.memory_space<vmem>>, vector<16xf32>,
      tpu.vector_store %arg14[%parallel_loop3A_407, %parallel_loop3A_408], %parallel_loop3A_406 {strides = array<i32>} : memref<128x128xf32, #tpu.memory_space<vmem>>, vector<16xf32>,
      %parallel_loop3A_410 = arith.mulf %parallel_loop3A_357, %parallel_loop3A_381 : vector<16xf32>
      %parallel_loop3A_411 = arith.index_cast %parallel_loop3A_288 : i32 to index
      %parallel_loop3A_412 = arith.constant 112 : index
      %parallel_loop3A_413 = tpu.vector_load %arg14[%parallel_loop3A_411, %parallel_loop3A_412] {strides = array<i32>} : memref<128x128xf32, #tpu.memory_space<vmem>>, vector<16xf32>,
      tpu.vector_store %arg14[%parallel_loop3A_411, %parallel_loop3A_412], %parallel_loop3A_410 {strides = array<i32>} : memref<128x128xf32, #tpu.memory_space<vmem>>, vector<16xf32>,
    } {sc.loop_unroll_factor = 1 : i64, sc.parallel_access}
    %add3A_160 = arith.constant 256 : i32
    %add3A_161 = arith.addi %mul3A_2, %add3A_160 : i32
    %dma_start3A_162 = arith.constant 0 : i32
    %dma_start3A_163 = tpu.memref_slice %arg6[%add3A_161, %dma_start3A_162] : memref<32768x128xf32, #tpu.memory_space<hbm>> -> memref<128x128xf32, #tpu.memory_space<hbm>>
    %dma_start3A_164 = arith.constant 0 : i32
    %dma_start3A_165 = tpu.memref_slice %arg6[%add3A_161, %dma_start3A_164] : memref<32768x128xf32, #tpu.memory_space<hbm>> -> memref<128x128xf32, #tpu.memory_space<hbm>>
    tpu.enqueue_dma source(%arg14 : memref<128x128xf32, #tpu.memory_space<vmem>>) target(%dma_start3A_165 : memref<128x128xf32, #tpu.memory_space<hbm>>) target_semaphore(%arg20 : memref<!tpu.dma_semaphore, #tpu.memory_space<semaphore_mem>>)
    %dma_start3A_166 = arith.constant 6 : i32
    %dma_start3A_167 = arith.constant 0 : i32
    %dma_start3A_168 = tpu.memref_slice %arg7[%dma_start3A_166, %dma_start3A_167] : memref<8x128xi32, #tpu.memory_space<vmem>> -> memref<1x128xi32, #tpu.memory_space<vmem>>
    %dma_start3A_169 = tpu.memref_squeeze %dma_start3A_168 : memref<1x128xi32, #tpu.memory_space<vmem>> -> memref<128xi32, #tpu.memory_space<vmem>>
    %dma_start3A_170 = arith.constant 0 : i32
    %dma_start3A_171 = arith.constant 0 : i32
    %dma_start3A_172 = tpu.memref_slice %arg4[%dma_start3A_170, %dma_start3A_171] : memref<1000000x128xf32, #tpu.memory_space<hbm>> -> memref<1000000x128xf32, #tpu.memory_space<hbm>>
    tpu.enqueue_indirect_dma source(%dma_start3A_172 : memref<1000000x128xf32, #tpu.memory_space<hbm>>) target(%arg12 : memref<128x128xf32, #tpu.memory_space<vmem>>) offsets(%dma_start3A_169 : memref<128xi32, #tpu.memory_space<vmem>>) semaphore(%arg18 : memref<!tpu.dma_semaphore, #tpu.memory_space<semaphore_mem>>)
    %dma_wait3A_173 = arith.constant 3 : i32
    %dma_wait3A_174 = arith.constant 0 : i32
    %dma_wait3A_175 = tpu.memref_slice %arg7[%dma_wait3A_173, %dma_wait3A_174] : memref<8x128xi32, #tpu.memory_space<vmem>> -> memref<1x128xi32, #tpu.memory_space<vmem>>
    %dma_wait3A_176 = tpu.memref_squeeze %dma_wait3A_175 : memref<1x128xi32, #tpu.memory_space<vmem>> -> memref<128xi32, #tpu.memory_space<vmem>>
    %dma_wait3A_177 = arith.constant 0 : i32
    %dma_wait3A_178 = arith.constant 0 : i32
    %dma_wait3A_179 = tpu.memref_slice %arg4[%dma_wait3A_177, %dma_wait3A_178] : memref<1000000x128xf32, #tpu.memory_space<hbm>> -> memref<1000000x128xf32, #tpu.memory_space<hbm>>
    tpu.wait_indirect_dma semaphore(%arg19 : memref<!tpu.dma_semaphore, #tpu.memory_space<semaphore_mem>>) src(%dma_wait3A_179 : memref<1000000x128xf32, #tpu.memory_space<hbm>>) dst(%arg13 : memref<128x128xf32, #tpu.memory_space<vmem>>)
    %dma_wait3A_180 = arith.constant 0 : i32
    %dma_wait3A_181 = tpu.memref_slice %arg6[%add3A_134, %dma_wait3A_180] : memref<32768x128xf32, #tpu.memory_space<hbm>> -> memref<128x128xf32, #tpu.memory_space<hbm>>
    %dma_wait3A_182 = arith.constant 0 : i32
    %dma_wait3A_183 = tpu.memref_slice %arg6[%add3A_134, %dma_wait3A_182] : memref<32768x128xf32, #tpu.memory_space<hbm>> -> memref<128x128xf32, #tpu.memory_space<hbm>>
    tpu.wait_dma2 semaphore(%arg21 : memref<!tpu.dma_semaphore, #tpu.memory_space<semaphore_mem>>) src(%arg15 : memref<128x128xf32, #tpu.memory_space<vmem>>) dst(%dma_wait3A_183 : memref<128x128xf32, #tpu.memory_space<hbm>>)
    %parallel_loop3A_184 = arith.constant 0 : i32
    %parallel_loop3A_185 = arith.constant 128 : i32
    %parallel_loop3A_186 = arith.constant 1 : i32
    scf.for %parallel_loop3A_288 = %parallel_loop3A_184 to %parallel_loop3A_185 step %parallel_loop3A_186  : i32 {
      %parallel_loop3A_289 = arith.constant 384 : i32
      %parallel_loop3A_290 = arith.addi %parallel_loop3A_289, %parallel_loop3A_288 : i32
      %parallel_loop3A_291 = vector.broadcast %parallel_loop3A_290 : i32 to vector<16xi32>
      %parallel_loop3A_292 = tpu.vector_load_idx %arg8[%parallel_loop3A_291] : memref<1024xi32, #tpu.memory_space<vmem>>[vector<16xi32>], vector<16xi32>,
      %parallel_loop3A_293 = arith.sitofp %parallel_loop3A_292 : vector<16xi32> to vector<16xf32>
      %parallel_loop3A_294 = arith.constant 0.000000e+00 : f32
      %parallel_loop3A_295 = vector.broadcast %parallel_loop3A_294 : f32 to vector<16xf32>
      %parallel_loop3A_296 = arith.index_cast %parallel_loop3A_288 : i32 to index
      %parallel_loop3A_297 = arith.constant 0 : index
      %parallel_loop3A_298 = tpu.vector_load %arg13[%parallel_loop3A_296, %parallel_loop3A_297] {strides = array<i32>} : memref<128x128xf32, #tpu.memory_space<vmem>>, vector<16xf32>,
      %parallel_loop3A_299 = arith.addf %parallel_loop3A_298, %get3A_34 : vector<16xf32>
      %parallel_loop3A_300 = arith.mulf %parallel_loop3A_293, %sub3A : vector<16xf32>
      %parallel_loop3A_301 = arith.addf %parallel_loop3A_299, %parallel_loop3A_300 : vector<16xf32>
      %parallel_loop3A_302 = arith.mulf %parallel_loop3A_301, %parallel_loop3A_301 : vector<16xf32>
      %parallel_loop3A_303 = arith.addf %parallel_loop3A_295, %parallel_loop3A_302 : vector<16xf32>
      %parallel_loop3A_304 = arith.index_cast %parallel_loop3A_288 : i32 to index
      %parallel_loop3A_305 = arith.constant 16 : index
      %parallel_loop3A_306 = tpu.vector_load %arg13[%parallel_loop3A_304, %parallel_loop3A_305] {strides = array<i32>} : memref<128x128xf32, #tpu.memory_space<vmem>>, vector<16xf32>,
      %parallel_loop3A_307 = arith.addf %parallel_loop3A_306, %get3A_38 : vector<16xf32>
      %parallel_loop3A_308 = arith.mulf %parallel_loop3A_293, %sub3A_71 : vector<16xf32>
      %parallel_loop3A_309 = arith.addf %parallel_loop3A_307, %parallel_loop3A_308 : vector<16xf32>
      %parallel_loop3A_310 = arith.mulf %parallel_loop3A_309, %parallel_loop3A_309 : vector<16xf32>
      %parallel_loop3A_311 = arith.addf %parallel_loop3A_303, %parallel_loop3A_310 : vector<16xf32>
      %parallel_loop3A_312 = arith.index_cast %parallel_loop3A_288 : i32 to index
      %parallel_loop3A_313 = arith.constant 32 : index
      %parallel_loop3A_314 = tpu.vector_load %arg13[%parallel_loop3A_312, %parallel_loop3A_313] {strides = array<i32>} : memref<128x128xf32, #tpu.memory_space<vmem>>, vector<16xf32>,
      %parallel_loop3A_315 = arith.addf %parallel_loop3A_314, %get3A_42 : vector<16xf32>
      %parallel_loop3A_316 = arith.mulf %parallel_loop3A_293, %sub3A_76 : vector<16xf32>
      %parallel_loop3A_317 = arith.addf %parallel_loop3A_315, %parallel_loop3A_316 : vector<16xf32>
      %parallel_loop3A_318 = arith.mulf %parallel_loop3A_317, %parallel_loop3A_317 : vector<16xf32>
      %parallel_loop3A_319 = arith.addf %parallel_loop3A_311, %parallel_loop3A_318 : vector<16xf32>
      %parallel_loop3A_320 = arith.index_cast %parallel_loop3A_288 : i32 to index
      %parallel_loop3A_321 = arith.constant 48 : index
      %parallel_loop3A_322 = tpu.vector_load %arg13[%parallel_loop3A_320, %parallel_loop3A_321] {strides = array<i32>} : memref<128x128xf32, #tpu.memory_space<vmem>>, vector<16xf32>,
      %parallel_loop3A_323 = arith.addf %parallel_loop3A_322, %get3A_46 : vector<16xf32>
      %parallel_loop3A_324 = arith.mulf %parallel_loop3A_293, %sub3A_81 : vector<16xf32>
      %parallel_loop3A_325 = arith.addf %parallel_loop3A_323, %parallel_loop3A_324 : vector<16xf32>
      %parallel_loop3A_326 = arith.mulf %parallel_loop3A_325, %parallel_loop3A_325 : vector<16xf32>
      %parallel_loop3A_327 = arith.addf %parallel_loop3A_319, %parallel_loop3A_326 : vector<16xf32>
      %parallel_loop3A_328 = arith.index_cast %parallel_loop3A_288 : i32 to index
      %parallel_loop3A_329 = arith.constant 64 : index
      %parallel_loop3A_330 = tpu.vector_load %arg13[%parallel_loop3A_328, %parallel_loop3A_329] {strides = array<i32>} : memref<128x128xf32, #tpu.memory_space<vmem>>, vector<16xf32>,
      %parallel_loop3A_331 = arith.addf %parallel_loop3A_330, %get3A_50 : vector<16xf32>
      %parallel_loop3A_332 = arith.mulf %parallel_loop3A_293, %sub3A_86 : vector<16xf32>
      %parallel_loop3A_333 = arith.addf %parallel_loop3A_331, %parallel_loop3A_332 : vector<16xf32>
      %parallel_loop3A_334 = arith.mulf %parallel_loop3A_333, %parallel_loop3A_333 : vector<16xf32>
      %parallel_loop3A_335 = arith.addf %parallel_loop3A_327, %parallel_loop3A_334 : vector<16xf32>
      %parallel_loop3A_336 = arith.index_cast %parallel_loop3A_288 : i32 to index
      %parallel_loop3A_337 = arith.constant 80 : index
      %parallel_loop3A_338 = tpu.vector_load %arg13[%parallel_loop3A_336, %parallel_loop3A_337] {strides = array<i32>} : memref<128x128xf32, #tpu.memory_space<vmem>>, vector<16xf32>,
      %parallel_loop3A_339 = arith.addf %parallel_loop3A_338, %get3A_54 : vector<16xf32>
      %parallel_loop3A_340 = arith.mulf %parallel_loop3A_293, %sub3A_91 : vector<16xf32>
      %parallel_loop3A_341 = arith.addf %parallel_loop3A_339, %parallel_loop3A_340 : vector<16xf32>
      %parallel_loop3A_342 = arith.mulf %parallel_loop3A_341, %parallel_loop3A_341 : vector<16xf32>
      %parallel_loop3A_343 = arith.addf %parallel_loop3A_335, %parallel_loop3A_342 : vector<16xf32>
      %parallel_loop3A_344 = arith.index_cast %parallel_loop3A_288 : i32 to index
      %parallel_loop3A_345 = arith.constant 96 : index
      %parallel_loop3A_346 = tpu.vector_load %arg13[%parallel_loop3A_344, %parallel_loop3A_345] {strides = array<i32>} : memref<128x128xf32, #tpu.memory_space<vmem>>, vector<16xf32>,
      %parallel_loop3A_347 = arith.addf %parallel_loop3A_346, %get3A_58 : vector<16xf32>
      %parallel_loop3A_348 = arith.mulf %parallel_loop3A_293, %sub3A_96 : vector<16xf32>
      %parallel_loop3A_349 = arith.addf %parallel_loop3A_347, %parallel_loop3A_348 : vector<16xf32>
      %parallel_loop3A_350 = arith.mulf %parallel_loop3A_349, %parallel_loop3A_349 : vector<16xf32>
      %parallel_loop3A_351 = arith.addf %parallel_loop3A_343, %parallel_loop3A_350 : vector<16xf32>
      %parallel_loop3A_352 = arith.index_cast %parallel_loop3A_288 : i32 to index
      %parallel_loop3A_353 = arith.constant 112 : index
      %parallel_loop3A_354 = tpu.vector_load %arg13[%parallel_loop3A_352, %parallel_loop3A_353] {strides = array<i32>} : memref<128x128xf32, #tpu.memory_space<vmem>>, vector<16xf32>,
      %parallel_loop3A_355 = arith.addf %parallel_loop3A_354, %get3A_62 : vector<16xf32>
      %parallel_loop3A_356 = arith.mulf %parallel_loop3A_293, %sub3A_101 : vector<16xf32>
      %parallel_loop3A_357 = arith.addf %parallel_loop3A_355, %parallel_loop3A_356 : vector<16xf32>
      %parallel_loop3A_358 = arith.mulf %parallel_loop3A_357, %parallel_loop3A_357 : vector<16xf32>
      %parallel_loop3A_359 = arith.addf %parallel_loop3A_351, %parallel_loop3A_358 : vector<16xf32>
      %parallel_loop3A_360 = arith.constant true
      %parallel_loop3A_361 = vector.broadcast %parallel_loop3A_360 : i1 to vector<16xi1>
      %parallel_loop3A_362 = tpu.scan <sum>, %parallel_loop3A_359 masked %parallel_loop3A_361 : vector<16xf32>, vector<16xi1> -> vector<16xf32>
      %parallel_loop3A_363 = vector.extract %parallel_loop3A_362[15] : f32 from vector<16xf32>
      %parallel_loop3A_364 = arith.constant 7.812500e-03 : f32
      %parallel_loop3A_365 = arith.mulf %parallel_loop3A_363, %parallel_loop3A_364 : f32
      %parallel_loop3A_366 = arith.constant 9.99999996E-13 : f32
      %parallel_loop3A_367 = arith.addf %parallel_loop3A_365, %parallel_loop3A_366 : f32
      %parallel_loop3A_368 = arith.bitcast %parallel_loop3A_367 : f32 to i32
      %parallel_loop3A_369 = arith.constant 1 : i32
      %parallel_loop3A_370 = arith.shrui %parallel_loop3A_368, %parallel_loop3A_369 : i32
      %parallel_loop3A_371 = arith.constant 1597463007 : i32
      %parallel_loop3A_372 = arith.subi %parallel_loop3A_371, %parallel_loop3A_370 : i32
      %parallel_loop3A_373 = arith.bitcast %parallel_loop3A_372 : i32 to f32
      %parallel_loop3A_374 = arith.constant 5.000000e-01 : f32
      %parallel_loop3A_375 = arith.mulf %parallel_loop3A_374, %parallel_loop3A_367 : f32
      %parallel_loop3A_376 = arith.mulf %parallel_loop3A_375, %parallel_loop3A_373 : f32
      %parallel_loop3A_377 = arith.mulf %parallel_loop3A_376, %parallel_loop3A_373 : f32
      %parallel_loop3A_378 = arith.constant 1.500000e+00 : f32
      %parallel_loop3A_379 = arith.subf %parallel_loop3A_378, %parallel_loop3A_377 : f32
      %parallel_loop3A_380 = arith.mulf %parallel_loop3A_373, %parallel_loop3A_379 : f32
      %parallel_loop3A_381 = vector.broadcast %parallel_loop3A_380 : f32 to vector<16xf32>
      %parallel_loop3A_382 = arith.mulf %parallel_loop3A_301, %parallel_loop3A_381 : vector<16xf32>
      %parallel_loop3A_383 = arith.index_cast %parallel_loop3A_288 : i32 to index
      %parallel_loop3A_384 = arith.constant 0 : index
      %parallel_loop3A_385 = tpu.vector_load %arg15[%parallel_loop3A_383, %parallel_loop3A_384] {strides = array<i32>} : memref<128x128xf32, #tpu.memory_space<vmem>>, vector<16xf32>,
      tpu.vector_store %arg15[%parallel_loop3A_383, %parallel_loop3A_384], %parallel_loop3A_382 {strides = array<i32>} : memref<128x128xf32, #tpu.memory_space<vmem>>, vector<16xf32>,
      %parallel_loop3A_386 = arith.mulf %parallel_loop3A_309, %parallel_loop3A_381 : vector<16xf32>
      %parallel_loop3A_387 = arith.index_cast %parallel_loop3A_288 : i32 to index
      %parallel_loop3A_388 = arith.constant 16 : index
      %parallel_loop3A_389 = tpu.vector_load %arg15[%parallel_loop3A_387, %parallel_loop3A_388] {strides = array<i32>} : memref<128x128xf32, #tpu.memory_space<vmem>>, vector<16xf32>,
      tpu.vector_store %arg15[%parallel_loop3A_387, %parallel_loop3A_388], %parallel_loop3A_386 {strides = array<i32>} : memref<128x128xf32, #tpu.memory_space<vmem>>, vector<16xf32>,
      %parallel_loop3A_390 = arith.mulf %parallel_loop3A_317, %parallel_loop3A_381 : vector<16xf32>
      %parallel_loop3A_391 = arith.index_cast %parallel_loop3A_288 : i32 to index
      %parallel_loop3A_392 = arith.constant 32 : index
      %parallel_loop3A_393 = tpu.vector_load %arg15[%parallel_loop3A_391, %parallel_loop3A_392] {strides = array<i32>} : memref<128x128xf32, #tpu.memory_space<vmem>>, vector<16xf32>,
      tpu.vector_store %arg15[%parallel_loop3A_391, %parallel_loop3A_392], %parallel_loop3A_390 {strides = array<i32>} : memref<128x128xf32, #tpu.memory_space<vmem>>, vector<16xf32>,
      %parallel_loop3A_394 = arith.mulf %parallel_loop3A_325, %parallel_loop3A_381 : vector<16xf32>
      %parallel_loop3A_395 = arith.index_cast %parallel_loop3A_288 : i32 to index
      %parallel_loop3A_396 = arith.constant 48 : index
      %parallel_loop3A_397 = tpu.vector_load %arg15[%parallel_loop3A_395, %parallel_loop3A_396] {strides = array<i32>} : memref<128x128xf32, #tpu.memory_space<vmem>>, vector<16xf32>,
      tpu.vector_store %arg15[%parallel_loop3A_395, %parallel_loop3A_396], %parallel_loop3A_394 {strides = array<i32>} : memref<128x128xf32, #tpu.memory_space<vmem>>, vector<16xf32>,
      %parallel_loop3A_398 = arith.mulf %parallel_loop3A_333, %parallel_loop3A_381 : vector<16xf32>
      %parallel_loop3A_399 = arith.index_cast %parallel_loop3A_288 : i32 to index
      %parallel_loop3A_400 = arith.constant 64 : index
      %parallel_loop3A_401 = tpu.vector_load %arg15[%parallel_loop3A_399, %parallel_loop3A_400] {strides = array<i32>} : memref<128x128xf32, #tpu.memory_space<vmem>>, vector<16xf32>,
      tpu.vector_store %arg15[%parallel_loop3A_399, %parallel_loop3A_400], %parallel_loop3A_398 {strides = array<i32>} : memref<128x128xf32, #tpu.memory_space<vmem>>, vector<16xf32>,
      %parallel_loop3A_402 = arith.mulf %parallel_loop3A_341, %parallel_loop3A_381 : vector<16xf32>
      %parallel_loop3A_403 = arith.index_cast %parallel_loop3A_288 : i32 to index
      %parallel_loop3A_404 = arith.constant 80 : index
      %parallel_loop3A_405 = tpu.vector_load %arg15[%parallel_loop3A_403, %parallel_loop3A_404] {strides = array<i32>} : memref<128x128xf32, #tpu.memory_space<vmem>>, vector<16xf32>,
      tpu.vector_store %arg15[%parallel_loop3A_403, %parallel_loop3A_404], %parallel_loop3A_402 {strides = array<i32>} : memref<128x128xf32, #tpu.memory_space<vmem>>, vector<16xf32>,
      %parallel_loop3A_406 = arith.mulf %parallel_loop3A_349, %parallel_loop3A_381 : vector<16xf32>
      %parallel_loop3A_407 = arith.index_cast %parallel_loop3A_288 : i32 to index
      %parallel_loop3A_408 = arith.constant 96 : index
      %parallel_loop3A_409 = tpu.vector_load %arg15[%parallel_loop3A_407, %parallel_loop3A_408] {strides = array<i32>} : memref<128x128xf32, #tpu.memory_space<vmem>>, vector<16xf32>,
      tpu.vector_store %arg15[%parallel_loop3A_407, %parallel_loop3A_408], %parallel_loop3A_406 {strides = array<i32>} : memref<128x128xf32, #tpu.memory_space<vmem>>, vector<16xf32>,
      %parallel_loop3A_410 = arith.mulf %parallel_loop3A_357, %parallel_loop3A_381 : vector<16xf32>
      %parallel_loop3A_411 = arith.index_cast %parallel_loop3A_288 : i32 to index
      %parallel_loop3A_412 = arith.constant 112 : index
      %parallel_loop3A_413 = tpu.vector_load %arg15[%parallel_loop3A_411, %parallel_loop3A_412] {strides = array<i32>} : memref<128x128xf32, #tpu.memory_space<vmem>>, vector<16xf32>,
      tpu.vector_store %arg15[%parallel_loop3A_411, %parallel_loop3A_412], %parallel_loop3A_410 {strides = array<i32>} : memref<128x128xf32, #tpu.memory_space<vmem>>, vector<16xf32>,
    } {sc.loop_unroll_factor = 1 : i64, sc.parallel_access}
    %add3A_187 = arith.constant 384 : i32
    %add3A_188 = arith.addi %mul3A_2, %add3A_187 : i32
    %dma_start3A_189 = arith.constant 0 : i32
    %dma_start3A_190 = tpu.memref_slice %arg6[%add3A_188, %dma_start3A_189] : memref<32768x128xf32, #tpu.memory_space<hbm>> -> memref<128x128xf32, #tpu.memory_space<hbm>>
    %dma_start3A_191 = arith.constant 0 : i32
    %dma_start3A_192 = tpu.memref_slice %arg6[%add3A_188, %dma_start3A_191] : memref<32768x128xf32, #tpu.memory_space<hbm>> -> memref<128x128xf32, #tpu.memory_space<hbm>>
    tpu.enqueue_dma source(%arg15 : memref<128x128xf32, #tpu.memory_space<vmem>>) target(%dma_start3A_192 : memref<128x128xf32, #tpu.memory_space<hbm>>) target_semaphore(%arg21 : memref<!tpu.dma_semaphore, #tpu.memory_space<semaphore_mem>>)
    %dma_start3A_193 = arith.constant 7 : i32
    %dma_start3A_194 = arith.constant 0 : i32
    %dma_start3A_195 = tpu.memref_slice %arg7[%dma_start3A_193, %dma_start3A_194] : memref<8x128xi32, #tpu.memory_space<vmem>> -> memref<1x128xi32, #tpu.memory_space<vmem>>
    %dma_start3A_196 = tpu.memref_squeeze %dma_start3A_195 : memref<1x128xi32, #tpu.memory_space<vmem>> -> memref<128xi32, #tpu.memory_space<vmem>>
    %dma_start3A_197 = arith.constant 0 : i32
    %dma_start3A_198 = arith.constant 0 : i32
    %dma_start3A_199 = tpu.memref_slice %arg4[%dma_start3A_197, %dma_start3A_198] : memref<1000000x128xf32, #tpu.memory_space<hbm>> -> memref<1000000x128xf32, #tpu.memory_space<hbm>>
    tpu.enqueue_indirect_dma source(%dma_start3A_199 : memref<1000000x128xf32, #tpu.memory_space<hbm>>) target(%arg13 : memref<128x128xf32, #tpu.memory_space<vmem>>) offsets(%dma_start3A_196 : memref<128xi32, #tpu.memory_space<vmem>>) semaphore(%arg19 : memref<!tpu.dma_semaphore, #tpu.memory_space<semaphore_mem>>)
    %dma_wait3A_200 = arith.constant 4 : i32
    %dma_wait3A_201 = arith.constant 0 : i32
    %dma_wait3A_202 = tpu.memref_slice %arg7[%dma_wait3A_200, %dma_wait3A_201] : memref<8x128xi32, #tpu.memory_space<vmem>> -> memref<1x128xi32, #tpu.memory_space<vmem>>
    %dma_wait3A_203 = tpu.memref_squeeze %dma_wait3A_202 : memref<1x128xi32, #tpu.memory_space<vmem>> -> memref<128xi32, #tpu.memory_space<vmem>>
    %dma_wait3A_204 = arith.constant 0 : i32
    %dma_wait3A_205 = arith.constant 0 : i32
    %dma_wait3A_206 = tpu.memref_slice %arg4[%dma_wait3A_204, %dma_wait3A_205] : memref<1000000x128xf32, #tpu.memory_space<hbm>> -> memref<1000000x128xf32, #tpu.memory_space<hbm>>
    tpu.wait_indirect_dma semaphore(%arg16 : memref<!tpu.dma_semaphore, #tpu.memory_space<semaphore_mem>>) src(%dma_wait3A_206 : memref<1000000x128xf32, #tpu.memory_space<hbm>>) dst(%arg10 : memref<128x128xf32, #tpu.memory_space<vmem>>)
    %dma_wait3A_207 = arith.constant 0 : i32
    %dma_wait3A_208 = tpu.memref_slice %arg6[%add3A_161, %dma_wait3A_207] : memref<32768x128xf32, #tpu.memory_space<hbm>> -> memref<128x128xf32, #tpu.memory_space<hbm>>
    %dma_wait3A_209 = arith.constant 0 : i32
    %dma_wait3A_210 = tpu.memref_slice %arg6[%add3A_161, %dma_wait3A_209] : memref<32768x128xf32, #tpu.memory_space<hbm>> -> memref<128x128xf32, #tpu.memory_space<hbm>>
    tpu.wait_dma2 semaphore(%arg20 : memref<!tpu.dma_semaphore, #tpu.memory_space<semaphore_mem>>) src(%arg14 : memref<128x128xf32, #tpu.memory_space<vmem>>) dst(%dma_wait3A_210 : memref<128x128xf32, #tpu.memory_space<hbm>>)
    %parallel_loop3A_211 = arith.constant 0 : i32
    %parallel_loop3A_212 = arith.constant 128 : i32
    %parallel_loop3A_213 = arith.constant 1 : i32
    scf.for %parallel_loop3A_288 = %parallel_loop3A_211 to %parallel_loop3A_212 step %parallel_loop3A_213  : i32 {
      %parallel_loop3A_289 = arith.constant 512 : i32
      %parallel_loop3A_290 = arith.addi %parallel_loop3A_289, %parallel_loop3A_288 : i32
      %parallel_loop3A_291 = vector.broadcast %parallel_loop3A_290 : i32 to vector<16xi32>
      %parallel_loop3A_292 = tpu.vector_load_idx %arg8[%parallel_loop3A_291] : memref<1024xi32, #tpu.memory_space<vmem>>[vector<16xi32>], vector<16xi32>,
      %parallel_loop3A_293 = arith.sitofp %parallel_loop3A_292 : vector<16xi32> to vector<16xf32>
      %parallel_loop3A_294 = arith.constant 0.000000e+00 : f32
      %parallel_loop3A_295 = vector.broadcast %parallel_loop3A_294 : f32 to vector<16xf32>
      %parallel_loop3A_296 = arith.index_cast %parallel_loop3A_288 : i32 to index
      %parallel_loop3A_297 = arith.constant 0 : index
      %parallel_loop3A_298 = tpu.vector_load %arg10[%parallel_loop3A_296, %parallel_loop3A_297] {strides = array<i32>} : memref<128x128xf32, #tpu.memory_space<vmem>>, vector<16xf32>,
      %parallel_loop3A_299 = arith.addf %parallel_loop3A_298, %get3A_34 : vector<16xf32>
      %parallel_loop3A_300 = arith.mulf %parallel_loop3A_293, %sub3A : vector<16xf32>
      %parallel_loop3A_301 = arith.addf %parallel_loop3A_299, %parallel_loop3A_300 : vector<16xf32>
      %parallel_loop3A_302 = arith.mulf %parallel_loop3A_301, %parallel_loop3A_301 : vector<16xf32>
      %parallel_loop3A_303 = arith.addf %parallel_loop3A_295, %parallel_loop3A_302 : vector<16xf32>
      %parallel_loop3A_304 = arith.index_cast %parallel_loop3A_288 : i32 to index
      %parallel_loop3A_305 = arith.constant 16 : index
      %parallel_loop3A_306 = tpu.vector_load %arg10[%parallel_loop3A_304, %parallel_loop3A_305] {strides = array<i32>} : memref<128x128xf32, #tpu.memory_space<vmem>>, vector<16xf32>,
      %parallel_loop3A_307 = arith.addf %parallel_loop3A_306, %get3A_38 : vector<16xf32>
      %parallel_loop3A_308 = arith.mulf %parallel_loop3A_293, %sub3A_71 : vector<16xf32>
      %parallel_loop3A_309 = arith.addf %parallel_loop3A_307, %parallel_loop3A_308 : vector<16xf32>
      %parallel_loop3A_310 = arith.mulf %parallel_loop3A_309, %parallel_loop3A_309 : vector<16xf32>
      %parallel_loop3A_311 = arith.addf %parallel_loop3A_303, %parallel_loop3A_310 : vector<16xf32>
      %parallel_loop3A_312 = arith.index_cast %parallel_loop3A_288 : i32 to index
      %parallel_loop3A_313 = arith.constant 32 : index
      %parallel_loop3A_314 = tpu.vector_load %arg10[%parallel_loop3A_312, %parallel_loop3A_313] {strides = array<i32>} : memref<128x128xf32, #tpu.memory_space<vmem>>, vector<16xf32>,
      %parallel_loop3A_315 = arith.addf %parallel_loop3A_314, %get3A_42 : vector<16xf32>
      %parallel_loop3A_316 = arith.mulf %parallel_loop3A_293, %sub3A_76 : vector<16xf32>
      %parallel_loop3A_317 = arith.addf %parallel_loop3A_315, %parallel_loop3A_316 : vector<16xf32>
      %parallel_loop3A_318 = arith.mulf %parallel_loop3A_317, %parallel_loop3A_317 : vector<16xf32>
      %parallel_loop3A_319 = arith.addf %parallel_loop3A_311, %parallel_loop3A_318 : vector<16xf32>
      %parallel_loop3A_320 = arith.index_cast %parallel_loop3A_288 : i32 to index
      %parallel_loop3A_321 = arith.constant 48 : index
      %parallel_loop3A_322 = tpu.vector_load %arg10[%parallel_loop3A_320, %parallel_loop3A_321] {strides = array<i32>} : memref<128x128xf32, #tpu.memory_space<vmem>>, vector<16xf32>,
      %parallel_loop3A_323 = arith.addf %parallel_loop3A_322, %get3A_46 : vector<16xf32>
      %parallel_loop3A_324 = arith.mulf %parallel_loop3A_293, %sub3A_81 : vector<16xf32>
      %parallel_loop3A_325 = arith.addf %parallel_loop3A_323, %parallel_loop3A_324 : vector<16xf32>
      %parallel_loop3A_326 = arith.mulf %parallel_loop3A_325, %parallel_loop3A_325 : vector<16xf32>
      %parallel_loop3A_327 = arith.addf %parallel_loop3A_319, %parallel_loop3A_326 : vector<16xf32>
      %parallel_loop3A_328 = arith.index_cast %parallel_loop3A_288 : i32 to index
      %parallel_loop3A_329 = arith.constant 64 : index
      %parallel_loop3A_330 = tpu.vector_load %arg10[%parallel_loop3A_328, %parallel_loop3A_329] {strides = array<i32>} : memref<128x128xf32, #tpu.memory_space<vmem>>, vector<16xf32>,
      %parallel_loop3A_331 = arith.addf %parallel_loop3A_330, %get3A_50 : vector<16xf32>
      %parallel_loop3A_332 = arith.mulf %parallel_loop3A_293, %sub3A_86 : vector<16xf32>
      %parallel_loop3A_333 = arith.addf %parallel_loop3A_331, %parallel_loop3A_332 : vector<16xf32>
      %parallel_loop3A_334 = arith.mulf %parallel_loop3A_333, %parallel_loop3A_333 : vector<16xf32>
      %parallel_loop3A_335 = arith.addf %parallel_loop3A_327, %parallel_loop3A_334 : vector<16xf32>
      %parallel_loop3A_336 = arith.index_cast %parallel_loop3A_288 : i32 to index
      %parallel_loop3A_337 = arith.constant 80 : index
      %parallel_loop3A_338 = tpu.vector_load %arg10[%parallel_loop3A_336, %parallel_loop3A_337] {strides = array<i32>} : memref<128x128xf32, #tpu.memory_space<vmem>>, vector<16xf32>,
      %parallel_loop3A_339 = arith.addf %parallel_loop3A_338, %get3A_54 : vector<16xf32>
      %parallel_loop3A_340 = arith.mulf %parallel_loop3A_293, %sub3A_91 : vector<16xf32>
      %parallel_loop3A_341 = arith.addf %parallel_loop3A_339, %parallel_loop3A_340 : vector<16xf32>
      %parallel_loop3A_342 = arith.mulf %parallel_loop3A_341, %parallel_loop3A_341 : vector<16xf32>
      %parallel_loop3A_343 = arith.addf %parallel_loop3A_335, %parallel_loop3A_342 : vector<16xf32>
      %parallel_loop3A_344 = arith.index_cast %parallel_loop3A_288 : i32 to index
      %parallel_loop3A_345 = arith.constant 96 : index
      %parallel_loop3A_346 = tpu.vector_load %arg10[%parallel_loop3A_344, %parallel_loop3A_345] {strides = array<i32>} : memref<128x128xf32, #tpu.memory_space<vmem>>, vector<16xf32>,
      %parallel_loop3A_347 = arith.addf %parallel_loop3A_346, %get3A_58 : vector<16xf32>
      %parallel_loop3A_348 = arith.mulf %parallel_loop3A_293, %sub3A_96 : vector<16xf32>
      %parallel_loop3A_349 = arith.addf %parallel_loop3A_347, %parallel_loop3A_348 : vector<16xf32>
      %parallel_loop3A_350 = arith.mulf %parallel_loop3A_349, %parallel_loop3A_349 : vector<16xf32>
      %parallel_loop3A_351 = arith.addf %parallel_loop3A_343, %parallel_loop3A_350 : vector<16xf32>
      %parallel_loop3A_352 = arith.index_cast %parallel_loop3A_288 : i32 to index
      %parallel_loop3A_353 = arith.constant 112 : index
      %parallel_loop3A_354 = tpu.vector_load %arg10[%parallel_loop3A_352, %parallel_loop3A_353] {strides = array<i32>} : memref<128x128xf32, #tpu.memory_space<vmem>>, vector<16xf32>,
      %parallel_loop3A_355 = arith.addf %parallel_loop3A_354, %get3A_62 : vector<16xf32>
      %parallel_loop3A_356 = arith.mulf %parallel_loop3A_293, %sub3A_101 : vector<16xf32>
      %parallel_loop3A_357 = arith.addf %parallel_loop3A_355, %parallel_loop3A_356 : vector<16xf32>
      %parallel_loop3A_358 = arith.mulf %parallel_loop3A_357, %parallel_loop3A_357 : vector<16xf32>
      %parallel_loop3A_359 = arith.addf %parallel_loop3A_351, %parallel_loop3A_358 : vector<16xf32>
      %parallel_loop3A_360 = arith.constant true
      %parallel_loop3A_361 = vector.broadcast %parallel_loop3A_360 : i1 to vector<16xi1>
      %parallel_loop3A_362 = tpu.scan <sum>, %parallel_loop3A_359 masked %parallel_loop3A_361 : vector<16xf32>, vector<16xi1> -> vector<16xf32>
      %parallel_loop3A_363 = vector.extract %parallel_loop3A_362[15] : f32 from vector<16xf32>
      %parallel_loop3A_364 = arith.constant 7.812500e-03 : f32
      %parallel_loop3A_365 = arith.mulf %parallel_loop3A_363, %parallel_loop3A_364 : f32
      %parallel_loop3A_366 = arith.constant 9.99999996E-13 : f32
      %parallel_loop3A_367 = arith.addf %parallel_loop3A_365, %parallel_loop3A_366 : f32
      %parallel_loop3A_368 = arith.bitcast %parallel_loop3A_367 : f32 to i32
      %parallel_loop3A_369 = arith.constant 1 : i32
      %parallel_loop3A_370 = arith.shrui %parallel_loop3A_368, %parallel_loop3A_369 : i32
      %parallel_loop3A_371 = arith.constant 1597463007 : i32
      %parallel_loop3A_372 = arith.subi %parallel_loop3A_371, %parallel_loop3A_370 : i32
      %parallel_loop3A_373 = arith.bitcast %parallel_loop3A_372 : i32 to f32
      %parallel_loop3A_374 = arith.constant 5.000000e-01 : f32
      %parallel_loop3A_375 = arith.mulf %parallel_loop3A_374, %parallel_loop3A_367 : f32
      %parallel_loop3A_376 = arith.mulf %parallel_loop3A_375, %parallel_loop3A_373 : f32
      %parallel_loop3A_377 = arith.mulf %parallel_loop3A_376, %parallel_loop3A_373 : f32
      %parallel_loop3A_378 = arith.constant 1.500000e+00 : f32
      %parallel_loop3A_379 = arith.subf %parallel_loop3A_378, %parallel_loop3A_377 : f32
      %parallel_loop3A_380 = arith.mulf %parallel_loop3A_373, %parallel_loop3A_379 : f32
      %parallel_loop3A_381 = vector.broadcast %parallel_loop3A_380 : f32 to vector<16xf32>
      %parallel_loop3A_382 = arith.mulf %parallel_loop3A_301, %parallel_loop3A_381 : vector<16xf32>
      %parallel_loop3A_383 = arith.index_cast %parallel_loop3A_288 : i32 to index
      %parallel_loop3A_384 = arith.constant 0 : index
      %parallel_loop3A_385 = tpu.vector_load %arg14[%parallel_loop3A_383, %parallel_loop3A_384] {strides = array<i32>} : memref<128x128xf32, #tpu.memory_space<vmem>>, vector<16xf32>,
      tpu.vector_store %arg14[%parallel_loop3A_383, %parallel_loop3A_384], %parallel_loop3A_382 {strides = array<i32>} : memref<128x128xf32, #tpu.memory_space<vmem>>, vector<16xf32>,
      %parallel_loop3A_386 = arith.mulf %parallel_loop3A_309, %parallel_loop3A_381 : vector<16xf32>
      %parallel_loop3A_387 = arith.index_cast %parallel_loop3A_288 : i32 to index
      %parallel_loop3A_388 = arith.constant 16 : index
      %parallel_loop3A_389 = tpu.vector_load %arg14[%parallel_loop3A_387, %parallel_loop3A_388] {strides = array<i32>} : memref<128x128xf32, #tpu.memory_space<vmem>>, vector<16xf32>,
      tpu.vector_store %arg14[%parallel_loop3A_387, %parallel_loop3A_388], %parallel_loop3A_386 {strides = array<i32>} : memref<128x128xf32, #tpu.memory_space<vmem>>, vector<16xf32>,
      %parallel_loop3A_390 = arith.mulf %parallel_loop3A_317, %parallel_loop3A_381 : vector<16xf32>
      %parallel_loop3A_391 = arith.index_cast %parallel_loop3A_288 : i32 to index
      %parallel_loop3A_392 = arith.constant 32 : index
      %parallel_loop3A_393 = tpu.vector_load %arg14[%parallel_loop3A_391, %parallel_loop3A_392] {strides = array<i32>} : memref<128x128xf32, #tpu.memory_space<vmem>>, vector<16xf32>,
      tpu.vector_store %arg14[%parallel_loop3A_391, %parallel_loop3A_392], %parallel_loop3A_390 {strides = array<i32>} : memref<128x128xf32, #tpu.memory_space<vmem>>, vector<16xf32>,
      %parallel_loop3A_394 = arith.mulf %parallel_loop3A_325, %parallel_loop3A_381 : vector<16xf32>
      %parallel_loop3A_395 = arith.index_cast %parallel_loop3A_288 : i32 to index
      %parallel_loop3A_396 = arith.constant 48 : index
      %parallel_loop3A_397 = tpu.vector_load %arg14[%parallel_loop3A_395, %parallel_loop3A_396] {strides = array<i32>} : memref<128x128xf32, #tpu.memory_space<vmem>>, vector<16xf32>,
      tpu.vector_store %arg14[%parallel_loop3A_395, %parallel_loop3A_396], %parallel_loop3A_394 {strides = array<i32>} : memref<128x128xf32, #tpu.memory_space<vmem>>, vector<16xf32>,
      %parallel_loop3A_398 = arith.mulf %parallel_loop3A_333, %parallel_loop3A_381 : vector<16xf32>
      %parallel_loop3A_399 = arith.index_cast %parallel_loop3A_288 : i32 to index
      %parallel_loop3A_400 = arith.constant 64 : index
      %parallel_loop3A_401 = tpu.vector_load %arg14[%parallel_loop3A_399, %parallel_loop3A_400] {strides = array<i32>} : memref<128x128xf32, #tpu.memory_space<vmem>>, vector<16xf32>,
      tpu.vector_store %arg14[%parallel_loop3A_399, %parallel_loop3A_400], %parallel_loop3A_398 {strides = array<i32>} : memref<128x128xf32, #tpu.memory_space<vmem>>, vector<16xf32>,
      %parallel_loop3A_402 = arith.mulf %parallel_loop3A_341, %parallel_loop3A_381 : vector<16xf32>
      %parallel_loop3A_403 = arith.index_cast %parallel_loop3A_288 : i32 to index
      %parallel_loop3A_404 = arith.constant 80 : index
      %parallel_loop3A_405 = tpu.vector_load %arg14[%parallel_loop3A_403, %parallel_loop3A_404] {strides = array<i32>} : memref<128x128xf32, #tpu.memory_space<vmem>>, vector<16xf32>,
      tpu.vector_store %arg14[%parallel_loop3A_403, %parallel_loop3A_404], %parallel_loop3A_402 {strides = array<i32>} : memref<128x128xf32, #tpu.memory_space<vmem>>, vector<16xf32>,
      %parallel_loop3A_406 = arith.mulf %parallel_loop3A_349, %parallel_loop3A_381 : vector<16xf32>
      %parallel_loop3A_407 = arith.index_cast %parallel_loop3A_288 : i32 to index
      %parallel_loop3A_408 = arith.constant 96 : index
      %parallel_loop3A_409 = tpu.vector_load %arg14[%parallel_loop3A_407, %parallel_loop3A_408] {strides = array<i32>} : memref<128x128xf32, #tpu.memory_space<vmem>>, vector<16xf32>,
      tpu.vector_store %arg14[%parallel_loop3A_407, %parallel_loop3A_408], %parallel_loop3A_406 {strides = array<i32>} : memref<128x128xf32, #tpu.memory_space<vmem>>, vector<16xf32>,
      %parallel_loop3A_410 = arith.mulf %parallel_loop3A_357, %parallel_loop3A_381 : vector<16xf32>
      %parallel_loop3A_411 = arith.index_cast %parallel_loop3A_288 : i32 to index
      %parallel_loop3A_412 = arith.constant 112 : index
      %parallel_loop3A_413 = tpu.vector_load %arg14[%parallel_loop3A_411, %parallel_loop3A_412] {strides = array<i32>} : memref<128x128xf32, #tpu.memory_space<vmem>>, vector<16xf32>,
      tpu.vector_store %arg14[%parallel_loop3A_411, %parallel_loop3A_412], %parallel_loop3A_410 {strides = array<i32>} : memref<128x128xf32, #tpu.memory_space<vmem>>, vector<16xf32>,
    } {sc.loop_unroll_factor = 1 : i64, sc.parallel_access}
    %add3A_214 = arith.constant 512 : i32
    %add3A_215 = arith.addi %mul3A_2, %add3A_214 : i32
    %dma_start3A_216 = arith.constant 0 : i32
    %dma_start3A_217 = tpu.memref_slice %arg6[%add3A_215, %dma_start3A_216] : memref<32768x128xf32, #tpu.memory_space<hbm>> -> memref<128x128xf32, #tpu.memory_space<hbm>>
    %dma_start3A_218 = arith.constant 0 : i32
    %dma_start3A_219 = tpu.memref_slice %arg6[%add3A_215, %dma_start3A_218] : memref<32768x128xf32, #tpu.memory_space<hbm>> -> memref<128x128xf32, #tpu.memory_space<hbm>>
    tpu.enqueue_dma source(%arg14 : memref<128x128xf32, #tpu.memory_space<vmem>>) target(%dma_start3A_219 : memref<128x128xf32, #tpu.memory_space<hbm>>) target_semaphore(%arg20 : memref<!tpu.dma_semaphore, #tpu.memory_space<semaphore_mem>>)
    %dma_wait3A_220 = arith.constant 5 : i32
    %dma_wait3A_221 = arith.constant 0 : i32
    %dma_wait3A_222 = tpu.memref_slice %arg7[%dma_wait3A_220, %dma_wait3A_221] : memref<8x128xi32, #tpu.memory_space<vmem>> -> memref<1x128xi32, #tpu.memory_space<vmem>>
    %dma_wait3A_223 = tpu.memref_squeeze %dma_wait3A_222 : memref<1x128xi32, #tpu.memory_space<vmem>> -> memref<128xi32, #tpu.memory_space<vmem>>
    %dma_wait3A_224 = arith.constant 0 : i32
    %dma_wait3A_225 = arith.constant 0 : i32
    %dma_wait3A_226 = tpu.memref_slice %arg4[%dma_wait3A_224, %dma_wait3A_225] : memref<1000000x128xf32, #tpu.memory_space<hbm>> -> memref<1000000x128xf32, #tpu.memory_space<hbm>>
    tpu.wait_indirect_dma semaphore(%arg17 : memref<!tpu.dma_semaphore, #tpu.memory_space<semaphore_mem>>) src(%dma_wait3A_226 : memref<1000000x128xf32, #tpu.memory_space<hbm>>) dst(%arg11 : memref<128x128xf32, #tpu.memory_space<vmem>>)
    %dma_wait3A_227 = arith.constant 0 : i32
    %dma_wait3A_228 = tpu.memref_slice %arg6[%add3A_188, %dma_wait3A_227] : memref<32768x128xf32, #tpu.memory_space<hbm>> -> memref<128x128xf32, #tpu.memory_space<hbm>>
    %dma_wait3A_229 = arith.constant 0 : i32
    %dma_wait3A_230 = tpu.memref_slice %arg6[%add3A_188, %dma_wait3A_229] : memref<32768x128xf32, #tpu.memory_space<hbm>> -> memref<128x128xf32, #tpu.memory_space<hbm>>
    tpu.wait_dma2 semaphore(%arg21 : memref<!tpu.dma_semaphore, #tpu.memory_space<semaphore_mem>>) src(%arg15 : memref<128x128xf32, #tpu.memory_space<vmem>>) dst(%dma_wait3A_230 : memref<128x128xf32, #tpu.memory_space<hbm>>)
    %parallel_loop3A_231 = arith.constant 0 : i32
    %parallel_loop3A_232 = arith.constant 128 : i32
    %parallel_loop3A_233 = arith.constant 1 : i32
    scf.for %parallel_loop3A_288 = %parallel_loop3A_231 to %parallel_loop3A_232 step %parallel_loop3A_233  : i32 {
      %parallel_loop3A_289 = arith.constant 640 : i32
      %parallel_loop3A_290 = arith.addi %parallel_loop3A_289, %parallel_loop3A_288 : i32
      %parallel_loop3A_291 = vector.broadcast %parallel_loop3A_290 : i32 to vector<16xi32>
      %parallel_loop3A_292 = tpu.vector_load_idx %arg8[%parallel_loop3A_291] : memref<1024xi32, #tpu.memory_space<vmem>>[vector<16xi32>], vector<16xi32>,
      %parallel_loop3A_293 = arith.sitofp %parallel_loop3A_292 : vector<16xi32> to vector<16xf32>
      %parallel_loop3A_294 = arith.constant 0.000000e+00 : f32
      %parallel_loop3A_295 = vector.broadcast %parallel_loop3A_294 : f32 to vector<16xf32>
      %parallel_loop3A_296 = arith.index_cast %parallel_loop3A_288 : i32 to index
      %parallel_loop3A_297 = arith.constant 0 : index
      %parallel_loop3A_298 = tpu.vector_load %arg11[%parallel_loop3A_296, %parallel_loop3A_297] {strides = array<i32>} : memref<128x128xf32, #tpu.memory_space<vmem>>, vector<16xf32>,
      %parallel_loop3A_299 = arith.addf %parallel_loop3A_298, %get3A_34 : vector<16xf32>
      %parallel_loop3A_300 = arith.mulf %parallel_loop3A_293, %sub3A : vector<16xf32>
      %parallel_loop3A_301 = arith.addf %parallel_loop3A_299, %parallel_loop3A_300 : vector<16xf32>
      %parallel_loop3A_302 = arith.mulf %parallel_loop3A_301, %parallel_loop3A_301 : vector<16xf32>
      %parallel_loop3A_303 = arith.addf %parallel_loop3A_295, %parallel_loop3A_302 : vector<16xf32>
      %parallel_loop3A_304 = arith.index_cast %parallel_loop3A_288 : i32 to index
      %parallel_loop3A_305 = arith.constant 16 : index
      %parallel_loop3A_306 = tpu.vector_load %arg11[%parallel_loop3A_304, %parallel_loop3A_305] {strides = array<i32>} : memref<128x128xf32, #tpu.memory_space<vmem>>, vector<16xf32>,
      %parallel_loop3A_307 = arith.addf %parallel_loop3A_306, %get3A_38 : vector<16xf32>
      %parallel_loop3A_308 = arith.mulf %parallel_loop3A_293, %sub3A_71 : vector<16xf32>
      %parallel_loop3A_309 = arith.addf %parallel_loop3A_307, %parallel_loop3A_308 : vector<16xf32>
      %parallel_loop3A_310 = arith.mulf %parallel_loop3A_309, %parallel_loop3A_309 : vector<16xf32>
      %parallel_loop3A_311 = arith.addf %parallel_loop3A_303, %parallel_loop3A_310 : vector<16xf32>
      %parallel_loop3A_312 = arith.index_cast %parallel_loop3A_288 : i32 to index
      %parallel_loop3A_313 = arith.constant 32 : index
      %parallel_loop3A_314 = tpu.vector_load %arg11[%parallel_loop3A_312, %parallel_loop3A_313] {strides = array<i32>} : memref<128x128xf32, #tpu.memory_space<vmem>>, vector<16xf32>,
      %parallel_loop3A_315 = arith.addf %parallel_loop3A_314, %get3A_42 : vector<16xf32>
      %parallel_loop3A_316 = arith.mulf %parallel_loop3A_293, %sub3A_76 : vector<16xf32>
      %parallel_loop3A_317 = arith.addf %parallel_loop3A_315, %parallel_loop3A_316 : vector<16xf32>
      %parallel_loop3A_318 = arith.mulf %parallel_loop3A_317, %parallel_loop3A_317 : vector<16xf32>
      %parallel_loop3A_319 = arith.addf %parallel_loop3A_311, %parallel_loop3A_318 : vector<16xf32>
      %parallel_loop3A_320 = arith.index_cast %parallel_loop3A_288 : i32 to index
      %parallel_loop3A_321 = arith.constant 48 : index
      %parallel_loop3A_322 = tpu.vector_load %arg11[%parallel_loop3A_320, %parallel_loop3A_321] {strides = array<i32>} : memref<128x128xf32, #tpu.memory_space<vmem>>, vector<16xf32>,
      %parallel_loop3A_323 = arith.addf %parallel_loop3A_322, %get3A_46 : vector<16xf32>
      %parallel_loop3A_324 = arith.mulf %parallel_loop3A_293, %sub3A_81 : vector<16xf32>
      %parallel_loop3A_325 = arith.addf %parallel_loop3A_323, %parallel_loop3A_324 : vector<16xf32>
      %parallel_loop3A_326 = arith.mulf %parallel_loop3A_325, %parallel_loop3A_325 : vector<16xf32>
      %parallel_loop3A_327 = arith.addf %parallel_loop3A_319, %parallel_loop3A_326 : vector<16xf32>
      %parallel_loop3A_328 = arith.index_cast %parallel_loop3A_288 : i32 to index
      %parallel_loop3A_329 = arith.constant 64 : index
      %parallel_loop3A_330 = tpu.vector_load %arg11[%parallel_loop3A_328, %parallel_loop3A_329] {strides = array<i32>} : memref<128x128xf32, #tpu.memory_space<vmem>>, vector<16xf32>,
      %parallel_loop3A_331 = arith.addf %parallel_loop3A_330, %get3A_50 : vector<16xf32>
      %parallel_loop3A_332 = arith.mulf %parallel_loop3A_293, %sub3A_86 : vector<16xf32>
      %parallel_loop3A_333 = arith.addf %parallel_loop3A_331, %parallel_loop3A_332 : vector<16xf32>
      %parallel_loop3A_334 = arith.mulf %parallel_loop3A_333, %parallel_loop3A_333 : vector<16xf32>
      %parallel_loop3A_335 = arith.addf %parallel_loop3A_327, %parallel_loop3A_334 : vector<16xf32>
      %parallel_loop3A_336 = arith.index_cast %parallel_loop3A_288 : i32 to index
      %parallel_loop3A_337 = arith.constant 80 : index
      %parallel_loop3A_338 = tpu.vector_load %arg11[%parallel_loop3A_336, %parallel_loop3A_337] {strides = array<i32>} : memref<128x128xf32, #tpu.memory_space<vmem>>, vector<16xf32>,
      %parallel_loop3A_339 = arith.addf %parallel_loop3A_338, %get3A_54 : vector<16xf32>
      %parallel_loop3A_340 = arith.mulf %parallel_loop3A_293, %sub3A_91 : vector<16xf32>
      %parallel_loop3A_341 = arith.addf %parallel_loop3A_339, %parallel_loop3A_340 : vector<16xf32>
      %parallel_loop3A_342 = arith.mulf %parallel_loop3A_341, %parallel_loop3A_341 : vector<16xf32>
      %parallel_loop3A_343 = arith.addf %parallel_loop3A_335, %parallel_loop3A_342 : vector<16xf32>
      %parallel_loop3A_344 = arith.index_cast %parallel_loop3A_288 : i32 to index
      %parallel_loop3A_345 = arith.constant 96 : index
      %parallel_loop3A_346 = tpu.vector_load %arg11[%parallel_loop3A_344, %parallel_loop3A_345] {strides = array<i32>} : memref<128x128xf32, #tpu.memory_space<vmem>>, vector<16xf32>,
      %parallel_loop3A_347 = arith.addf %parallel_loop3A_346, %get3A_58 : vector<16xf32>
      %parallel_loop3A_348 = arith.mulf %parallel_loop3A_293, %sub3A_96 : vector<16xf32>
      %parallel_loop3A_349 = arith.addf %parallel_loop3A_347, %parallel_loop3A_348 : vector<16xf32>
      %parallel_loop3A_350 = arith.mulf %parallel_loop3A_349, %parallel_loop3A_349 : vector<16xf32>
      %parallel_loop3A_351 = arith.addf %parallel_loop3A_343, %parallel_loop3A_350 : vector<16xf32>
      %parallel_loop3A_352 = arith.index_cast %parallel_loop3A_288 : i32 to index
      %parallel_loop3A_353 = arith.constant 112 : index
      %parallel_loop3A_354 = tpu.vector_load %arg11[%parallel_loop3A_352, %parallel_loop3A_353] {strides = array<i32>} : memref<128x128xf32, #tpu.memory_space<vmem>>, vector<16xf32>,
      %parallel_loop3A_355 = arith.addf %parallel_loop3A_354, %get3A_62 : vector<16xf32>
      %parallel_loop3A_356 = arith.mulf %parallel_loop3A_293, %sub3A_101 : vector<16xf32>
      %parallel_loop3A_357 = arith.addf %parallel_loop3A_355, %parallel_loop3A_356 : vector<16xf32>
      %parallel_loop3A_358 = arith.mulf %parallel_loop3A_357, %parallel_loop3A_357 : vector<16xf32>
      %parallel_loop3A_359 = arith.addf %parallel_loop3A_351, %parallel_loop3A_358 : vector<16xf32>
      %parallel_loop3A_360 = arith.constant true
      %parallel_loop3A_361 = vector.broadcast %parallel_loop3A_360 : i1 to vector<16xi1>
      %parallel_loop3A_362 = tpu.scan <sum>, %parallel_loop3A_359 masked %parallel_loop3A_361 : vector<16xf32>, vector<16xi1> -> vector<16xf32>
      %parallel_loop3A_363 = vector.extract %parallel_loop3A_362[15] : f32 from vector<16xf32>
      %parallel_loop3A_364 = arith.constant 7.812500e-03 : f32
      %parallel_loop3A_365 = arith.mulf %parallel_loop3A_363, %parallel_loop3A_364 : f32
      %parallel_loop3A_366 = arith.constant 9.99999996E-13 : f32
      %parallel_loop3A_367 = arith.addf %parallel_loop3A_365, %parallel_loop3A_366 : f32
      %parallel_loop3A_368 = arith.bitcast %parallel_loop3A_367 : f32 to i32
      %parallel_loop3A_369 = arith.constant 1 : i32
      %parallel_loop3A_370 = arith.shrui %parallel_loop3A_368, %parallel_loop3A_369 : i32
      %parallel_loop3A_371 = arith.constant 1597463007 : i32
      %parallel_loop3A_372 = arith.subi %parallel_loop3A_371, %parallel_loop3A_370 : i32
      %parallel_loop3A_373 = arith.bitcast %parallel_loop3A_372 : i32 to f32
      %parallel_loop3A_374 = arith.constant 5.000000e-01 : f32
      %parallel_loop3A_375 = arith.mulf %parallel_loop3A_374, %parallel_loop3A_367 : f32
      %parallel_loop3A_376 = arith.mulf %parallel_loop3A_375, %parallel_loop3A_373 : f32
      %parallel_loop3A_377 = arith.mulf %parallel_loop3A_376, %parallel_loop3A_373 : f32
      %parallel_loop3A_378 = arith.constant 1.500000e+00 : f32
      %parallel_loop3A_379 = arith.subf %parallel_loop3A_378, %parallel_loop3A_377 : f32
      %parallel_loop3A_380 = arith.mulf %parallel_loop3A_373, %parallel_loop3A_379 : f32
      %parallel_loop3A_381 = vector.broadcast %parallel_loop3A_380 : f32 to vector<16xf32>
      %parallel_loop3A_382 = arith.mulf %parallel_loop3A_301, %parallel_loop3A_381 : vector<16xf32>
      %parallel_loop3A_383 = arith.index_cast %parallel_loop3A_288 : i32 to index
      %parallel_loop3A_384 = arith.constant 0 : index
      %parallel_loop3A_385 = tpu.vector_load %arg15[%parallel_loop3A_383, %parallel_loop3A_384] {strides = array<i32>} : memref<128x128xf32, #tpu.memory_space<vmem>>, vector<16xf32>,
      tpu.vector_store %arg15[%parallel_loop3A_383, %parallel_loop3A_384], %parallel_loop3A_382 {strides = array<i32>} : memref<128x128xf32, #tpu.memory_space<vmem>>, vector<16xf32>,
      %parallel_loop3A_386 = arith.mulf %parallel_loop3A_309, %parallel_loop3A_381 : vector<16xf32>
      %parallel_loop3A_387 = arith.index_cast %parallel_loop3A_288 : i32 to index
      %parallel_loop3A_388 = arith.constant 16 : index
      %parallel_loop3A_389 = tpu.vector_load %arg15[%parallel_loop3A_387, %parallel_loop3A_388] {strides = array<i32>} : memref<128x128xf32, #tpu.memory_space<vmem>>, vector<16xf32>,
      tpu.vector_store %arg15[%parallel_loop3A_387, %parallel_loop3A_388], %parallel_loop3A_386 {strides = array<i32>} : memref<128x128xf32, #tpu.memory_space<vmem>>, vector<16xf32>,
      %parallel_loop3A_390 = arith.mulf %parallel_loop3A_317, %parallel_loop3A_381 : vector<16xf32>
      %parallel_loop3A_391 = arith.index_cast %parallel_loop3A_288 : i32 to index
      %parallel_loop3A_392 = arith.constant 32 : index
      %parallel_loop3A_393 = tpu.vector_load %arg15[%parallel_loop3A_391, %parallel_loop3A_392] {strides = array<i32>} : memref<128x128xf32, #tpu.memory_space<vmem>>, vector<16xf32>,
      tpu.vector_store %arg15[%parallel_loop3A_391, %parallel_loop3A_392], %parallel_loop3A_390 {strides = array<i32>} : memref<128x128xf32, #tpu.memory_space<vmem>>, vector<16xf32>,
      %parallel_loop3A_394 = arith.mulf %parallel_loop3A_325, %parallel_loop3A_381 : vector<16xf32>
      %parallel_loop3A_395 = arith.index_cast %parallel_loop3A_288 : i32 to index
      %parallel_loop3A_396 = arith.constant 48 : index
      %parallel_loop3A_397 = tpu.vector_load %arg15[%parallel_loop3A_395, %parallel_loop3A_396] {strides = array<i32>} : memref<128x128xf32, #tpu.memory_space<vmem>>, vector<16xf32>,
      tpu.vector_store %arg15[%parallel_loop3A_395, %parallel_loop3A_396], %parallel_loop3A_394 {strides = array<i32>} : memref<128x128xf32, #tpu.memory_space<vmem>>, vector<16xf32>,
      %parallel_loop3A_398 = arith.mulf %parallel_loop3A_333, %parallel_loop3A_381 : vector<16xf32>
      %parallel_loop3A_399 = arith.index_cast %parallel_loop3A_288 : i32 to index
      %parallel_loop3A_400 = arith.constant 64 : index
      %parallel_loop3A_401 = tpu.vector_load %arg15[%parallel_loop3A_399, %parallel_loop3A_400] {strides = array<i32>} : memref<128x128xf32, #tpu.memory_space<vmem>>, vector<16xf32>,
      tpu.vector_store %arg15[%parallel_loop3A_399, %parallel_loop3A_400], %parallel_loop3A_398 {strides = array<i32>} : memref<128x128xf32, #tpu.memory_space<vmem>>, vector<16xf32>,
      %parallel_loop3A_402 = arith.mulf %parallel_loop3A_341, %parallel_loop3A_381 : vector<16xf32>
      %parallel_loop3A_403 = arith.index_cast %parallel_loop3A_288 : i32 to index
      %parallel_loop3A_404 = arith.constant 80 : index
      %parallel_loop3A_405 = tpu.vector_load %arg15[%parallel_loop3A_403, %parallel_loop3A_404] {strides = array<i32>} : memref<128x128xf32, #tpu.memory_space<vmem>>, vector<16xf32>,
      tpu.vector_store %arg15[%parallel_loop3A_403, %parallel_loop3A_404], %parallel_loop3A_402 {strides = array<i32>} : memref<128x128xf32, #tpu.memory_space<vmem>>, vector<16xf32>,
      %parallel_loop3A_406 = arith.mulf %parallel_loop3A_349, %parallel_loop3A_381 : vector<16xf32>
      %parallel_loop3A_407 = arith.index_cast %parallel_loop3A_288 : i32 to index
      %parallel_loop3A_408 = arith.constant 96 : index
      %parallel_loop3A_409 = tpu.vector_load %arg15[%parallel_loop3A_407, %parallel_loop3A_408] {strides = array<i32>} : memref<128x128xf32, #tpu.memory_space<vmem>>, vector<16xf32>,
      tpu.vector_store %arg15[%parallel_loop3A_407, %parallel_loop3A_408], %parallel_loop3A_406 {strides = array<i32>} : memref<128x128xf32, #tpu.memory_space<vmem>>, vector<16xf32>,
      %parallel_loop3A_410 = arith.mulf %parallel_loop3A_357, %parallel_loop3A_381 : vector<16xf32>
      %parallel_loop3A_411 = arith.index_cast %parallel_loop3A_288 : i32 to index
      %parallel_loop3A_412 = arith.constant 112 : index
      %parallel_loop3A_413 = tpu.vector_load %arg15[%parallel_loop3A_411, %parallel_loop3A_412] {strides = array<i32>} : memref<128x128xf32, #tpu.memory_space<vmem>>, vector<16xf32>,
      tpu.vector_store %arg15[%parallel_loop3A_411, %parallel_loop3A_412], %parallel_loop3A_410 {strides = array<i32>} : memref<128x128xf32, #tpu.memory_space<vmem>>, vector<16xf32>,
    } {sc.loop_unroll_factor = 1 : i64, sc.parallel_access}
    %add3A_234 = arith.constant 640 : i32
    %add3A_235 = arith.addi %mul3A_2, %add3A_234 : i32
    %dma_start3A_236 = arith.constant 0 : i32
    %dma_start3A_237 = tpu.memref_slice %arg6[%add3A_235, %dma_start3A_236] : memref<32768x128xf32, #tpu.memory_space<hbm>> -> memref<128x128xf32, #tpu.memory_space<hbm>>
    %dma_start3A_238 = arith.constant 0 : i32
    %dma_start3A_239 = tpu.memref_slice %arg6[%add3A_235, %dma_start3A_238] : memref<32768x128xf32, #tpu.memory_space<hbm>> -> memref<128x128xf32, #tpu.memory_space<hbm>>
    tpu.enqueue_dma source(%arg15 : memref<128x128xf32, #tpu.memory_space<vmem>>) target(%dma_start3A_239 : memref<128x128xf32, #tpu.memory_space<hbm>>) target_semaphore(%arg21 : memref<!tpu.dma_semaphore, #tpu.memory_space<semaphore_mem>>)
    %dma_wait3A_240 = arith.constant 6 : i32
    %dma_wait3A_241 = arith.constant 0 : i32
    %dma_wait3A_242 = tpu.memref_slice %arg7[%dma_wait3A_240, %dma_wait3A_241] : memref<8x128xi32, #tpu.memory_space<vmem>> -> memref<1x128xi32, #tpu.memory_space<vmem>>
    %dma_wait3A_243 = tpu.memref_squeeze %dma_wait3A_242 : memref<1x128xi32, #tpu.memory_space<vmem>> -> memref<128xi32, #tpu.memory_space<vmem>>
    %dma_wait3A_244 = arith.constant 0 : i32
    %dma_wait3A_245 = arith.constant 0 : i32
    %dma_wait3A_246 = tpu.memref_slice %arg4[%dma_wait3A_244, %dma_wait3A_245] : memref<1000000x128xf32, #tpu.memory_space<hbm>> -> memref<1000000x128xf32, #tpu.memory_space<hbm>>
    tpu.wait_indirect_dma semaphore(%arg18 : memref<!tpu.dma_semaphore, #tpu.memory_space<semaphore_mem>>) src(%dma_wait3A_246 : memref<1000000x128xf32, #tpu.memory_space<hbm>>) dst(%arg12 : memref<128x128xf32, #tpu.memory_space<vmem>>)
    %dma_wait3A_247 = arith.constant 0 : i32
    %dma_wait3A_248 = tpu.memref_slice %arg6[%add3A_215, %dma_wait3A_247] : memref<32768x128xf32, #tpu.memory_space<hbm>> -> memref<128x128xf32, #tpu.memory_space<hbm>>
    %dma_wait3A_249 = arith.constant 0 : i32
    %dma_wait3A_250 = tpu.memref_slice %arg6[%add3A_215, %dma_wait3A_249] : memref<32768x128xf32, #tpu.memory_space<hbm>> -> memref<128x128xf32, #tpu.memory_space<hbm>>
    tpu.wait_dma2 semaphore(%arg20 : memref<!tpu.dma_semaphore, #tpu.memory_space<semaphore_mem>>) src(%arg14 : memref<128x128xf32, #tpu.memory_space<vmem>>) dst(%dma_wait3A_250 : memref<128x128xf32, #tpu.memory_space<hbm>>)
    %parallel_loop3A_251 = arith.constant 0 : i32
    %parallel_loop3A_252 = arith.constant 128 : i32
    %parallel_loop3A_253 = arith.constant 1 : i32
    scf.for %parallel_loop3A_288 = %parallel_loop3A_251 to %parallel_loop3A_252 step %parallel_loop3A_253  : i32 {
      %parallel_loop3A_289 = arith.constant 768 : i32
      %parallel_loop3A_290 = arith.addi %parallel_loop3A_289, %parallel_loop3A_288 : i32
      %parallel_loop3A_291 = vector.broadcast %parallel_loop3A_290 : i32 to vector<16xi32>
      %parallel_loop3A_292 = tpu.vector_load_idx %arg8[%parallel_loop3A_291] : memref<1024xi32, #tpu.memory_space<vmem>>[vector<16xi32>], vector<16xi32>,
      %parallel_loop3A_293 = arith.sitofp %parallel_loop3A_292 : vector<16xi32> to vector<16xf32>
      %parallel_loop3A_294 = arith.constant 0.000000e+00 : f32
      %parallel_loop3A_295 = vector.broadcast %parallel_loop3A_294 : f32 to vector<16xf32>
      %parallel_loop3A_296 = arith.index_cast %parallel_loop3A_288 : i32 to index
      %parallel_loop3A_297 = arith.constant 0 : index
      %parallel_loop3A_298 = tpu.vector_load %arg12[%parallel_loop3A_296, %parallel_loop3A_297] {strides = array<i32>} : memref<128x128xf32, #tpu.memory_space<vmem>>, vector<16xf32>,
      %parallel_loop3A_299 = arith.addf %parallel_loop3A_298, %get3A_34 : vector<16xf32>
      %parallel_loop3A_300 = arith.mulf %parallel_loop3A_293, %sub3A : vector<16xf32>
      %parallel_loop3A_301 = arith.addf %parallel_loop3A_299, %parallel_loop3A_300 : vector<16xf32>
      %parallel_loop3A_302 = arith.mulf %parallel_loop3A_301, %parallel_loop3A_301 : vector<16xf32>
      %parallel_loop3A_303 = arith.addf %parallel_loop3A_295, %parallel_loop3A_302 : vector<16xf32>
      %parallel_loop3A_304 = arith.index_cast %parallel_loop3A_288 : i32 to index
      %parallel_loop3A_305 = arith.constant 16 : index
      %parallel_loop3A_306 = tpu.vector_load %arg12[%parallel_loop3A_304, %parallel_loop3A_305] {strides = array<i32>} : memref<128x128xf32, #tpu.memory_space<vmem>>, vector<16xf32>,
      %parallel_loop3A_307 = arith.addf %parallel_loop3A_306, %get3A_38 : vector<16xf32>
      %parallel_loop3A_308 = arith.mulf %parallel_loop3A_293, %sub3A_71 : vector<16xf32>
      %parallel_loop3A_309 = arith.addf %parallel_loop3A_307, %parallel_loop3A_308 : vector<16xf32>
      %parallel_loop3A_310 = arith.mulf %parallel_loop3A_309, %parallel_loop3A_309 : vector<16xf32>
      %parallel_loop3A_311 = arith.addf %parallel_loop3A_303, %parallel_loop3A_310 : vector<16xf32>
      %parallel_loop3A_312 = arith.index_cast %parallel_loop3A_288 : i32 to index
      %parallel_loop3A_313 = arith.constant 32 : index
      %parallel_loop3A_314 = tpu.vector_load %arg12[%parallel_loop3A_312, %parallel_loop3A_313] {strides = array<i32>} : memref<128x128xf32, #tpu.memory_space<vmem>>, vector<16xf32>,
      %parallel_loop3A_315 = arith.addf %parallel_loop3A_314, %get3A_42 : vector<16xf32>
      %parallel_loop3A_316 = arith.mulf %parallel_loop3A_293, %sub3A_76 : vector<16xf32>
      %parallel_loop3A_317 = arith.addf %parallel_loop3A_315, %parallel_loop3A_316 : vector<16xf32>
      %parallel_loop3A_318 = arith.mulf %parallel_loop3A_317, %parallel_loop3A_317 : vector<16xf32>
      %parallel_loop3A_319 = arith.addf %parallel_loop3A_311, %parallel_loop3A_318 : vector<16xf32>
      %parallel_loop3A_320 = arith.index_cast %parallel_loop3A_288 : i32 to index
      %parallel_loop3A_321 = arith.constant 48 : index
      %parallel_loop3A_322 = tpu.vector_load %arg12[%parallel_loop3A_320, %parallel_loop3A_321] {strides = array<i32>} : memref<128x128xf32, #tpu.memory_space<vmem>>, vector<16xf32>,
      %parallel_loop3A_323 = arith.addf %parallel_loop3A_322, %get3A_46 : vector<16xf32>
      %parallel_loop3A_324 = arith.mulf %parallel_loop3A_293, %sub3A_81 : vector<16xf32>
      %parallel_loop3A_325 = arith.addf %parallel_loop3A_323, %parallel_loop3A_324 : vector<16xf32>
      %parallel_loop3A_326 = arith.mulf %parallel_loop3A_325, %parallel_loop3A_325 : vector<16xf32>
      %parallel_loop3A_327 = arith.addf %parallel_loop3A_319, %parallel_loop3A_326 : vector<16xf32>
      %parallel_loop3A_328 = arith.index_cast %parallel_loop3A_288 : i32 to index
      %parallel_loop3A_329 = arith.constant 64 : index
      %parallel_loop3A_330 = tpu.vector_load %arg12[%parallel_loop3A_328, %parallel_loop3A_329] {strides = array<i32>} : memref<128x128xf32, #tpu.memory_space<vmem>>, vector<16xf32>,
      %parallel_loop3A_331 = arith.addf %parallel_loop3A_330, %get3A_50 : vector<16xf32>
      %parallel_loop3A_332 = arith.mulf %parallel_loop3A_293, %sub3A_86 : vector<16xf32>
      %parallel_loop3A_333 = arith.addf %parallel_loop3A_331, %parallel_loop3A_332 : vector<16xf32>
      %parallel_loop3A_334 = arith.mulf %parallel_loop3A_333, %parallel_loop3A_333 : vector<16xf32>
      %parallel_loop3A_335 = arith.addf %parallel_loop3A_327, %parallel_loop3A_334 : vector<16xf32>
      %parallel_loop3A_336 = arith.index_cast %parallel_loop3A_288 : i32 to index
      %parallel_loop3A_337 = arith.constant 80 : index
      %parallel_loop3A_338 = tpu.vector_load %arg12[%parallel_loop3A_336, %parallel_loop3A_337] {strides = array<i32>} : memref<128x128xf32, #tpu.memory_space<vmem>>, vector<16xf32>,
      %parallel_loop3A_339 = arith.addf %parallel_loop3A_338, %get3A_54 : vector<16xf32>
      %parallel_loop3A_340 = arith.mulf %parallel_loop3A_293, %sub3A_91 : vector<16xf32>
      %parallel_loop3A_341 = arith.addf %parallel_loop3A_339, %parallel_loop3A_340 : vector<16xf32>
      %parallel_loop3A_342 = arith.mulf %parallel_loop3A_341, %parallel_loop3A_341 : vector<16xf32>
      %parallel_loop3A_343 = arith.addf %parallel_loop3A_335, %parallel_loop3A_342 : vector<16xf32>
      %parallel_loop3A_344 = arith.index_cast %parallel_loop3A_288 : i32 to index
      %parallel_loop3A_345 = arith.constant 96 : index
      %parallel_loop3A_346 = tpu.vector_load %arg12[%parallel_loop3A_344, %parallel_loop3A_345] {strides = array<i32>} : memref<128x128xf32, #tpu.memory_space<vmem>>, vector<16xf32>,
      %parallel_loop3A_347 = arith.addf %parallel_loop3A_346, %get3A_58 : vector<16xf32>
      %parallel_loop3A_348 = arith.mulf %parallel_loop3A_293, %sub3A_96 : vector<16xf32>
      %parallel_loop3A_349 = arith.addf %parallel_loop3A_347, %parallel_loop3A_348 : vector<16xf32>
      %parallel_loop3A_350 = arith.mulf %parallel_loop3A_349, %parallel_loop3A_349 : vector<16xf32>
      %parallel_loop3A_351 = arith.addf %parallel_loop3A_343, %parallel_loop3A_350 : vector<16xf32>
      %parallel_loop3A_352 = arith.index_cast %parallel_loop3A_288 : i32 to index
      %parallel_loop3A_353 = arith.constant 112 : index
      %parallel_loop3A_354 = tpu.vector_load %arg12[%parallel_loop3A_352, %parallel_loop3A_353] {strides = array<i32>} : memref<128x128xf32, #tpu.memory_space<vmem>>, vector<16xf32>,
      %parallel_loop3A_355 = arith.addf %parallel_loop3A_354, %get3A_62 : vector<16xf32>
      %parallel_loop3A_356 = arith.mulf %parallel_loop3A_293, %sub3A_101 : vector<16xf32>
      %parallel_loop3A_357 = arith.addf %parallel_loop3A_355, %parallel_loop3A_356 : vector<16xf32>
      %parallel_loop3A_358 = arith.mulf %parallel_loop3A_357, %parallel_loop3A_357 : vector<16xf32>
      %parallel_loop3A_359 = arith.addf %parallel_loop3A_351, %parallel_loop3A_358 : vector<16xf32>
      %parallel_loop3A_360 = arith.constant true
      %parallel_loop3A_361 = vector.broadcast %parallel_loop3A_360 : i1 to vector<16xi1>
      %parallel_loop3A_362 = tpu.scan <sum>, %parallel_loop3A_359 masked %parallel_loop3A_361 : vector<16xf32>, vector<16xi1> -> vector<16xf32>
      %parallel_loop3A_363 = vector.extract %parallel_loop3A_362[15] : f32 from vector<16xf32>
      %parallel_loop3A_364 = arith.constant 7.812500e-03 : f32
      %parallel_loop3A_365 = arith.mulf %parallel_loop3A_363, %parallel_loop3A_364 : f32
      %parallel_loop3A_366 = arith.constant 9.99999996E-13 : f32
      %parallel_loop3A_367 = arith.addf %parallel_loop3A_365, %parallel_loop3A_366 : f32
      %parallel_loop3A_368 = arith.bitcast %parallel_loop3A_367 : f32 to i32
      %parallel_loop3A_369 = arith.constant 1 : i32
      %parallel_loop3A_370 = arith.shrui %parallel_loop3A_368, %parallel_loop3A_369 : i32
      %parallel_loop3A_371 = arith.constant 1597463007 : i32
      %parallel_loop3A_372 = arith.subi %parallel_loop3A_371, %parallel_loop3A_370 : i32
      %parallel_loop3A_373 = arith.bitcast %parallel_loop3A_372 : i32 to f32
      %parallel_loop3A_374 = arith.constant 5.000000e-01 : f32
      %parallel_loop3A_375 = arith.mulf %parallel_loop3A_374, %parallel_loop3A_367 : f32
      %parallel_loop3A_376 = arith.mulf %parallel_loop3A_375, %parallel_loop3A_373 : f32
      %parallel_loop3A_377 = arith.mulf %parallel_loop3A_376, %parallel_loop3A_373 : f32
      %parallel_loop3A_378 = arith.constant 1.500000e+00 : f32
      %parallel_loop3A_379 = arith.subf %parallel_loop3A_378, %parallel_loop3A_377 : f32
      %parallel_loop3A_380 = arith.mulf %parallel_loop3A_373, %parallel_loop3A_379 : f32
      %parallel_loop3A_381 = vector.broadcast %parallel_loop3A_380 : f32 to vector<16xf32>
      %parallel_loop3A_382 = arith.mulf %parallel_loop3A_301, %parallel_loop3A_381 : vector<16xf32>
      %parallel_loop3A_383 = arith.index_cast %parallel_loop3A_288 : i32 to index
      %parallel_loop3A_384 = arith.constant 0 : index
      %parallel_loop3A_385 = tpu.vector_load %arg14[%parallel_loop3A_383, %parallel_loop3A_384] {strides = array<i32>} : memref<128x128xf32, #tpu.memory_space<vmem>>, vector<16xf32>,
      tpu.vector_store %arg14[%parallel_loop3A_383, %parallel_loop3A_384], %parallel_loop3A_382 {strides = array<i32>} : memref<128x128xf32, #tpu.memory_space<vmem>>, vector<16xf32>,
      %parallel_loop3A_386 = arith.mulf %parallel_loop3A_309, %parallel_loop3A_381 : vector<16xf32>
      %parallel_loop3A_387 = arith.index_cast %parallel_loop3A_288 : i32 to index
      %parallel_loop3A_388 = arith.constant 16 : index
      %parallel_loop3A_389 = tpu.vector_load %arg14[%parallel_loop3A_387, %parallel_loop3A_388] {strides = array<i32>} : memref<128x128xf32, #tpu.memory_space<vmem>>, vector<16xf32>,
      tpu.vector_store %arg14[%parallel_loop3A_387, %parallel_loop3A_388], %parallel_loop3A_386 {strides = array<i32>} : memref<128x128xf32, #tpu.memory_space<vmem>>, vector<16xf32>,
      %parallel_loop3A_390 = arith.mulf %parallel_loop3A_317, %parallel_loop3A_381 : vector<16xf32>
      %parallel_loop3A_391 = arith.index_cast %parallel_loop3A_288 : i32 to index
      %parallel_loop3A_392 = arith.constant 32 : index
      %parallel_loop3A_393 = tpu.vector_load %arg14[%parallel_loop3A_391, %parallel_loop3A_392] {strides = array<i32>} : memref<128x128xf32, #tpu.memory_space<vmem>>, vector<16xf32>,
      tpu.vector_store %arg14[%parallel_loop3A_391, %parallel_loop3A_392], %parallel_loop3A_390 {strides = array<i32>} : memref<128x128xf32, #tpu.memory_space<vmem>>, vector<16xf32>,
      %parallel_loop3A_394 = arith.mulf %parallel_loop3A_325, %parallel_loop3A_381 : vector<16xf32>
      %parallel_loop3A_395 = arith.index_cast %parallel_loop3A_288 : i32 to index
      %parallel_loop3A_396 = arith.constant 48 : index
      %parallel_loop3A_397 = tpu.vector_load %arg14[%parallel_loop3A_395, %parallel_loop3A_396] {strides = array<i32>} : memref<128x128xf32, #tpu.memory_space<vmem>>, vector<16xf32>,
      tpu.vector_store %arg14[%parallel_loop3A_395, %parallel_loop3A_396], %parallel_loop3A_394 {strides = array<i32>} : memref<128x128xf32, #tpu.memory_space<vmem>>, vector<16xf32>,
      %parallel_loop3A_398 = arith.mulf %parallel_loop3A_333, %parallel_loop3A_381 : vector<16xf32>
      %parallel_loop3A_399 = arith.index_cast %parallel_loop3A_288 : i32 to index
      %parallel_loop3A_400 = arith.constant 64 : index
      %parallel_loop3A_401 = tpu.vector_load %arg14[%parallel_loop3A_399, %parallel_loop3A_400] {strides = array<i32>} : memref<128x128xf32, #tpu.memory_space<vmem>>, vector<16xf32>,
      tpu.vector_store %arg14[%parallel_loop3A_399, %parallel_loop3A_400], %parallel_loop3A_398 {strides = array<i32>} : memref<128x128xf32, #tpu.memory_space<vmem>>, vector<16xf32>,
      %parallel_loop3A_402 = arith.mulf %parallel_loop3A_341, %parallel_loop3A_381 : vector<16xf32>
      %parallel_loop3A_403 = arith.index_cast %parallel_loop3A_288 : i32 to index
      %parallel_loop3A_404 = arith.constant 80 : index
      %parallel_loop3A_405 = tpu.vector_load %arg14[%parallel_loop3A_403, %parallel_loop3A_404] {strides = array<i32>} : memref<128x128xf32, #tpu.memory_space<vmem>>, vector<16xf32>,
      tpu.vector_store %arg14[%parallel_loop3A_403, %parallel_loop3A_404], %parallel_loop3A_402 {strides = array<i32>} : memref<128x128xf32, #tpu.memory_space<vmem>>, vector<16xf32>,
      %parallel_loop3A_406 = arith.mulf %parallel_loop3A_349, %parallel_loop3A_381 : vector<16xf32>
      %parallel_loop3A_407 = arith.index_cast %parallel_loop3A_288 : i32 to index
      %parallel_loop3A_408 = arith.constant 96 : index
      %parallel_loop3A_409 = tpu.vector_load %arg14[%parallel_loop3A_407, %parallel_loop3A_408] {strides = array<i32>} : memref<128x128xf32, #tpu.memory_space<vmem>>, vector<16xf32>,
      tpu.vector_store %arg14[%parallel_loop3A_407, %parallel_loop3A_408], %parallel_loop3A_406 {strides = array<i32>} : memref<128x128xf32, #tpu.memory_space<vmem>>, vector<16xf32>,
      %parallel_loop3A_410 = arith.mulf %parallel_loop3A_357, %parallel_loop3A_381 : vector<16xf32>
      %parallel_loop3A_411 = arith.index_cast %parallel_loop3A_288 : i32 to index
      %parallel_loop3A_412 = arith.constant 112 : index
      %parallel_loop3A_413 = tpu.vector_load %arg14[%parallel_loop3A_411, %parallel_loop3A_412] {strides = array<i32>} : memref<128x128xf32, #tpu.memory_space<vmem>>, vector<16xf32>,
      tpu.vector_store %arg14[%parallel_loop3A_411, %parallel_loop3A_412], %parallel_loop3A_410 {strides = array<i32>} : memref<128x128xf32, #tpu.memory_space<vmem>>, vector<16xf32>,
    } {sc.loop_unroll_factor = 1 : i64, sc.parallel_access}
    %add3A_254 = arith.constant 768 : i32
    %add3A_255 = arith.addi %mul3A_2, %add3A_254 : i32
    %dma_start3A_256 = arith.constant 0 : i32
    %dma_start3A_257 = tpu.memref_slice %arg6[%add3A_255, %dma_start3A_256] : memref<32768x128xf32, #tpu.memory_space<hbm>> -> memref<128x128xf32, #tpu.memory_space<hbm>>
    %dma_start3A_258 = arith.constant 0 : i32
    %dma_start3A_259 = tpu.memref_slice %arg6[%add3A_255, %dma_start3A_258] : memref<32768x128xf32, #tpu.memory_space<hbm>> -> memref<128x128xf32, #tpu.memory_space<hbm>>
    tpu.enqueue_dma source(%arg14 : memref<128x128xf32, #tpu.memory_space<vmem>>) target(%dma_start3A_259 : memref<128x128xf32, #tpu.memory_space<hbm>>) target_semaphore(%arg20 : memref<!tpu.dma_semaphore, #tpu.memory_space<semaphore_mem>>)
    %dma_wait3A_260 = arith.constant 7 : i32
    %dma_wait3A_261 = arith.constant 0 : i32
    %dma_wait3A_262 = tpu.memref_slice %arg7[%dma_wait3A_260, %dma_wait3A_261] : memref<8x128xi32, #tpu.memory_space<vmem>> -> memref<1x128xi32, #tpu.memory_space<vmem>>
    %dma_wait3A_263 = tpu.memref_squeeze %dma_wait3A_262 : memref<1x128xi32, #tpu.memory_space<vmem>> -> memref<128xi32, #tpu.memory_space<vmem>>
    %dma_wait3A_264 = arith.constant 0 : i32
    %dma_wait3A_265 = arith.constant 0 : i32
    %dma_wait3A_266 = tpu.memref_slice %arg4[%dma_wait3A_264, %dma_wait3A_265] : memref<1000000x128xf32, #tpu.memory_space<hbm>> -> memref<1000000x128xf32, #tpu.memory_space<hbm>>
    tpu.wait_indirect_dma semaphore(%arg19 : memref<!tpu.dma_semaphore, #tpu.memory_space<semaphore_mem>>) src(%dma_wait3A_266 : memref<1000000x128xf32, #tpu.memory_space<hbm>>) dst(%arg13 : memref<128x128xf32, #tpu.memory_space<vmem>>)
    %dma_wait3A_267 = arith.constant 0 : i32
    %dma_wait3A_268 = tpu.memref_slice %arg6[%add3A_235, %dma_wait3A_267] : memref<32768x128xf32, #tpu.memory_space<hbm>> -> memref<128x128xf32, #tpu.memory_space<hbm>>
    %dma_wait3A_269 = arith.constant 0 : i32
    %dma_wait3A_270 = tpu.memref_slice %arg6[%add3A_235, %dma_wait3A_269] : memref<32768x128xf32, #tpu.memory_space<hbm>> -> memref<128x128xf32, #tpu.memory_space<hbm>>
    tpu.wait_dma2 semaphore(%arg21 : memref<!tpu.dma_semaphore, #tpu.memory_space<semaphore_mem>>) src(%arg15 : memref<128x128xf32, #tpu.memory_space<vmem>>) dst(%dma_wait3A_270 : memref<128x128xf32, #tpu.memory_space<hbm>>)
    %parallel_loop3A_271 = arith.constant 0 : i32
    %parallel_loop3A_272 = arith.constant 128 : i32
    %parallel_loop3A_273 = arith.constant 1 : i32
    scf.for %parallel_loop3A_288 = %parallel_loop3A_271 to %parallel_loop3A_272 step %parallel_loop3A_273  : i32 {
      %parallel_loop3A_289 = arith.constant 896 : i32
      %parallel_loop3A_290 = arith.addi %parallel_loop3A_289, %parallel_loop3A_288 : i32
      %parallel_loop3A_291 = vector.broadcast %parallel_loop3A_290 : i32 to vector<16xi32>
      %parallel_loop3A_292 = tpu.vector_load_idx %arg8[%parallel_loop3A_291] : memref<1024xi32, #tpu.memory_space<vmem>>[vector<16xi32>], vector<16xi32>,
      %parallel_loop3A_293 = arith.sitofp %parallel_loop3A_292 : vector<16xi32> to vector<16xf32>
      %parallel_loop3A_294 = arith.constant 0.000000e+00 : f32
      %parallel_loop3A_295 = vector.broadcast %parallel_loop3A_294 : f32 to vector<16xf32>
      %parallel_loop3A_296 = arith.index_cast %parallel_loop3A_288 : i32 to index
      %parallel_loop3A_297 = arith.constant 0 : index
      %parallel_loop3A_298 = tpu.vector_load %arg13[%parallel_loop3A_296, %parallel_loop3A_297] {strides = array<i32>} : memref<128x128xf32, #tpu.memory_space<vmem>>, vector<16xf32>,
      %parallel_loop3A_299 = arith.addf %parallel_loop3A_298, %get3A_34 : vector<16xf32>
      %parallel_loop3A_300 = arith.mulf %parallel_loop3A_293, %sub3A : vector<16xf32>
      %parallel_loop3A_301 = arith.addf %parallel_loop3A_299, %parallel_loop3A_300 : vector<16xf32>
      %parallel_loop3A_302 = arith.mulf %parallel_loop3A_301, %parallel_loop3A_301 : vector<16xf32>
      %parallel_loop3A_303 = arith.addf %parallel_loop3A_295, %parallel_loop3A_302 : vector<16xf32>
      %parallel_loop3A_304 = arith.index_cast %parallel_loop3A_288 : i32 to index
      %parallel_loop3A_305 = arith.constant 16 : index
      %parallel_loop3A_306 = tpu.vector_load %arg13[%parallel_loop3A_304, %parallel_loop3A_305] {strides = array<i32>} : memref<128x128xf32, #tpu.memory_space<vmem>>, vector<16xf32>,
      %parallel_loop3A_307 = arith.addf %parallel_loop3A_306, %get3A_38 : vector<16xf32>
      %parallel_loop3A_308 = arith.mulf %parallel_loop3A_293, %sub3A_71 : vector<16xf32>
      %parallel_loop3A_309 = arith.addf %parallel_loop3A_307, %parallel_loop3A_308 : vector<16xf32>
      %parallel_loop3A_310 = arith.mulf %parallel_loop3A_309, %parallel_loop3A_309 : vector<16xf32>
      %parallel_loop3A_311 = arith.addf %parallel_loop3A_303, %parallel_loop3A_310 : vector<16xf32>
      %parallel_loop3A_312 = arith.index_cast %parallel_loop3A_288 : i32 to index
      %parallel_loop3A_313 = arith.constant 32 : index
      %parallel_loop3A_314 = tpu.vector_load %arg13[%parallel_loop3A_312, %parallel_loop3A_313] {strides = array<i32>} : memref<128x128xf32, #tpu.memory_space<vmem>>, vector<16xf32>,
      %parallel_loop3A_315 = arith.addf %parallel_loop3A_314, %get3A_42 : vector<16xf32>
      %parallel_loop3A_316 = arith.mulf %parallel_loop3A_293, %sub3A_76 : vector<16xf32>
      %parallel_loop3A_317 = arith.addf %parallel_loop3A_315, %parallel_loop3A_316 : vector<16xf32>
      %parallel_loop3A_318 = arith.mulf %parallel_loop3A_317, %parallel_loop3A_317 : vector<16xf32>
      %parallel_loop3A_319 = arith.addf %parallel_loop3A_311, %parallel_loop3A_318 : vector<16xf32>
      %parallel_loop3A_320 = arith.index_cast %parallel_loop3A_288 : i32 to index
      %parallel_loop3A_321 = arith.constant 48 : index
      %parallel_loop3A_322 = tpu.vector_load %arg13[%parallel_loop3A_320, %parallel_loop3A_321] {strides = array<i32>} : memref<128x128xf32, #tpu.memory_space<vmem>>, vector<16xf32>,
      %parallel_loop3A_323 = arith.addf %parallel_loop3A_322, %get3A_46 : vector<16xf32>
      %parallel_loop3A_324 = arith.mulf %parallel_loop3A_293, %sub3A_81 : vector<16xf32>
      %parallel_loop3A_325 = arith.addf %parallel_loop3A_323, %parallel_loop3A_324 : vector<16xf32>
      %parallel_loop3A_326 = arith.mulf %parallel_loop3A_325, %parallel_loop3A_325 : vector<16xf32>
      %parallel_loop3A_327 = arith.addf %parallel_loop3A_319, %parallel_loop3A_326 : vector<16xf32>
      %parallel_loop3A_328 = arith.index_cast %parallel_loop3A_288 : i32 to index
      %parallel_loop3A_329 = arith.constant 64 : index
      %parallel_loop3A_330 = tpu.vector_load %arg13[%parallel_loop3A_328, %parallel_loop3A_329] {strides = array<i32>} : memref<128x128xf32, #tpu.memory_space<vmem>>, vector<16xf32>,
      %parallel_loop3A_331 = arith.addf %parallel_loop3A_330, %get3A_50 : vector<16xf32>
      %parallel_loop3A_332 = arith.mulf %parallel_loop3A_293, %sub3A_86 : vector<16xf32>
      %parallel_loop3A_333 = arith.addf %parallel_loop3A_331, %parallel_loop3A_332 : vector<16xf32>
      %parallel_loop3A_334 = arith.mulf %parallel_loop3A_333, %parallel_loop3A_333 : vector<16xf32>
      %parallel_loop3A_335 = arith.addf %parallel_loop3A_327, %parallel_loop3A_334 : vector<16xf32>
      %parallel_loop3A_336 = arith.index_cast %parallel_loop3A_288 : i32 to index
      %parallel_loop3A_337 = arith.constant 80 : index
      %parallel_loop3A_338 = tpu.vector_load %arg13[%parallel_loop3A_336, %parallel_loop3A_337] {strides = array<i32>} : memref<128x128xf32, #tpu.memory_space<vmem>>, vector<16xf32>,
      %parallel_loop3A_339 = arith.addf %parallel_loop3A_338, %get3A_54 : vector<16xf32>
      %parallel_loop3A_340 = arith.mulf %parallel_loop3A_293, %sub3A_91 : vector<16xf32>
      %parallel_loop3A_341 = arith.addf %parallel_loop3A_339, %parallel_loop3A_340 : vector<16xf32>
      %parallel_loop3A_342 = arith.mulf %parallel_loop3A_341, %parallel_loop3A_341 : vector<16xf32>
      %parallel_loop3A_343 = arith.addf %parallel_loop3A_335, %parallel_loop3A_342 : vector<16xf32>
      %parallel_loop3A_344 = arith.index_cast %parallel_loop3A_288 : i32 to index
      %parallel_loop3A_345 = arith.constant 96 : index
      %parallel_loop3A_346 = tpu.vector_load %arg13[%parallel_loop3A_344, %parallel_loop3A_345] {strides = array<i32>} : memref<128x128xf32, #tpu.memory_space<vmem>>, vector<16xf32>,
      %parallel_loop3A_347 = arith.addf %parallel_loop3A_346, %get3A_58 : vector<16xf32>
      %parallel_loop3A_348 = arith.mulf %parallel_loop3A_293, %sub3A_96 : vector<16xf32>
      %parallel_loop3A_349 = arith.addf %parallel_loop3A_347, %parallel_loop3A_348 : vector<16xf32>
      %parallel_loop3A_350 = arith.mulf %parallel_loop3A_349, %parallel_loop3A_349 : vector<16xf32>
      %parallel_loop3A_351 = arith.addf %parallel_loop3A_343, %parallel_loop3A_350 : vector<16xf32>
      %parallel_loop3A_352 = arith.index_cast %parallel_loop3A_288 : i32 to index
      %parallel_loop3A_353 = arith.constant 112 : index
      %parallel_loop3A_354 = tpu.vector_load %arg13[%parallel_loop3A_352, %parallel_loop3A_353] {strides = array<i32>} : memref<128x128xf32, #tpu.memory_space<vmem>>, vector<16xf32>,
      %parallel_loop3A_355 = arith.addf %parallel_loop3A_354, %get3A_62 : vector<16xf32>
      %parallel_loop3A_356 = arith.mulf %parallel_loop3A_293, %sub3A_101 : vector<16xf32>
      %parallel_loop3A_357 = arith.addf %parallel_loop3A_355, %parallel_loop3A_356 : vector<16xf32>
      %parallel_loop3A_358 = arith.mulf %parallel_loop3A_357, %parallel_loop3A_357 : vector<16xf32>
      %parallel_loop3A_359 = arith.addf %parallel_loop3A_351, %parallel_loop3A_358 : vector<16xf32>
      %parallel_loop3A_360 = arith.constant true
      %parallel_loop3A_361 = vector.broadcast %parallel_loop3A_360 : i1 to vector<16xi1>
      %parallel_loop3A_362 = tpu.scan <sum>, %parallel_loop3A_359 masked %parallel_loop3A_361 : vector<16xf32>, vector<16xi1> -> vector<16xf32>
      %parallel_loop3A_363 = vector.extract %parallel_loop3A_362[15] : f32 from vector<16xf32>
      %parallel_loop3A_364 = arith.constant 7.812500e-03 : f32
      %parallel_loop3A_365 = arith.mulf %parallel_loop3A_363, %parallel_loop3A_364 : f32
      %parallel_loop3A_366 = arith.constant 9.99999996E-13 : f32
      %parallel_loop3A_367 = arith.addf %parallel_loop3A_365, %parallel_loop3A_366 : f32
      %parallel_loop3A_368 = arith.bitcast %parallel_loop3A_367 : f32 to i32
      %parallel_loop3A_369 = arith.constant 1 : i32
      %parallel_loop3A_370 = arith.shrui %parallel_loop3A_368, %parallel_loop3A_369 : i32
      %parallel_loop3A_371 = arith.constant 1597463007 : i32
      %parallel_loop3A_372 = arith.subi %parallel_loop3A_371, %parallel_loop3A_370 : i32
      %parallel_loop3A_373 = arith.bitcast %parallel_loop3A_372 : i32 to f32
      %parallel_loop3A_374 = arith.constant 5.000000e-01 : f32
      %parallel_loop3A_375 = arith.mulf %parallel_loop3A_374, %parallel_loop3A_367 : f32
      %parallel_loop3A_376 = arith.mulf %parallel_loop3A_375, %parallel_loop3A_373 : f32
      %parallel_loop3A_377 = arith.mulf %parallel_loop3A_376, %parallel_loop3A_373 : f32
      %parallel_loop3A_378 = arith.constant 1.500000e+00 : f32
      %parallel_loop3A_379 = arith.subf %parallel_loop3A_378, %parallel_loop3A_377 : f32
      %parallel_loop3A_380 = arith.mulf %parallel_loop3A_373, %parallel_loop3A_379 : f32
      %parallel_loop3A_381 = vector.broadcast %parallel_loop3A_380 : f32 to vector<16xf32>
      %parallel_loop3A_382 = arith.mulf %parallel_loop3A_301, %parallel_loop3A_381 : vector<16xf32>
      %parallel_loop3A_383 = arith.index_cast %parallel_loop3A_288 : i32 to index
      %parallel_loop3A_384 = arith.constant 0 : index
      %parallel_loop3A_385 = tpu.vector_load %arg15[%parallel_loop3A_383, %parallel_loop3A_384] {strides = array<i32>} : memref<128x128xf32, #tpu.memory_space<vmem>>, vector<16xf32>,
      tpu.vector_store %arg15[%parallel_loop3A_383, %parallel_loop3A_384], %parallel_loop3A_382 {strides = array<i32>} : memref<128x128xf32, #tpu.memory_space<vmem>>, vector<16xf32>,
      %parallel_loop3A_386 = arith.mulf %parallel_loop3A_309, %parallel_loop3A_381 : vector<16xf32>
      %parallel_loop3A_387 = arith.index_cast %parallel_loop3A_288 : i32 to index
      %parallel_loop3A_388 = arith.constant 16 : index
      %parallel_loop3A_389 = tpu.vector_load %arg15[%parallel_loop3A_387, %parallel_loop3A_388] {strides = array<i32>} : memref<128x128xf32, #tpu.memory_space<vmem>>, vector<16xf32>,
      tpu.vector_store %arg15[%parallel_loop3A_387, %parallel_loop3A_388], %parallel_loop3A_386 {strides = array<i32>} : memref<128x128xf32, #tpu.memory_space<vmem>>, vector<16xf32>,
      %parallel_loop3A_390 = arith.mulf %parallel_loop3A_317, %parallel_loop3A_381 : vector<16xf32>
      %parallel_loop3A_391 = arith.index_cast %parallel_loop3A_288 : i32 to index
      %parallel_loop3A_392 = arith.constant 32 : index
      %parallel_loop3A_393 = tpu.vector_load %arg15[%parallel_loop3A_391, %parallel_loop3A_392] {strides = array<i32>} : memref<128x128xf32, #tpu.memory_space<vmem>>, vector<16xf32>,
      tpu.vector_store %arg15[%parallel_loop3A_391, %parallel_loop3A_392], %parallel_loop3A_390 {strides = array<i32>} : memref<128x128xf32, #tpu.memory_space<vmem>>, vector<16xf32>,
      %parallel_loop3A_394 = arith.mulf %parallel_loop3A_325, %parallel_loop3A_381 : vector<16xf32>
      %parallel_loop3A_395 = arith.index_cast %parallel_loop3A_288 : i32 to index
      %parallel_loop3A_396 = arith.constant 48 : index
      %parallel_loop3A_397 = tpu.vector_load %arg15[%parallel_loop3A_395, %parallel_loop3A_396] {strides = array<i32>} : memref<128x128xf32, #tpu.memory_space<vmem>>, vector<16xf32>,
      tpu.vector_store %arg15[%parallel_loop3A_395, %parallel_loop3A_396], %parallel_loop3A_394 {strides = array<i32>} : memref<128x128xf32, #tpu.memory_space<vmem>>, vector<16xf32>,
      %parallel_loop3A_398 = arith.mulf %parallel_loop3A_333, %parallel_loop3A_381 : vector<16xf32>
      %parallel_loop3A_399 = arith.index_cast %parallel_loop3A_288 : i32 to index
      %parallel_loop3A_400 = arith.constant 64 : index
      %parallel_loop3A_401 = tpu.vector_load %arg15[%parallel_loop3A_399, %parallel_loop3A_400] {strides = array<i32>} : memref<128x128xf32, #tpu.memory_space<vmem>>, vector<16xf32>,
      tpu.vector_store %arg15[%parallel_loop3A_399, %parallel_loop3A_400], %parallel_loop3A_398 {strides = array<i32>} : memref<128x128xf32, #tpu.memory_space<vmem>>, vector<16xf32>,
      %parallel_loop3A_402 = arith.mulf %parallel_loop3A_341, %parallel_loop3A_381 : vector<16xf32>
      %parallel_loop3A_403 = arith.index_cast %parallel_loop3A_288 : i32 to index
      %parallel_loop3A_404 = arith.constant 80 : index
      %parallel_loop3A_405 = tpu.vector_load %arg15[%parallel_loop3A_403, %parallel_loop3A_404] {strides = array<i32>} : memref<128x128xf32, #tpu.memory_space<vmem>>, vector<16xf32>,
      tpu.vector_store %arg15[%parallel_loop3A_403, %parallel_loop3A_404], %parallel_loop3A_402 {strides = array<i32>} : memref<128x128xf32, #tpu.memory_space<vmem>>, vector<16xf32>,
      %parallel_loop3A_406 = arith.mulf %parallel_loop3A_349, %parallel_loop3A_381 : vector<16xf32>
      %parallel_loop3A_407 = arith.index_cast %parallel_loop3A_288 : i32 to index
      %parallel_loop3A_408 = arith.constant 96 : index
      %parallel_loop3A_409 = tpu.vector_load %arg15[%parallel_loop3A_407, %parallel_loop3A_408] {strides = array<i32>} : memref<128x128xf32, #tpu.memory_space<vmem>>, vector<16xf32>,
      tpu.vector_store %arg15[%parallel_loop3A_407, %parallel_loop3A_408], %parallel_loop3A_406 {strides = array<i32>} : memref<128x128xf32, #tpu.memory_space<vmem>>, vector<16xf32>,
      %parallel_loop3A_410 = arith.mulf %parallel_loop3A_357, %parallel_loop3A_381 : vector<16xf32>
      %parallel_loop3A_411 = arith.index_cast %parallel_loop3A_288 : i32 to index
      %parallel_loop3A_412 = arith.constant 112 : index
      %parallel_loop3A_413 = tpu.vector_load %arg15[%parallel_loop3A_411, %parallel_loop3A_412] {strides = array<i32>} : memref<128x128xf32, #tpu.memory_space<vmem>>, vector<16xf32>,
      tpu.vector_store %arg15[%parallel_loop3A_411, %parallel_loop3A_412], %parallel_loop3A_410 {strides = array<i32>} : memref<128x128xf32, #tpu.memory_space<vmem>>, vector<16xf32>,
    } {sc.loop_unroll_factor = 1 : i64, sc.parallel_access}
    %add3A_274 = arith.constant 896 : i32
    %add3A_275 = arith.addi %mul3A_2, %add3A_274 : i32
    %dma_start3A_276 = arith.constant 0 : i32
    %dma_start3A_277 = tpu.memref_slice %arg6[%add3A_275, %dma_start3A_276] : memref<32768x128xf32, #tpu.memory_space<hbm>> -> memref<128x128xf32, #tpu.memory_space<hbm>>
    %dma_start3A_278 = arith.constant 0 : i32
    %dma_start3A_279 = tpu.memref_slice %arg6[%add3A_275, %dma_start3A_278] : memref<32768x128xf32, #tpu.memory_space<hbm>> -> memref<128x128xf32, #tpu.memory_space<hbm>>
    tpu.enqueue_dma source(%arg15 : memref<128x128xf32, #tpu.memory_space<vmem>>) target(%dma_start3A_279 : memref<128x128xf32, #tpu.memory_space<hbm>>) target_semaphore(%arg21 : memref<!tpu.dma_semaphore, #tpu.memory_space<semaphore_mem>>)
    %dma_wait3A_280 = arith.constant 0 : i32
    %dma_wait3A_281 = tpu.memref_slice %arg6[%add3A_255, %dma_wait3A_280] : memref<32768x128xf32, #tpu.memory_space<hbm>> -> memref<128x128xf32, #tpu.memory_space<hbm>>
    %dma_wait3A_282 = arith.constant 0 : i32
    %dma_wait3A_283 = tpu.memref_slice %arg6[%add3A_255, %dma_wait3A_282] : memref<32768x128xf32, #tpu.memory_space<hbm>> -> memref<128x128xf32, #tpu.memory_space<hbm>>
    tpu.wait_dma2 semaphore(%arg20 : memref<!tpu.dma_semaphore, #tpu.memory_space<semaphore_mem>>) src(%arg14 : memref<128x128xf32, #tpu.memory_space<vmem>>) dst(%dma_wait3A_283 : memref<128x128xf32, #tpu.memory_space<hbm>>)
    %dma_wait3A_284 = arith.constant 0 : i32
    %dma_wait3A_285 = tpu.memref_slice %arg6[%add3A_275, %dma_wait3A_284] : memref<32768x128xf32, #tpu.memory_space<hbm>> -> memref<128x128xf32, #tpu.memory_space<hbm>>
    %dma_wait3A_286 = arith.constant 0 : i32
    %dma_wait3A_287 = tpu.memref_slice %arg6[%add3A_275, %dma_wait3A_286] : memref<32768x128xf32, #tpu.memory_space<hbm>> -> memref<128x128xf32, #tpu.memory_space<hbm>>
    tpu.wait_dma2 semaphore(%arg21 : memref<!tpu.dma_semaphore, #tpu.memory_space<semaphore_mem>>) src(%arg15 : memref<128x128xf32, #tpu.memory_space<vmem>>) dst(%dma_wait3A_287 : memref<128x128xf32, #tpu.memory_space<hbm>>)
    return
  }
}

</mosaic_0001>

<sc_bundles>
// kernel: kernel.3.cloned.1.call-start
scs
__scs_entry_jumppad:
0x0: {  	(pc) =	sbr.rel $0x88, $3  }
0x1: {  	(tag) =	ssettag $0x0;
	lr =	simm.s32 $0x1  }
0x2: {  	[smem:$0x3F9D] =	sst lr;
	_ =	strace $0xD0000000  }
0x3: {  	_ = 	snop  }
0x4: {  	_ = 	snop  }
0x5: {  	_ = 	snop  }
0x6: {  	_ = 	snop  }
0x7: {  	_ = 	snop  }
__scs_overlays_trampoline_lowered:
0x8: {  	[smem:$0x3FAC] =	sst s0  }
0x9: {  	[smem:$0x3FAD] =	sst s1  }
0xa: {  	[smem:$0x3FAE] =	sst s2  }
0xb: {  	[smem:$0x3FAF] =	sst s3  }
0xc: {  	[smem:$0x3FB0] =	sst s4  }
0xd: {  	[smem:$0x3FB1] =	sst s5  }
0xe: {  	[smem:$0x3FB2] =	sst s6  }
0xf: {  	[smem:$0x3FB3] =	sst s7  }
0x10: {  	[smem:$0x3FB4] =	sst s8  }
0x11: {  	[smem:$0x3FB5] =	sst s9;
	s0 =	simm.s32 @!p0 $0x0  }
0x12: {  	s1 =	sld [smem:$0x3F9B];
	s0 =	simm.s32 @p0 $0x1  }
0x13: {  	[smem:$0x3FB6] =	sst s0;
	s0 =	simm.s32 @!p1 $0x0  }
0x14: {  	s2 =	sld [smem:$0x3F9A];
	s0 =	simm.s32 @p1 $0x1  }
0x15: {  	[smem:$0x3FB7] =	sst s0;
	s0 =	simm.s32 @!p2 $0x0  }
0x16: {  	s3 =	sld [smem:$0x3FDB];
	s0 =	simm.s32 @p2 $0x1  }
0x17: {  	s4 =	simm.s32 $0x1BF5;
	[smem:$0x3FB9] =	sst s0  }
0x18: {  	s0 =	sld [smem:$0x3F9C];
	_ =	swait.ge [sflag:s4], $0x0  }
0x19: {  	s7 =	sld [smem:$0x3F9D]  }
0x1a: {  	s8 =	sadd.s32 $0xFFFFE003, lr  }
0x1b: {  	s9 =	sadd.s32 $0xFFFFFEF7, lr;
	s5 =	simm.s32 $0xFFFFFFFF;
	p2 =	slt.u32 s8, $0xFFFFF086  }
0x1c: {  	p1 =	slt.u32 s9, $0xF7A;
	s5 =	simm.s32 @!p2 $0x0  }
0x1d: {  	s5 =	simm.s32 @p1 $0x1;
	p0 =	seq.s32 s7, s2  }
0x1e: {  	s7 =	smul.u32 @!p0 $0xF7A, s2;
	p2 =	seq.s32 @!p0 s5, $0x0  }
0x1f: {  	s9 =	smul.u32 $0xF7A, s1;
	s8 =	simm.s32 @!p0 $0x1BF5;
	p2 =	por !p2, p0  }
0x20: {  	[sflag:s8] =	ssyncset.s32 @!p0 $0xFFFFF086;
	s6 =	sadd.s32 @!p0 s3, s7;
	s7 =	simm.s32 @!p0 $0x108  }
0x21: {  	s3 =	sadd.s32 s3, s9;
	s6 =	sadd.s32 @!p0 $0x88, s6;
	s7 =	simm.s32 @p2 $0x1082  }
0x22: {  	[simem:s7], [sflag:s8] =	dma.local @!p0 [hbm:s6], $0xF7A  }
0x23: {  	s9 =	sor.u32 $0xD0000000, s2;
	s6 =	simm.s32 $0x108;
	_ =	swait.ge @!p0 [sflag:s8], $0x0  }
0x24: {  	s3 =	sadd.s32 $0x88, s3;
	s6 =	simm.s32 @!p1 $0x1082;
	[sflag:s4] =	ssyncset.s32 $0xFFFFF086  }
0x25: {  	[simem:s6], [sflag:s4] =	dma.local [hbm:s3], $0xF7A  }
0x26: {  	[smem:$0x3F9D] =	sst s1;
	(tag) =	ssettag s2;
	_ =	strace s9  }
0x27: {  	s1 =	sld [smem:$0x3FAD]  }
0x28: {  	s2 =	sld [smem:$0x3FAE]  }
0x29: {  	s4 =	sld [smem:$0x3FB0]  }
0x2a: {  	p0 =	seq.s32 s5, $0x0;
	s5 =	sld [smem:$0x3FB1]  }
0x2b: {  	s6 =	sld [smem:$0x3FB2]  }
0x2c: {  	s7 =	sld [smem:$0x3FB3]  }
0x2d: {  	s3 =	simm.s32 $0x108;
	s8 =	sld [smem:$0x3FB4]  }
0x2e: {  	s3 =	simm.s32 @!p0 $0x1082;
	s9 =	sld [smem:$0x3FB5]  }
0x2f: {  	lr =	sadd.s32 s0, s3;
	s0 =	sld [smem:$0x3FAC]  }
0x30: {  	s3 =	sld [smem:$0x3FAF]  }
0x31: {  	[smem:$0x3FB8] =	sst s10  }
0x32: {  	s10 =	sld [smem:$0x3FB6];
	_ =	sdelay $0x3  }
0x33: {  	p0 =	seq.s32 s10, $0x1;
	s10 =	sld [smem:$0x3FB8];
	_ =	sdelay $0x3  }
0x34: {  	[smem:$0x3FB8] =	sst s10  }
0x35: {  	s10 =	sld [smem:$0x3FB7];
	_ =	sdelay $0x3  }
0x36: {  	p1 =	seq.s32 s10, $0x1;
	s10 =	sld [smem:$0x3FB8];
	_ =	sdelay $0x3  }
0x37: {  	[smem:$0x3FB8] =	sst s10  }
0x38: {  	s10 =	sld [smem:$0x3FB9]  }
0x39: {  	_ = 	snop;
	(pc) =	sbr.ind lr, $3  }
0x3a: {  	_ = 	snop  }
0x3b: {  	_ = 	snop  }
0x3c: {  	p2 =	seq.s32 s10, $0x1;
	s10 =	sld [smem:$0x3FB8]  }
0x3d: {  	_ =	shalt  }
0x3e: {  	_ =	shalt  }
0x3f: {  	_ =	shalt  }
0x40: {  	_ =	shalt  }
0x41: {  	_ =	shalt  }
0x42: {  	_ =	shalt  }
0x43: {  	_ =	shalt  }
0x44: {  	_ =	shalt  }
0x45: {  	_ =	shalt  }
0x46: {  	_ =	shalt  }
0x47: {  	_ =	shalt  }
0x48: {  	_ =	shalt  }
0x49: {  	_ =	shalt  }
0x4a: {  	_ =	shalt  }
0x4b: {  	_ =	shalt  }
0x4c: {  	_ =	shalt  }
0x4d: {  	_ =	shalt  }
0x4e: {  	_ =	shalt  }
0x4f: {  	_ =	shalt  }
0x50: {  	_ =	shalt  }
0x51: {  	_ =	shalt  }
0x52: {  	_ =	shalt  }
0x53: {  	_ =	shalt  }
0x54: {  	_ =	shalt  }
0x55: {  	_ =	shalt  }
0x56: {  	_ =	shalt  }
0x57: {  	_ =	shalt  }
0x58: {  	_ =	shalt  }
0x59: {  	_ =	shalt  }
0x5a: {  	_ =	shalt  }
0x5b: {  	_ =	shalt  }
0x5c: {  	_ =	shalt  }
0x5d: {  	_ =	shalt  }
0x5e: {  	_ =	shalt  }
0x5f: {  	_ =	shalt  }
0x60: {  	_ =	shalt  }
0x61: {  	_ =	shalt  }
0x62: {  	_ =	shalt  }
0x63: {  	_ =	shalt  }
0x64: {  	_ =	shalt  }
0x65: {  	_ =	shalt  }
0x66: {  	_ =	shalt  }
0x67: {  	_ =	shalt  }
0x68: {  	_ =	shalt  }
0x69: {  	_ =	shalt  }
0x6a: {  	_ =	shalt  }
0x6b: {  	_ =	shalt  }
0x6c: {  	_ =	shalt  }
0x6d: {  	_ =	shalt  }
0x6e: {  	_ =	shalt  }
0x6f: {  	_ =	shalt  }
0x70: {  	_ =	shalt  }
0x71: {  	_ =	shalt  }
0x72: {  	_ =	shalt  }
0x73: {  	_ =	shalt  }
0x74: {  	_ =	shalt  }
0x75: {  	_ =	shalt  }
0x76: {  	_ =	shalt  }
0x77: {  	_ =	shalt  }
0x78: {  	_ =	shalt  }
0x79: {  	_ =	shalt  }
0x7a: {  	_ =	shalt  }
0x7b: {  	_ =	shalt  }
0x7c: {  	_ =	shalt  }
0x7d: {  	_ =	shalt  }
0x7e: {  	_ =	shalt  }
0x7f: {  	_ =	shalt  }
0x80: {  	_ =	shalt  }
0x81: {  	_ =	shalt  }
0x82: {  	_ =	shalt  }
0x83: {  	_ =	shalt  }
0x84: {  	_ =	shalt  }
0x85: {  	_ =	shalt  }
0x86: {  	_ =	shalt  }
0x87: {  	_ =	shalt  }
.Lfunc_end0:
.L_simem_size_0:
called_computation_lowered:
.L_overlay_start_0:
0x88: {  	s2 =	sld [smem:$0x3FD9]  }
0x89: {  	s3 =	sld [smem:$0x3FFE];
	_ =	sdelay $0x1  }
0x8a: {  	s1 =	srdreg.scid  }
0x8b: {  	s0 =	sand.u32 $0x1, s1  }
0x8c: {  	s17 =	sshll.u32 s0, $0xA;
	s2 =	sadd.s32 s3, s2  }
0x8d: {  	s2 =	sadd.s32 s2, s17  }
0x8e: {  	[smem:$0x3FC4] =	sst s2  }
0x8f: {  	_ = 	snop  }
0x90: {  	s2 =	sld [smem:$0x3FC7]  }
0x91: {  	s18 =	sld [smem:$0x3FC6]  }
0x92: {  	s4 =	sld [smem:$0x3FD0];
	(tm) =	ssettm $0x1  }
0x93: {  	s5 =	sld [smem:$0x3FFB];
	_ =	sdelay $0x3  }
0x94: {  	_ =	strace s5  }
0x95: {  	s5 =	sld [smem:$0x3FFC];
	_ =	sdelay $0x3  }
0x96: {  	_ =	strace s5  }
0x97: {  	s5 =	sld [smem:$0x3FFD];
	_ =	sdelay $0x3  }
0x98: {  	_ =	strace s5  }
0x99: {  	_ =	strace $0x8FFFFFFF  }
0x9a: {  	s19 =	sld [smem:$0x3FDB];
	_ =	sdelay $0x1  }
0x9b: {  	s6 =	simm.s32 $_scs_section_size  }
0x9c: {  	s7 =	simm.s32 $_size__tile_overlayer_lowered;
	s8 =	simm.s32 $_tile_overlayer_lowered  }
0x9d: {  	s22 =	simm.s32 $0x1BFF;
	s21 =	sshll.u32 s8, $0x1;
	s5 =	sadd.s32 s6, s19  }
0x9e: {  	s9 =	simm.s32 $0x0;
	s20 =	sshll.u32 s7, $0x1;
	s7 =	sadd.s32 s21, s5  }
0x9f: {  	[timem:s9], [sflag:s22] =	dma.local [hbm:s7], s20  }
0xa0: {  	_ =	swait.ge [sflag:s22], s20  }
0xa1: {  	s6 =	ssub.s32 $0x0, s20;
	[sflag:s22] =	ssyncset.done $0x0  }
0xa2: {  	[sflag:s22] =	ssyncadd.s32 s6;
	_ =	sdelay $0x1  }
0xa3: {  	s23 =	simm.s32 $0x1B8B  }
0xa4: {  	_ =	swait.ge [sflag:s23], $0x1  }
0xa5: {  	[sflag:s23] =	ssyncset.done $0x0  }
0xa6: {  	s25 =	simm.s32 $0x1B8E;
	s24 =	sld [smem:$0x3FFE];
	[sflag:s23] =	ssyncadd.s32 $0xFFFFFFFF  }
0xa7: {  	s26 =	simm.s32 $execute0_lowered;
	[smem:$0x3FD2] =	sst s25  }
0xa8: {  	s7 =	sshll.u32 s26, $0x1;
	_ =	strace $0x80000046;
	[dreg:$0x1] =	wrdreg $0xFFFFFFFF  }
0xa9: {  	s28 =	simm.s32 $_size_execute0_lowered;
	s5 =	sadd.s32 s5, s7;
	[dreg:$0x0] =	wrdreg $0x0  }
0xaa: {  	s7 =	sshll.u32 s28, $0x1;
	[dreg:$0x2] =	wrdreg s5  }
0xab: {  	[dreg:$0x3] =	wrdreg s7  }
0xac: {  	[dreg:$0x4] =	wrdreg $0xC0  }
0xad: {  	_ =	task [dreg:s9], $0x5FFFF  }
0xae: {  	[dreg:$0x1] =	wrdreg $0xFFFFFFFF  }
0xaf: {  	[dreg:$0x0] =	wrdreg $0x60  }
0xb0: {  	[dreg:$0x2] =	wrdreg s24  }
0xb1: {  	[dreg:$0x3] =	wrdreg s2  }
0xb2: {  	[dreg:$0x4] =	wrdreg s18  }
0xb3: {  	[dreg:$0x5] =	wrdreg s4  }
0xb4: {  	[dreg:$0x6] =	wrdreg $0x9  }
0xb5: {  	_ =	task.clear_ibuf [dreg:s9], $0x7FFFF;
	_ =	strace $0x90000046  }
0xb6: {  	s29 =	simm.s32 $0x9;
	_ =	strace $0x80000048  }
0xb7: {  	_ =	swait.ge [sflag:s29], $0x1  }
0xb8: {  	[sflag:s29] =	ssyncadd.s32 $0xFFFFFFFF  }
0xb9: {  	_ =	strace $0x90000048  }
0xba: {  	_ =	sfence  }
0xbb: {  	s30 =	sld [smem:$0x0];
	_ =	sdelay $0x2  }
0xbc: {  	s31 =	sshll.u32 s1, $0xD;
	s1 =	sshrl.u32 s1, $0x2  }
0xbd: {  	s3 =	sand.u32 $0x4000, s31;
	s1 =	sadd.s32 s1, s30  }
0xbe: {  	s0 =	sor.u32 s3, s0;
	s1 =	sshll.u32 s1, $0x11  }
0xbf: {  	s0 =	sor.u32 s1, s0  }
0xc0: {  	s0 =	sadd.s32 $0x8F2B, s0  }
0xc1: {  	[sflag:s0] =	ssyncadd.remote.s32 $0x1  }
0xc2: {  	_ =	sfence.sel $0xFFFF  }
0xc3: {  	[dreg:$0x0] =	wrdreg $0xFFFFFFFF;
	(pc) =	sbr.abs _section_cstart, $3  }
0xc4: {  	[dreg:$0x1] =	wrdreg $0xFFFFFFFF  }
0xc5: {  	_ =	task.clear_ibuf [dreg:s9], $0x2FFFF;
	_ =	strace $0x9FFFFFFF  }
0xc6: {  	(tm) =	ssettm $0x7FFFFFFF  }
0xc7: {  	_ =	shalt  }
tec
execute0_lowered:
.L_overlay_start_1:
0x0: {  	(tag) =	ssettag $0x1  }
0x1: {  	s0 =	rddreg [dreg:$0x0]  }
0x2: {  	s1 =	rddreg [dreg:$0x1]  }
0x3: {  	s2 =	rddreg [dreg:$0x3];
	s4 =	simm.s32 $0x0;
	s3 =	srdreg.scid  }
0x4: {  	s5 =	stileid.u32;
	s16 =	simm.s32 $0x7;
	s17 =	simm.s32 $0x80  }
0x5: {  	s24 =	simm.s32 $0x400;
	s26 =	simm.s32 $0x1;
	s28 =	simm.s32 $0x10900  }
0x6: {  	s30 =	simm.s32 $0x2;
	s31 =	simm.s32 $0x14900;
	s22 =	simm.s32 $0x4  }
0x7: {  	s25 =	simm.s32 $0x6;
	s3 =	sand.u32 $0x1, s3;
	s5 =	sshll.u32 s5, $0x1  }
0x8: {  	[smem:$0x7FF] =	sst s4;
	s5 =	sor.u32 s3, s5;
	s3 =	ssub.s32 $0x2, s3  }
0x9: {  	_ =	strace $0x80000047;
	s6 =	sshll.u32 s5, $0x7;
	s7 =	sshrl.u32 s3, $0x1  }
0xa: {  	s5 =	sshll.u32 s5, $0xE;
	s0 =	sadd.s32 s6, s0;
	s3 =	ssub.s32 s3, s7  }
0xb: {  	s5 =	sadd.s32 s2, s5;
	s2 =	simm.s32 $0x5;
	s29 =	sadd.s32 $0x400, s0  }
0xc: {  	s7 =	sadd.s32 $0x1400, s0;
	s8 =	sadd.s32 $0x800, s5;
	s9 =	sadd.s32 $0x1000, s5  }
0xd: {  	s10 =	sadd.s32 $0x1800, s5;
	s11 =	sadd.s32 $0x2000, s5;
	s12 =	sadd.s32 $0x2800, s5  }
0xe: {  	s13 =	sadd.s32 $0x3000, s5;
	s14 =	sadd.s32 $0x3800, s5;
	s15 =	smax.u32 s3, $0x1  }
0xf: {  	s3 =	simm.s32 $0x3;
	s0 =	simm.s32 $0x0;
	[dreg:$0x5] =	wrdreg s29  }
.LBB2_1:
0x10: {  	s6 =	rddreg [dreg:$0x5]  }
0x11: {  	[tilespmem:s4], [sflag:$0x7] =	stream.linear.gather [hbm4b:s6+s4], $0x400, $0x38;
	[tilespmem:$0x18900] =	vst v63  }
0x12: {  	_ =	swait.ge [sflag:s16], $0x400  }
0x13: {  	[sflag:s16] =	ssyncset.done $0x0  }
0x14: {  	s20 =	simm.s32 $0x900;
	[sflag:s16] =	ssyncadd.s32 $0xFFFFFC00  }
0x15: {  	[tilespmem:s20], [sflag:$0x1] =	stream.indirect.gather [hbm4b:s1+s17], $0x80, s4, s17, $0xb8;
	[tilespmem:$0x18900] =	vst v63  }
0x16: {  	s21 =	simm.s32 $0x4900  }
0x17: {  	[tilespmem:s21], [sflag:$0x2] =	stream.indirect.gather [hbm4b:s1+s17], $0x80, s17, s17, $0xb8;
	[tilespmem:$0x18900] =	vst v63  }
0x18: {  	s23 =	simm.s32 $0x100;
	s18 =	simm.s32 $0x8900  }
0x19: {  	[tilespmem:s18], [sflag:$0x3] =	stream.indirect.gather [hbm4b:s1+s17], $0x80, s23, s17, $0xb8;
	[tilespmem:$0x18900] =	vst v63  }
0x1a: {  	s19 =	simm.s32 $0xC900;
	s18 =	simm.s32 $0x180  }
0x1b: {  	[tilespmem:s19], [sflag:$0x4] =	stream.indirect.gather [hbm4b:s1+s17], $0x80, s18, s17, $0xb8;
	[tilespmem:$0x18900] =	vst v63  }
0x1c: {  	_ = 	snop  }
0x1d: {  	[tilespmem:s24], [sflag:$0x7] =	stream.linear.gather [hbm4b:s7+s4], $0x400, $0x38;
	[tilespmem:$0x18900] =	vst v63  }
0x1e: {  	_ =	swait.ge [sflag:s16], $0x400  }
0x1f: {  	[sflag:s16] =	ssyncset.done $0x0  }
0x20: {  	[sflag:s16] =	ssyncadd.s32 $0xFFFFFC00  }
0x21: {  	s21 =	simm.s32 $0x800;
	s20 =	rddreg [dreg:$0x2]  }
0x22: {  	[tilespmem:s21], [sflag:$0x7] =	stream.linear.gather [hbm4b:s20+s4], $0x100, $0x38;
	[tilespmem:$0x18900] =	vst v63  }
0x23: {  	_ =	swait.ge [sflag:s16], $0x100  }
0x24: {  	[sflag:s16] =	ssyncset.done $0x0  }
0x25: {  	[sflag:s16] =	ssyncadd.s32 $0xFFFFFF00  }
0x26: {  	v7 =	vld [tilespmem:$0x800]  }
0x27: {  	v6 =	vld [tilespmem:$0x810]  }
0x28: {  	v5 =	vld [tilespmem:$0x820]  }
0x29: {  	v4 =	vld [tilespmem:$0x830]  }
0x2a: {  	v2 =	vld [tilespmem:$0x840]  }
0x2b: {  	v3 =	vld [tilespmem:$0x850]  }
0x2c: {  	v1 =	vld [tilespmem:$0x860]  }
0x2d: {  	v0 =	vld [tilespmem:$0x870]  }
0x2e: {  	v8 =	vld [tilespmem:$0x880]  }
0x2f: {  	v9 =	vld [tilespmem:$0x890]  }
0x30: {  	v10 =	vld [tilespmem:$0x8A0]  }
0x31: {  	v14 =	vld [tilespmem:$0x8B0]  }
0x32: {  	v15 =	vld [tilespmem:$0x8C0]  }
0x33: {  	v11 =	vmov s4;
	v16 =	vld [tilespmem:$0x8D0]  }
0x34: {  	v18 =	vld [tilespmem:$0x8E0]  }
0x35: {  	v19 =	vld [tilespmem:$0x8F0];
	_ =	swait.ge [sflag:s26], $0x4000  }
0x36: {  	[sflag:s26] =	ssyncset.done $0x0  }
0x37: {  	[sflag:s26] =	ssyncadd.s32 $0xFFFFC000  }
0x38: {  	s23 =	simm.s32 $0x940;
	v17 =	vld.idx.msk [tilespmem:v11+s24+$0x0], $0xffff  }
0x39: {  	v20 =	vld [tilespmem:s23+$0xFFFFFFC0]  }
0x3a: {  	v21 =	vld [tilespmem:s23+$0xFFFFFFD0]  }
0x3b: {  	v22 =	vld [tilespmem:s23+$0xFFFFFFE0]  }
0x3c: {  	v12 =	vsub.f32 v8, v7  }
0x3d: {  	v24 =	vld [tilespmem:s23+$0xFFFFFFF0];
	v13 =	vsub.f32 v9, v6;
	v11 =	vsub.f32 v10, v5;
	v23 =	vcvt.s32.f32 v17  }
0x3e: {  	v9 =	vsub.f32 v14, v4;
	v8 =	vadd.f32 v20, v7  }
0x3f: {  	s19 =	simm.s32 $0x1;
	v14 =	vadd.f32 v21, v6;
	v21 =	vld [tilespmem:s23+$0x0];
	v17 =	vmul.f32 v23, v12;
	v20 =	vmul.f32 v23, v13  }
0x40: {  	v27 =	vmov s19;
	v10 =	vsub.f32 v15, v2;
	v15 =	vadd.f32 v22, v5  }
0x41: {  	v22 =	vld [tilespmem:s23+$0x10];
	v25 =	vmul.f32 v23, v11;
	v42 =	vadd.f32 v17, v8;
	v17 =	vadd.f32 v14, v20  }
0x42: {  	v8 =	vsub.f32 v16, v3;
	v14 =	vmul.f32 v23, v9;
	v16 =	vadd.f32 v24, v4  }
0x43: {  	v20 =	vld [tilespmem:s23+$0x20];
	v43 =	vadd.f32 v15, v25;
	v24 =	vmul.f32 v42, v42;
	v26 =	vmul.f32 v17, v17  }
0x44: {  	v15 =	vmul.f32 v23, v10;
	v21 =	vadd.f32 v21, v2;
	v16 =	vadd.f32 v16, v14  }
0x45: {  	v28 =	vld [tilespmem:s23+$0x30];
	v14 =	vsub.f32 v18, v1;
	v24 =	vadd.f32 v26, v24;
	v26 =	vmul.f32 v43, v43  }
0x46: {  	v18 =	vadd.f32 v22, v3;
	v22 =	vmul.f32 v23, v8;
	v25 =	vadd.f32 v21, v15  }
0x47: {  	v15 =	vsub.f32 v19, v0;
	v21 =	vadd.f32 v26, v24;
	v24 =	vmul.f32 v16, v16  }
0x48: {  	v19 =	vadd.f32 v18, v22;
	v20 =	vadd.f32 v20, v1  }
0x49: {  	v18 =	vld.idx.msk [tilespmem:v27+s24+$0x0], $0xffff;
	v29 =	vmul.f32 v25, v25;
	v26 =	vmul.f32 v23, v14;
	v21 =	vadd.f32 v24, v21  }
0x4a: {  	s6 =	simm.s32 $0x9C0;
	v27 =	vadd.f32 v28, v0;
	v22 =	vmul.f32 v23, v15  }
0x4b: {  	v28 =	vld [tilespmem:s6+$0xFFFFFFC0];
	v23 =	vadd.f32 v20, v26;
	v21 =	vadd.f32 v29, v21;
	v29 =	vmul.f32 v19, v19  }
0x4c: {  	v24 =	vld [tilespmem:s6+$0xFFFFFFD0]  }
0x4d: {  	v45 =	vadd.f32 v27, v22;
	v20 =	vld [tilespmem:s6+$0xFFFFFFE0];
	v26 =	vmul.f32 v23, v23;
	v21 =	vadd.f32 v29, v21  }
0x4e: {  	v27 =	vcvt.s32.f32 v18  }
0x4f: {  	v22 =	vld [tilespmem:s6+$0xFFFFFFF0];
	v18 =	vadd.f32 v26, v21;
	v21 =	vmul.f32 v45, v45  }
0x50: {  	v29 =	vmul.f32 v27, v13;
	v26 =	vadd.f32 v28, v7  }
0x51: {  	v30 =	vld [tilespmem:s6+$0x0];
	v28 =	vadd.f32 v24, v6;
	v24 =	vmul.f32 v27, v12;
	v21 =	vadd.f32 v21, v18  }
0x52: {  	v20 =	vadd.f32 v20, v5  }
0x53: {  	v31 =	vmul.f32 v27, v11;
	v24 =	vadd.f32 v24, v26;
	v18 =	vadd.f32 v28, v29;
	(xrf2) =	vadd.scan.msk.f32 $0xffff, v21  }
0x54: {  	v22 =	vadd.f32 v22, v4;
	v26 =	vmul.f32 v27, v9  }
0x55: {  	v28 =	vld [tilespmem:s6+$0x10];
	v29 =	vmul.f32 v24, v24;
	v32 =	vmul.f32 v18, v18;
	v21 =	vadd.f32 v20, v31  }
0x56: {  	v30 =	vadd.f32 v30, v2;
	v20 =	vmul.f32 v27, v10  }
0x57: {  	s20 =	simm.s32 $0x2;
	v33 =	vld [tilespmem:s6+$0x20];
	v22 =	vadd.f32 v22, v26;
	v29 =	vadd.f32 v32, v29;
	v40 =	vmul.f32 v21, v21  }
0x58: {  	v31 =	vmov s20;
	v26 =	vld [tilespmem:s6+$0x30]  }
0x59: {  	v20 =	vadd.f32 v30, v20;
	v30 =	vmul.f32 v22, v22;
	v29 =	vadd.f32 v40, v29  }
0x5a: {  	v41 =	vmul.f32 v27, v8;
	v28 =	vadd.f32 v28, v3  }
0x5b: {  	s21 =	simm.s32 $0xA40;
	v34 =	vmul.f32 v20, v20;
	v29 =	vadd.f32 v30, v29  }
0x5c: {  	v35 =	vld [tilespmem:s21+$0xFFFFFFC0];
	v44 =	vmul.f32 v27, v14;
	v28 =	vadd.f32 v28, v41;
	v30 =	vadd.f32 v33, v1  }
0x5d: {  	v27 =	vmul.f32 v27, v15;
	v31 =	vld.idx.msk [tilespmem:v31+s24+$0x0], $0xffff;
	v46 =	vadd.f32 v26, v0;
	v29 =	vadd.f32 v34, v29;
	v47, _, _ =	vpop (xrf2)  }
0x5e: {  	v36 =	vld [tilespmem:s21+$0xFFFFFFD0];
	v37 =	vmul.f32 v28, v28;
	v26 =	vadd.f32 v30, v44;
	(v2sf) =	vpush v47, $0xF  }
0x5f: {  	v38 =	vld [tilespmem:s21+$0x0]  }
0x60: {  	v32 =	vadd.f32 v46, v27;
	v30 =	vld [tilespmem:s21+$0xFFFFFFE0];
	v29 =	vadd.f32 v37, v29;
	v33 =	vmul.f32 v26, v26;
	_ =	sdelay $0x1  }
0x61: {  	v48 =	vcvt.s32.f32 v31;
	v31 =	vld [tilespmem:s21+$0xFFFFFFF0];
	v27 =	vadd.f32 v33, v29;
	v29 =	vmul.f32 v32, v32  }
0x62: {  	v49 =	vadd.f32 v35, v7;
	v50 =	vadd.f32 v36, v6  }
0x63: {  	v40 =	vld [tilespmem:s21+$0x10];
	v51 =	vmul.f32 v48, v12;
	v52 =	vmul.f32 v48, v13;
	v29 =	vadd.f32 v29, v27  }
0x64: {  	v38 =	vadd.f32 v38, v2;
	v39 =	vadd.f32 v30, v5  }
0x65: {  	v55 =	vld [tilespmem:s21+$0x20];
	s23 =	simm.s32 $0x3;
	v41 =	vmul.f32 v48, v11;
	v30 =	vadd.f32 v51, v49;
	v27 =	vadd.f32 v50, v52;
	(xrf2) =	vadd.scan.msk.f32 $0xffff, v29  }
0x66: {  	v57 =	vmov s23;
	v53 =	vmul.f32 v48, v9;
	v54 =	vadd.f32 v31, v4  }
0x67: {  	v31 =	vadd.f32 v39, v41;
	v29 =	vmul.f32 v30, v30;
	v37 =	vmul.f32 v27, v27  }
0x68: {  	v59 =	vadd.f32 v40, v3;
	v56 =	vmul.f32 v48, v10;
	v60 =	vmul.f32 v48, v8  }
0x69: {  	v58 =	vld [tilespmem:s21+$0x30];
	s6 =	simm.s32 $0xAC0;
	v46 =	vmul.f32 v31, v31;
	v44 =	vadd.f32 v37, v29;
	v37 =	vadd.f32 v54, v53  }
0x6a: {  	v36 =	vadd.f32 v55, v1;
	v55 =	vld [tilespmem:s6+$0xFFFFFFC0];
	v33 =	vadd.f32 v59, v60  }
0x6b: {  	v60 =	vld [tilespmem:s6+$0xFFFFFFE0];
	v29 =	vadd.f32 v38, v56;
	v61 =	vadd.f32 v46, v44;
	v62 =	vmul.f32 v37, v37  }
0x6c: {  	v63 =	vmul.f32 v48, v14;
	v50 =	vld [tilespmem:s6+$0xFFFFFFF0];
	s23 =	spop (v2sf)  }
0x6d: {  	v53 =	vld.idx.msk [tilespmem:v57+s24+$0x0], $0xffff;
	v47 =	vmul.f32 v29, v29;
	v38 =	vadd.f32 v62, v61;
	s19 =	smul.f32 $7.812500000e-03, s23  }
0x6e: {  	v35 =	vadd.f32 v58, v0;
	v52 =	vld [tilespmem:s6+$0x10];
	v34 =	vadd.f32 v36, v63  }
0x6f: {  	v54 =	vmul.f32 v48, v15;
	v48 =	vld [tilespmem:s6+$0xFFFFFFD0];
	v56 =	vmul.f32 v33, v33;
	v38 =	vadd.f32 v47, v38;
	v58, _, _ =	vpop (xrf2);
	s19 =	sadd.f32 $9.999999960e-13, s19  }
0x70: {  	v41 =	vadd.f32 v55, v7;
	(v2sf) =	vpush v58, $0xF  }
0x71: {  	v59 =	vmul.f32 v34, v34;
	v35 =	vadd.f32 v35, v54;
	v38 =	vadd.f32 v56, v38;
	s20 =	sshrl.u32 s19, $0x1;
	s19 =	smul.f32 $-5.000000000e-01, s19  }
0x72: {  	v57 =	vld [tilespmem:s6+$0x20];
	v39 =	vadd.f32 v60, v5;
	v50 =	vadd.f32 v50, v4;
	v49 =	vcvt.s32.f32 v53;
	s20 =	ssub.s32 $0x5F3759DF, s20  }
0x73: {  	v46 =	vadd.f32 v52, v3;
	v61 =	vmul.f32 v35, v35;
	v38 =	vadd.f32 v59, v38;
	s19 =	smul.f32 s20, s19  }
0x74: {  	v52 =	vld [tilespmem:s6+$0x0];
	v62 =	vadd.f32 v48, v6;
	v63 =	vmul.f32 v49, v12;
	v51 =	vmul.f32 v49, v13  }
0x75: {  	v60 =	vmul.f32 v49, v9;
	v54 =	vmul.f32 v49, v10;
	v56 =	vadd.f32 v61, v38;
	s19 =	smul.f32 s20, s19  }
0x76: {  	v40 =	vadd.f32 v63, v41;
	v36 =	vadd.f32 v62, v51;
	v59 =	vmul.f32 v49, v11  }
0x77: {  	v44 =	vadd.f32 v57, v1;
	v53 =	vmul.f32 v49, v8;
	v48 =	vmul.f32 v49, v14;
	(xrf2) =	vadd.scan.msk.f32 $0xffff, v56;
	s19 =	sadd.f32 $1.500000000e+00, s19  }
0x78: {  	v55 =	vmul.f32 v36, v36;
	v61 =	vmul.f32 v40, v40;
	v41 =	vadd.f32 v39, v59  }
0x79: {  	s21 =	simm.s32 $0x4;
	v47 =	vmul.f32 v49, v15;
	v62 =	vadd.f32 v52, v2;
	v39 =	vadd.f32 v50, v60;
	s19 =	smul.f32 s20, s19  }
0x7a: {  	v57 =	vadd.f32 v55, v61;
	v55 =	vmov s21;
	v63 =	vmul.f32 v41, v41  }
0x7b: {  	s18 =	simm.s32 $0xB40;
	v38 =	vadd.f32 v62, v54;
	v54 =	vld [tilespmem:s6+$0x30];
	v52 =	vmul.f32 s19, v42;
	v50 =	vmul.f32 s19, v45  }
0x7c: {  	s29 =	simm.s32 $0x10940;
	v49 =	vld [tilespmem:s18+$0x20];
	s21 =	simm.s32 $0x5;
	s20 =	simm.s32 $0x10940;
	v42 =	vadd.f32 v63, v57;
	v45 =	vmul.f32 v39, v39;
	v51 =	vmul.f32 s19, v43  }
.LBB2_2:
0x7d: {  	p0 =	sne.s32 s21, $0x7F;
	v43 =	vld [tilespmem:s18+$0x10];
	v56 =	vmul.f32 v38, v38;
	v46 =	vadd.f32 v46, v53;
	[tilespmem:s20+$0xFFFFFFC0] =	vst v52;
	v52 =	vmul.f32 s19, v16;
	v57 =	vmovc v40  }
0x7e: {  	s29 =	sadd.s32 $0x80, s29;
	v58 =	vmovc v21;
	v21 =	vmovc v31;
	v31 =	vmov v41;
	v16 =	vmov v22;
	v22 =	vmov v37;
	s23 =	smov.u32 s21;
	s21 =	sadd.s32 $0x1, s21  }
0x7f: {  	v41 =	vmul.f32 s19, v17;
	v53 =	vmul.f32 s19, v19;
	v19 =	vmovc v28;
	v37 =	vld.idx.msk [tilespmem:v55+s24+$0x0], $0xffff;
	v40 =	vadd.f32 v45, v42;
	s6 =	spop (v2sf);
	[tilespmem:s20+$0x30] =	vst v50  }
0x80: {  	v25 =	vmul.f32 s19, v25;
	v28 =	vmovc v33;
	v50 =	vmul.f32 s19, v23;
	v42 =	vld [tilespmem:s18+$0xFFFFFFD0];
	v45 =	vadd.f32 v54, v0;
	s6 =	smul.f32 $7.812500000e-03, s6;
	[tilespmem:s20+$0xFFFFFFE0] =	vst v51;
	v33 =	vmovc v46  }
0x81: {  	v48 =	vadd.f32 v44, v48;
	v51 =	vld [tilespmem:s18+$0xFFFFFFC0];
	v40 =	vadd.f32 v56, v40;
	v46 =	vmul.f32 v46, v33;
	v23, _, _ =	vpop (xrf2);
	[tilespmem:s20+$0x10] =	vst v53  }
0x82: {  	v17 =	vmovc v18;
	v18 =	vmovc v27;
	(v2sf) =	vpush v23, $0xF;
	s6 =	sadd.f32 $9.999999960e-13, s6;
	[tilespmem:s20+$0xFFFFFFF0] =	vst v52;
	v23 =	vmov v26;
	v26 =	vmov v34  }
0x83: {  	v53 =	vmul.f32 v48, v48;
	v45 =	vadd.f32 v45, v47;
	v52 =	vld [tilespmem:s18+$0xFFFFFFE0];
	v40 =	vadd.f32 v46, v40;
	[tilespmem:s20+$0x20] =	vst v50  }
0x84: {  	v27 =	vmovc v36;
	v44 =	vadd.f32 v49, v1;
	v34 =	vmov v48;
	v46 =	vadd.f32 v43, v3;
	s19 =	sshrl.u32 s6, $0x1;
	s6 =	smul.f32 $-5.000000000e-01, s6;
	[tilespmem:s20+$0xFFFFFFD0] =	vst v41  }
0x85: {  	v43 =	vcvt.s32.f32 v37;
	v37 =	vmovc v39;
	v41 =	vld [tilespmem:s18+$0xFFFFFFF0];
	v36 =	vadd.f32 v53, v40;
	v40 =	vmul.f32 v45, v45;
	s19 =	ssub.s32 $0x5F3759DF, s19;
	[tilespmem:s20+$0x0] =	vst v25;
	s20 =	smov.u32 s29  }
0x86: {  	v42 =	vadd.f32 v42, v6;
	v25 =	vmovc v20;
	v20 =	vmovc v29;
	v29 =	vmov v38;
	v39 =	vadd.f32 v51, v7;
	s6 =	smul.f32 s19, s6  }
0x87: {  	v38 =	vmul.f32 v43, v12;
	v47 =	vmul.f32 v43, v13;
	v49 =	vld [tilespmem:s18+$0x0];
	v48 =	vadd.f32 v40, v36  }
0x88: {  	v51 =	vmul.f32 v43, v11;
	v50 =	vadd.f32 v52, v5;
	v52 =	vmul.f32 v43, v9;
	s6 =	smul.f32 s19, s6  }
0x89: {  	v40 =	vadd.f32 v38, v39;
	v36 =	vadd.f32 v42, v47;
	v38 =	vmul.f32 v43, v10;
	(xrf2) =	vadd.scan.msk.f32 $0xffff, v48  }
0x8a: {  	v53 =	vmul.f32 v43, v8;
	v48 =	vmul.f32 v43, v14;
	v39 =	vadd.f32 v41, v4;
	s6 =	sadd.f32 $1.500000000e+00, s6  }
.Ltmp0:
0x8b: {  	v42 =	vmul.f32 v40, v40;
	v54 =	vmul.f32 v36, v36;
	v41 =	vadd.f32 v50, v51;
	(pc) =	sbr.rel @p0 .LBB2_2-.Ltmp0, $4  }
0x8c: {  	v55 =	vmov s23;
	v47 =	vmul.f32 v43, v15;
	v49 =	vadd.f32 v49, v2;
	s19 =	smul.f32 s19, s6  }
0x8d: {  	v42 =	vadd.f32 v54, v42;
	v43 =	vmul.f32 v41, v41;
	v39 =	vadd.f32 v39, v52;
	v54 =	vld [tilespmem:s18+$0x30]  }
0x8e: {  	s18 =	sadd.s32 $0x80, s18;
	v38 =	vadd.f32 v49, v38;
	v52 =	vmul.f32 s19, v24;
	v50 =	vmul.f32 s19, v32;
	v32 =	vmovc v35;
	v35 =	vmovc v45  }
0x8f: {  	v42 =	vadd.f32 v43, v42;
	v45 =	vmul.f32 v39, v39;
	v51 =	vmul.f32 s19, v58;
	v24 =	vmovc v30;
	v30 =	vmovc v57;
	v49 =	vld [tilespmem:s18+$0x20]  }
0x90: {  	_ =	sdelay $0x3  }
0x91: {  	v55 =	vld.idx.msk [tilespmem:v55+s24+$0x0], $0xffff  }
0x92: {  	v56 =	vld [tilespmem:s18+$0xFFFFFFC0]  }
0x93: {  	v57 =	vld [tilespmem:s18+$0xFFFFFFD0]  }
0x94: {  	v60 =	vld [tilespmem:s18+$0xFFFFFFE0]  }
0x95: {  	v58 =	vmul.f32 v38, v38;
	v43 =	vadd.f32 v46, v53;
	v42 =	vadd.f32 v45, v42  }
0x96: {  	v46 =	vld [tilespmem:s18+$0xFFFFFFF0];
	v44 =	vadd.f32 v44, v48;
	v53 =	vadd.f32 v54, v0;
	v54 =	vcvt.s32.f32 v55  }
0x97: {  	v61 =	vmul.f32 v43, v43;
	v42 =	vadd.f32 v58, v42;
	v48 =	vadd.f32 v56, v7  }
0x98: {  	v59 =	vld [tilespmem:s18+$0x0];
	v56 =	vadd.f32 v57, v6;
	v57 =	vmul.f32 v54, v12;
	v58 =	vmul.f32 v54, v13  }
0x99: {  	v55 =	vadd.f32 v61, v42;
	v60 =	vadd.f32 v60, v5  }
0x9a: {  	v61 =	vmul.f32 v54, v11;
	v45 =	vadd.f32 v57, v48;
	v42 =	vadd.f32 v56, v58  }
0x9b: {  	v53 =	vadd.f32 v53, v47;
	v48 =	vmul.f32 v54, v9;
	v57 =	vadd.f32 v46, v4  }
0x9c: {  	v58 =	vld [tilespmem:s18+$0x10];
	v46 =	vadd.f32 v60, v61;
	v62 =	vmul.f32 v45, v45;
	v60 =	vmul.f32 v42, v42  }
0x9d: {  	v59 =	vadd.f32 v59, v2;
	v47 =	vmul.f32 v54, v10;
	v56 =	vmul.f32 v44, v44  }
0x9e: {  	v61 =	vmul.f32 v46, v46;
	v48 =	vadd.f32 v57, v48;
	v60 =	vadd.f32 v60, v62  }
0x9f: {  	v55 =	vadd.f32 v56, v55;
	v56 =	vmul.f32 v53, v53  }
0xa0: {  	v47 =	vadd.f32 v59, v47;
	v59 =	vadd.f32 v61, v60;
	v60 =	vmul.f32 v48, v48  }
0xa1: {  	v57 =	vld [tilespmem:s18+$0x30];
	v55 =	vadd.f32 v56, v55;
	v58 =	vadd.f32 v58, v3  }
0xa2: {  	v61 =	vmul.f32 v54, v8;
	v56 =	vadd.f32 v60, v59;
	v59 =	vmul.f32 v47, v47  }
0xa3: {  	v60 =	vadd.f32 v49, v1  }
0xa4: {  	v62 =	vmul.f32 v54, v14;
	v49 =	vadd.f32 v58, v61;
	v63 =	vadd.f32 v59, v56  }
0xa5: {  	(xrf2) =	vadd.scan.msk.f32 $0xffff, v55;
	v54 =	vmul.f32 v54, v15  }
0xa6: {  	v61 =	vadd.f32 v57, v0;
	v57 =	vadd.f32 v60, v62;
	v62 =	vmul.f32 v49, v49;
	_ =	sdelay $0x1  }
0xa7: {  	v54 =	vadd.f32 v61, v54;
	v55 =	vadd.f32 v62, v63;
	v60 =	vmul.f32 v57, v57;
	v63, _, _ =	vpop (xrf2)  }
0xa8: {  	(v2sf) =	vpush v63, $0xF  }
0xa9: {  	v61 =	vmul.f32 v54, v54;
	v55 =	vadd.f32 v60, v55;
	_ =	sdelay $0x1  }
0xaa: {  	v55 =	vadd.f32 v61, v55;
	_ =	sdelay $0x1  }
0xab: {  	(xrf2) =	vadd.scan.msk.f32 $0xffff, v55  }
0xac: {  	s6 =	spop (v2sf);
	v62, _, _ =	vpop (xrf2)  }
0xad: {  	s6 =	smul.f32 $7.812500000e-03, s6;
	(v2sf) =	vpush v62, $0xF;
	_ =	sdelay $0x1  }
0xae: {  	s6 =	sadd.f32 $9.999999960e-13, s6;
	_ =	sdelay $0x1  }
0xaf: {  	s21 =	sshrl.u32 s6, $0x1;
	s6 =	smul.f32 $-5.000000000e-01, s6  }
0xb0: {  	s18 =	ssub.s32 $0x5F3759DF, s21  }
0xb1: {  	s6 =	smul.f32 s18, s6;
	_ =	sdelay $0x1  }
0xb2: {  	s6 =	smul.f32 s18, s6;
	v63, _, _ =	vpop (xrf2);
	s21 =	spop (v2sf)  }
0xb3: {  	[tilespmem:s20+$0xFFFFFFC0] =	vst v52;
	(v2sf) =	vpush v63, $0xF;
	s21 =	smul.f32 $7.812500000e-03, s21  }
0xb4: {  	v19 =	vmul.f32 s19, v19;
	[tilespmem:s20+$0x30] =	vst v50;
	s6 =	sadd.f32 $1.500000000e+00, s6  }
0xb5: {  	v16 =	vmul.f32 s19, v16;
	[tilespmem:s20+$0xFFFFFFE0] =	vst v51;
	s21 =	sadd.f32 $9.999999960e-13, s21  }
0xb6: {  	v23 =	vmul.f32 s19, v23;
	[tilespmem:s20+$0x10] =	vst v19;
	s6 =	smul.f32 s18, s6  }
0xb7: {  	v17 =	vmul.f32 s19, v17;
	[tilespmem:s20+$0xFFFFFFF0] =	vst v16;
	s23 =	sshrl.u32 s21, $0x1;
	s21 =	smul.f32 $-5.000000000e-01, s21  }
0xb8: {  	v16 =	vmul.f32 s19, v25;
	[tilespmem:s20+$0x20] =	vst v23;
	s18 =	ssub.s32 $0x5F3759DF, s23  }
0xb9: {  	[tilespmem:s20+$0xFFFFFFD0] =	vst v17;
	v17 =	vmul.f32 s6, v24;
	s19 =	spop (v2sf);
	s21 =	smul.f32 s18, s21  }
0xba: {  	[tilespmem:s20+$0x0] =	vst v16;
	v16 =	vmul.f32 s6, v32;
	s19 =	smul.f32 $7.812500000e-03, s19;
	s23 =	sadd.s32 $0x80, s29  }
0xbb: {  	v19 =	vmul.f32 s6, v21;
	[tilespmem:s23+$0xFFFFFFC0] =	vst v17;
	s21 =	smul.f32 s18, s21  }
0xbc: {  	s19 =	sadd.f32 $9.999999960e-13, s19;
	v17 =	vmul.f32 s6, v28;
	[tilespmem:s23+$0x30] =	vst v16  }
0xbd: {  	v16 =	vmul.f32 s6, v22;
	[tilespmem:s23+$0xFFFFFFE0] =	vst v19;
	s20 =	sadd.f32 $1.500000000e+00, s21  }
0xbe: {  	v19 =	vmul.f32 s6, v26;
	[tilespmem:s23+$0x10] =	vst v17;
	s21 =	sshrl.u32 s19, $0x1;
	s19 =	smul.f32 $-5.000000000e-01, s19  }
0xbf: {  	v17 =	vmul.f32 s6, v18;
	[tilespmem:s23+$0xFFFFFFF0] =	vst v16;
	s18 =	smul.f32 s18, s20;
	s20 =	ssub.s32 $0x5F3759DF, s21  }
0xc0: {  	v16 =	vmul.f32 s6, v20;
	[tilespmem:s23+$0x20] =	vst v19;
	s21 =	smul.f32 s20, s19  }
0xc1: {  	[tilespmem:s23+$0xFFFFFFD0] =	vst v17;
	v17 =	vmul.f32 s18, v30  }
0xc2: {  	[tilespmem:s23+$0x0] =	vst v16;
	s19 =	sadd.s32 $0x80, s23;
	v16 =	vmul.f32 s18, v35;
	s23 =	spop (v2sf);
	s6 =	smul.f32 s20, s21  }
0xc3: {  	v18 =	vmul.f32 s18, v31;
	s21 =	smul.f32 $7.812500000e-03, s23;
	[tilespmem:s19+$0xFFFFFFC0] =	vst v17  }
0xc4: {  	v17 =	vmul.f32 s18, v33;
	[tilespmem:s19+$0x30] =	vst v16;
	s6 =	sadd.f32 $1.500000000e+00, s6  }
0xc5: {  	v16 =	vmul.f32 s18, v37;
	[tilespmem:s19+$0xFFFFFFE0] =	vst v18;
	s21 =	sadd.f32 $9.999999960e-13, s21  }
0xc6: {  	v18 =	vmul.f32 s18, v34;
	[tilespmem:s19+$0x10] =	vst v17;
	s6 =	smul.f32 s20, s6  }
0xc7: {  	v17 =	vmul.f32 s18, v27;
	[tilespmem:s19+$0xFFFFFFF0] =	vst v16;
	s23 =	sshrl.u32 s21, $0x1;
	s21 =	smul.f32 $-5.000000000e-01, s21  }
0xc8: {  	v16 =	vmul.f32 s18, v29;
	[tilespmem:s19+$0x20] =	vst v18;
	s23 =	ssub.s32 $0x5F3759DF, s23  }
0xc9: {  	[tilespmem:s19+$0xFFFFFFD0] =	vst v17;
	v17 =	vmul.f32 s6, v40;
	s20 =	smul.f32 s23, s21  }
0xca: {  	[tilespmem:s19+$0x0] =	vst v16;
	s21 =	sadd.s32 $0x80, s19;
	v16 =	vmul.f32 s6, v53  }
0xcb: {  	v18 =	vmul.f32 s6, v41;
	[tilespmem:s21+$0xFFFFFFC0] =	vst v17;
	s20 =	smul.f32 s23, s20  }
0xcc: {  	v17 =	vmul.f32 s6, v43;
	[tilespmem:s21+$0x30] =	vst v16  }
0xcd: {  	v16 =	vmul.f32 s6, v39;
	[tilespmem:s21+$0xFFFFFFE0] =	vst v18;
	s19 =	sadd.f32 $1.500000000e+00, s20  }
0xce: {  	v18 =	vmul.f32 s6, v44;
	[tilespmem:s21+$0x10] =	vst v17  }
0xcf: {  	v17 =	vmul.f32 s6, v36;
	[tilespmem:s21+$0xFFFFFFF0] =	vst v16;
	s18 =	smul.f32 s23, s19  }
0xd0: {  	v16 =	vmul.f32 s6, v38;
	[tilespmem:s21+$0x20] =	vst v18  }
0xd1: {  	[tilespmem:s21+$0xFFFFFFD0] =	vst v17;
	v17 =	vmul.f32 s18, v45  }
0xd2: {  	s23 =	sadd.s32 $0x80, s21;
	[tilespmem:s21+$0x0] =	vst v16;
	v16 =	vmul.f32 s18, v54  }
0xd3: {  	v18 =	vmul.f32 s18, v46;
	[tilespmem:s23+$0xFFFFFFC0] =	vst v17  }
0xd4: {  	v17 =	vmul.f32 s18, v49;
	[tilespmem:s23+$0x30] =	vst v16  }
0xd5: {  	v16 =	vmul.f32 s18, v48;
	[tilespmem:s23+$0xFFFFFFE0] =	vst v18  }
0xd6: {  	v18 =	vmul.f32 s18, v57;
	[tilespmem:s23+$0x10] =	vst v17  }
0xd7: {  	v17 =	vmul.f32 s18, v42;
	[tilespmem:s23+$0xFFFFFFF0] =	vst v16  }
0xd8: {  	v16 =	vmul.f32 s18, v47;
	[tilespmem:s23+$0x20] =	vst v18  }
0xd9: {  	[tilespmem:s23+$0xFFFFFFD0] =	vst v17  }
0xda: {  	s19 =	simm.s32 $0x80;
	[tilespmem:s23+$0x0] =	vst v16  }
0xdb: {  	[hbm4b:s5+s4] =	stream.linear.scatter [tilespmem:s28], [sflag:$0x5], $0x4000, $0x38;
	[tilespmem:$0x18900] =	vst v63  }
0xdc: {  	s20 =	simm.s32 $0x900;
	s21 =	simm.s32 $0x200;
	v16 =	vmov s19  }
0xdd: {  	[tilespmem:s20], [sflag:$0x1] =	stream.indirect.gather [hbm4b:s1+s19], $0x80, s21, s19, $0xb8;
	[tilespmem:$0x18900] =	vst v63  }
0xde: {  	_ =	swait.ge [sflag:s30], $0x4000  }
0xdf: {  	[sflag:s30] =	ssyncset.done $0x0  }
0xe0: {  	[sflag:s30] =	ssyncadd.s32 $0xFFFFC000  }
0xe1: {  	s23 =	simm.s32 $0x4940;
	v16 =	vld.idx.msk [tilespmem:v16+s24+$0x0], $0xffff  }
0xe2: {  	v17 =	vld [tilespmem:s23+$0xFFFFFFC0]  }
0xe3: {  	v18 =	vld [tilespmem:s23+$0xFFFFFFD0]  }
0xe4: {  	v19 =	vld [tilespmem:s23+$0xFFFFFFE0];
	_ =	sdelay $0x1  }
0xe5: {  	v20 =	vcvt.s32.f32 v16  }
0xe6: {  	v16 =	vld [tilespmem:s23+$0xFFFFFFF0];
	v17 =	vadd.f32 v17, v7  }
0xe7: {  	v23 =	vld [tilespmem:s23+$0x0];
	v18 =	vadd.f32 v18, v6;
	v21 =	vmul.f32 v20, v12;
	v22 =	vmul.f32 v20, v13  }
0xe8: {  	v19 =	vadd.f32 v19, v5;
	v25 =	vmul.f32 v20, v11  }
0xe9: {  	v24 =	vld [tilespmem:s23+$0x10];
	v42 =	vadd.f32 v21, v17;
	v18 =	vadd.f32 v18, v22  }
0xea: {  	v17 =	vmul.f32 v20, v9;
	v43 =	vadd.f32 v19, v25  }
0xeb: {  	s19 =	simm.s32 $0x81;
	v16 =	vadd.f32 v16, v4;
	v22 =	vmul.f32 v42, v42;
	v26 =	vmul.f32 v18, v18  }
0xec: {  	v27 =	vmov s19;
	v23 =	vadd.f32 v23, v2;
	v21 =	vld [tilespmem:s23+$0x20];
	v19 =	vmul.f32 v20, v10  }
0xed: {  	v16 =	vadd.f32 v16, v17;
	v17 =	vld [tilespmem:s23+$0x30];
	v22 =	vadd.f32 v26, v22;
	v26 =	vmul.f32 v43, v43  }
0xee: {  	v24 =	vadd.f32 v24, v3;
	v28 =	vmul.f32 v20, v8;
	v25 =	vadd.f32 v23, v19  }
0xef: {  	v23 =	vmul.f32 v16, v16;
	v22 =	vadd.f32 v26, v22  }
0xf0: {  	v19 =	vadd.f32 v24, v28;
	v29 =	vmul.f32 v25, v25  }
0xf1: {  	v21 =	vadd.f32 v21, v1;
	v26 =	vmul.f32 v20, v14;
	v22 =	vadd.f32 v23, v22  }
0xf2: {  	v20 =	vmul.f32 v20, v15;
	v17 =	vadd.f32 v17, v0  }
0xf3: {  	s20 =	simm.s32 $0x49C0;
	v24 =	vld.idx.msk [tilespmem:v27+s24+$0x0], $0xffff;
	v23 =	vadd.f32 v21, v26;
	v22 =	vadd.f32 v29, v22;
	v29 =	vmul.f32 v19, v19  }
0xf4: {  	v28 =	vld [tilespmem:s20+$0xFFFFFFC0]  }
0xf5: {  	v27 =	vld [tilespmem:s20+$0xFFFFFFD0];
	v26 =	vmul.f32 v23, v23;
	v45 =	vadd.f32 v17, v20;
	v22 =	vadd.f32 v29, v22  }
0xf6: {  	v21 =	vld [tilespmem:s20+$0xFFFFFFE0]  }
0xf7: {  	v17 =	vadd.f32 v26, v22;
	v22 =	vmul.f32 v45, v45  }
0xf8: {  	v20 =	vld [tilespmem:s20+$0xFFFFFFF0];
	v29 =	vcvt.s32.f32 v24  }
0xf9: {  	v24 =	vadd.f32 v28, v7;
	v22 =	vadd.f32 v22, v17  }
0xfa: {  	v30 =	vld [tilespmem:s20+$0x0];
	v26 =	vadd.f32 v27, v6;
	v27 =	vmul.f32 v29, v12;
	v28 =	vmul.f32 v29, v13  }
0xfb: {  	v21 =	vadd.f32 v21, v5;
	(xrf2) =	vadd.scan.msk.f32 $0xffff, v22  }
0xfc: {  	v31 =	vld [tilespmem:s20+$0x10];
	v56 =	vmul.f32 v29, v11;
	v24 =	vadd.f32 v27, v24;
	v17 =	vadd.f32 v26, v28  }
0xfd: {  	v20 =	vadd.f32 v20, v4;
	v22 =	vmul.f32 v29, v9  }
0xfe: {  	s21 =	simm.s32 $0x82;
	v26 =	vld [tilespmem:s20+$0x20];
	v21 =	vadd.f32 v21, v56;
	v27 =	vmul.f32 v24, v24;
	v28 =	vmul.f32 v17, v17  }
0xff: {  	v58 =	vmov s21;
	v30 =	vadd.f32 v30, v2;
	v57 =	vmul.f32 v29, v10  }
0x100: {  	v59 =	vld [tilespmem:s20+$0x30];
	v27 =	vadd.f32 v28, v27;
	v28 =	vmul.f32 v21, v21;
	v22 =	vadd.f32 v20, v22  }
0x101: {  	v31 =	vadd.f32 v31, v3;
	v60 =	vmul.f32 v29, v8  }
0x102: {  	v20 =	vadd.f32 v30, v57;
	v28 =	vadd.f32 v28, v27;
	v30 =	vmul.f32 v22, v22  }
0x103: {  	s23 =	simm.s32 $0x4A40;
	v61 =	vmul.f32 v29, v14;
	v26 =	vadd.f32 v26, v1  }
0x104: {  	v40 =	vld [tilespmem:s23+$0xFFFFFFC0];
	v62 =	vmul.f32 v20, v20;
	v27 =	vadd.f32 v31, v60;
	v28 =	vadd.f32 v30, v28  }
0x105: {  	v63 =	vadd.f32 v59, v0;
	v29 =	vmul.f32 v29, v15;
	v31 =	vld.idx.msk [tilespmem:v58+s24+$0x0], $0xffff;
	v26 =	vadd.f32 v26, v61;
	v41, _, _ =	vpop (xrf2)  }
0x106: {  	v30 =	vld [tilespmem:s23+$0xFFFFFFD0];
	v35 =	vmul.f32 v27, v27;
	v28 =	vadd.f32 v62, v28;
	(v2sf) =	vpush v41, $0xF;
	_ =	sdelay $0x1  }
0x107: {  	v44 =	vld [tilespmem:s23+$0xFFFFFFE0];
	v32 =	vadd.f32 v63, v29;
	v46 =	vmul.f32 v26, v26;
	v28 =	vadd.f32 v35, v28;
	_ =	sdelay $0x1  }
0x108: {  	v29 =	vld [tilespmem:s23+$0xFFFFFFF0];
	v38 =	vcvt.s32.f32 v31;
	v31 =	vmul.f32 v32, v32;
	v28 =	vadd.f32 v46, v28  }
0x109: {  	v47 =	vadd.f32 v40, v7;
	v48 =	vadd.f32 v30, v6  }
0x10a: {  	v50 =	vld [tilespmem:s23+$0x0];
	v30 =	vmul.f32 v38, v12;
	v49 =	vmul.f32 v38, v13;
	v31 =	vadd.f32 v31, v28  }
0x10b: {  	v36 =	vadd.f32 v44, v5  }
0x10c: {  	v51 =	vld [tilespmem:s23+$0x10];
	v52 =	vmul.f32 v38, v11;
	v30 =	vadd.f32 v30, v47;
	v28 =	vadd.f32 v48, v49;
	(xrf2) =	vadd.scan.msk.f32 $0xffff, v31  }
0x10d: {  	v29 =	vadd.f32 v29, v4;
	v53 =	vmul.f32 v38, v9  }
0x10e: {  	s19 =	simm.s32 $0x83;
	v54 =	vld [tilespmem:s23+$0x20];
	v55 =	vmul.f32 v30, v30;
	v56 =	vmul.f32 v28, v28;
	v31 =	vadd.f32 v36, v52  }
0x10f: {  	v59 =	vadd.f32 v50, v2;
	v58 =	vmov s19;
	v57 =	vmul.f32 v38, v10  }
0x110: {  	s18 =	simm.s32 $0x4AC0;
	v61 =	vld [tilespmem:s23+$0x30];
	v37 =	vadd.f32 v29, v53;
	v35 =	vadd.f32 v56, v55;
	v60 =	vmul.f32 v31, v31  }
0x111: {  	v39 =	vld [tilespmem:s18+$0xFFFFFFF0];
	v62 =	vadd.f32 v51, v3;
	v63 =	vmul.f32 v38, v8  }
0x112: {  	v29 =	vadd.f32 v59, v57;
	v47 =	vld [tilespmem:s18+$0x10];
	v52 =	vmul.f32 v37, v37;
	v35 =	vadd.f32 v60, v35  }
0x113: {  	v34 =	vadd.f32 v54, v1;
	v53 =	vmul.f32 v38, v14;
	v36 =	vld [tilespmem:s18+$0x20];
	s20 =	spop (v2sf)  }
0x114: {  	v33 =	vadd.f32 v62, v63;
	v54 =	vmul.f32 v29, v29;
	v55 =	vld.idx.msk [tilespmem:v58+s24+$0x0], $0xffff;
	v35 =	vadd.f32 v52, v35;
	s6 =	smul.f32 $7.812500000e-03, s20  }
0x115: {  	v38 =	vmul.f32 v38, v15;
	v59 =	vadd.f32 v61, v0;
	v60 =	vld [tilespmem:s18+$0xFFFFFFC0]  }
0x116: {  	v61 =	vmul.f32 v33, v33;
	v34 =	vadd.f32 v34, v53;
	v56 =	vld [tilespmem:s18+$0xFFFFFFD0];
	v35 =	vadd.f32 v54, v35;
	v62, _, _ =	vpop (xrf2);
	s6 =	sadd.f32 $9.999999960e-13, s6  }
0x117: {  	v39 =	vadd.f32 v39, v4;
	v63 =	vld [tilespmem:s18+$0xFFFFFFE0];
	(v2sf) =	vpush v62, $0xF  }
0x118: {  	v58 =	vmul.f32 v34, v34;
	v57 =	vadd.f32 v61, v35;
	v35 =	vadd.f32 v59, v38;
	s21 =	sshrl.u32 s6, $0x1;
	s6 =	smul.f32 $-5.000000000e-01, s6  }
0x119: {  	v51 =	vld [tilespmem:s18+$0x0];
	v46 =	vadd.f32 v47, v3;
	v44 =	vadd.f32 v36, v1;
	v38 =	vcvt.s32.f32 v55;
	s19 =	ssub.s32 $0x5F3759DF, s21  }
0x11a: {  	v47 =	vadd.f32 v60, v7;
	v59 =	vadd.f32 v58, v57;
	v41 =	vmul.f32 v35, v35;
	s6 =	smul.f32 s19, s6  }
0x11b: {  	v60 =	vadd.f32 v56, v6;
	v61 =	vmul.f32 v38, v12;
	v62 =	vmul.f32 v38, v13  }
0x11c: {  	v54 =	vmul.f32 v38, v9;
	v56 =	vadd.f32 v41, v59;
	v41 =	vadd.f32 v63, v5;
	s6 =	smul.f32 s19, s6  }
0x11d: {  	v63 =	vmul.f32 v38, v11;
	v40 =	vadd.f32 v61, v47;
	v36 =	vadd.f32 v60, v62  }
0x11e: {  	v51 =	vadd.f32 v51, v2;
	v53 =	vmul.f32 v38, v8;
	v48 =	vmul.f32 v38, v14;
	(xrf2) =	vadd.scan.msk.f32 $0xffff, v56;
	s6 =	sadd.f32 $1.500000000e+00, s6  }
0x11f: {  	s23 =	simm.s32 $0x84;
	v61 =	vmul.f32 v40, v40;
	v62 =	vmul.f32 v36, v36;
	v41 =	vadd.f32 v41, v63  }
0x120: {  	v55 =	vmov s23;
	v60 =	vmul.f32 v38, v10;
	v47 =	vmul.f32 v38, v15;
	s19 =	smul.f32 s19, s6  }
0x121: {  	v39 =	vadd.f32 v39, v54;
	v57 =	vadd.f32 v62, v61;
	v63 =	vmul.f32 v41, v41  }
0x122: {  	v54 =	vld [tilespmem:s18+$0x30];
	s18 =	simm.s32 $0x4B40;
	v38 =	vadd.f32 v51, v60;
	v52 =	vmul.f32 s19, v42;
	v50 =	vmul.f32 s19, v45  }
0x123: {  	s29 =	simm.s32 $0x14940;
	s20 =	simm.s32 $0x14940;
	v49 =	vld [tilespmem:s18+$0x20];
	s21 =	simm.s32 $0x85;
	v42 =	vadd.f32 v63, v57;
	v45 =	vmul.f32 v39, v39;
	v51 =	vmul.f32 s19, v43  }
.LBB2_4:
0x124: {  	p0 =	sne.s32 s21, $0xFF;
	v43 =	vld [tilespmem:s18+$0x10];
	v56 =	vmul.f32 v38, v38;
	v46 =	vadd.f32 v46, v53;
	[tilespmem:s20+$0xFFFFFFC0] =	vst v52;
	v52 =	vmul.f32 s19, v16;
	v57 =	vmovc v40  }
0x125: {  	s29 =	sadd.s32 $0x80, s29;
	v58 =	vmovc v21;
	v21 =	vmovc v31;
	v31 =	vmov v41;
	v16 =	vmov v22;
	v22 =	vmov v37;
	s23 =	smov.u32 s21;
	s21 =	sadd.s32 $0x1, s21  }
0x126: {  	v41 =	vmul.f32 s19, v18;
	v53 =	vmul.f32 s19, v19;
	v19 =	vmovc v27;
	v37 =	vld.idx.msk [tilespmem:v55+s24+$0x0], $0xffff;
	v40 =	vadd.f32 v45, v42;
	s6 =	spop (v2sf);
	[tilespmem:s20+$0x30] =	vst v50  }
0x127: {  	v25 =	vmul.f32 s19, v25;
	v27 =	vmovc v33;
	v50 =	vmul.f32 s19, v23;
	v42 =	vld [tilespmem:s18+$0xFFFFFFD0];
	v45 =	vadd.f32 v54, v0;
	s6 =	smul.f32 $7.812500000e-03, s6;
	[tilespmem:s20+$0xFFFFFFE0] =	vst v51;
	v33 =	vmovc v46  }
0x128: {  	v48 =	vadd.f32 v44, v48;
	v51 =	vld [tilespmem:s18+$0xFFFFFFC0];
	v40 =	vadd.f32 v56, v40;
	v46 =	vmul.f32 v46, v33;
	v23, _, _ =	vpop (xrf2);
	[tilespmem:s20+$0x10] =	vst v53  }
0x129: {  	v18 =	vmovc v17;
	v17 =	vmovc v28;
	(v2sf) =	vpush v23, $0xF;
	s6 =	sadd.f32 $9.999999960e-13, s6;
	[tilespmem:s20+$0xFFFFFFF0] =	vst v52;
	v23 =	vmov v26;
	v26 =	vmov v34  }
0x12a: {  	v53 =	vmul.f32 v48, v48;
	v45 =	vadd.f32 v45, v47;
	v52 =	vld [tilespmem:s18+$0xFFFFFFE0];
	v40 =	vadd.f32 v46, v40;
	[tilespmem:s20+$0x20] =	vst v50  }
0x12b: {  	v28 =	vmovc v36;
	v44 =	vadd.f32 v49, v1;
	v34 =	vmov v48;
	v46 =	vadd.f32 v43, v3;
	s19 =	sshrl.u32 s6, $0x1;
	s6 =	smul.f32 $-5.000000000e-01, s6;
	[tilespmem:s20+$0xFFFFFFD0] =	vst v41  }
0x12c: {  	v43 =	vcvt.s32.f32 v37;
	v37 =	vmovc v39;
	v41 =	vld [tilespmem:s18+$0xFFFFFFF0];
	v36 =	vadd.f32 v53, v40;
	v40 =	vmul.f32 v45, v45;
	s19 =	ssub.s32 $0x5F3759DF, s19;
	[tilespmem:s20+$0x0] =	vst v25;
	s20 =	smov.u32 s29  }
0x12d: {  	v42 =	vadd.f32 v42, v6;
	v25 =	vmovc v20;
	v20 =	vmovc v29;
	v29 =	vmov v38;
	v39 =	vadd.f32 v51, v7;
	s6 =	smul.f32 s19, s6  }
0x12e: {  	v38 =	vmul.f32 v43, v12;
	v47 =	vmul.f32 v43, v13;
	v49 =	vld [tilespmem:s18+$0x0];
	v48 =	vadd.f32 v40, v36  }
0x12f: {  	v51 =	vmul.f32 v43, v11;
	v50 =	vadd.f32 v52, v5;
	v52 =	vmul.f32 v43, v9;
	s6 =	smul.f32 s19, s6  }
0x130: {  	v40 =	vadd.f32 v38, v39;
	v36 =	vadd.f32 v42, v47;
	v38 =	vmul.f32 v43, v10;
	(xrf2) =	vadd.scan.msk.f32 $0xffff, v48  }
0x131: {  	v53 =	vmul.f32 v43, v8;
	v48 =	vmul.f32 v43, v14;
	v39 =	vadd.f32 v41, v4;
	s6 =	sadd.f32 $1.500000000e+00, s6  }
.Ltmp1:
0x132: {  	v42 =	vmul.f32 v40, v40;
	v54 =	vmul.f32 v36, v36;
	v41 =	vadd.f32 v50, v51;
	(pc) =	sbr.rel @p0 .LBB2_4-.Ltmp1, $4  }
0x133: {  	v55 =	vmov s23;
	v47 =	vmul.f32 v43, v15;
	v49 =	vadd.f32 v49, v2;
	s19 =	smul.f32 s19, s6  }
0x134: {  	v42 =	vadd.f32 v54, v42;
	v43 =	vmul.f32 v41, v41;
	v39 =	vadd.f32 v39, v52;
	v54 =	vld [tilespmem:s18+$0x30]  }
0x135: {  	s18 =	sadd.s32 $0x80, s18;
	v38 =	vadd.f32 v49, v38;
	v52 =	vmul.f32 s19, v24;
	v50 =	vmul.f32 s19, v32;
	v32 =	vmovc v35;
	v35 =	vmovc v45  }
0x136: {  	v42 =	vadd.f32 v43, v42;
	v45 =	vmul.f32 v39, v39;
	v51 =	vmul.f32 s19, v58;
	v24 =	vmovc v30;
	v30 =	vmovc v57;
	v49 =	vld [tilespmem:s18+$0x20]  }
0x137: {  	_ =	sdelay $0x3  }
0x138: {  	v55 =	vld.idx.msk [tilespmem:v55+s24+$0x0], $0xffff  }
0x139: {  	v56 =	vld [tilespmem:s18+$0xFFFFFFC0]  }
0x13a: {  	v57 =	vld [tilespmem:s18+$0xFFFFFFD0]  }
0x13b: {  	v60 =	vld [tilespmem:s18+$0xFFFFFFE0]  }
0x13c: {  	v58 =	vmul.f32 v38, v38;
	v43 =	vadd.f32 v46, v53;
	v42 =	vadd.f32 v45, v42  }
0x13d: {  	v46 =	vld [tilespmem:s18+$0xFFFFFFF0];
	v44 =	vadd.f32 v44, v48;
	v53 =	vadd.f32 v54, v0;
	v54 =	vcvt.s32.f32 v55  }
0x13e: {  	v61 =	vmul.f32 v43, v43;
	v42 =	vadd.f32 v58, v42;
	v48 =	vadd.f32 v56, v7  }
0x13f: {  	v59 =	vld [tilespmem:s18+$0x0];
	v56 =	vadd.f32 v57, v6;
	v57 =	vmul.f32 v54, v12;
	v58 =	vmul.f32 v54, v13  }
0x140: {  	v55 =	vadd.f32 v61, v42;
	v60 =	vadd.f32 v60, v5  }
0x141: {  	v61 =	vmul.f32 v54, v11;
	v45 =	vadd.f32 v57, v48;
	v42 =	vadd.f32 v56, v58  }
0x142: {  	v53 =	vadd.f32 v53, v47;
	v48 =	vmul.f32 v54, v9;
	v57 =	vadd.f32 v46, v4  }
0x143: {  	v58 =	vld [tilespmem:s18+$0x10];
	v46 =	vadd.f32 v60, v61;
	v62 =	vmul.f32 v45, v45;
	v60 =	vmul.f32 v42, v42  }
0x144: {  	v59 =	vadd.f32 v59, v2;
	v47 =	vmul.f32 v54, v10;
	v56 =	vmul.f32 v44, v44  }
0x145: {  	v61 =	vmul.f32 v46, v46;
	v48 =	vadd.f32 v57, v48;
	v60 =	vadd.f32 v60, v62  }
0x146: {  	v55 =	vadd.f32 v56, v55;
	v56 =	vmul.f32 v53, v53  }
0x147: {  	v47 =	vadd.f32 v59, v47;
	v59 =	vadd.f32 v61, v60;
	v60 =	vmul.f32 v48, v48  }
0x148: {  	v57 =	vld [tilespmem:s18+$0x30];
	v55 =	vadd.f32 v56, v55;
	v58 =	vadd.f32 v58, v3  }
0x149: {  	v61 =	vmul.f32 v54, v8;
	v56 =	vadd.f32 v60, v59;
	v59 =	vmul.f32 v47, v47  }
0x14a: {  	v60 =	vadd.f32 v49, v1  }
0x14b: {  	v62 =	vmul.f32 v54, v14;
	v49 =	vadd.f32 v58, v61;
	v63 =	vadd.f32 v59, v56  }
0x14c: {  	(xrf2) =	vadd.scan.msk.f32 $0xffff, v55;
	v54 =	vmul.f32 v54, v15  }
0x14d: {  	v61 =	vadd.f32 v57, v0;
	v57 =	vadd.f32 v60, v62;
	v62 =	vmul.f32 v49, v49;
	_ =	sdelay $0x1  }
0x14e: {  	v54 =	vadd.f32 v61, v54;
	v55 =	vadd.f32 v62, v63;
	v60 =	vmul.f32 v57, v57;
	v63, _, _ =	vpop (xrf2)  }
0x14f: {  	(v2sf) =	vpush v63, $0xF  }
0x150: {  	v61 =	vmul.f32 v54, v54;
	v55 =	vadd.f32 v60, v55;
	_ =	sdelay $0x1  }
0x151: {  	v55 =	vadd.f32 v61, v55;
	_ =	sdelay $0x1  }
0x152: {  	(xrf2) =	vadd.scan.msk.f32 $0xffff, v55  }
0x153: {  	s6 =	spop (v2sf);
	v62, _, _ =	vpop (xrf2)  }
0x154: {  	s6 =	smul.f32 $7.812500000e-03, s6;
	(v2sf) =	vpush v62, $0xF;
	_ =	sdelay $0x1  }
0x155: {  	s6 =	sadd.f32 $9.999999960e-13, s6;
	_ =	sdelay $0x1  }
0x156: {  	s21 =	sshrl.u32 s6, $0x1;
	s6 =	smul.f32 $-5.000000000e-01, s6  }
0x157: {  	s18 =	ssub.s32 $0x5F3759DF, s21  }
0x158: {  	s6 =	smul.f32 s18, s6;
	_ =	sdelay $0x1  }
0x159: {  	s6 =	smul.f32 s18, s6;
	v63, _, _ =	vpop (xrf2);
	s21 =	spop (v2sf)  }
0x15a: {  	[tilespmem:s20+$0xFFFFFFC0] =	vst v52;
	(v2sf) =	vpush v63, $0xF;
	s21 =	smul.f32 $7.812500000e-03, s21  }
0x15b: {  	v19 =	vmul.f32 s19, v19;
	[tilespmem:s20+$0x30] =	vst v50;
	s6 =	sadd.f32 $1.500000000e+00, s6  }
0x15c: {  	v16 =	vmul.f32 s19, v16;
	[tilespmem:s20+$0xFFFFFFE0] =	vst v51;
	s21 =	sadd.f32 $9.999999960e-13, s21  }
0x15d: {  	v23 =	vmul.f32 s19, v23;
	[tilespmem:s20+$0x10] =	vst v19;
	s6 =	smul.f32 s18, s6  }
0x15e: {  	v18 =	vmul.f32 s19, v18;
	[tilespmem:s20+$0xFFFFFFF0] =	vst v16;
	s23 =	sshrl.u32 s21, $0x1;
	s21 =	smul.f32 $-5.000000000e-01, s21  }
0x15f: {  	v16 =	vmul.f32 s19, v25;
	[tilespmem:s20+$0x20] =	vst v23;
	s18 =	ssub.s32 $0x5F3759DF, s23  }
0x160: {  	[tilespmem:s20+$0xFFFFFFD0] =	vst v18;
	v18 =	vmul.f32 s6, v24;
	s19 =	spop (v2sf);
	s21 =	smul.f32 s18, s21  }
0x161: {  	[tilespmem:s20+$0x0] =	vst v16;
	v16 =	vmul.f32 s6, v32;
	s19 =	smul.f32 $7.812500000e-03, s19;
	s23 =	sadd.s32 $0x80, s29  }
0x162: {  	v19 =	vmul.f32 s6, v21;
	[tilespmem:s23+$0xFFFFFFC0] =	vst v18;
	s21 =	smul.f32 s18, s21  }
0x163: {  	v17 =	vmul.f32 s6, v17;
	s19 =	sadd.f32 $9.999999960e-13, s19;
	[tilespmem:s23+$0x30] =	vst v16  }
0x164: {  	v18 =	vmul.f32 s6, v27;
	[tilespmem:s23+$0xFFFFFFE0] =	vst v19;
	s20 =	sadd.f32 $1.500000000e+00, s21  }
0x165: {  	v16 =	vmul.f32 s6, v22;
	[tilespmem:s23+$0xFFFFFFD0] =	vst v17;
	s21 =	sshrl.u32 s19, $0x1;
	s19 =	smul.f32 $-5.000000000e-01, s19  }
0x166: {  	v19 =	vmul.f32 s6, v26;
	[tilespmem:s23+$0x10] =	vst v18;
	s18 =	smul.f32 s18, s20;
	s20 =	ssub.s32 $0x5F3759DF, s21  }
0x167: {  	[tilespmem:s23+$0xFFFFFFF0] =	vst v16;
	v16 =	vmul.f32 s6, v20;
	s21 =	smul.f32 s20, s19  }
0x168: {  	[tilespmem:s23+$0x20] =	vst v19;
	v17 =	vmul.f32 s18, v30  }
0x169: {  	[tilespmem:s23+$0x0] =	vst v16;
	s19 =	sadd.s32 $0x80, s23;
	v16 =	vmul.f32 s18, v35;
	s23 =	spop (v2sf);
	s6 =	smul.f32 s20, s21  }
0x16a: {  	v18 =	vmul.f32 s18, v31;
	s21 =	smul.f32 $7.812500000e-03, s23;
	[tilespmem:s19+$0xFFFFFFC0] =	vst v17  }
0x16b: {  	v17 =	vmul.f32 s18, v33;
	[tilespmem:s19+$0x30] =	vst v16;
	s6 =	sadd.f32 $1.500000000e+00, s6  }
0x16c: {  	v16 =	vmul.f32 s18, v37;
	[tilespmem:s19+$0xFFFFFFE0] =	vst v18;
	s21 =	sadd.f32 $9.999999960e-13, s21  }
0x16d: {  	v18 =	vmul.f32 s18, v34;
	[tilespmem:s19+$0x10] =	vst v17;
	s6 =	smul.f32 s20, s6  }
0x16e: {  	v17 =	vmul.f32 s18, v28;
	[tilespmem:s19+$0xFFFFFFF0] =	vst v16;
	s23 =	sshrl.u32 s21, $0x1;
	s21 =	smul.f32 $-5.000000000e-01, s21  }
0x16f: {  	v16 =	vmul.f32 s18, v29;
	[tilespmem:s19+$0x20] =	vst v18;
	s23 =	ssub.s32 $0x5F3759DF, s23  }
0x170: {  	[tilespmem:s19+$0xFFFFFFD0] =	vst v17;
	v17 =	vmul.f32 s6, v40;
	s20 =	smul.f32 s23, s21  }
0x171: {  	[tilespmem:s19+$0x0] =	vst v16;
	s21 =	sadd.s32 $0x80, s19;
	v16 =	vmul.f32 s6, v53  }
0x172: {  	v18 =	vmul.f32 s6, v41;
	[tilespmem:s21+$0xFFFFFFC0] =	vst v17;
	s20 =	smul.f32 s23, s20  }
0x173: {  	v17 =	vmul.f32 s6, v43;
	[tilespmem:s21+$0x30] =	vst v16  }
0x174: {  	v16 =	vmul.f32 s6, v39;
	[tilespmem:s21+$0xFFFFFFE0] =	vst v18;
	s19 =	sadd.f32 $1.500000000e+00, s20  }
0x175: {  	v18 =	vmul.f32 s6, v44;
	[tilespmem:s21+$0x10] =	vst v17  }
0x176: {  	v17 =	vmul.f32 s6, v36;
	[tilespmem:s21+$0xFFFFFFF0] =	vst v16;
	s18 =	smul.f32 s23, s19  }
0x177: {  	v16 =	vmul.f32 s6, v38;
	[tilespmem:s21+$0x20] =	vst v18  }
0x178: {  	[tilespmem:s21+$0xFFFFFFD0] =	vst v17;
	v17 =	vmul.f32 s18, v45  }
0x179: {  	s23 =	sadd.s32 $0x80, s21;
	[tilespmem:s21+$0x0] =	vst v16;
	v16 =	vmul.f32 s18, v54  }
0x17a: {  	v18 =	vmul.f32 s18, v46;
	[tilespmem:s23+$0xFFFFFFC0] =	vst v17  }
0x17b: {  	v17 =	vmul.f32 s18, v49;
	[tilespmem:s23+$0x30] =	vst v16  }
0x17c: {  	v16 =	vmul.f32 s18, v48;
	[tilespmem:s23+$0xFFFFFFE0] =	vst v18  }
0x17d: {  	v18 =	vmul.f32 s18, v57;
	[tilespmem:s23+$0x10] =	vst v17  }
0x17e: {  	v17 =	vmul.f32 s18, v42;
	[tilespmem:s23+$0xFFFFFFF0] =	vst v16  }
0x17f: {  	v16 =	vmul.f32 s18, v47;
	[tilespmem:s23+$0x20] =	vst v18  }
0x180: {  	[tilespmem:s23+$0xFFFFFFD0] =	vst v17  }
0x181: {  	[tilespmem:s23+$0x0] =	vst v16  }
0x182: {  	[hbm4b:s8+s4] =	stream.linear.scatter [tilespmem:s31], [sflag:$0x6], $0x4000, $0x38;
	[tilespmem:$0x18900] =	vst v63  }
0x183: {  	s20 =	simm.s32 $0x280;
	s19 =	simm.s32 $0x4900  }
0x184: {  	[tilespmem:s19], [sflag:$0x2] =	stream.indirect.gather [hbm4b:s1+s17], $0x80, s20, s17, $0xb8;
	[tilespmem:$0x18900] =	vst v63  }
0x185: {  	s21 =	simm.s32 $0x100;
	_ =	swait.ge [sflag:s3], $0x4000  }
0x186: {  	v16 =	vmov s21;
	[sflag:s3] =	ssyncset.done $0x0  }
0x187: {  	[sflag:s3] =	ssyncadd.s32 $0xFFFFC000  }
0x188: {  	_ =	swait.ge [sflag:s2], $0x4000  }
0x189: {  	[sflag:s2] =	ssyncset.done $0x0  }
0x18a: {  	[sflag:s2] =	ssyncadd.s32 $0xFFFFC000  }
0x18b: {  	s23 =	simm.s32 $0x8940;
	v16 =	vld.idx.msk [tilespmem:v16+s24+$0x0], $0xffff  }
0x18c: {  	v17 =	vld [tilespmem:s23+$0xFFFFFFC0]  }
0x18d: {  	v18 =	vld [tilespmem:s23+$0xFFFFFFD0]  }
0x18e: {  	v19 =	vld [tilespmem:s23+$0xFFFFFFE0];
	_ =	sdelay $0x1  }
0x18f: {  	v20 =	vcvt.s32.f32 v16  }
0x190: {  	v16 =	vld [tilespmem:s23+$0xFFFFFFF0];
	v17 =	vadd.f32 v17, v7  }
0x191: {  	v23 =	vld [tilespmem:s23+$0x0];
	v18 =	vadd.f32 v18, v6;
	v21 =	vmul.f32 v20, v12;
	v22 =	vmul.f32 v20, v13  }
0x192: {  	v19 =	vadd.f32 v19, v5;
	v25 =	vmul.f32 v20, v11  }
0x193: {  	v24 =	vld [tilespmem:s23+$0x10];
	v42 =	vadd.f32 v21, v17;
	v18 =	vadd.f32 v18, v22  }
0x194: {  	v17 =	vmul.f32 v20, v9;
	v43 =	vadd.f32 v19, v25  }
0x195: {  	s19 =	simm.s32 $0x101;
	v16 =	vadd.f32 v16, v4;
	v22 =	vmul.f32 v42, v42;
	v26 =	vmul.f32 v18, v18  }
0x196: {  	v27 =	vmov s19;
	v23 =	vadd.f32 v23, v2;
	v21 =	vld [tilespmem:s23+$0x20];
	v19 =	vmul.f32 v20, v10  }
0x197: {  	v16 =	vadd.f32 v16, v17;
	v17 =	vld [tilespmem:s23+$0x30];
	v22 =	vadd.f32 v26, v22;
	v26 =	vmul.f32 v43, v43  }
0x198: {  	v24 =	vadd.f32 v24, v3;
	v28 =	vmul.f32 v20, v8;
	v25 =	vadd.f32 v23, v19  }
0x199: {  	v23 =	vmul.f32 v16, v16;
	v22 =	vadd.f32 v26, v22  }
0x19a: {  	v19 =	vadd.f32 v24, v28;
	v29 =	vmul.f32 v25, v25  }
0x19b: {  	v21 =	vadd.f32 v21, v1;
	v26 =	vmul.f32 v20, v14;
	v22 =	vadd.f32 v23, v22  }
0x19c: {  	v20 =	vmul.f32 v20, v15;
	v17 =	vadd.f32 v17, v0  }
0x19d: {  	s20 =	simm.s32 $0x89C0;
	v24 =	vld.idx.msk [tilespmem:v27+s24+$0x0], $0xffff;
	v23 =	vadd.f32 v21, v26;
	v22 =	vadd.f32 v29, v22;
	v29 =	vmul.f32 v19, v19  }
0x19e: {  	v28 =	vld [tilespmem:s20+$0xFFFFFFC0]  }
0x19f: {  	v27 =	vld [tilespmem:s20+$0xFFFFFFD0];
	v26 =	vmul.f32 v23, v23;
	v45 =	vadd.f32 v17, v20;
	v22 =	vadd.f32 v29, v22  }
0x1a0: {  	v21 =	vld [tilespmem:s20+$0xFFFFFFE0]  }
0x1a1: {  	v17 =	vadd.f32 v26, v22;
	v22 =	vmul.f32 v45, v45  }
0x1a2: {  	v20 =	vld [tilespmem:s20+$0xFFFFFFF0];
	v29 =	vcvt.s32.f32 v24  }
0x1a3: {  	v24 =	vadd.f32 v28, v7;
	v22 =	vadd.f32 v22, v17  }
0x1a4: {  	v30 =	vld [tilespmem:s20+$0x0];
	v26 =	vadd.f32 v27, v6;
	v27 =	vmul.f32 v29, v12;
	v28 =	vmul.f32 v29, v13  }
0x1a5: {  	v21 =	vadd.f32 v21, v5;
	(xrf2) =	vadd.scan.msk.f32 $0xffff, v22  }
0x1a6: {  	v31 =	vld [tilespmem:s20+$0x10];
	v56 =	vmul.f32 v29, v11;
	v24 =	vadd.f32 v27, v24;
	v17 =	vadd.f32 v26, v28  }
0x1a7: {  	v20 =	vadd.f32 v20, v4;
	v22 =	vmul.f32 v29, v9  }
0x1a8: {  	s21 =	simm.s32 $0x102;
	v26 =	vld [tilespmem:s20+$0x20];
	v21 =	vadd.f32 v21, v56;
	v27 =	vmul.f32 v24, v24;
	v28 =	vmul.f32 v17, v17  }
0x1a9: {  	v58 =	vmov s21;
	v30 =	vadd.f32 v30, v2;
	v57 =	vmul.f32 v29, v10  }
0x1aa: {  	v59 =	vld [tilespmem:s20+$0x30];
	v27 =	vadd.f32 v28, v27;
	v28 =	vmul.f32 v21, v21;
	v22 =	vadd.f32 v20, v22  }
0x1ab: {  	v31 =	vadd.f32 v31, v3;
	v60 =	vmul.f32 v29, v8  }
0x1ac: {  	v20 =	vadd.f32 v30, v57;
	v28 =	vadd.f32 v28, v27;
	v30 =	vmul.f32 v22, v22  }
0x1ad: {  	s23 =	simm.s32 $0x8A40;
	v61 =	vmul.f32 v29, v14;
	v26 =	vadd.f32 v26, v1  }
0x1ae: {  	v40 =	vld [tilespmem:s23+$0xFFFFFFC0];
	v62 =	vmul.f32 v20, v20;
	v27 =	vadd.f32 v31, v60;
	v28 =	vadd.f32 v30, v28  }
0x1af: {  	v63 =	vadd.f32 v59, v0;
	v29 =	vmul.f32 v29, v15;
	v31 =	vld.idx.msk [tilespmem:v58+s24+$0x0], $0xffff;
	v26 =	vadd.f32 v26, v61;
	v41, _, _ =	vpop (xrf2)  }
0x1b0: {  	v30 =	vld [tilespmem:s23+$0xFFFFFFD0];
	v35 =	vmul.f32 v27, v27;
	v28 =	vadd.f32 v62, v28;
	(v2sf) =	vpush v41, $0xF;
	_ =	sdelay $0x1  }
0x1b1: {  	v44 =	vld [tilespmem:s23+$0xFFFFFFE0];
	v32 =	vadd.f32 v63, v29;
	v46 =	vmul.f32 v26, v26;
	v28 =	vadd.f32 v35, v28;
	_ =	sdelay $0x1  }
0x1b2: {  	v29 =	vld [tilespmem:s23+$0xFFFFFFF0];
	v38 =	vcvt.s32.f32 v31;
	v31 =	vmul.f32 v32, v32;
	v28 =	vadd.f32 v46, v28  }
0x1b3: {  	v47 =	vadd.f32 v40, v7;
	v48 =	vadd.f32 v30, v6  }
0x1b4: {  	v50 =	vld [tilespmem:s23+$0x0];
	v30 =	vmul.f32 v38, v12;
	v49 =	vmul.f32 v38, v13;
	v31 =	vadd.f32 v31, v28  }
0x1b5: {  	v36 =	vadd.f32 v44, v5  }
0x1b6: {  	v51 =	vld [tilespmem:s23+$0x10];
	v52 =	vmul.f32 v38, v11;
	v30 =	vadd.f32 v30, v47;
	v28 =	vadd.f32 v48, v49;
	(xrf2) =	vadd.scan.msk.f32 $0xffff, v31  }
0x1b7: {  	v29 =	vadd.f32 v29, v4;
	v53 =	vmul.f32 v38, v9  }
0x1b8: {  	s19 =	simm.s32 $0x103;
	v54 =	vld [tilespmem:s23+$0x20];
	v55 =	vmul.f32 v30, v30;
	v56 =	vmul.f32 v28, v28;
	v31 =	vadd.f32 v36, v52  }
0x1b9: {  	v59 =	vadd.f32 v50, v2;
	v58 =	vmov s19;
	v57 =	vmul.f32 v38, v10  }
0x1ba: {  	s18 =	simm.s32 $0x8AC0;
	v61 =	vld [tilespmem:s23+$0x30];
	v37 =	vadd.f32 v29, v53;
	v35 =	vadd.f32 v56, v55;
	v60 =	vmul.f32 v31, v31  }
0x1bb: {  	v39 =	vld [tilespmem:s18+$0xFFFFFFF0];
	v62 =	vadd.f32 v51, v3;
	v63 =	vmul.f32 v38, v8  }
0x1bc: {  	v29 =	vadd.f32 v59, v57;
	v47 =	vld [tilespmem:s18+$0x10];
	v52 =	vmul.f32 v37, v37;
	v35 =	vadd.f32 v60, v35  }
0x1bd: {  	v34 =	vadd.f32 v54, v1;
	v53 =	vmul.f32 v38, v14;
	v36 =	vld [tilespmem:s18+$0x20];
	s20 =	spop (v2sf)  }
0x1be: {  	v33 =	vadd.f32 v62, v63;
	v54 =	vmul.f32 v29, v29;
	v55 =	vld.idx.msk [tilespmem:v58+s24+$0x0], $0xffff;
	v35 =	vadd.f32 v52, v35;
	s6 =	smul.f32 $7.812500000e-03, s20  }
0x1bf: {  	v38 =	vmul.f32 v38, v15;
	v59 =	vadd.f32 v61, v0;
	v60 =	vld [tilespmem:s18+$0xFFFFFFC0]  }
0x1c0: {  	v61 =	vmul.f32 v33, v33;
	v34 =	vadd.f32 v34, v53;
	v56 =	vld [tilespmem:s18+$0xFFFFFFD0];
	v35 =	vadd.f32 v54, v35;
	v62, _, _ =	vpop (xrf2);
	s6 =	sadd.f32 $9.999999960e-13, s6  }
0x1c1: {  	v39 =	vadd.f32 v39, v4;
	v63 =	vld [tilespmem:s18+$0xFFFFFFE0];
	(v2sf) =	vpush v62, $0xF  }
0x1c2: {  	v58 =	vmul.f32 v34, v34;
	v57 =	vadd.f32 v61, v35;
	v35 =	vadd.f32 v59, v38;
	s21 =	sshrl.u32 s6, $0x1;
	s6 =	smul.f32 $-5.000000000e-01, s6  }
0x1c3: {  	v51 =	vld [tilespmem:s18+$0x0];
	v46 =	vadd.f32 v47, v3;
	v44 =	vadd.f32 v36, v1;
	v38 =	vcvt.s32.f32 v55;
	s19 =	ssub.s32 $0x5F3759DF, s21  }
0x1c4: {  	v47 =	vadd.f32 v60, v7;
	v59 =	vadd.f32 v58, v57;
	v41 =	vmul.f32 v35, v35;
	s6 =	smul.f32 s19, s6  }
0x1c5: {  	v60 =	vadd.f32 v56, v6;
	v61 =	vmul.f32 v38, v12;
	v62 =	vmul.f32 v38, v13  }
0x1c6: {  	v54 =	vmul.f32 v38, v9;
	v56 =	vadd.f32 v41, v59;
	v41 =	vadd.f32 v63, v5;
	s6 =	smul.f32 s19, s6  }
0x1c7: {  	v63 =	vmul.f32 v38, v11;
	v40 =	vadd.f32 v61, v47;
	v36 =	vadd.f32 v60, v62  }
0x1c8: {  	v51 =	vadd.f32 v51, v2;
	v53 =	vmul.f32 v38, v8;
	v48 =	vmul.f32 v38, v14;
	(xrf2) =	vadd.scan.msk.f32 $0xffff, v56;
	s6 =	sadd.f32 $1.500000000e+00, s6  }
0x1c9: {  	s23 =	simm.s32 $0x104;
	v61 =	vmul.f32 v40, v40;
	v62 =	vmul.f32 v36, v36;
	v41 =	vadd.f32 v41, v63  }
0x1ca: {  	v55 =	vmov s23;
	v60 =	vmul.f32 v38, v10;
	v47 =	vmul.f32 v38, v15;
	s19 =	smul.f32 s19, s6  }
0x1cb: {  	v39 =	vadd.f32 v39, v54;
	v57 =	vadd.f32 v62, v61;
	v63 =	vmul.f32 v41, v41  }
0x1cc: {  	v54 =	vld [tilespmem:s18+$0x30];
	s18 =	simm.s32 $0x8B40;
	v38 =	vadd.f32 v51, v60;
	v52 =	vmul.f32 s19, v42;
	v50 =	vmul.f32 s19, v45  }
0x1cd: {  	s29 =	simm.s32 $0x10940;
	s20 =	simm.s32 $0x10940;
	v49 =	vld [tilespmem:s18+$0x20];
	s21 =	simm.s32 $0x105;
	v42 =	vadd.f32 v63, v57;
	v45 =	vmul.f32 v39, v39;
	v51 =	vmul.f32 s19, v43  }
.LBB2_6:
0x1ce: {  	p0 =	sne.s32 s21, $0x17F;
	v43 =	vld [tilespmem:s18+$0x10];
	v56 =	vmul.f32 v38, v38;
	v46 =	vadd.f32 v46, v53;
	[tilespmem:s20+$0xFFFFFFC0] =	vst v52;
	v52 =	vmul.f32 s19, v16;
	v57 =	vmovc v40  }
0x1cf: {  	s29 =	sadd.s32 $0x80, s29;
	v58 =	vmovc v21;
	v21 =	vmovc v31;
	v31 =	vmov v41;
	v16 =	vmov v22;
	v22 =	vmov v37;
	s23 =	smov.u32 s21;
	s21 =	sadd.s32 $0x1, s21  }
0x1d0: {  	v41 =	vmul.f32 s19, v18;
	v53 =	vmul.f32 s19, v19;
	v19 =	vmovc v27;
	v37 =	vld.idx.msk [tilespmem:v55+s24+$0x0], $0xffff;
	v40 =	vadd.f32 v45, v42;
	s6 =	spop (v2sf);
	[tilespmem:s20+$0x30] =	vst v50  }
0x1d1: {  	v25 =	vmul.f32 s19, v25;
	v27 =	vmovc v33;
	v50 =	vmul.f32 s19, v23;
	v42 =	vld [tilespmem:s18+$0xFFFFFFD0];
	v45 =	vadd.f32 v54, v0;
	s6 =	smul.f32 $7.812500000e-03, s6;
	[tilespmem:s20+$0xFFFFFFE0] =	vst v51;
	v33 =	vmovc v46  }
0x1d2: {  	v48 =	vadd.f32 v44, v48;
	v51 =	vld [tilespmem:s18+$0xFFFFFFC0];
	v40 =	vadd.f32 v56, v40;
	v46 =	vmul.f32 v46, v33;
	v23, _, _ =	vpop (xrf2);
	[tilespmem:s20+$0x10] =	vst v53  }
0x1d3: {  	v18 =	vmovc v17;
	v17 =	vmovc v28;
	(v2sf) =	vpush v23, $0xF;
	s6 =	sadd.f32 $9.999999960e-13, s6;
	[tilespmem:s20+$0xFFFFFFF0] =	vst v52;
	v23 =	vmov v26;
	v26 =	vmov v34  }
0x1d4: {  	v53 =	vmul.f32 v48, v48;
	v45 =	vadd.f32 v45, v47;
	v52 =	vld [tilespmem:s18+$0xFFFFFFE0];
	v40 =	vadd.f32 v46, v40;
	[tilespmem:s20+$0x20] =	vst v50  }
0x1d5: {  	v28 =	vmovc v36;
	v44 =	vadd.f32 v49, v1;
	v34 =	vmov v48;
	v46 =	vadd.f32 v43, v3;
	s19 =	sshrl.u32 s6, $0x1;
	s6 =	smul.f32 $-5.000000000e-01, s6;
	[tilespmem:s20+$0xFFFFFFD0] =	vst v41  }
0x1d6: {  	v43 =	vcvt.s32.f32 v37;
	v37 =	vmovc v39;
	v41 =	vld [tilespmem:s18+$0xFFFFFFF0];
	v36 =	vadd.f32 v53, v40;
	v40 =	vmul.f32 v45, v45;
	s19 =	ssub.s32 $0x5F3759DF, s19;
	[tilespmem:s20+$0x0] =	vst v25;
	s20 =	smov.u32 s29  }
0x1d7: {  	v42 =	vadd.f32 v42, v6;
	v25 =	vmovc v20;
	v20 =	vmovc v29;
	v29 =	vmov v38;
	v39 =	vadd.f32 v51, v7;
	s6 =	smul.f32 s19, s6  }
0x1d8: {  	v38 =	vmul.f32 v43, v12;
	v47 =	vmul.f32 v43, v13;
	v49 =	vld [tilespmem:s18+$0x0];
	v48 =	vadd.f32 v40, v36  }
0x1d9: {  	v51 =	vmul.f32 v43, v11;
	v50 =	vadd.f32 v52, v5;
	v52 =	vmul.f32 v43, v9;
	s6 =	smul.f32 s19, s6  }
0x1da: {  	v40 =	vadd.f32 v38, v39;
	v36 =	vadd.f32 v42, v47;
	v38 =	vmul.f32 v43, v10;
	(xrf2) =	vadd.scan.msk.f32 $0xffff, v48  }
0x1db: {  	v53 =	vmul.f32 v43, v8;
	v48 =	vmul.f32 v43, v14;
	v39 =	vadd.f32 v41, v4;
	s6 =	sadd.f32 $1.500000000e+00, s6  }
.Ltmp2:
0x1dc: {  	v42 =	vmul.f32 v40, v40;
	v54 =	vmul.f32 v36, v36;
	v41 =	vadd.f32 v50, v51;
	(pc) =	sbr.rel @p0 .LBB2_6-.Ltmp2, $4  }
0x1dd: {  	v55 =	vmov s23;
	v47 =	vmul.f32 v43, v15;
	v49 =	vadd.f32 v49, v2;
	s19 =	smul.f32 s19, s6  }
0x1de: {  	v42 =	vadd.f32 v54, v42;
	v43 =	vmul.f32 v41, v41;
	v39 =	vadd.f32 v39, v52;
	v54 =	vld [tilespmem:s18+$0x30]  }
0x1df: {  	s18 =	sadd.s32 $0x80, s18;
	v38 =	vadd.f32 v49, v38;
	v52 =	vmul.f32 s19, v24;
	v50 =	vmul.f32 s19, v32;
	v32 =	vmovc v35;
	v35 =	vmovc v45  }
0x1e0: {  	v42 =	vadd.f32 v43, v42;
	v45 =	vmul.f32 v39, v39;
	v51 =	vmul.f32 s19, v58;
	v24 =	vmovc v30;
	v30 =	vmovc v57;
	v49 =	vld [tilespmem:s18+$0x20]  }
0x1e1: {  	_ =	sdelay $0x3  }
0x1e2: {  	v55 =	vld.idx.msk [tilespmem:v55+s24+$0x0], $0xffff  }
0x1e3: {  	v56 =	vld [tilespmem:s18+$0xFFFFFFC0]  }
0x1e4: {  	v57 =	vld [tilespmem:s18+$0xFFFFFFD0]  }
0x1e5: {  	v60 =	vld [tilespmem:s18+$0xFFFFFFE0]  }
0x1e6: {  	v58 =	vmul.f32 v38, v38;
	v43 =	vadd.f32 v46, v53;
	v42 =	vadd.f32 v45, v42  }
0x1e7: {  	v46 =	vld [tilespmem:s18+$0xFFFFFFF0];
	v44 =	vadd.f32 v44, v48;
	v53 =	vadd.f32 v54, v0;
	v54 =	vcvt.s32.f32 v55  }
0x1e8: {  	v61 =	vmul.f32 v43, v43;
	v42 =	vadd.f32 v58, v42;
	v48 =	vadd.f32 v56, v7  }
0x1e9: {  	v59 =	vld [tilespmem:s18+$0x0];
	v56 =	vadd.f32 v57, v6;
	v57 =	vmul.f32 v54, v12;
	v58 =	vmul.f32 v54, v13  }
0x1ea: {  	v55 =	vadd.f32 v61, v42;
	v60 =	vadd.f32 v60, v5  }
0x1eb: {  	v61 =	vmul.f32 v54, v11;
	v45 =	vadd.f32 v57, v48;
	v42 =	vadd.f32 v56, v58  }
0x1ec: {  	v53 =	vadd.f32 v53, v47;
	v48 =	vmul.f32 v54, v9;
	v57 =	vadd.f32 v46, v4  }
0x1ed: {  	v58 =	vld [tilespmem:s18+$0x10];
	v46 =	vadd.f32 v60, v61;
	v62 =	vmul.f32 v45, v45;
	v60 =	vmul.f32 v42, v42  }
0x1ee: {  	v59 =	vadd.f32 v59, v2;
	v47 =	vmul.f32 v54, v10;
	v56 =	vmul.f32 v44, v44  }
0x1ef: {  	v61 =	vmul.f32 v46, v46;
	v48 =	vadd.f32 v57, v48;
	v60 =	vadd.f32 v60, v62  }
0x1f0: {  	v55 =	vadd.f32 v56, v55;
	v56 =	vmul.f32 v53, v53  }
0x1f1: {  	v47 =	vadd.f32 v59, v47;
	v59 =	vadd.f32 v61, v60;
	v60 =	vmul.f32 v48, v48  }
0x1f2: {  	v57 =	vld [tilespmem:s18+$0x30];
	v55 =	vadd.f32 v56, v55;
	v58 =	vadd.f32 v58, v3  }
0x1f3: {  	v61 =	vmul.f32 v54, v8;
	v56 =	vadd.f32 v60, v59;
	v59 =	vmul.f32 v47, v47  }
0x1f4: {  	v60 =	vadd.f32 v49, v1  }
0x1f5: {  	v62 =	vmul.f32 v54, v14;
	v49 =	vadd.f32 v58, v61;
	v63 =	vadd.f32 v59, v56  }
0x1f6: {  	(xrf2) =	vadd.scan.msk.f32 $0xffff, v55;
	v54 =	vmul.f32 v54, v15  }
0x1f7: {  	v61 =	vadd.f32 v57, v0;
	v57 =	vadd.f32 v60, v62;
	v62 =	vmul.f32 v49, v49;
	_ =	sdelay $0x1  }
0x1f8: {  	v54 =	vadd.f32 v61, v54;
	v55 =	vadd.f32 v62, v63;
	v60 =	vmul.f32 v57, v57;
	v63, _, _ =	vpop (xrf2)  }
0x1f9: {  	(v2sf) =	vpush v63, $0xF  }
0x1fa: {  	v61 =	vmul.f32 v54, v54;
	v55 =	vadd.f32 v60, v55;
	_ =	sdelay $0x1  }
0x1fb: {  	v55 =	vadd.f32 v61, v55;
	_ =	sdelay $0x1  }
0x1fc: {  	(xrf2) =	vadd.scan.msk.f32 $0xffff, v55  }
0x1fd: {  	s6 =	spop (v2sf);
	v62, _, _ =	vpop (xrf2)  }
0x1fe: {  	s6 =	smul.f32 $7.812500000e-03, s6;
	(v2sf) =	vpush v62, $0xF;
	_ =	sdelay $0x1  }
0x1ff: {  	s6 =	sadd.f32 $9.999999960e-13, s6;
	_ =	sdelay $0x1  }
0x200: {  	s21 =	sshrl.u32 s6, $0x1;
	s6 =	smul.f32 $-5.000000000e-01, s6  }
0x201: {  	s18 =	ssub.s32 $0x5F3759DF, s21  }
0x202: {  	s6 =	smul.f32 s18, s6;
	_ =	sdelay $0x1  }
0x203: {  	s6 =	smul.f32 s18, s6;
	v63, _, _ =	vpop (xrf2);
	s21 =	spop (v2sf)  }
0x204: {  	[tilespmem:s20+$0xFFFFFFC0] =	vst v52;
	(v2sf) =	vpush v63, $0xF;
	s21 =	smul.f32 $7.812500000e-03, s21  }
0x205: {  	v19 =	vmul.f32 s19, v19;
	[tilespmem:s20+$0x30] =	vst v50;
	s6 =	sadd.f32 $1.500000000e+00, s6  }
0x206: {  	v16 =	vmul.f32 s19, v16;
	[tilespmem:s20+$0xFFFFFFE0] =	vst v51;
	s21 =	sadd.f32 $9.999999960e-13, s21  }
0x207: {  	v23 =	vmul.f32 s19, v23;
	[tilespmem:s20+$0x10] =	vst v19;
	s6 =	smul.f32 s18, s6  }
0x208: {  	v18 =	vmul.f32 s19, v18;
	[tilespmem:s20+$0xFFFFFFF0] =	vst v16;
	s23 =	sshrl.u32 s21, $0x1;
	s21 =	smul.f32 $-5.000000000e-01, s21  }
0x209: {  	v16 =	vmul.f32 s19, v25;
	[tilespmem:s20+$0x20] =	vst v23;
	s18 =	ssub.s32 $0x5F3759DF, s23  }
0x20a: {  	[tilespmem:s20+$0xFFFFFFD0] =	vst v18;
	v18 =	vmul.f32 s6, v24;
	s19 =	spop (v2sf);
	s21 =	smul.f32 s18, s21  }
0x20b: {  	[tilespmem:s20+$0x0] =	vst v16;
	v16 =	vmul.f32 s6, v32;
	s19 =	smul.f32 $7.812500000e-03, s19;
	s23 =	sadd.s32 $0x80, s29  }
0x20c: {  	v19 =	vmul.f32 s6, v21;
	[tilespmem:s23+$0xFFFFFFC0] =	vst v18;
	s21 =	smul.f32 s18, s21  }
0x20d: {  	v17 =	vmul.f32 s6, v17;
	s19 =	sadd.f32 $9.999999960e-13, s19;
	[tilespmem:s23+$0x30] =	vst v16  }
0x20e: {  	v18 =	vmul.f32 s6, v27;
	[tilespmem:s23+$0xFFFFFFE0] =	vst v19;
	s20 =	sadd.f32 $1.500000000e+00, s21  }
0x20f: {  	v16 =	vmul.f32 s6, v22;
	[tilespmem:s23+$0xFFFFFFD0] =	vst v17;
	s21 =	sshrl.u32 s19, $0x1;
	s19 =	smul.f32 $-5.000000000e-01, s19  }
0x210: {  	v19 =	vmul.f32 s6, v26;
	[tilespmem:s23+$0x10] =	vst v18;
	s18 =	smul.f32 s18, s20;
	s20 =	ssub.s32 $0x5F3759DF, s21  }
0x211: {  	[tilespmem:s23+$0xFFFFFFF0] =	vst v16;
	v16 =	vmul.f32 s6, v20;
	s21 =	smul.f32 s20, s19  }
0x212: {  	[tilespmem:s23+$0x20] =	vst v19;
	v17 =	vmul.f32 s18, v30  }
0x213: {  	[tilespmem:s23+$0x0] =	vst v16;
	s19 =	sadd.s32 $0x80, s23;
	v16 =	vmul.f32 s18, v35;
	s23 =	spop (v2sf);
	s6 =	smul.f32 s20, s21  }
0x214: {  	v18 =	vmul.f32 s18, v31;
	s21 =	smul.f32 $7.812500000e-03, s23;
	[tilespmem:s19+$0xFFFFFFC0] =	vst v17  }
0x215: {  	v17 =	vmul.f32 s18, v33;
	[tilespmem:s19+$0x30] =	vst v16;
	s6 =	sadd.f32 $1.500000000e+00, s6  }
0x216: {  	v16 =	vmul.f32 s18, v37;
	[tilespmem:s19+$0xFFFFFFE0] =	vst v18;
	s21 =	sadd.f32 $9.999999960e-13, s21  }
0x217: {  	v18 =	vmul.f32 s18, v34;
	[tilespmem:s19+$0x10] =	vst v17;
	s6 =	smul.f32 s20, s6  }
0x218: {  	v17 =	vmul.f32 s18, v28;
	[tilespmem:s19+$0xFFFFFFF0] =	vst v16;
	s23 =	sshrl.u32 s21, $0x1;
	s21 =	smul.f32 $-5.000000000e-01, s21  }
0x219: {  	v16 =	vmul.f32 s18, v29;
	[tilespmem:s19+$0x20] =	vst v18;
	s23 =	ssub.s32 $0x5F3759DF, s23  }
0x21a: {  	[tilespmem:s19+$0xFFFFFFD0] =	vst v17;
	v17 =	vmul.f32 s6, v40;
	s20 =	smul.f32 s23, s21  }
0x21b: {  	[tilespmem:s19+$0x0] =	vst v16;
	s21 =	sadd.s32 $0x80, s19;
	v16 =	vmul.f32 s6, v53  }
0x21c: {  	v18 =	vmul.f32 s6, v41;
	[tilespmem:s21+$0xFFFFFFC0] =	vst v17;
	s20 =	smul.f32 s23, s20  }
0x21d: {  	v17 =	vmul.f32 s6, v43;
	[tilespmem:s21+$0x30] =	vst v16  }
0x21e: {  	v16 =	vmul.f32 s6, v39;
	[tilespmem:s21+$0xFFFFFFE0] =	vst v18;
	s19 =	sadd.f32 $1.500000000e+00, s20  }
0x21f: {  	v18 =	vmul.f32 s6, v44;
	[tilespmem:s21+$0x10] =	vst v17  }
0x220: {  	v17 =	vmul.f32 s6, v36;
	[tilespmem:s21+$0xFFFFFFF0] =	vst v16;
	s18 =	smul.f32 s23, s19  }
0x221: {  	v16 =	vmul.f32 s6, v38;
	[tilespmem:s21+$0x20] =	vst v18  }
0x222: {  	[tilespmem:s21+$0xFFFFFFD0] =	vst v17;
	v17 =	vmul.f32 s18, v45  }
0x223: {  	s23 =	sadd.s32 $0x80, s21;
	[tilespmem:s21+$0x0] =	vst v16;
	v16 =	vmul.f32 s18, v54  }
0x224: {  	v18 =	vmul.f32 s18, v46;
	[tilespmem:s23+$0xFFFFFFC0] =	vst v17  }
0x225: {  	v17 =	vmul.f32 s18, v49;
	[tilespmem:s23+$0x30] =	vst v16  }
0x226: {  	v16 =	vmul.f32 s18, v48;
	[tilespmem:s23+$0xFFFFFFE0] =	vst v18  }
0x227: {  	v18 =	vmul.f32 s18, v57;
	[tilespmem:s23+$0x10] =	vst v17  }
0x228: {  	v17 =	vmul.f32 s18, v42;
	[tilespmem:s23+$0xFFFFFFF0] =	vst v16  }
0x229: {  	v16 =	vmul.f32 s18, v47;
	[tilespmem:s23+$0x20] =	vst v18  }
0x22a: {  	[tilespmem:s23+$0xFFFFFFD0] =	vst v17  }
0x22b: {  	[tilespmem:s23+$0x0] =	vst v16  }
0x22c: {  	[hbm4b:s9+s4] =	stream.linear.scatter [tilespmem:s28], [sflag:$0x5], $0x4000, $0x38;
	[tilespmem:$0x18900] =	vst v63  }
0x22d: {  	s20 =	simm.s32 $0x300;
	s19 =	simm.s32 $0x8900  }
0x22e: {  	[tilespmem:s19], [sflag:$0x3] =	stream.indirect.gather [hbm4b:s1+s17], $0x80, s20, s17, $0xb8;
	[tilespmem:$0x18900] =	vst v63  }
0x22f: {  	s21 =	simm.s32 $0x180;
	_ =	swait.ge [sflag:s22], $0x4000  }
0x230: {  	v16 =	vmov s21;
	[sflag:s22] =	ssyncset.done $0x0  }
0x231: {  	[sflag:s22] =	ssyncadd.s32 $0xFFFFC000  }
0x232: {  	_ =	swait.ge [sflag:s25], $0x4000  }
0x233: {  	[sflag:s25] =	ssyncset.done $0x0  }
0x234: {  	[sflag:s25] =	ssyncadd.s32 $0xFFFFC000  }
0x235: {  	s23 =	simm.s32 $0xC940;
	v16 =	vld.idx.msk [tilespmem:v16+s24+$0x0], $0xffff  }
0x236: {  	v17 =	vld [tilespmem:s23+$0xFFFFFFC0]  }
0x237: {  	v18 =	vld [tilespmem:s23+$0xFFFFFFD0]  }
0x238: {  	v19 =	vld [tilespmem:s23+$0xFFFFFFE0];
	_ =	sdelay $0x1  }
0x239: {  	v20 =	vcvt.s32.f32 v16  }
0x23a: {  	v16 =	vld [tilespmem:s23+$0xFFFFFFF0];
	v17 =	vadd.f32 v17, v7  }
0x23b: {  	v23 =	vld [tilespmem:s23+$0x0];
	v18 =	vadd.f32 v18, v6;
	v21 =	vmul.f32 v20, v12;
	v22 =	vmul.f32 v20, v13  }
0x23c: {  	v19 =	vadd.f32 v19, v5;
	v25 =	vmul.f32 v20, v11  }
0x23d: {  	v24 =	vld [tilespmem:s23+$0x10];
	v42 =	vadd.f32 v21, v17;
	v18 =	vadd.f32 v18, v22  }
0x23e: {  	v17 =	vmul.f32 v20, v9;
	v43 =	vadd.f32 v19, v25  }
0x23f: {  	s19 =	simm.s32 $0x181;
	v16 =	vadd.f32 v16, v4;
	v22 =	vmul.f32 v42, v42;
	v26 =	vmul.f32 v18, v18  }
0x240: {  	v27 =	vmov s19;
	v23 =	vadd.f32 v23, v2;
	v21 =	vld [tilespmem:s23+$0x20];
	v19 =	vmul.f32 v20, v10  }
0x241: {  	v16 =	vadd.f32 v16, v17;
	v17 =	vld [tilespmem:s23+$0x30];
	v22 =	vadd.f32 v26, v22;
	v26 =	vmul.f32 v43, v43  }
0x242: {  	v24 =	vadd.f32 v24, v3;
	v28 =	vmul.f32 v20, v8;
	v25 =	vadd.f32 v23, v19  }
0x243: {  	v23 =	vmul.f32 v16, v16;
	v22 =	vadd.f32 v26, v22  }
0x244: {  	v19 =	vadd.f32 v24, v28;
	v29 =	vmul.f32 v25, v25  }
0x245: {  	v21 =	vadd.f32 v21, v1;
	v26 =	vmul.f32 v20, v14;
	v22 =	vadd.f32 v23, v22  }
0x246: {  	v20 =	vmul.f32 v20, v15;
	v17 =	vadd.f32 v17, v0  }
0x247: {  	s20 =	simm.s32 $0xC9C0;
	v24 =	vld.idx.msk [tilespmem:v27+s24+$0x0], $0xffff;
	v23 =	vadd.f32 v21, v26;
	v22 =	vadd.f32 v29, v22;
	v29 =	vmul.f32 v19, v19  }
0x248: {  	v28 =	vld [tilespmem:s20+$0xFFFFFFC0]  }
0x249: {  	v27 =	vld [tilespmem:s20+$0xFFFFFFD0];
	v26 =	vmul.f32 v23, v23;
	v45 =	vadd.f32 v17, v20;
	v22 =	vadd.f32 v29, v22  }
0x24a: {  	v21 =	vld [tilespmem:s20+$0xFFFFFFE0]  }
0x24b: {  	v17 =	vadd.f32 v26, v22;
	v22 =	vmul.f32 v45, v45  }
0x24c: {  	v20 =	vld [tilespmem:s20+$0xFFFFFFF0];
	v29 =	vcvt.s32.f32 v24  }
0x24d: {  	v24 =	vadd.f32 v28, v7;
	v22 =	vadd.f32 v22, v17  }
0x24e: {  	v30 =	vld [tilespmem:s20+$0x0];
	v26 =	vadd.f32 v27, v6;
	v27 =	vmul.f32 v29, v12;
	v28 =	vmul.f32 v29, v13  }
0x24f: {  	v21 =	vadd.f32 v21, v5;
	(xrf2) =	vadd.scan.msk.f32 $0xffff, v22  }
0x250: {  	v31 =	vld [tilespmem:s20+$0x10];
	v56 =	vmul.f32 v29, v11;
	v24 =	vadd.f32 v27, v24;
	v17 =	vadd.f32 v26, v28  }
0x251: {  	v20 =	vadd.f32 v20, v4;
	v22 =	vmul.f32 v29, v9  }
0x252: {  	s21 =	simm.s32 $0x182;
	v26 =	vld [tilespmem:s20+$0x20];
	v21 =	vadd.f32 v21, v56;
	v27 =	vmul.f32 v24, v24;
	v28 =	vmul.f32 v17, v17  }
0x253: {  	v58 =	vmov s21;
	v30 =	vadd.f32 v30, v2;
	v57 =	vmul.f32 v29, v10  }
0x254: {  	v59 =	vld [tilespmem:s20+$0x30];
	v27 =	vadd.f32 v28, v27;
	v28 =	vmul.f32 v21, v21;
	v22 =	vadd.f32 v20, v22  }
0x255: {  	v31 =	vadd.f32 v31, v3;
	v60 =	vmul.f32 v29, v8  }
0x256: {  	v20 =	vadd.f32 v30, v57;
	v28 =	vadd.f32 v28, v27;
	v30 =	vmul.f32 v22, v22  }
0x257: {  	s23 =	simm.s32 $0xCA40;
	v61 =	vmul.f32 v29, v14;
	v26 =	vadd.f32 v26, v1  }
0x258: {  	v40 =	vld [tilespmem:s23+$0xFFFFFFC0];
	v62 =	vmul.f32 v20, v20;
	v27 =	vadd.f32 v31, v60;
	v28 =	vadd.f32 v30, v28  }
0x259: {  	v63 =	vadd.f32 v59, v0;
	v29 =	vmul.f32 v29, v15;
	v31 =	vld.idx.msk [tilespmem:v58+s24+$0x0], $0xffff;
	v26 =	vadd.f32 v26, v61;
	v41, _, _ =	vpop (xrf2)  }
0x25a: {  	v30 =	vld [tilespmem:s23+$0xFFFFFFD0];
	v35 =	vmul.f32 v27, v27;
	v28 =	vadd.f32 v62, v28;
	(v2sf) =	vpush v41, $0xF;
	_ =	sdelay $0x1  }
0x25b: {  	v44 =	vld [tilespmem:s23+$0xFFFFFFE0];
	v32 =	vadd.f32 v63, v29;
	v46 =	vmul.f32 v26, v26;
	v28 =	vadd.f32 v35, v28;
	_ =	sdelay $0x1  }
0x25c: {  	v29 =	vld [tilespmem:s23+$0xFFFFFFF0];
	v38 =	vcvt.s32.f32 v31;
	v31 =	vmul.f32 v32, v32;
	v28 =	vadd.f32 v46, v28  }
0x25d: {  	v47 =	vadd.f32 v40, v7;
	v48 =	vadd.f32 v30, v6  }
0x25e: {  	v50 =	vld [tilespmem:s23+$0x0];
	v30 =	vmul.f32 v38, v12;
	v49 =	vmul.f32 v38, v13;
	v31 =	vadd.f32 v31, v28  }
0x25f: {  	v36 =	vadd.f32 v44, v5  }
0x260: {  	v51 =	vld [tilespmem:s23+$0x10];
	v52 =	vmul.f32 v38, v11;
	v30 =	vadd.f32 v30, v47;
	v28 =	vadd.f32 v48, v49;
	(xrf2) =	vadd.scan.msk.f32 $0xffff, v31  }
0x261: {  	v29 =	vadd.f32 v29, v4;
	v53 =	vmul.f32 v38, v9  }
0x262: {  	s19 =	simm.s32 $0x183;
	v54 =	vld [tilespmem:s23+$0x20];
	v55 =	vmul.f32 v30, v30;
	v56 =	vmul.f32 v28, v28;
	v31 =	vadd.f32 v36, v52  }
0x263: {  	v59 =	vadd.f32 v50, v2;
	v58 =	vmov s19;
	v57 =	vmul.f32 v38, v10  }
0x264: {  	s18 =	simm.s32 $0xCAC0;
	v61 =	vld [tilespmem:s23+$0x30];
	v37 =	vadd.f32 v29, v53;
	v35 =	vadd.f32 v56, v55;
	v60 =	vmul.f32 v31, v31  }
0x265: {  	v39 =	vld [tilespmem:s18+$0xFFFFFFF0];
	v62 =	vadd.f32 v51, v3;
	v63 =	vmul.f32 v38, v8  }
0x266: {  	v29 =	vadd.f32 v59, v57;
	v47 =	vld [tilespmem:s18+$0x10];
	v52 =	vmul.f32 v37, v37;
	v35 =	vadd.f32 v60, v35  }
0x267: {  	v34 =	vadd.f32 v54, v1;
	v53 =	vmul.f32 v38, v14;
	v36 =	vld [tilespmem:s18+$0x20];
	s20 =	spop (v2sf)  }
0x268: {  	v33 =	vadd.f32 v62, v63;
	v54 =	vmul.f32 v29, v29;
	v55 =	vld.idx.msk [tilespmem:v58+s24+$0x0], $0xffff;
	v35 =	vadd.f32 v52, v35;
	s6 =	smul.f32 $7.812500000e-03, s20  }
0x269: {  	v38 =	vmul.f32 v38, v15;
	v59 =	vadd.f32 v61, v0;
	v60 =	vld [tilespmem:s18+$0xFFFFFFC0]  }
0x26a: {  	v61 =	vmul.f32 v33, v33;
	v34 =	vadd.f32 v34, v53;
	v56 =	vld [tilespmem:s18+$0xFFFFFFD0];
	v35 =	vadd.f32 v54, v35;
	v62, _, _ =	vpop (xrf2);
	s6 =	sadd.f32 $9.999999960e-13, s6  }
0x26b: {  	v39 =	vadd.f32 v39, v4;
	v63 =	vld [tilespmem:s18+$0xFFFFFFE0];
	(v2sf) =	vpush v62, $0xF  }
0x26c: {  	v58 =	vmul.f32 v34, v34;
	v57 =	vadd.f32 v61, v35;
	v35 =	vadd.f32 v59, v38;
	s21 =	sshrl.u32 s6, $0x1;
	s6 =	smul.f32 $-5.000000000e-01, s6  }
0x26d: {  	v51 =	vld [tilespmem:s18+$0x0];
	v46 =	vadd.f32 v47, v3;
	v44 =	vadd.f32 v36, v1;
	v38 =	vcvt.s32.f32 v55;
	s19 =	ssub.s32 $0x5F3759DF, s21  }
0x26e: {  	v47 =	vadd.f32 v60, v7;
	v59 =	vadd.f32 v58, v57;
	v41 =	vmul.f32 v35, v35;
	s6 =	smul.f32 s19, s6  }
0x26f: {  	v60 =	vadd.f32 v56, v6;
	v61 =	vmul.f32 v38, v12;
	v62 =	vmul.f32 v38, v13  }
0x270: {  	v54 =	vmul.f32 v38, v9;
	v56 =	vadd.f32 v41, v59;
	v41 =	vadd.f32 v63, v5;
	s6 =	smul.f32 s19, s6  }
0x271: {  	v63 =	vmul.f32 v38, v11;
	v40 =	vadd.f32 v61, v47;
	v36 =	vadd.f32 v60, v62  }
0x272: {  	v51 =	vadd.f32 v51, v2;
	v53 =	vmul.f32 v38, v8;
	v48 =	vmul.f32 v38, v14;
	(xrf2) =	vadd.scan.msk.f32 $0xffff, v56;
	s6 =	sadd.f32 $1.500000000e+00, s6  }
0x273: {  	s23 =	simm.s32 $0x184;
	v61 =	vmul.f32 v40, v40;
	v62 =	vmul.f32 v36, v36;
	v41 =	vadd.f32 v41, v63  }
0x274: {  	v55 =	vmov s23;
	v60 =	vmul.f32 v38, v10;
	v47 =	vmul.f32 v38, v15;
	s19 =	smul.f32 s19, s6  }
0x275: {  	v39 =	vadd.f32 v39, v54;
	v57 =	vadd.f32 v62, v61;
	v63 =	vmul.f32 v41, v41  }
0x276: {  	v54 =	vld [tilespmem:s18+$0x30];
	s18 =	simm.s32 $0xCB40;
	v38 =	vadd.f32 v51, v60;
	v52 =	vmul.f32 s19, v42;
	v50 =	vmul.f32 s19, v45  }
0x277: {  	s29 =	simm.s32 $0x14940;
	s20 =	simm.s32 $0x14940;
	v49 =	vld [tilespmem:s18+$0x20];
	s21 =	simm.s32 $0x185;
	v42 =	vadd.f32 v63, v57;
	v45 =	vmul.f32 v39, v39;
	v51 =	vmul.f32 s19, v43  }
.LBB2_8:
0x278: {  	p0 =	sne.s32 s21, $0x1FF;
	v43 =	vld [tilespmem:s18+$0x10];
	v56 =	vmul.f32 v38, v38;
	v46 =	vadd.f32 v46, v53;
	[tilespmem:s20+$0xFFFFFFC0] =	vst v52;
	v52 =	vmul.f32 s19, v16;
	v57 =	vmovc v40  }
0x279: {  	s29 =	sadd.s32 $0x80, s29;
	v58 =	vmovc v21;
	v21 =	vmovc v31;
	v31 =	vmov v41;
	v16 =	vmov v22;
	v22 =	vmov v37;
	s23 =	smov.u32 s21;
	s21 =	sadd.s32 $0x1, s21  }
0x27a: {  	v41 =	vmul.f32 s19, v18;
	v53 =	vmul.f32 s19, v19;
	v19 =	vmovc v27;
	v37 =	vld.idx.msk [tilespmem:v55+s24+$0x0], $0xffff;
	v40 =	vadd.f32 v45, v42;
	s6 =	spop (v2sf);
	[tilespmem:s20+$0x30] =	vst v50  }
0x27b: {  	v25 =	vmul.f32 s19, v25;
	v27 =	vmovc v33;
	v50 =	vmul.f32 s19, v23;
	v42 =	vld [tilespmem:s18+$0xFFFFFFD0];
	v45 =	vadd.f32 v54, v0;
	s6 =	smul.f32 $7.812500000e-03, s6;
	[tilespmem:s20+$0xFFFFFFE0] =	vst v51;
	v33 =	vmovc v46  }
0x27c: {  	v48 =	vadd.f32 v44, v48;
	v51 =	vld [tilespmem:s18+$0xFFFFFFC0];
	v40 =	vadd.f32 v56, v40;
	v46 =	vmul.f32 v46, v33;
	v23, _, _ =	vpop (xrf2);
	[tilespmem:s20+$0x10] =	vst v53  }
0x27d: {  	v18 =	vmovc v17;
	v17 =	vmovc v28;
	(v2sf) =	vpush v23, $0xF;
	s6 =	sadd.f32 $9.999999960e-13, s6;
	[tilespmem:s20+$0xFFFFFFF0] =	vst v52;
	v23 =	vmov v26;
	v26 =	vmov v34  }
0x27e: {  	v53 =	vmul.f32 v48, v48;
	v45 =	vadd.f32 v45, v47;
	v52 =	vld [tilespmem:s18+$0xFFFFFFE0];
	v40 =	vadd.f32 v46, v40;
	[tilespmem:s20+$0x20] =	vst v50  }
0x27f: {  	v28 =	vmovc v36;
	v44 =	vadd.f32 v49, v1;
	v34 =	vmov v48;
	v46 =	vadd.f32 v43, v3;
	s19 =	sshrl.u32 s6, $0x1;
	s6 =	smul.f32 $-5.000000000e-01, s6;
	[tilespmem:s20+$0xFFFFFFD0] =	vst v41  }
0x280: {  	v43 =	vcvt.s32.f32 v37;
	v37 =	vmovc v39;
	v41 =	vld [tilespmem:s18+$0xFFFFFFF0];
	v36 =	vadd.f32 v53, v40;
	v40 =	vmul.f32 v45, v45;
	s19 =	ssub.s32 $0x5F3759DF, s19;
	[tilespmem:s20+$0x0] =	vst v25;
	s20 =	smov.u32 s29  }
0x281: {  	v42 =	vadd.f32 v42, v6;
	v25 =	vmovc v20;
	v20 =	vmovc v29;
	v29 =	vmov v38;
	v39 =	vadd.f32 v51, v7;
	s6 =	smul.f32 s19, s6  }
0x282: {  	v38 =	vmul.f32 v43, v12;
	v47 =	vmul.f32 v43, v13;
	v49 =	vld [tilespmem:s18+$0x0];
	v48 =	vadd.f32 v40, v36  }
0x283: {  	v51 =	vmul.f32 v43, v11;
	v50 =	vadd.f32 v52, v5;
	v52 =	vmul.f32 v43, v9;
	s6 =	smul.f32 s19, s6  }
0x284: {  	v40 =	vadd.f32 v38, v39;
	v36 =	vadd.f32 v42, v47;
	v38 =	vmul.f32 v43, v10;
	(xrf2) =	vadd.scan.msk.f32 $0xffff, v48  }
0x285: {  	v53 =	vmul.f32 v43, v8;
	v48 =	vmul.f32 v43, v14;
	v39 =	vadd.f32 v41, v4;
	s6 =	sadd.f32 $1.500000000e+00, s6  }
.Ltmp3:
0x286: {  	v42 =	vmul.f32 v40, v40;
	v54 =	vmul.f32 v36, v36;
	v41 =	vadd.f32 v50, v51;
	(pc) =	sbr.rel @p0 .LBB2_8-.Ltmp3, $4  }
0x287: {  	v55 =	vmov s23;
	v47 =	vmul.f32 v43, v15;
	v49 =	vadd.f32 v49, v2;
	s19 =	smul.f32 s19, s6  }
0x288: {  	v42 =	vadd.f32 v54, v42;
	v43 =	vmul.f32 v41, v41;
	v39 =	vadd.f32 v39, v52;
	v54 =	vld [tilespmem:s18+$0x30]  }
0x289: {  	s18 =	sadd.s32 $0x80, s18;
	v38 =	vadd.f32 v49, v38;
	v52 =	vmul.f32 s19, v24;
	v50 =	vmul.f32 s19, v32;
	v32 =	vmovc v35;
	v35 =	vmovc v45  }
0x28a: {  	v42 =	vadd.f32 v43, v42;
	v45 =	vmul.f32 v39, v39;
	v51 =	vmul.f32 s19, v58;
	v24 =	vmovc v30;
	v30 =	vmovc v57;
	v49 =	vld [tilespmem:s18+$0x20]  }
0x28b: {  	_ =	sdelay $0x3  }
0x28c: {  	v55 =	vld.idx.msk [tilespmem:v55+s24+$0x0], $0xffff  }
0x28d: {  	v56 =	vld [tilespmem:s18+$0xFFFFFFC0]  }
0x28e: {  	v57 =	vld [tilespmem:s18+$0xFFFFFFD0]  }
0x28f: {  	v60 =	vld [tilespmem:s18+$0xFFFFFFE0]  }
0x290: {  	v58 =	vmul.f32 v38, v38;
	v43 =	vadd.f32 v46, v53;
	v42 =	vadd.f32 v45, v42  }
0x291: {  	v46 =	vld [tilespmem:s18+$0xFFFFFFF0];
	v44 =	vadd.f32 v44, v48;
	v53 =	vadd.f32 v54, v0;
	v54 =	vcvt.s32.f32 v55  }
0x292: {  	v61 =	vmul.f32 v43, v43;
	v42 =	vadd.f32 v58, v42;
	v48 =	vadd.f32 v56, v7  }
0x293: {  	v59 =	vld [tilespmem:s18+$0x0];
	v56 =	vadd.f32 v57, v6;
	v57 =	vmul.f32 v54, v12;
	v58 =	vmul.f32 v54, v13  }
0x294: {  	v55 =	vadd.f32 v61, v42;
	v60 =	vadd.f32 v60, v5  }
0x295: {  	v61 =	vmul.f32 v54, v11;
	v45 =	vadd.f32 v57, v48;
	v42 =	vadd.f32 v56, v58  }
0x296: {  	v53 =	vadd.f32 v53, v47;
	v48 =	vmul.f32 v54, v9;
	v57 =	vadd.f32 v46, v4  }
0x297: {  	v58 =	vld [tilespmem:s18+$0x10];
	v46 =	vadd.f32 v60, v61;
	v62 =	vmul.f32 v45, v45;
	v60 =	vmul.f32 v42, v42  }
0x298: {  	v59 =	vadd.f32 v59, v2;
	v47 =	vmul.f32 v54, v10;
	v56 =	vmul.f32 v44, v44  }
0x299: {  	v61 =	vmul.f32 v46, v46;
	v48 =	vadd.f32 v57, v48;
	v60 =	vadd.f32 v60, v62  }
0x29a: {  	v55 =	vadd.f32 v56, v55;
	v56 =	vmul.f32 v53, v53  }
0x29b: {  	v47 =	vadd.f32 v59, v47;
	v59 =	vadd.f32 v61, v60;
	v60 =	vmul.f32 v48, v48  }
0x29c: {  	v57 =	vld [tilespmem:s18+$0x30];
	v55 =	vadd.f32 v56, v55;
	v58 =	vadd.f32 v58, v3  }
0x29d: {  	v61 =	vmul.f32 v54, v8;
	v56 =	vadd.f32 v60, v59;
	v59 =	vmul.f32 v47, v47  }
0x29e: {  	v60 =	vadd.f32 v49, v1  }
0x29f: {  	v62 =	vmul.f32 v54, v14;
	v49 =	vadd.f32 v58, v61;
	v63 =	vadd.f32 v59, v56  }
0x2a0: {  	(xrf2) =	vadd.scan.msk.f32 $0xffff, v55;
	v54 =	vmul.f32 v54, v15  }
0x2a1: {  	v61 =	vadd.f32 v57, v0;
	v57 =	vadd.f32 v60, v62;
	v62 =	vmul.f32 v49, v49;
	_ =	sdelay $0x1  }
0x2a2: {  	v54 =	vadd.f32 v61, v54;
	v55 =	vadd.f32 v62, v63;
	v60 =	vmul.f32 v57, v57;
	v63, _, _ =	vpop (xrf2)  }
0x2a3: {  	(v2sf) =	vpush v63, $0xF  }
0x2a4: {  	v61 =	vmul.f32 v54, v54;
	v55 =	vadd.f32 v60, v55;
	_ =	sdelay $0x1  }
0x2a5: {  	v55 =	vadd.f32 v61, v55;
	_ =	sdelay $0x1  }
0x2a6: {  	(xrf2) =	vadd.scan.msk.f32 $0xffff, v55  }
0x2a7: {  	s6 =	spop (v2sf);
	v62, _, _ =	vpop (xrf2)  }
0x2a8: {  	s6 =	smul.f32 $7.812500000e-03, s6;
	(v2sf) =	vpush v62, $0xF;
	_ =	sdelay $0x1  }
0x2a9: {  	s6 =	sadd.f32 $9.999999960e-13, s6;
	_ =	sdelay $0x1  }
0x2aa: {  	s21 =	sshrl.u32 s6, $0x1;
	s6 =	smul.f32 $-5.000000000e-01, s6  }
0x2ab: {  	s18 =	ssub.s32 $0x5F3759DF, s21  }
0x2ac: {  	s6 =	smul.f32 s18, s6;
	_ =	sdelay $0x1  }
0x2ad: {  	s6 =	smul.f32 s18, s6;
	v63, _, _ =	vpop (xrf2);
	s21 =	spop (v2sf)  }
0x2ae: {  	[tilespmem:s20+$0xFFFFFFC0] =	vst v52;
	(v2sf) =	vpush v63, $0xF;
	s21 =	smul.f32 $7.812500000e-03, s21  }
0x2af: {  	v19 =	vmul.f32 s19, v19;
	[tilespmem:s20+$0x30] =	vst v50;
	s6 =	sadd.f32 $1.500000000e+00, s6  }
0x2b0: {  	v16 =	vmul.f32 s19, v16;
	[tilespmem:s20+$0xFFFFFFE0] =	vst v51;
	s21 =	sadd.f32 $9.999999960e-13, s21  }
0x2b1: {  	v23 =	vmul.f32 s19, v23;
	[tilespmem:s20+$0x10] =	vst v19;
	s6 =	smul.f32 s18, s6  }
0x2b2: {  	v18 =	vmul.f32 s19, v18;
	[tilespmem:s20+$0xFFFFFFF0] =	vst v16;
	s23 =	sshrl.u32 s21, $0x1;
	s21 =	smul.f32 $-5.000000000e-01, s21  }
0x2b3: {  	v16 =	vmul.f32 s19, v25;
	[tilespmem:s20+$0x20] =	vst v23;
	s18 =	ssub.s32 $0x5F3759DF, s23  }
0x2b4: {  	[tilespmem:s20+$0xFFFFFFD0] =	vst v18;
	v18 =	vmul.f32 s6, v24;
	s19 =	spop (v2sf);
	s21 =	smul.f32 s18, s21  }
0x2b5: {  	[tilespmem:s20+$0x0] =	vst v16;
	v16 =	vmul.f32 s6, v32;
	s19 =	smul.f32 $7.812500000e-03, s19;
	s23 =	sadd.s32 $0x80, s29  }
0x2b6: {  	v19 =	vmul.f32 s6, v21;
	[tilespmem:s23+$0xFFFFFFC0] =	vst v18;
	s21 =	smul.f32 s18, s21  }
0x2b7: {  	v17 =	vmul.f32 s6, v17;
	s19 =	sadd.f32 $9.999999960e-13, s19;
	[tilespmem:s23+$0x30] =	vst v16  }
0x2b8: {  	v18 =	vmul.f32 s6, v27;
	[tilespmem:s23+$0xFFFFFFE0] =	vst v19;
	s20 =	sadd.f32 $1.500000000e+00, s21  }
0x2b9: {  	v16 =	vmul.f32 s6, v22;
	[tilespmem:s23+$0xFFFFFFD0] =	vst v17;
	s21 =	sshrl.u32 s19, $0x1;
	s19 =	smul.f32 $-5.000000000e-01, s19  }
0x2ba: {  	v19 =	vmul.f32 s6, v26;
	[tilespmem:s23+$0x10] =	vst v18;
	s18 =	smul.f32 s18, s20;
	s20 =	ssub.s32 $0x5F3759DF, s21  }
0x2bb: {  	[tilespmem:s23+$0xFFFFFFF0] =	vst v16;
	v16 =	vmul.f32 s6, v20;
	s21 =	smul.f32 s20, s19  }
0x2bc: {  	[tilespmem:s23+$0x20] =	vst v19;
	v17 =	vmul.f32 s18, v30  }
0x2bd: {  	[tilespmem:s23+$0x0] =	vst v16;
	s19 =	sadd.s32 $0x80, s23;
	v16 =	vmul.f32 s18, v35;
	s23 =	spop (v2sf);
	s6 =	smul.f32 s20, s21  }
0x2be: {  	v18 =	vmul.f32 s18, v31;
	s21 =	smul.f32 $7.812500000e-03, s23;
	[tilespmem:s19+$0xFFFFFFC0] =	vst v17  }
0x2bf: {  	v17 =	vmul.f32 s18, v33;
	[tilespmem:s19+$0x30] =	vst v16;
	s6 =	sadd.f32 $1.500000000e+00, s6  }
0x2c0: {  	v16 =	vmul.f32 s18, v37;
	[tilespmem:s19+$0xFFFFFFE0] =	vst v18;
	s21 =	sadd.f32 $9.999999960e-13, s21  }
0x2c1: {  	v18 =	vmul.f32 s18, v34;
	[tilespmem:s19+$0x10] =	vst v17;
	s6 =	smul.f32 s20, s6  }
0x2c2: {  	v17 =	vmul.f32 s18, v28;
	[tilespmem:s19+$0xFFFFFFF0] =	vst v16;
	s23 =	sshrl.u32 s21, $0x1;
	s21 =	smul.f32 $-5.000000000e-01, s21  }
0x2c3: {  	v16 =	vmul.f32 s18, v29;
	[tilespmem:s19+$0x20] =	vst v18;
	s23 =	ssub.s32 $0x5F3759DF, s23  }
0x2c4: {  	[tilespmem:s19+$0xFFFFFFD0] =	vst v17;
	v17 =	vmul.f32 s6, v40;
	s20 =	smul.f32 s23, s21  }
0x2c5: {  	[tilespmem:s19+$0x0] =	vst v16;
	s21 =	sadd.s32 $0x80, s19;
	v16 =	vmul.f32 s6, v53  }
0x2c6: {  	v18 =	vmul.f32 s6, v41;
	[tilespmem:s21+$0xFFFFFFC0] =	vst v17;
	s20 =	smul.f32 s23, s20  }
0x2c7: {  	v17 =	vmul.f32 s6, v43;
	[tilespmem:s21+$0x30] =	vst v16  }
0x2c8: {  	v16 =	vmul.f32 s6, v39;
	[tilespmem:s21+$0xFFFFFFE0] =	vst v18;
	s19 =	sadd.f32 $1.500000000e+00, s20  }
0x2c9: {  	v18 =	vmul.f32 s6, v44;
	[tilespmem:s21+$0x10] =	vst v17  }
0x2ca: {  	v17 =	vmul.f32 s6, v36;
	[tilespmem:s21+$0xFFFFFFF0] =	vst v16;
	s18 =	smul.f32 s23, s19  }
0x2cb: {  	v16 =	vmul.f32 s6, v38;
	[tilespmem:s21+$0x20] =	vst v18  }
0x2cc: {  	[tilespmem:s21+$0xFFFFFFD0] =	vst v17;
	v17 =	vmul.f32 s18, v45  }
0x2cd: {  	s23 =	sadd.s32 $0x80, s21;
	[tilespmem:s21+$0x0] =	vst v16;
	v16 =	vmul.f32 s18, v54  }
0x2ce: {  	v18 =	vmul.f32 s18, v46;
	[tilespmem:s23+$0xFFFFFFC0] =	vst v17  }
0x2cf: {  	v17 =	vmul.f32 s18, v49;
	[tilespmem:s23+$0x30] =	vst v16  }
0x2d0: {  	v16 =	vmul.f32 s18, v48;
	[tilespmem:s23+$0xFFFFFFE0] =	vst v18  }
0x2d1: {  	v18 =	vmul.f32 s18, v57;
	[tilespmem:s23+$0x10] =	vst v17  }
0x2d2: {  	v17 =	vmul.f32 s18, v42;
	[tilespmem:s23+$0xFFFFFFF0] =	vst v16  }
0x2d3: {  	v16 =	vmul.f32 s18, v47;
	[tilespmem:s23+$0x20] =	vst v18  }
0x2d4: {  	[tilespmem:s23+$0xFFFFFFD0] =	vst v17  }
0x2d5: {  	[tilespmem:s23+$0x0] =	vst v16  }
0x2d6: {  	[hbm4b:s10+s4] =	stream.linear.scatter [tilespmem:s31], [sflag:$0x6], $0x4000, $0x38;
	[tilespmem:$0x18900] =	vst v63  }
0x2d7: {  	s20 =	simm.s32 $0x380;
	s19 =	simm.s32 $0xC900  }
0x2d8: {  	[tilespmem:s19], [sflag:$0x4] =	stream.indirect.gather [hbm4b:s1+s17], $0x80, s20, s17, $0xb8;
	[tilespmem:$0x18900] =	vst v63  }
0x2d9: {  	s21 =	simm.s32 $0x200;
	_ =	swait.ge [sflag:s26], $0x4000  }
0x2da: {  	v16 =	vmov s21;
	[sflag:s26] =	ssyncset.done $0x0  }
0x2db: {  	[sflag:s26] =	ssyncadd.s32 $0xFFFFC000  }
0x2dc: {  	_ =	swait.ge [sflag:s2], $0x4000  }
0x2dd: {  	[sflag:s2] =	ssyncset.done $0x0  }
0x2de: {  	[sflag:s2] =	ssyncadd.s32 $0xFFFFC000  }
0x2df: {  	s23 =	simm.s32 $0x940;
	v16 =	vld.idx.msk [tilespmem:v16+s24+$0x0], $0xffff  }
0x2e0: {  	v17 =	vld [tilespmem:s23+$0xFFFFFFC0]  }
0x2e1: {  	v18 =	vld [tilespmem:s23+$0xFFFFFFD0]  }
0x2e2: {  	v19 =	vld [tilespmem:s23+$0xFFFFFFE0];
	_ =	sdelay $0x1  }
0x2e3: {  	v20 =	vcvt.s32.f32 v16  }
0x2e4: {  	v16 =	vld [tilespmem:s23+$0xFFFFFFF0];
	v17 =	vadd.f32 v17, v7  }
0x2e5: {  	v23 =	vld [tilespmem:s23+$0x0];
	v18 =	vadd.f32 v18, v6;
	v21 =	vmul.f32 v20, v12;
	v22 =	vmul.f32 v20, v13  }
0x2e6: {  	v19 =	vadd.f32 v19, v5;
	v25 =	vmul.f32 v20, v11  }
0x2e7: {  	v24 =	vld [tilespmem:s23+$0x10];
	v42 =	vadd.f32 v21, v17;
	v18 =	vadd.f32 v18, v22  }
0x2e8: {  	v17 =	vmul.f32 v20, v9;
	v43 =	vadd.f32 v19, v25  }
0x2e9: {  	s19 =	simm.s32 $0x201;
	v16 =	vadd.f32 v16, v4;
	v22 =	vmul.f32 v42, v42;
	v26 =	vmul.f32 v18, v18  }
0x2ea: {  	v27 =	vmov s19;
	v23 =	vadd.f32 v23, v2;
	v21 =	vld [tilespmem:s23+$0x20];
	v19 =	vmul.f32 v20, v10  }
0x2eb: {  	v16 =	vadd.f32 v16, v17;
	v17 =	vld [tilespmem:s23+$0x30];
	v22 =	vadd.f32 v26, v22;
	v26 =	vmul.f32 v43, v43  }
0x2ec: {  	v24 =	vadd.f32 v24, v3;
	v28 =	vmul.f32 v20, v8;
	v25 =	vadd.f32 v23, v19  }
0x2ed: {  	v23 =	vmul.f32 v16, v16;
	v22 =	vadd.f32 v26, v22  }
0x2ee: {  	v19 =	vadd.f32 v24, v28;
	v29 =	vmul.f32 v25, v25  }
0x2ef: {  	v21 =	vadd.f32 v21, v1;
	v26 =	vmul.f32 v20, v14;
	v22 =	vadd.f32 v23, v22  }
0x2f0: {  	v20 =	vmul.f32 v20, v15;
	v17 =	vadd.f32 v17, v0  }
0x2f1: {  	s20 =	simm.s32 $0x9C0;
	v24 =	vld.idx.msk [tilespmem:v27+s24+$0x0], $0xffff;
	v23 =	vadd.f32 v21, v26;
	v22 =	vadd.f32 v29, v22;
	v29 =	vmul.f32 v19, v19  }
0x2f2: {  	v28 =	vld [tilespmem:s20+$0xFFFFFFC0]  }
0x2f3: {  	v27 =	vld [tilespmem:s20+$0xFFFFFFD0];
	v26 =	vmul.f32 v23, v23;
	v45 =	vadd.f32 v17, v20;
	v22 =	vadd.f32 v29, v22  }
0x2f4: {  	v21 =	vld [tilespmem:s20+$0xFFFFFFE0]  }
0x2f5: {  	v17 =	vadd.f32 v26, v22;
	v22 =	vmul.f32 v45, v45  }
0x2f6: {  	v20 =	vld [tilespmem:s20+$0xFFFFFFF0];
	v29 =	vcvt.s32.f32 v24  }
0x2f7: {  	v24 =	vadd.f32 v28, v7;
	v22 =	vadd.f32 v22, v17  }
0x2f8: {  	v30 =	vld [tilespmem:s20+$0x0];
	v26 =	vadd.f32 v27, v6;
	v27 =	vmul.f32 v29, v12;
	v28 =	vmul.f32 v29, v13  }
0x2f9: {  	v21 =	vadd.f32 v21, v5;
	(xrf2) =	vadd.scan.msk.f32 $0xffff, v22  }
0x2fa: {  	v31 =	vld [tilespmem:s20+$0x10];
	v56 =	vmul.f32 v29, v11;
	v24 =	vadd.f32 v27, v24;
	v17 =	vadd.f32 v26, v28  }
0x2fb: {  	v20 =	vadd.f32 v20, v4;
	v22 =	vmul.f32 v29, v9  }
0x2fc: {  	s21 =	simm.s32 $0x202;
	v26 =	vld [tilespmem:s20+$0x20];
	v21 =	vadd.f32 v21, v56;
	v27 =	vmul.f32 v24, v24;
	v28 =	vmul.f32 v17, v17  }
0x2fd: {  	v58 =	vmov s21;
	v30 =	vadd.f32 v30, v2;
	v57 =	vmul.f32 v29, v10  }
0x2fe: {  	v59 =	vld [tilespmem:s20+$0x30];
	v27 =	vadd.f32 v28, v27;
	v28 =	vmul.f32 v21, v21;
	v22 =	vadd.f32 v20, v22  }
0x2ff: {  	v31 =	vadd.f32 v31, v3;
	v60 =	vmul.f32 v29, v8  }
0x300: {  	v20 =	vadd.f32 v30, v57;
	v28 =	vadd.f32 v28, v27;
	v30 =	vmul.f32 v22, v22  }
0x301: {  	s23 =	simm.s32 $0xA40;
	v61 =	vmul.f32 v29, v14;
	v26 =	vadd.f32 v26, v1  }
0x302: {  	v40 =	vld [tilespmem:s23+$0xFFFFFFC0];
	v62 =	vmul.f32 v20, v20;
	v27 =	vadd.f32 v31, v60;
	v28 =	vadd.f32 v30, v28  }
0x303: {  	v63 =	vadd.f32 v59, v0;
	v29 =	vmul.f32 v29, v15;
	v31 =	vld.idx.msk [tilespmem:v58+s24+$0x0], $0xffff;
	v26 =	vadd.f32 v26, v61;
	v41, _, _ =	vpop (xrf2)  }
0x304: {  	v30 =	vld [tilespmem:s23+$0xFFFFFFD0];
	v35 =	vmul.f32 v27, v27;
	v28 =	vadd.f32 v62, v28;
	(v2sf) =	vpush v41, $0xF;
	_ =	sdelay $0x1  }
0x305: {  	v44 =	vld [tilespmem:s23+$0xFFFFFFE0];
	v32 =	vadd.f32 v63, v29;
	v46 =	vmul.f32 v26, v26;
	v28 =	vadd.f32 v35, v28;
	_ =	sdelay $0x1  }
0x306: {  	v29 =	vld [tilespmem:s23+$0xFFFFFFF0];
	v38 =	vcvt.s32.f32 v31;
	v31 =	vmul.f32 v32, v32;
	v28 =	vadd.f32 v46, v28  }
0x307: {  	v47 =	vadd.f32 v40, v7;
	v48 =	vadd.f32 v30, v6  }
0x308: {  	v50 =	vld [tilespmem:s23+$0x0];
	v30 =	vmul.f32 v38, v12;
	v49 =	vmul.f32 v38, v13;
	v31 =	vadd.f32 v31, v28  }
0x309: {  	v36 =	vadd.f32 v44, v5  }
0x30a: {  	v51 =	vld [tilespmem:s23+$0x10];
	v52 =	vmul.f32 v38, v11;
	v30 =	vadd.f32 v30, v47;
	v28 =	vadd.f32 v48, v49;
	(xrf2) =	vadd.scan.msk.f32 $0xffff, v31  }
0x30b: {  	v29 =	vadd.f32 v29, v4;
	v53 =	vmul.f32 v38, v9  }
0x30c: {  	s19 =	simm.s32 $0x203;
	v54 =	vld [tilespmem:s23+$0x20];
	v55 =	vmul.f32 v30, v30;
	v56 =	vmul.f32 v28, v28;
	v31 =	vadd.f32 v36, v52  }
0x30d: {  	v59 =	vadd.f32 v50, v2;
	v58 =	vmov s19;
	v57 =	vmul.f32 v38, v10  }
0x30e: {  	s18 =	simm.s32 $0xAC0;
	v61 =	vld [tilespmem:s23+$0x30];
	v37 =	vadd.f32 v29, v53;
	v35 =	vadd.f32 v56, v55;
	v60 =	vmul.f32 v31, v31  }
0x30f: {  	v39 =	vld [tilespmem:s18+$0xFFFFFFF0];
	v62 =	vadd.f32 v51, v3;
	v63 =	vmul.f32 v38, v8  }
0x310: {  	v29 =	vadd.f32 v59, v57;
	v47 =	vld [tilespmem:s18+$0x10];
	v52 =	vmul.f32 v37, v37;
	v35 =	vadd.f32 v60, v35  }
0x311: {  	v34 =	vadd.f32 v54, v1;
	v53 =	vmul.f32 v38, v14;
	v36 =	vld [tilespmem:s18+$0x20];
	s20 =	spop (v2sf)  }
0x312: {  	v33 =	vadd.f32 v62, v63;
	v54 =	vmul.f32 v29, v29;
	v55 =	vld.idx.msk [tilespmem:v58+s24+$0x0], $0xffff;
	v35 =	vadd.f32 v52, v35;
	s6 =	smul.f32 $7.812500000e-03, s20  }
0x313: {  	v38 =	vmul.f32 v38, v15;
	v59 =	vadd.f32 v61, v0;
	v60 =	vld [tilespmem:s18+$0xFFFFFFC0]  }
0x314: {  	v61 =	vmul.f32 v33, v33;
	v34 =	vadd.f32 v34, v53;
	v56 =	vld [tilespmem:s18+$0xFFFFFFD0];
	v35 =	vadd.f32 v54, v35;
	v62, _, _ =	vpop (xrf2);
	s6 =	sadd.f32 $9.999999960e-13, s6  }
0x315: {  	v39 =	vadd.f32 v39, v4;
	v63 =	vld [tilespmem:s18+$0xFFFFFFE0];
	(v2sf) =	vpush v62, $0xF  }
0x316: {  	v58 =	vmul.f32 v34, v34;
	v57 =	vadd.f32 v61, v35;
	v35 =	vadd.f32 v59, v38;
	s21 =	sshrl.u32 s6, $0x1;
	s6 =	smul.f32 $-5.000000000e-01, s6  }
0x317: {  	v51 =	vld [tilespmem:s18+$0x0];
	v46 =	vadd.f32 v47, v3;
	v44 =	vadd.f32 v36, v1;
	v38 =	vcvt.s32.f32 v55;
	s19 =	ssub.s32 $0x5F3759DF, s21  }
0x318: {  	v47 =	vadd.f32 v60, v7;
	v59 =	vadd.f32 v58, v57;
	v41 =	vmul.f32 v35, v35;
	s6 =	smul.f32 s19, s6  }
0x319: {  	v60 =	vadd.f32 v56, v6;
	v61 =	vmul.f32 v38, v12;
	v62 =	vmul.f32 v38, v13  }
0x31a: {  	v54 =	vmul.f32 v38, v9;
	v56 =	vadd.f32 v41, v59;
	v41 =	vadd.f32 v63, v5;
	s6 =	smul.f32 s19, s6  }
0x31b: {  	v63 =	vmul.f32 v38, v11;
	v40 =	vadd.f32 v61, v47;
	v36 =	vadd.f32 v60, v62  }
0x31c: {  	v51 =	vadd.f32 v51, v2;
	v53 =	vmul.f32 v38, v8;
	v48 =	vmul.f32 v38, v14;
	(xrf2) =	vadd.scan.msk.f32 $0xffff, v56;
	s6 =	sadd.f32 $1.500000000e+00, s6  }
0x31d: {  	s23 =	simm.s32 $0x204;
	v61 =	vmul.f32 v40, v40;
	v62 =	vmul.f32 v36, v36;
	v41 =	vadd.f32 v41, v63  }
0x31e: {  	v55 =	vmov s23;
	v60 =	vmul.f32 v38, v10;
	v47 =	vmul.f32 v38, v15;
	s19 =	smul.f32 s19, s6  }
0x31f: {  	v39 =	vadd.f32 v39, v54;
	v57 =	vadd.f32 v62, v61;
	v63 =	vmul.f32 v41, v41  }
0x320: {  	v54 =	vld [tilespmem:s18+$0x30];
	s18 =	simm.s32 $0xB40;
	v38 =	vadd.f32 v51, v60;
	v52 =	vmul.f32 s19, v42;
	v50 =	vmul.f32 s19, v45  }
0x321: {  	s29 =	simm.s32 $0x10940;
	s20 =	simm.s32 $0x10940;
	v49 =	vld [tilespmem:s18+$0x20];
	s21 =	simm.s32 $0x205;
	v42 =	vadd.f32 v63, v57;
	v45 =	vmul.f32 v39, v39;
	v51 =	vmul.f32 s19, v43  }
.LBB2_10:
0x322: {  	p0 =	sne.s32 s21, $0x27F;
	v43 =	vld [tilespmem:s18+$0x10];
	v56 =	vmul.f32 v38, v38;
	v46 =	vadd.f32 v46, v53;
	[tilespmem:s20+$0xFFFFFFC0] =	vst v52;
	v52 =	vmul.f32 s19, v16;
	v57 =	vmovc v40  }
0x323: {  	s29 =	sadd.s32 $0x80, s29;
	v58 =	vmovc v21;
	v21 =	vmovc v31;
	v31 =	vmov v41;
	v16 =	vmov v22;
	v22 =	vmov v37;
	s23 =	smov.u32 s21;
	s21 =	sadd.s32 $0x1, s21  }
0x324: {  	v41 =	vmul.f32 s19, v18;
	v53 =	vmul.f32 s19, v19;
	v19 =	vmovc v27;
	v37 =	vld.idx.msk [tilespmem:v55+s24+$0x0], $0xffff;
	v40 =	vadd.f32 v45, v42;
	s6 =	spop (v2sf);
	[tilespmem:s20+$0x30] =	vst v50  }
0x325: {  	v25 =	vmul.f32 s19, v25;
	v27 =	vmovc v33;
	v50 =	vmul.f32 s19, v23;
	v42 =	vld [tilespmem:s18+$0xFFFFFFD0];
	v45 =	vadd.f32 v54, v0;
	s6 =	smul.f32 $7.812500000e-03, s6;
	[tilespmem:s20+$0xFFFFFFE0] =	vst v51;
	v33 =	vmovc v46  }
0x326: {  	v48 =	vadd.f32 v44, v48;
	v51 =	vld [tilespmem:s18+$0xFFFFFFC0];
	v40 =	vadd.f32 v56, v40;
	v46 =	vmul.f32 v46, v33;
	v23, _, _ =	vpop (xrf2);
	[tilespmem:s20+$0x10] =	vst v53  }
0x327: {  	v18 =	vmovc v17;
	v17 =	vmovc v28;
	(v2sf) =	vpush v23, $0xF;
	s6 =	sadd.f32 $9.999999960e-13, s6;
	[tilespmem:s20+$0xFFFFFFF0] =	vst v52;
	v23 =	vmov v26;
	v26 =	vmov v34  }
0x328: {  	v53 =	vmul.f32 v48, v48;
	v45 =	vadd.f32 v45, v47;
	v52 =	vld [tilespmem:s18+$0xFFFFFFE0];
	v40 =	vadd.f32 v46, v40;
	[tilespmem:s20+$0x20] =	vst v50  }
0x329: {  	v28 =	vmovc v36;
	v44 =	vadd.f32 v49, v1;
	v34 =	vmov v48;
	v46 =	vadd.f32 v43, v3;
	s19 =	sshrl.u32 s6, $0x1;
	s6 =	smul.f32 $-5.000000000e-01, s6;
	[tilespmem:s20+$0xFFFFFFD0] =	vst v41  }
0x32a: {  	v43 =	vcvt.s32.f32 v37;
	v37 =	vmovc v39;
	v41 =	vld [tilespmem:s18+$0xFFFFFFF0];
	v36 =	vadd.f32 v53, v40;
	v40 =	vmul.f32 v45, v45;
	s19 =	ssub.s32 $0x5F3759DF, s19;
	[tilespmem:s20+$0x0] =	vst v25;
	s20 =	smov.u32 s29  }
0x32b: {  	v42 =	vadd.f32 v42, v6;
	v25 =	vmovc v20;
	v20 =	vmovc v29;
	v29 =	vmov v38;
	v39 =	vadd.f32 v51, v7;
	s6 =	smul.f32 s19, s6  }
0x32c: {  	v38 =	vmul.f32 v43, v12;
	v47 =	vmul.f32 v43, v13;
	v49 =	vld [tilespmem:s18+$0x0];
	v48 =	vadd.f32 v40, v36  }
0x32d: {  	v51 =	vmul.f32 v43, v11;
	v50 =	vadd.f32 v52, v5;
	v52 =	vmul.f32 v43, v9;
	s6 =	smul.f32 s19, s6  }
0x32e: {  	v40 =	vadd.f32 v38, v39;
	v36 =	vadd.f32 v42, v47;
	v38 =	vmul.f32 v43, v10;
	(xrf2) =	vadd.scan.msk.f32 $0xffff, v48  }
0x32f: {  	v53 =	vmul.f32 v43, v8;
	v48 =	vmul.f32 v43, v14;
	v39 =	vadd.f32 v41, v4;
	s6 =	sadd.f32 $1.500000000e+00, s6  }
.Ltmp4:
0x330: {  	v42 =	vmul.f32 v40, v40;
	v54 =	vmul.f32 v36, v36;
	v41 =	vadd.f32 v50, v51;
	(pc) =	sbr.rel @p0 .LBB2_10-.Ltmp4, $4  }
0x331: {  	v55 =	vmov s23;
	v47 =	vmul.f32 v43, v15;
	v49 =	vadd.f32 v49, v2;
	s19 =	smul.f32 s19, s6  }
0x332: {  	v42 =	vadd.f32 v54, v42;
	v43 =	vmul.f32 v41, v41;
	v39 =	vadd.f32 v39, v52;
	v54 =	vld [tilespmem:s18+$0x30]  }
0x333: {  	s18 =	sadd.s32 $0x80, s18;
	v38 =	vadd.f32 v49, v38;
	v52 =	vmul.f32 s19, v24;
	v50 =	vmul.f32 s19, v32;
	v32 =	vmovc v35;
	v35 =	vmovc v45  }
0x334: {  	v42 =	vadd.f32 v43, v42;
	v45 =	vmul.f32 v39, v39;
	v51 =	vmul.f32 s19, v58;
	v24 =	vmovc v30;
	v30 =	vmovc v57;
	v49 =	vld [tilespmem:s18+$0x20]  }
0x335: {  	_ =	sdelay $0x3  }
0x336: {  	v55 =	vld.idx.msk [tilespmem:v55+s24+$0x0], $0xffff  }
0x337: {  	v56 =	vld [tilespmem:s18+$0xFFFFFFC0]  }
0x338: {  	v57 =	vld [tilespmem:s18+$0xFFFFFFD0]  }
0x339: {  	v60 =	vld [tilespmem:s18+$0xFFFFFFE0]  }
0x33a: {  	v58 =	vmul.f32 v38, v38;
	v43 =	vadd.f32 v46, v53;
	v42 =	vadd.f32 v45, v42  }
0x33b: {  	v46 =	vld [tilespmem:s18+$0xFFFFFFF0];
	v44 =	vadd.f32 v44, v48;
	v53 =	vadd.f32 v54, v0;
	v54 =	vcvt.s32.f32 v55  }
0x33c: {  	v61 =	vmul.f32 v43, v43;
	v42 =	vadd.f32 v58, v42;
	v48 =	vadd.f32 v56, v7  }
0x33d: {  	v59 =	vld [tilespmem:s18+$0x0];
	v56 =	vadd.f32 v57, v6;
	v57 =	vmul.f32 v54, v12;
	v58 =	vmul.f32 v54, v13  }
0x33e: {  	v55 =	vadd.f32 v61, v42;
	v60 =	vadd.f32 v60, v5  }
0x33f: {  	v61 =	vmul.f32 v54, v11;
	v45 =	vadd.f32 v57, v48;
	v42 =	vadd.f32 v56, v58  }
0x340: {  	v53 =	vadd.f32 v53, v47;
	v48 =	vmul.f32 v54, v9;
	v57 =	vadd.f32 v46, v4  }
0x341: {  	v58 =	vld [tilespmem:s18+$0x10];
	v46 =	vadd.f32 v60, v61;
	v62 =	vmul.f32 v45, v45;
	v60 =	vmul.f32 v42, v42  }
0x342: {  	v59 =	vadd.f32 v59, v2;
	v47 =	vmul.f32 v54, v10;
	v56 =	vmul.f32 v44, v44  }
0x343: {  	v61 =	vmul.f32 v46, v46;
	v48 =	vadd.f32 v57, v48;
	v60 =	vadd.f32 v60, v62  }
0x344: {  	v55 =	vadd.f32 v56, v55;
	v56 =	vmul.f32 v53, v53  }
0x345: {  	v47 =	vadd.f32 v59, v47;
	v59 =	vadd.f32 v61, v60;
	v60 =	vmul.f32 v48, v48  }
0x346: {  	v57 =	vld [tilespmem:s18+$0x30];
	v55 =	vadd.f32 v56, v55;
	v58 =	vadd.f32 v58, v3  }
0x347: {  	v61 =	vmul.f32 v54, v8;
	v56 =	vadd.f32 v60, v59;
	v59 =	vmul.f32 v47, v47  }
0x348: {  	v60 =	vadd.f32 v49, v1  }
0x349: {  	v62 =	vmul.f32 v54, v14;
	v49 =	vadd.f32 v58, v61;
	v63 =	vadd.f32 v59, v56  }
0x34a: {  	(xrf2) =	vadd.scan.msk.f32 $0xffff, v55;
	v54 =	vmul.f32 v54, v15  }
0x34b: {  	v61 =	vadd.f32 v57, v0;
	v57 =	vadd.f32 v60, v62;
	v62 =	vmul.f32 v49, v49;
	_ =	sdelay $0x1  }
0x34c: {  	v54 =	vadd.f32 v61, v54;
	v55 =	vadd.f32 v62, v63;
	v60 =	vmul.f32 v57, v57;
	v63, _, _ =	vpop (xrf2)  }
0x34d: {  	(v2sf) =	vpush v63, $0xF  }
0x34e: {  	v61 =	vmul.f32 v54, v54;
	v55 =	vadd.f32 v60, v55;
	_ =	sdelay $0x1  }
0x34f: {  	v55 =	vadd.f32 v61, v55;
	_ =	sdelay $0x1  }
0x350: {  	(xrf2) =	vadd.scan.msk.f32 $0xffff, v55  }
0x351: {  	s6 =	spop (v2sf);
	v62, _, _ =	vpop (xrf2)  }
0x352: {  	s6 =	smul.f32 $7.812500000e-03, s6;
	(v2sf) =	vpush v62, $0xF;
	_ =	sdelay $0x1  }
0x353: {  	s6 =	sadd.f32 $9.999999960e-13, s6;
	_ =	sdelay $0x1  }
0x354: {  	s21 =	sshrl.u32 s6, $0x1;
	s6 =	smul.f32 $-5.000000000e-01, s6  }
0x355: {  	s18 =	ssub.s32 $0x5F3759DF, s21  }
0x356: {  	s6 =	smul.f32 s18, s6;
	_ =	sdelay $0x1  }
0x357: {  	s6 =	smul.f32 s18, s6;
	v63, _, _ =	vpop (xrf2);
	s21 =	spop (v2sf)  }
0x358: {  	[tilespmem:s20+$0xFFFFFFC0] =	vst v52;
	(v2sf) =	vpush v63, $0xF;
	s21 =	smul.f32 $7.812500000e-03, s21  }
0x359: {  	v19 =	vmul.f32 s19, v19;
	[tilespmem:s20+$0x30] =	vst v50;
	s6 =	sadd.f32 $1.500000000e+00, s6  }
0x35a: {  	v16 =	vmul.f32 s19, v16;
	[tilespmem:s20+$0xFFFFFFE0] =	vst v51;
	s21 =	sadd.f32 $9.999999960e-13, s21  }
0x35b: {  	v23 =	vmul.f32 s19, v23;
	[tilespmem:s20+$0x10] =	vst v19;
	s6 =	smul.f32 s18, s6  }
0x35c: {  	v18 =	vmul.f32 s19, v18;
	[tilespmem:s20+$0xFFFFFFF0] =	vst v16;
	s23 =	sshrl.u32 s21, $0x1;
	s21 =	smul.f32 $-5.000000000e-01, s21  }
0x35d: {  	v16 =	vmul.f32 s19, v25;
	[tilespmem:s20+$0x20] =	vst v23;
	s18 =	ssub.s32 $0x5F3759DF, s23  }
0x35e: {  	[tilespmem:s20+$0xFFFFFFD0] =	vst v18;
	v18 =	vmul.f32 s6, v24;
	s19 =	spop (v2sf);
	s21 =	smul.f32 s18, s21  }
0x35f: {  	[tilespmem:s20+$0x0] =	vst v16;
	v16 =	vmul.f32 s6, v32;
	s19 =	smul.f32 $7.812500000e-03, s19;
	s23 =	sadd.s32 $0x80, s29  }
0x360: {  	v19 =	vmul.f32 s6, v21;
	[tilespmem:s23+$0xFFFFFFC0] =	vst v18;
	s21 =	smul.f32 s18, s21  }
0x361: {  	v17 =	vmul.f32 s6, v17;
	s19 =	sadd.f32 $9.999999960e-13, s19;
	[tilespmem:s23+$0x30] =	vst v16  }
0x362: {  	v18 =	vmul.f32 s6, v27;
	[tilespmem:s23+$0xFFFFFFE0] =	vst v19;
	s20 =	sadd.f32 $1.500000000e+00, s21  }
0x363: {  	v16 =	vmul.f32 s6, v22;
	[tilespmem:s23+$0xFFFFFFD0] =	vst v17;
	s21 =	sshrl.u32 s19, $0x1;
	s19 =	smul.f32 $-5.000000000e-01, s19  }
0x364: {  	v19 =	vmul.f32 s6, v26;
	[tilespmem:s23+$0x10] =	vst v18;
	s18 =	smul.f32 s18, s20;
	s20 =	ssub.s32 $0x5F3759DF, s21  }
0x365: {  	[tilespmem:s23+$0xFFFFFFF0] =	vst v16;
	v16 =	vmul.f32 s6, v20;
	s21 =	smul.f32 s20, s19  }
0x366: {  	[tilespmem:s23+$0x20] =	vst v19;
	v17 =	vmul.f32 s18, v30  }
0x367: {  	[tilespmem:s23+$0x0] =	vst v16;
	s19 =	sadd.s32 $0x80, s23;
	v16 =	vmul.f32 s18, v35;
	s23 =	spop (v2sf);
	s6 =	smul.f32 s20, s21  }
0x368: {  	v18 =	vmul.f32 s18, v31;
	s21 =	smul.f32 $7.812500000e-03, s23;
	[tilespmem:s19+$0xFFFFFFC0] =	vst v17  }
0x369: {  	v17 =	vmul.f32 s18, v33;
	[tilespmem:s19+$0x30] =	vst v16;
	s6 =	sadd.f32 $1.500000000e+00, s6  }
0x36a: {  	v16 =	vmul.f32 s18, v37;
	[tilespmem:s19+$0xFFFFFFE0] =	vst v18;
	s21 =	sadd.f32 $9.999999960e-13, s21  }
0x36b: {  	v18 =	vmul.f32 s18, v34;
	[tilespmem:s19+$0x10] =	vst v17;
	s6 =	smul.f32 s20, s6  }
0x36c: {  	v17 =	vmul.f32 s18, v28;
	[tilespmem:s19+$0xFFFFFFF0] =	vst v16;
	s23 =	sshrl.u32 s21, $0x1;
	s21 =	smul.f32 $-5.000000000e-01, s21  }
0x36d: {  	v16 =	vmul.f32 s18, v29;
	[tilespmem:s19+$0x20] =	vst v18;
	s18 =	ssub.s32 $0x5F3759DF, s23  }
0x36e: {  	[tilespmem:s19+$0xFFFFFFD0] =	vst v17;
	v17 =	vmul.f32 s6, v40;
	s20 =	smul.f32 s18, s21  }
0x36f: {  	[tilespmem:s19+$0x0] =	vst v16;
	s21 =	sadd.s32 $0x80, s19;
	v16 =	vmul.f32 s6, v53  }
0x370: {  	v18 =	vmul.f32 s6, v41;
	[tilespmem:s21+$0xFFFFFFC0] =	vst v17;
	s23 =	smul.f32 s18, s20  }
0x371: {  	v17 =	vmul.f32 s6, v43;
	[tilespmem:s21+$0x30] =	vst v16  }
0x372: {  	v16 =	vmul.f32 s6, v39;
	[tilespmem:s21+$0xFFFFFFE0] =	vst v18;
	s19 =	sadd.f32 $1.500000000e+00, s23  }
0x373: {  	v18 =	vmul.f32 s6, v44;
	[tilespmem:s21+$0x10] =	vst v17  }
0x374: {  	v17 =	vmul.f32 s6, v36;
	[tilespmem:s21+$0xFFFFFFF0] =	vst v16;
	s18 =	smul.f32 s18, s19  }
0x375: {  	v16 =	vmul.f32 s6, v38;
	[tilespmem:s21+$0x20] =	vst v18  }
0x376: {  	[tilespmem:s21+$0xFFFFFFD0] =	vst v17;
	v17 =	vmul.f32 s18, v45  }
0x377: {  	s20 =	sadd.s32 $0x80, s21;
	[tilespmem:s21+$0x0] =	vst v16;
	v16 =	vmul.f32 s18, v54  }
0x378: {  	v18 =	vmul.f32 s18, v46;
	[tilespmem:s20+$0xFFFFFFC0] =	vst v17  }
0x379: {  	v17 =	vmul.f32 s18, v49;
	[tilespmem:s20+$0x30] =	vst v16  }
0x37a: {  	v16 =	vmul.f32 s18, v48;
	[tilespmem:s20+$0xFFFFFFE0] =	vst v18  }
0x37b: {  	v18 =	vmul.f32 s18, v57;
	[tilespmem:s20+$0x10] =	vst v17  }
0x37c: {  	v17 =	vmul.f32 s18, v42;
	[tilespmem:s20+$0xFFFFFFF0] =	vst v16  }
0x37d: {  	v16 =	vmul.f32 s18, v47;
	[tilespmem:s20+$0x20] =	vst v18  }
0x37e: {  	[tilespmem:s20+$0xFFFFFFD0] =	vst v17  }
0x37f: {  	[tilespmem:s20+$0x0] =	vst v16  }
0x380: {  	[hbm4b:s11+s4] =	stream.linear.scatter [tilespmem:s28], [sflag:$0x5], $0x4000, $0x38;
	[tilespmem:$0x18900] =	vst v63  }
0x381: {  	s21 =	simm.s32 $0x280;
	_ =	swait.ge [sflag:s30], $0x4000  }
0x382: {  	v16 =	vmov s21;
	[sflag:s30] =	ssyncset.done $0x0  }
0x383: {  	[sflag:s30] =	ssyncadd.s32 $0xFFFFC000  }
0x384: {  	_ =	swait.ge [sflag:s25], $0x4000  }
0x385: {  	[sflag:s25] =	ssyncset.done $0x0  }
0x386: {  	[sflag:s25] =	ssyncadd.s32 $0xFFFFC000  }
0x387: {  	s23 =	simm.s32 $0x4940;
	v16 =	vld.idx.msk [tilespmem:v16+s24+$0x0], $0xffff  }
0x388: {  	v17 =	vld [tilespmem:s23+$0xFFFFFFC0]  }
0x389: {  	v18 =	vld [tilespmem:s23+$0xFFFFFFD0]  }
0x38a: {  	v19 =	vld [tilespmem:s23+$0xFFFFFFE0];
	_ =	sdelay $0x1  }
0x38b: {  	v20 =	vcvt.s32.f32 v16  }
0x38c: {  	v16 =	vld [tilespmem:s23+$0xFFFFFFF0];
	v17 =	vadd.f32 v17, v7  }
0x38d: {  	v23 =	vld [tilespmem:s23+$0x0];
	v18 =	vadd.f32 v18, v6;
	v21 =	vmul.f32 v20, v12;
	v22 =	vmul.f32 v20, v13  }
0x38e: {  	v19 =	vadd.f32 v19, v5;
	v25 =	vmul.f32 v20, v11  }
0x38f: {  	v24 =	vld [tilespmem:s23+$0x10];
	v42 =	vadd.f32 v21, v17;
	v18 =	vadd.f32 v18, v22  }
0x390: {  	v17 =	vmul.f32 v20, v9;
	v43 =	vadd.f32 v19, v25  }
0x391: {  	s19 =	simm.s32 $0x281;
	v16 =	vadd.f32 v16, v4;
	v22 =	vmul.f32 v42, v42;
	v26 =	vmul.f32 v18, v18  }
0x392: {  	v27 =	vmov s19;
	v23 =	vadd.f32 v23, v2;
	v21 =	vld [tilespmem:s23+$0x20];
	v19 =	vmul.f32 v20, v10  }
0x393: {  	v16 =	vadd.f32 v16, v17;
	v17 =	vld [tilespmem:s23+$0x30];
	v22 =	vadd.f32 v26, v22;
	v26 =	vmul.f32 v43, v43  }
0x394: {  	v24 =	vadd.f32 v24, v3;
	v28 =	vmul.f32 v20, v8;
	v25 =	vadd.f32 v23, v19  }
0x395: {  	v23 =	vmul.f32 v16, v16;
	v22 =	vadd.f32 v26, v22  }
0x396: {  	v19 =	vadd.f32 v24, v28;
	v29 =	vmul.f32 v25, v25  }
0x397: {  	v21 =	vadd.f32 v21, v1;
	v26 =	vmul.f32 v20, v14;
	v22 =	vadd.f32 v23, v22  }
0x398: {  	v20 =	vmul.f32 v20, v15;
	v17 =	vadd.f32 v17, v0  }
0x399: {  	s20 =	simm.s32 $0x49C0;
	v24 =	vld.idx.msk [tilespmem:v27+s24+$0x0], $0xffff;
	v23 =	vadd.f32 v21, v26;
	v22 =	vadd.f32 v29, v22;
	v29 =	vmul.f32 v19, v19  }
0x39a: {  	v28 =	vld [tilespmem:s20+$0xFFFFFFC0]  }
0x39b: {  	v27 =	vld [tilespmem:s20+$0xFFFFFFD0];
	v26 =	vmul.f32 v23, v23;
	v45 =	vadd.f32 v17, v20;
	v22 =	vadd.f32 v29, v22  }
0x39c: {  	v21 =	vld [tilespmem:s20+$0xFFFFFFE0]  }
0x39d: {  	v17 =	vadd.f32 v26, v22;
	v22 =	vmul.f32 v45, v45  }
0x39e: {  	v20 =	vld [tilespmem:s20+$0xFFFFFFF0];
	v29 =	vcvt.s32.f32 v24  }
0x39f: {  	v24 =	vadd.f32 v28, v7;
	v22 =	vadd.f32 v22, v17  }
0x3a0: {  	v30 =	vld [tilespmem:s20+$0x0];
	v26 =	vadd.f32 v27, v6;
	v27 =	vmul.f32 v29, v12;
	v28 =	vmul.f32 v29, v13  }
0x3a1: {  	v21 =	vadd.f32 v21, v5;
	(xrf2) =	vadd.scan.msk.f32 $0xffff, v22  }
0x3a2: {  	v31 =	vld [tilespmem:s20+$0x10];
	v56 =	vmul.f32 v29, v11;
	v24 =	vadd.f32 v27, v24;
	v17 =	vadd.f32 v26, v28  }
0x3a3: {  	v20 =	vadd.f32 v20, v4;
	v22 =	vmul.f32 v29, v9  }
0x3a4: {  	s21 =	simm.s32 $0x282;
	v26 =	vld [tilespmem:s20+$0x20];
	v21 =	vadd.f32 v21, v56;
	v27 =	vmul.f32 v24, v24;
	v28 =	vmul.f32 v17, v17  }
0x3a5: {  	v58 =	vmov s21;
	v30 =	vadd.f32 v30, v2;
	v57 =	vmul.f32 v29, v10  }
0x3a6: {  	v59 =	vld [tilespmem:s20+$0x30];
	v27 =	vadd.f32 v28, v27;
	v28 =	vmul.f32 v21, v21;
	v22 =	vadd.f32 v20, v22  }
0x3a7: {  	v31 =	vadd.f32 v31, v3;
	v60 =	vmul.f32 v29, v8  }
0x3a8: {  	v20 =	vadd.f32 v30, v57;
	v28 =	vadd.f32 v28, v27;
	v30 =	vmul.f32 v22, v22  }
0x3a9: {  	s23 =	simm.s32 $0x4A40;
	v61 =	vmul.f32 v29, v14;
	v26 =	vadd.f32 v26, v1  }
0x3aa: {  	v40 =	vld [tilespmem:s23+$0xFFFFFFC0];
	v62 =	vmul.f32 v20, v20;
	v27 =	vadd.f32 v31, v60;
	v28 =	vadd.f32 v30, v28  }
0x3ab: {  	v63 =	vadd.f32 v59, v0;
	v29 =	vmul.f32 v29, v15;
	v31 =	vld.idx.msk [tilespmem:v58+s24+$0x0], $0xffff;
	v26 =	vadd.f32 v26, v61;
	v41, _, _ =	vpop (xrf2)  }
0x3ac: {  	v30 =	vld [tilespmem:s23+$0xFFFFFFD0];
	v35 =	vmul.f32 v27, v27;
	v28 =	vadd.f32 v62, v28;
	(v2sf) =	vpush v41, $0xF;
	_ =	sdelay $0x1  }
0x3ad: {  	v44 =	vld [tilespmem:s23+$0xFFFFFFE0];
	v32 =	vadd.f32 v63, v29;
	v46 =	vmul.f32 v26, v26;
	v28 =	vadd.f32 v35, v28;
	_ =	sdelay $0x1  }
0x3ae: {  	v29 =	vld [tilespmem:s23+$0xFFFFFFF0];
	v38 =	vcvt.s32.f32 v31;
	v31 =	vmul.f32 v32, v32;
	v28 =	vadd.f32 v46, v28  }
0x3af: {  	v47 =	vadd.f32 v40, v7;
	v48 =	vadd.f32 v30, v6  }
0x3b0: {  	v50 =	vld [tilespmem:s23+$0x0];
	v30 =	vmul.f32 v38, v12;
	v49 =	vmul.f32 v38, v13;
	v31 =	vadd.f32 v31, v28  }
0x3b1: {  	v36 =	vadd.f32 v44, v5  }
0x3b2: {  	v51 =	vld [tilespmem:s23+$0x10];
	v52 =	vmul.f32 v38, v11;
	v30 =	vadd.f32 v30, v47;
	v28 =	vadd.f32 v48, v49;
	(xrf2) =	vadd.scan.msk.f32 $0xffff, v31  }
0x3b3: {  	v29 =	vadd.f32 v29, v4;
	v53 =	vmul.f32 v38, v9  }
0x3b4: {  	s19 =	simm.s32 $0x283;
	v54 =	vld [tilespmem:s23+$0x20];
	v55 =	vmul.f32 v30, v30;
	v56 =	vmul.f32 v28, v28;
	v31 =	vadd.f32 v36, v52  }
0x3b5: {  	v59 =	vadd.f32 v50, v2;
	v58 =	vmov s19;
	v57 =	vmul.f32 v38, v10  }
0x3b6: {  	s18 =	simm.s32 $0x4AC0;
	v61 =	vld [tilespmem:s23+$0x30];
	v37 =	vadd.f32 v29, v53;
	v35 =	vadd.f32 v56, v55;
	v60 =	vmul.f32 v31, v31  }
0x3b7: {  	v39 =	vld [tilespmem:s18+$0xFFFFFFF0];
	v62 =	vadd.f32 v51, v3;
	v63 =	vmul.f32 v38, v8  }
0x3b8: {  	v29 =	vadd.f32 v59, v57;
	v47 =	vld [tilespmem:s18+$0x10];
	v52 =	vmul.f32 v37, v37;
	v35 =	vadd.f32 v60, v35  }
0x3b9: {  	v34 =	vadd.f32 v54, v1;
	v53 =	vmul.f32 v38, v14;
	v36 =	vld [tilespmem:s18+$0x20];
	s20 =	spop (v2sf)  }
0x3ba: {  	v33 =	vadd.f32 v62, v63;
	v54 =	vmul.f32 v29, v29;
	v55 =	vld.idx.msk [tilespmem:v58+s24+$0x0], $0xffff;
	v35 =	vadd.f32 v52, v35;
	s6 =	smul.f32 $7.812500000e-03, s20  }
0x3bb: {  	v38 =	vmul.f32 v38, v15;
	v59 =	vadd.f32 v61, v0;
	v60 =	vld [tilespmem:s18+$0xFFFFFFC0]  }
0x3bc: {  	v61 =	vmul.f32 v33, v33;
	v34 =	vadd.f32 v34, v53;
	v56 =	vld [tilespmem:s18+$0xFFFFFFD0];
	v35 =	vadd.f32 v54, v35;
	v62, _, _ =	vpop (xrf2);
	s6 =	sadd.f32 $9.999999960e-13, s6  }
0x3bd: {  	v39 =	vadd.f32 v39, v4;
	v63 =	vld [tilespmem:s18+$0xFFFFFFE0];
	(v2sf) =	vpush v62, $0xF  }
0x3be: {  	v58 =	vmul.f32 v34, v34;
	v57 =	vadd.f32 v61, v35;
	v35 =	vadd.f32 v59, v38;
	s21 =	sshrl.u32 s6, $0x1;
	s6 =	smul.f32 $-5.000000000e-01, s6  }
0x3bf: {  	v51 =	vld [tilespmem:s18+$0x0];
	v46 =	vadd.f32 v47, v3;
	v44 =	vadd.f32 v36, v1;
	v38 =	vcvt.s32.f32 v55;
	s19 =	ssub.s32 $0x5F3759DF, s21  }
0x3c0: {  	v47 =	vadd.f32 v60, v7;
	v59 =	vadd.f32 v58, v57;
	v41 =	vmul.f32 v35, v35;
	s6 =	smul.f32 s19, s6  }
0x3c1: {  	v60 =	vadd.f32 v56, v6;
	v61 =	vmul.f32 v38, v12;
	v62 =	vmul.f32 v38, v13  }
0x3c2: {  	v54 =	vmul.f32 v38, v9;
	v56 =	vadd.f32 v41, v59;
	v41 =	vadd.f32 v63, v5;
	s6 =	smul.f32 s19, s6  }
0x3c3: {  	v63 =	vmul.f32 v38, v11;
	v40 =	vadd.f32 v61, v47;
	v36 =	vadd.f32 v60, v62  }
0x3c4: {  	v51 =	vadd.f32 v51, v2;
	v53 =	vmul.f32 v38, v8;
	v48 =	vmul.f32 v38, v14;
	(xrf2) =	vadd.scan.msk.f32 $0xffff, v56;
	s6 =	sadd.f32 $1.500000000e+00, s6  }
0x3c5: {  	s23 =	simm.s32 $0x284;
	v61 =	vmul.f32 v40, v40;
	v62 =	vmul.f32 v36, v36;
	v41 =	vadd.f32 v41, v63  }
0x3c6: {  	v55 =	vmov s23;
	v60 =	vmul.f32 v38, v10;
	v47 =	vmul.f32 v38, v15;
	s19 =	smul.f32 s19, s6  }
0x3c7: {  	v39 =	vadd.f32 v39, v54;
	v57 =	vadd.f32 v62, v61;
	v63 =	vmul.f32 v41, v41  }
0x3c8: {  	v54 =	vld [tilespmem:s18+$0x30];
	s18 =	simm.s32 $0x4B40;
	v38 =	vadd.f32 v51, v60;
	v52 =	vmul.f32 s19, v42;
	v50 =	vmul.f32 s19, v45  }
0x3c9: {  	s29 =	simm.s32 $0x14940;
	s20 =	simm.s32 $0x14940;
	v49 =	vld [tilespmem:s18+$0x20];
	s21 =	simm.s32 $0x285;
	v42 =	vadd.f32 v63, v57;
	v45 =	vmul.f32 v39, v39;
	v51 =	vmul.f32 s19, v43  }
.LBB2_12:
0x3ca: {  	p0 =	sne.s32 s21, $0x2FF;
	v43 =	vld [tilespmem:s18+$0x10];
	v56 =	vmul.f32 v38, v38;
	v46 =	vadd.f32 v46, v53;
	[tilespmem:s20+$0xFFFFFFC0] =	vst v52;
	v52 =	vmul.f32 s19, v16;
	v57 =	vmovc v40  }
0x3cb: {  	s29 =	sadd.s32 $0x80, s29;
	v58 =	vmovc v21;
	v21 =	vmovc v31;
	v31 =	vmov v41;
	v16 =	vmov v22;
	v22 =	vmov v37;
	s23 =	smov.u32 s21;
	s21 =	sadd.s32 $0x1, s21  }
0x3cc: {  	v41 =	vmul.f32 s19, v18;
	v53 =	vmul.f32 s19, v19;
	v19 =	vmovc v27;
	v37 =	vld.idx.msk [tilespmem:v55+s24+$0x0], $0xffff;
	v40 =	vadd.f32 v45, v42;
	s6 =	spop (v2sf);
	[tilespmem:s20+$0x30] =	vst v50  }
0x3cd: {  	v25 =	vmul.f32 s19, v25;
	v27 =	vmovc v33;
	v50 =	vmul.f32 s19, v23;
	v42 =	vld [tilespmem:s18+$0xFFFFFFD0];
	v45 =	vadd.f32 v54, v0;
	s6 =	smul.f32 $7.812500000e-03, s6;
	[tilespmem:s20+$0xFFFFFFE0] =	vst v51;
	v33 =	vmovc v46  }
0x3ce: {  	v48 =	vadd.f32 v44, v48;
	v51 =	vld [tilespmem:s18+$0xFFFFFFC0];
	v40 =	vadd.f32 v56, v40;
	v46 =	vmul.f32 v46, v33;
	v23, _, _ =	vpop (xrf2);
	[tilespmem:s20+$0x10] =	vst v53  }
0x3cf: {  	v18 =	vmovc v17;
	v17 =	vmovc v28;
	(v2sf) =	vpush v23, $0xF;
	s6 =	sadd.f32 $9.999999960e-13, s6;
	[tilespmem:s20+$0xFFFFFFF0] =	vst v52;
	v23 =	vmov v26;
	v26 =	vmov v34  }
0x3d0: {  	v53 =	vmul.f32 v48, v48;
	v45 =	vadd.f32 v45, v47;
	v52 =	vld [tilespmem:s18+$0xFFFFFFE0];
	v40 =	vadd.f32 v46, v40;
	[tilespmem:s20+$0x20] =	vst v50  }
0x3d1: {  	v28 =	vmovc v36;
	v44 =	vadd.f32 v49, v1;
	v34 =	vmov v48;
	v46 =	vadd.f32 v43, v3;
	s19 =	sshrl.u32 s6, $0x1;
	s6 =	smul.f32 $-5.000000000e-01, s6;
	[tilespmem:s20+$0xFFFFFFD0] =	vst v41  }
0x3d2: {  	v43 =	vcvt.s32.f32 v37;
	v37 =	vmovc v39;
	v41 =	vld [tilespmem:s18+$0xFFFFFFF0];
	v36 =	vadd.f32 v53, v40;
	v40 =	vmul.f32 v45, v45;
	s19 =	ssub.s32 $0x5F3759DF, s19;
	[tilespmem:s20+$0x0] =	vst v25;
	s20 =	smov.u32 s29  }
0x3d3: {  	v42 =	vadd.f32 v42, v6;
	v25 =	vmovc v20;
	v20 =	vmovc v29;
	v29 =	vmov v38;
	v39 =	vadd.f32 v51, v7;
	s6 =	smul.f32 s19, s6  }
0x3d4: {  	v38 =	vmul.f32 v43, v12;
	v47 =	vmul.f32 v43, v13;
	v49 =	vld [tilespmem:s18+$0x0];
	v48 =	vadd.f32 v40, v36  }
0x3d5: {  	v51 =	vmul.f32 v43, v11;
	v50 =	vadd.f32 v52, v5;
	v52 =	vmul.f32 v43, v9;
	s6 =	smul.f32 s19, s6  }
0x3d6: {  	v40 =	vadd.f32 v38, v39;
	v36 =	vadd.f32 v42, v47;
	v38 =	vmul.f32 v43, v10;
	(xrf2) =	vadd.scan.msk.f32 $0xffff, v48  }
0x3d7: {  	v53 =	vmul.f32 v43, v8;
	v48 =	vmul.f32 v43, v14;
	v39 =	vadd.f32 v41, v4;
	s6 =	sadd.f32 $1.500000000e+00, s6  }
.Ltmp5:
0x3d8: {  	v42 =	vmul.f32 v40, v40;
	v54 =	vmul.f32 v36, v36;
	v41 =	vadd.f32 v50, v51;
	(pc) =	sbr.rel @p0 .LBB2_12-.Ltmp5, $4  }
0x3d9: {  	v55 =	vmov s23;
	v47 =	vmul.f32 v43, v15;
	v49 =	vadd.f32 v49, v2;
	s19 =	smul.f32 s19, s6  }
0x3da: {  	v42 =	vadd.f32 v54, v42;
	v43 =	vmul.f32 v41, v41;
	v39 =	vadd.f32 v39, v52;
	v54 =	vld [tilespmem:s18+$0x30]  }
0x3db: {  	s18 =	sadd.s32 $0x80, s18;
	v38 =	vadd.f32 v49, v38;
	v52 =	vmul.f32 s19, v24;
	v50 =	vmul.f32 s19, v32;
	v32 =	vmovc v35;
	v35 =	vmovc v45  }
0x3dc: {  	v42 =	vadd.f32 v43, v42;
	v45 =	vmul.f32 v39, v39;
	v51 =	vmul.f32 s19, v58;
	v24 =	vmovc v30;
	v30 =	vmovc v57;
	v49 =	vld [tilespmem:s18+$0x20]  }
0x3dd: {  	_ =	sdelay $0x3  }
0x3de: {  	v55 =	vld.idx.msk [tilespmem:v55+s24+$0x0], $0xffff  }
0x3df: {  	v56 =	vld [tilespmem:s18+$0xFFFFFFC0]  }
0x3e0: {  	v57 =	vld [tilespmem:s18+$0xFFFFFFD0]  }
0x3e1: {  	v60 =	vld [tilespmem:s18+$0xFFFFFFE0]  }
0x3e2: {  	v58 =	vmul.f32 v38, v38;
	v43 =	vadd.f32 v46, v53;
	v42 =	vadd.f32 v45, v42  }
0x3e3: {  	v46 =	vld [tilespmem:s18+$0xFFFFFFF0];
	v44 =	vadd.f32 v44, v48;
	v53 =	vadd.f32 v54, v0;
	v54 =	vcvt.s32.f32 v55  }
0x3e4: {  	v61 =	vmul.f32 v43, v43;
	v42 =	vadd.f32 v58, v42;
	v48 =	vadd.f32 v56, v7  }
0x3e5: {  	v59 =	vld [tilespmem:s18+$0x0];
	v56 =	vadd.f32 v57, v6;
	v57 =	vmul.f32 v54, v12;
	v58 =	vmul.f32 v54, v13  }
0x3e6: {  	v55 =	vadd.f32 v61, v42;
	v60 =	vadd.f32 v60, v5  }
0x3e7: {  	v61 =	vmul.f32 v54, v11;
	v45 =	vadd.f32 v57, v48;
	v42 =	vadd.f32 v56, v58  }
0x3e8: {  	v53 =	vadd.f32 v53, v47;
	v48 =	vmul.f32 v54, v9;
	v57 =	vadd.f32 v46, v4  }
0x3e9: {  	v58 =	vld [tilespmem:s18+$0x10];
	v46 =	vadd.f32 v60, v61;
	v62 =	vmul.f32 v45, v45;
	v60 =	vmul.f32 v42, v42  }
0x3ea: {  	v59 =	vadd.f32 v59, v2;
	v47 =	vmul.f32 v54, v10;
	v56 =	vmul.f32 v44, v44  }
0x3eb: {  	v61 =	vmul.f32 v46, v46;
	v48 =	vadd.f32 v57, v48;
	v60 =	vadd.f32 v60, v62  }
0x3ec: {  	v55 =	vadd.f32 v56, v55;
	v56 =	vmul.f32 v53, v53  }
0x3ed: {  	v47 =	vadd.f32 v59, v47;
	v59 =	vadd.f32 v61, v60;
	v60 =	vmul.f32 v48, v48  }
0x3ee: {  	v57 =	vld [tilespmem:s18+$0x30];
	v55 =	vadd.f32 v56, v55;
	v58 =	vadd.f32 v58, v3  }
0x3ef: {  	v61 =	vmul.f32 v54, v8;
	v56 =	vadd.f32 v60, v59;
	v59 =	vmul.f32 v47, v47  }
0x3f0: {  	v60 =	vadd.f32 v49, v1  }
0x3f1: {  	v62 =	vmul.f32 v54, v14;
	v49 =	vadd.f32 v58, v61;
	v63 =	vadd.f32 v59, v56  }
0x3f2: {  	(xrf2) =	vadd.scan.msk.f32 $0xffff, v55;
	v54 =	vmul.f32 v54, v15  }
0x3f3: {  	v61 =	vadd.f32 v57, v0;
	v57 =	vadd.f32 v60, v62;
	v62 =	vmul.f32 v49, v49;
	_ =	sdelay $0x1  }
0x3f4: {  	v54 =	vadd.f32 v61, v54;
	v55 =	vadd.f32 v62, v63;
	v60 =	vmul.f32 v57, v57;
	v63, _, _ =	vpop (xrf2)  }
0x3f5: {  	(v2sf) =	vpush v63, $0xF  }
0x3f6: {  	v61 =	vmul.f32 v54, v54;
	v55 =	vadd.f32 v60, v55;
	_ =	sdelay $0x1  }
0x3f7: {  	v55 =	vadd.f32 v61, v55;
	_ =	sdelay $0x1  }
0x3f8: {  	(xrf2) =	vadd.scan.msk.f32 $0xffff, v55  }
0x3f9: {  	s6 =	spop (v2sf);
	v62, _, _ =	vpop (xrf2)  }
0x3fa: {  	s6 =	smul.f32 $7.812500000e-03, s6;
	(v2sf) =	vpush v62, $0xF;
	_ =	sdelay $0x1  }
0x3fb: {  	s6 =	sadd.f32 $9.999999960e-13, s6;
	_ =	sdelay $0x1  }
0x3fc: {  	s21 =	sshrl.u32 s6, $0x1;
	s6 =	smul.f32 $-5.000000000e-01, s6  }
0x3fd: {  	s18 =	ssub.s32 $0x5F3759DF, s21  }
0x3fe: {  	s6 =	smul.f32 s18, s6;
	_ =	sdelay $0x1  }
0x3ff: {  	s6 =	smul.f32 s18, s6;
	v63, _, _ =	vpop (xrf2);
	s21 =	spop (v2sf)  }
0x400: {  	[tilespmem:s20+$0xFFFFFFC0] =	vst v52;
	(v2sf) =	vpush v63, $0xF;
	s21 =	smul.f32 $7.812500000e-03, s21  }
0x401: {  	v19 =	vmul.f32 s19, v19;
	[tilespmem:s20+$0x30] =	vst v50;
	s6 =	sadd.f32 $1.500000000e+00, s6  }
0x402: {  	v16 =	vmul.f32 s19, v16;
	[tilespmem:s20+$0xFFFFFFE0] =	vst v51;
	s21 =	sadd.f32 $9.999999960e-13, s21  }
0x403: {  	v23 =	vmul.f32 s19, v23;
	[tilespmem:s20+$0x10] =	vst v19;
	s6 =	smul.f32 s18, s6  }
0x404: {  	v18 =	vmul.f32 s19, v18;
	[tilespmem:s20+$0xFFFFFFF0] =	vst v16;
	s23 =	sshrl.u32 s21, $0x1;
	s21 =	smul.f32 $-5.000000000e-01, s21  }
0x405: {  	v16 =	vmul.f32 s19, v25;
	[tilespmem:s20+$0x20] =	vst v23;
	s18 =	ssub.s32 $0x5F3759DF, s23  }
0x406: {  	[tilespmem:s20+$0xFFFFFFD0] =	vst v18;
	v18 =	vmul.f32 s6, v24;
	s19 =	spop (v2sf);
	s21 =	smul.f32 s18, s21  }
0x407: {  	[tilespmem:s20+$0x0] =	vst v16;
	v16 =	vmul.f32 s6, v32;
	s19 =	smul.f32 $7.812500000e-03, s19;
	s23 =	sadd.s32 $0x80, s29  }
0x408: {  	v19 =	vmul.f32 s6, v21;
	[tilespmem:s23+$0xFFFFFFC0] =	vst v18;
	s21 =	smul.f32 s18, s21  }
0x409: {  	v17 =	vmul.f32 s6, v17;
	s19 =	sadd.f32 $9.999999960e-13, s19;
	[tilespmem:s23+$0x30] =	vst v16  }
0x40a: {  	v18 =	vmul.f32 s6, v27;
	[tilespmem:s23+$0xFFFFFFE0] =	vst v19;
	s20 =	sadd.f32 $1.500000000e+00, s21  }
0x40b: {  	v16 =	vmul.f32 s6, v22;
	[tilespmem:s23+$0xFFFFFFD0] =	vst v17;
	s21 =	sshrl.u32 s19, $0x1;
	s19 =	smul.f32 $-5.000000000e-01, s19  }
0x40c: {  	v19 =	vmul.f32 s6, v26;
	[tilespmem:s23+$0x10] =	vst v18;
	s18 =	smul.f32 s18, s20;
	s20 =	ssub.s32 $0x5F3759DF, s21  }
0x40d: {  	[tilespmem:s23+$0xFFFFFFF0] =	vst v16;
	v16 =	vmul.f32 s6, v20;
	s21 =	smul.f32 s20, s19  }
0x40e: {  	[tilespmem:s23+$0x20] =	vst v19;
	v17 =	vmul.f32 s18, v30  }
0x40f: {  	[tilespmem:s23+$0x0] =	vst v16;
	s19 =	sadd.s32 $0x80, s23;
	v16 =	vmul.f32 s18, v35;
	s23 =	spop (v2sf);
	s6 =	smul.f32 s20, s21  }
0x410: {  	v18 =	vmul.f32 s18, v31;
	s21 =	smul.f32 $7.812500000e-03, s23;
	[tilespmem:s19+$0xFFFFFFC0] =	vst v17  }
0x411: {  	v17 =	vmul.f32 s18, v33;
	[tilespmem:s19+$0x30] =	vst v16;
	s6 =	sadd.f32 $1.500000000e+00, s6  }
0x412: {  	v16 =	vmul.f32 s18, v37;
	[tilespmem:s19+$0xFFFFFFE0] =	vst v18;
	s21 =	sadd.f32 $9.999999960e-13, s21  }
0x413: {  	v18 =	vmul.f32 s18, v34;
	[tilespmem:s19+$0x10] =	vst v17;
	s6 =	smul.f32 s20, s6  }
0x414: {  	v17 =	vmul.f32 s18, v28;
	[tilespmem:s19+$0xFFFFFFF0] =	vst v16;
	s23 =	sshrl.u32 s21, $0x1;
	s21 =	smul.f32 $-5.000000000e-01, s21  }
0x415: {  	v16 =	vmul.f32 s18, v29;
	[tilespmem:s19+$0x20] =	vst v18;
	s18 =	ssub.s32 $0x5F3759DF, s23  }
0x416: {  	[tilespmem:s19+$0xFFFFFFD0] =	vst v17;
	v17 =	vmul.f32 s6, v40;
	s20 =	smul.f32 s18, s21  }
0x417: {  	[tilespmem:s19+$0x0] =	vst v16;
	s21 =	sadd.s32 $0x80, s19;
	v16 =	vmul.f32 s6, v53  }
0x418: {  	v18 =	vmul.f32 s6, v41;
	[tilespmem:s21+$0xFFFFFFC0] =	vst v17;
	s23 =	smul.f32 s18, s20  }
0x419: {  	v17 =	vmul.f32 s6, v43;
	[tilespmem:s21+$0x30] =	vst v16  }
0x41a: {  	v16 =	vmul.f32 s6, v39;
	[tilespmem:s21+$0xFFFFFFE0] =	vst v18;
	s19 =	sadd.f32 $1.500000000e+00, s23  }
0x41b: {  	v18 =	vmul.f32 s6, v44;
	[tilespmem:s21+$0x10] =	vst v17  }
0x41c: {  	v17 =	vmul.f32 s6, v36;
	[tilespmem:s21+$0xFFFFFFF0] =	vst v16;
	s18 =	smul.f32 s18, s19  }
0x41d: {  	v16 =	vmul.f32 s6, v38;
	[tilespmem:s21+$0x20] =	vst v18  }
0x41e: {  	[tilespmem:s21+$0xFFFFFFD0] =	vst v17;
	v17 =	vmul.f32 s18, v45  }
0x41f: {  	s20 =	sadd.s32 $0x80, s21;
	[tilespmem:s21+$0x0] =	vst v16;
	v16 =	vmul.f32 s18, v54  }
0x420: {  	v18 =	vmul.f32 s18, v46;
	[tilespmem:s20+$0xFFFFFFC0] =	vst v17  }
0x421: {  	v17 =	vmul.f32 s18, v49;
	[tilespmem:s20+$0x30] =	vst v16  }
0x422: {  	v16 =	vmul.f32 s18, v48;
	[tilespmem:s20+$0xFFFFFFE0] =	vst v18  }
0x423: {  	v18 =	vmul.f32 s18, v57;
	[tilespmem:s20+$0x10] =	vst v17  }
0x424: {  	v17 =	vmul.f32 s18, v42;
	[tilespmem:s20+$0xFFFFFFF0] =	vst v16  }
0x425: {  	v16 =	vmul.f32 s18, v47;
	[tilespmem:s20+$0x20] =	vst v18  }
0x426: {  	[tilespmem:s20+$0xFFFFFFD0] =	vst v17  }
0x427: {  	[tilespmem:s20+$0x0] =	vst v16  }
0x428: {  	[hbm4b:s12+s4] =	stream.linear.scatter [tilespmem:s31], [sflag:$0x6], $0x4000, $0x38;
	[tilespmem:$0x18900] =	vst v63  }
0x429: {  	s21 =	simm.s32 $0x300;
	_ =	swait.ge [sflag:s3], $0x4000  }
0x42a: {  	v16 =	vmov s21;
	[sflag:s3] =	ssyncset.done $0x0  }
0x42b: {  	[sflag:s3] =	ssyncadd.s32 $0xFFFFC000  }
0x42c: {  	_ =	swait.ge [sflag:s2], $0x4000  }
0x42d: {  	[sflag:s2] =	ssyncset.done $0x0  }
0x42e: {  	[sflag:s2] =	ssyncadd.s32 $0xFFFFC000  }
0x42f: {  	s23 =	simm.s32 $0x8940;
	v16 =	vld.idx.msk [tilespmem:v16+s24+$0x0], $0xffff  }
0x430: {  	v17 =	vld [tilespmem:s23+$0xFFFFFFC0]  }
0x431: {  	v18 =	vld [tilespmem:s23+$0xFFFFFFD0]  }
0x432: {  	v19 =	vld [tilespmem:s23+$0xFFFFFFE0];
	_ =	sdelay $0x1  }
0x433: {  	v20 =	vcvt.s32.f32 v16  }
0x434: {  	v16 =	vld [tilespmem:s23+$0xFFFFFFF0];
	v17 =	vadd.f32 v17, v7  }
0x435: {  	v23 =	vld [tilespmem:s23+$0x0];
	v18 =	vadd.f32 v18, v6;
	v21 =	vmul.f32 v20, v12;
	v22 =	vmul.f32 v20, v13  }
0x436: {  	v19 =	vadd.f32 v19, v5;
	v25 =	vmul.f32 v20, v11  }
0x437: {  	v24 =	vld [tilespmem:s23+$0x10];
	v42 =	vadd.f32 v21, v17;
	v18 =	vadd.f32 v18, v22  }
0x438: {  	v17 =	vmul.f32 v20, v9;
	v43 =	vadd.f32 v19, v25  }
0x439: {  	s19 =	simm.s32 $0x301;
	v16 =	vadd.f32 v16, v4;
	v22 =	vmul.f32 v42, v42;
	v26 =	vmul.f32 v18, v18  }
0x43a: {  	v27 =	vmov s19;
	v23 =	vadd.f32 v23, v2;
	v21 =	vld [tilespmem:s23+$0x20];
	v19 =	vmul.f32 v20, v10  }
0x43b: {  	v16 =	vadd.f32 v16, v17;
	v17 =	vld [tilespmem:s23+$0x30];
	v22 =	vadd.f32 v26, v22;
	v26 =	vmul.f32 v43, v43  }
0x43c: {  	v24 =	vadd.f32 v24, v3;
	v28 =	vmul.f32 v20, v8;
	v25 =	vadd.f32 v23, v19  }
0x43d: {  	v23 =	vmul.f32 v16, v16;
	v22 =	vadd.f32 v26, v22  }
0x43e: {  	v19 =	vadd.f32 v24, v28;
	v29 =	vmul.f32 v25, v25  }
0x43f: {  	v21 =	vadd.f32 v21, v1;
	v26 =	vmul.f32 v20, v14;
	v22 =	vadd.f32 v23, v22  }
0x440: {  	v20 =	vmul.f32 v20, v15;
	v17 =	vadd.f32 v17, v0  }
0x441: {  	s20 =	simm.s32 $0x89C0;
	v24 =	vld.idx.msk [tilespmem:v27+s24+$0x0], $0xffff;
	v23 =	vadd.f32 v21, v26;
	v22 =	vadd.f32 v29, v22;
	v29 =	vmul.f32 v19, v19  }
0x442: {  	v28 =	vld [tilespmem:s20+$0xFFFFFFC0]  }
0x443: {  	v27 =	vld [tilespmem:s20+$0xFFFFFFD0];
	v26 =	vmul.f32 v23, v23;
	v45 =	vadd.f32 v17, v20;
	v22 =	vadd.f32 v29, v22  }
0x444: {  	v21 =	vld [tilespmem:s20+$0xFFFFFFE0]  }
0x445: {  	v17 =	vadd.f32 v26, v22;
	v22 =	vmul.f32 v45, v45  }
0x446: {  	v20 =	vld [tilespmem:s20+$0xFFFFFFF0];
	v29 =	vcvt.s32.f32 v24  }
0x447: {  	v24 =	vadd.f32 v28, v7;
	v22 =	vadd.f32 v22, v17  }
0x448: {  	v30 =	vld [tilespmem:s20+$0x0];
	v26 =	vadd.f32 v27, v6;
	v27 =	vmul.f32 v29, v12;
	v28 =	vmul.f32 v29, v13  }
0x449: {  	v21 =	vadd.f32 v21, v5;
	(xrf2) =	vadd.scan.msk.f32 $0xffff, v22  }
0x44a: {  	v31 =	vld [tilespmem:s20+$0x10];
	v56 =	vmul.f32 v29, v11;
	v24 =	vadd.f32 v27, v24;
	v17 =	vadd.f32 v26, v28  }
0x44b: {  	v20 =	vadd.f32 v20, v4;
	v22 =	vmul.f32 v29, v9  }
0x44c: {  	s21 =	simm.s32 $0x302;
	v26 =	vld [tilespmem:s20+$0x20];
	v21 =	vadd.f32 v21, v56;
	v27 =	vmul.f32 v24, v24;
	v28 =	vmul.f32 v17, v17  }
0x44d: {  	v58 =	vmov s21;
	v30 =	vadd.f32 v30, v2;
	v57 =	vmul.f32 v29, v10  }
0x44e: {  	v59 =	vld [tilespmem:s20+$0x30];
	v27 =	vadd.f32 v28, v27;
	v28 =	vmul.f32 v21, v21;
	v22 =	vadd.f32 v20, v22  }
0x44f: {  	v31 =	vadd.f32 v31, v3;
	v60 =	vmul.f32 v29, v8  }
0x450: {  	v20 =	vadd.f32 v30, v57;
	v28 =	vadd.f32 v28, v27;
	v30 =	vmul.f32 v22, v22  }
0x451: {  	s23 =	simm.s32 $0x8A40;
	v61 =	vmul.f32 v29, v14;
	v26 =	vadd.f32 v26, v1  }
0x452: {  	v40 =	vld [tilespmem:s23+$0xFFFFFFC0];
	v62 =	vmul.f32 v20, v20;
	v27 =	vadd.f32 v31, v60;
	v28 =	vadd.f32 v30, v28  }
0x453: {  	v63 =	vadd.f32 v59, v0;
	v29 =	vmul.f32 v29, v15;
	v31 =	vld.idx.msk [tilespmem:v58+s24+$0x0], $0xffff;
	v26 =	vadd.f32 v26, v61;
	v41, _, _ =	vpop (xrf2)  }
0x454: {  	v30 =	vld [tilespmem:s23+$0xFFFFFFD0];
	v35 =	vmul.f32 v27, v27;
	v28 =	vadd.f32 v62, v28;
	(v2sf) =	vpush v41, $0xF;
	_ =	sdelay $0x1  }
0x455: {  	v44 =	vld [tilespmem:s23+$0xFFFFFFE0];
	v32 =	vadd.f32 v63, v29;
	v46 =	vmul.f32 v26, v26;
	v28 =	vadd.f32 v35, v28;
	_ =	sdelay $0x1  }
0x456: {  	v29 =	vld [tilespmem:s23+$0xFFFFFFF0];
	v38 =	vcvt.s32.f32 v31;
	v31 =	vmul.f32 v32, v32;
	v28 =	vadd.f32 v46, v28  }
0x457: {  	v47 =	vadd.f32 v40, v7;
	v48 =	vadd.f32 v30, v6  }
0x458: {  	v50 =	vld [tilespmem:s23+$0x0];
	v30 =	vmul.f32 v38, v12;
	v49 =	vmul.f32 v38, v13;
	v31 =	vadd.f32 v31, v28  }
0x459: {  	v36 =	vadd.f32 v44, v5  }
0x45a: {  	v51 =	vld [tilespmem:s23+$0x10];
	v52 =	vmul.f32 v38, v11;
	v30 =	vadd.f32 v30, v47;
	v28 =	vadd.f32 v48, v49;
	(xrf2) =	vadd.scan.msk.f32 $0xffff, v31  }
0x45b: {  	v29 =	vadd.f32 v29, v4;
	v53 =	vmul.f32 v38, v9  }
0x45c: {  	s19 =	simm.s32 $0x303;
	v54 =	vld [tilespmem:s23+$0x20];
	v55 =	vmul.f32 v30, v30;
	v56 =	vmul.f32 v28, v28;
	v31 =	vadd.f32 v36, v52  }
0x45d: {  	v59 =	vadd.f32 v50, v2;
	v58 =	vmov s19;
	v57 =	vmul.f32 v38, v10  }
0x45e: {  	s18 =	simm.s32 $0x8AC0;
	v61 =	vld [tilespmem:s23+$0x30];
	v37 =	vadd.f32 v29, v53;
	v35 =	vadd.f32 v56, v55;
	v60 =	vmul.f32 v31, v31  }
0x45f: {  	v39 =	vld [tilespmem:s18+$0xFFFFFFF0];
	v62 =	vadd.f32 v51, v3;
	v63 =	vmul.f32 v38, v8  }
0x460: {  	v29 =	vadd.f32 v59, v57;
	v47 =	vld [tilespmem:s18+$0x10];
	v52 =	vmul.f32 v37, v37;
	v35 =	vadd.f32 v60, v35  }
0x461: {  	v34 =	vadd.f32 v54, v1;
	v53 =	vmul.f32 v38, v14;
	v36 =	vld [tilespmem:s18+$0x20];
	s20 =	spop (v2sf)  }
0x462: {  	v33 =	vadd.f32 v62, v63;
	v54 =	vmul.f32 v29, v29;
	v55 =	vld.idx.msk [tilespmem:v58+s24+$0x0], $0xffff;
	v35 =	vadd.f32 v52, v35;
	s6 =	smul.f32 $7.812500000e-03, s20  }
0x463: {  	v38 =	vmul.f32 v38, v15;
	v59 =	vadd.f32 v61, v0;
	v60 =	vld [tilespmem:s18+$0xFFFFFFC0]  }
0x464: {  	v61 =	vmul.f32 v33, v33;
	v34 =	vadd.f32 v34, v53;
	v56 =	vld [tilespmem:s18+$0xFFFFFFD0];
	v35 =	vadd.f32 v54, v35;
	v62, _, _ =	vpop (xrf2);
	s6 =	sadd.f32 $9.999999960e-13, s6  }
0x465: {  	v39 =	vadd.f32 v39, v4;
	v63 =	vld [tilespmem:s18+$0xFFFFFFE0];
	(v2sf) =	vpush v62, $0xF  }
0x466: {  	v58 =	vmul.f32 v34, v34;
	v57 =	vadd.f32 v61, v35;
	v35 =	vadd.f32 v59, v38;
	s21 =	sshrl.u32 s6, $0x1;
	s6 =	smul.f32 $-5.000000000e-01, s6  }
0x467: {  	v51 =	vld [tilespmem:s18+$0x0];
	v46 =	vadd.f32 v47, v3;
	v44 =	vadd.f32 v36, v1;
	v38 =	vcvt.s32.f32 v55;
	s19 =	ssub.s32 $0x5F3759DF, s21  }
0x468: {  	v47 =	vadd.f32 v60, v7;
	v59 =	vadd.f32 v58, v57;
	v41 =	vmul.f32 v35, v35;
	s6 =	smul.f32 s19, s6  }
0x469: {  	v60 =	vadd.f32 v56, v6;
	v61 =	vmul.f32 v38, v12;
	v62 =	vmul.f32 v38, v13  }
0x46a: {  	v54 =	vmul.f32 v38, v9;
	v56 =	vadd.f32 v41, v59;
	v41 =	vadd.f32 v63, v5;
	s6 =	smul.f32 s19, s6  }
0x46b: {  	v63 =	vmul.f32 v38, v11;
	v40 =	vadd.f32 v61, v47;
	v36 =	vadd.f32 v60, v62  }
0x46c: {  	v51 =	vadd.f32 v51, v2;
	v53 =	vmul.f32 v38, v8;
	v48 =	vmul.f32 v38, v14;
	(xrf2) =	vadd.scan.msk.f32 $0xffff, v56;
	s6 =	sadd.f32 $1.500000000e+00, s6  }
0x46d: {  	s23 =	simm.s32 $0x304;
	v61 =	vmul.f32 v40, v40;
	v62 =	vmul.f32 v36, v36;
	v41 =	vadd.f32 v41, v63  }
0x46e: {  	v55 =	vmov s23;
	v60 =	vmul.f32 v38, v10;
	v47 =	vmul.f32 v38, v15;
	s19 =	smul.f32 s19, s6  }
0x46f: {  	v39 =	vadd.f32 v39, v54;
	v57 =	vadd.f32 v62, v61;
	v63 =	vmul.f32 v41, v41  }
0x470: {  	v54 =	vld [tilespmem:s18+$0x30];
	s18 =	simm.s32 $0x8B40;
	v38 =	vadd.f32 v51, v60;
	v52 =	vmul.f32 s19, v42;
	v50 =	vmul.f32 s19, v45  }
0x471: {  	s29 =	simm.s32 $0x10940;
	s20 =	simm.s32 $0x10940;
	v49 =	vld [tilespmem:s18+$0x20];
	s21 =	simm.s32 $0x305;
	v42 =	vadd.f32 v63, v57;
	v45 =	vmul.f32 v39, v39;
	v51 =	vmul.f32 s19, v43  }
.LBB2_14:
0x472: {  	p0 =	sne.s32 s21, $0x37F;
	v43 =	vld [tilespmem:s18+$0x10];
	v56 =	vmul.f32 v38, v38;
	v46 =	vadd.f32 v46, v53;
	[tilespmem:s20+$0xFFFFFFC0] =	vst v52;
	v52 =	vmul.f32 s19, v16;
	v57 =	vmovc v40  }
0x473: {  	s29 =	sadd.s32 $0x80, s29;
	v58 =	vmovc v21;
	v21 =	vmovc v31;
	v31 =	vmov v41;
	v16 =	vmov v22;
	v22 =	vmov v37;
	s23 =	smov.u32 s21;
	s21 =	sadd.s32 $0x1, s21  }
0x474: {  	v41 =	vmul.f32 s19, v18;
	v53 =	vmul.f32 s19, v19;
	v19 =	vmovc v27;
	v37 =	vld.idx.msk [tilespmem:v55+s24+$0x0], $0xffff;
	v40 =	vadd.f32 v45, v42;
	s6 =	spop (v2sf);
	[tilespmem:s20+$0x30] =	vst v50  }
0x475: {  	v25 =	vmul.f32 s19, v25;
	v27 =	vmovc v33;
	v50 =	vmul.f32 s19, v23;
	v42 =	vld [tilespmem:s18+$0xFFFFFFD0];
	v45 =	vadd.f32 v54, v0;
	s6 =	smul.f32 $7.812500000e-03, s6;
	[tilespmem:s20+$0xFFFFFFE0] =	vst v51;
	v33 =	vmovc v46  }
0x476: {  	v48 =	vadd.f32 v44, v48;
	v51 =	vld [tilespmem:s18+$0xFFFFFFC0];
	v40 =	vadd.f32 v56, v40;
	v46 =	vmul.f32 v46, v33;
	v23, _, _ =	vpop (xrf2);
	[tilespmem:s20+$0x10] =	vst v53  }
0x477: {  	v18 =	vmovc v17;
	v17 =	vmovc v28;
	(v2sf) =	vpush v23, $0xF;
	s6 =	sadd.f32 $9.999999960e-13, s6;
	[tilespmem:s20+$0xFFFFFFF0] =	vst v52;
	v23 =	vmov v26;
	v26 =	vmov v34  }
0x478: {  	v53 =	vmul.f32 v48, v48;
	v45 =	vadd.f32 v45, v47;
	v52 =	vld [tilespmem:s18+$0xFFFFFFE0];
	v40 =	vadd.f32 v46, v40;
	[tilespmem:s20+$0x20] =	vst v50  }
0x479: {  	v28 =	vmovc v36;
	v44 =	vadd.f32 v49, v1;
	v34 =	vmov v48;
	v46 =	vadd.f32 v43, v3;
	s19 =	sshrl.u32 s6, $0x1;
	s6 =	smul.f32 $-5.000000000e-01, s6;
	[tilespmem:s20+$0xFFFFFFD0] =	vst v41  }
0x47a: {  	v43 =	vcvt.s32.f32 v37;
	v37 =	vmovc v39;
	v41 =	vld [tilespmem:s18+$0xFFFFFFF0];
	v36 =	vadd.f32 v53, v40;
	v40 =	vmul.f32 v45, v45;
	s19 =	ssub.s32 $0x5F3759DF, s19;
	[tilespmem:s20+$0x0] =	vst v25;
	s20 =	smov.u32 s29  }
0x47b: {  	v42 =	vadd.f32 v42, v6;
	v25 =	vmovc v20;
	v20 =	vmovc v29;
	v29 =	vmov v38;
	v39 =	vadd.f32 v51, v7;
	s6 =	smul.f32 s19, s6  }
0x47c: {  	v38 =	vmul.f32 v43, v12;
	v47 =	vmul.f32 v43, v13;
	v49 =	vld [tilespmem:s18+$0x0];
	v48 =	vadd.f32 v40, v36  }
0x47d: {  	v51 =	vmul.f32 v43, v11;
	v50 =	vadd.f32 v52, v5;
	v52 =	vmul.f32 v43, v9;
	s6 =	smul.f32 s19, s6  }
0x47e: {  	v40 =	vadd.f32 v38, v39;
	v36 =	vadd.f32 v42, v47;
	v38 =	vmul.f32 v43, v10;
	(xrf2) =	vadd.scan.msk.f32 $0xffff, v48  }
0x47f: {  	v53 =	vmul.f32 v43, v8;
	v48 =	vmul.f32 v43, v14;
	v39 =	vadd.f32 v41, v4;
	s6 =	sadd.f32 $1.500000000e+00, s6  }
.Ltmp6:
0x480: {  	v42 =	vmul.f32 v40, v40;
	v54 =	vmul.f32 v36, v36;
	v41 =	vadd.f32 v50, v51;
	(pc) =	sbr.rel @p0 .LBB2_14-.Ltmp6, $4  }
0x481: {  	v55 =	vmov s23;
	v47 =	vmul.f32 v43, v15;
	v49 =	vadd.f32 v49, v2;
	s19 =	smul.f32 s19, s6  }
0x482: {  	v42 =	vadd.f32 v54, v42;
	v43 =	vmul.f32 v41, v41;
	v39 =	vadd.f32 v39, v52;
	v54 =	vld [tilespmem:s18+$0x30]  }
0x483: {  	s18 =	sadd.s32 $0x80, s18;
	v38 =	vadd.f32 v49, v38;
	v52 =	vmul.f32 s19, v24;
	v50 =	vmul.f32 s19, v32;
	v32 =	vmovc v35;
	v35 =	vmovc v45  }
0x484: {  	v42 =	vadd.f32 v43, v42;
	v45 =	vmul.f32 v39, v39;
	v51 =	vmul.f32 s19, v58;
	v24 =	vmovc v30;
	v30 =	vmovc v57;
	v49 =	vld [tilespmem:s18+$0x20]  }
0x485: {  	_ =	sdelay $0x3  }
0x486: {  	v55 =	vld.idx.msk [tilespmem:v55+s24+$0x0], $0xffff  }
0x487: {  	v56 =	vld [tilespmem:s18+$0xFFFFFFC0]  }
0x488: {  	v57 =	vld [tilespmem:s18+$0xFFFFFFD0]  }
0x489: {  	v60 =	vld [tilespmem:s18+$0xFFFFFFE0]  }
0x48a: {  	v58 =	vmul.f32 v38, v38;
	v43 =	vadd.f32 v46, v53;
	v42 =	vadd.f32 v45, v42  }
0x48b: {  	v46 =	vld [tilespmem:s18+$0xFFFFFFF0];
	v44 =	vadd.f32 v44, v48;
	v53 =	vadd.f32 v54, v0;
	v54 =	vcvt.s32.f32 v55  }
0x48c: {  	v61 =	vmul.f32 v43, v43;
	v42 =	vadd.f32 v58, v42;
	v48 =	vadd.f32 v56, v7  }
0x48d: {  	v59 =	vld [tilespmem:s18+$0x0];
	v56 =	vadd.f32 v57, v6;
	v57 =	vmul.f32 v54, v12;
	v58 =	vmul.f32 v54, v13  }
0x48e: {  	v55 =	vadd.f32 v61, v42;
	v60 =	vadd.f32 v60, v5  }
0x48f: {  	v61 =	vmul.f32 v54, v11;
	v45 =	vadd.f32 v57, v48;
	v42 =	vadd.f32 v56, v58  }
0x490: {  	v53 =	vadd.f32 v53, v47;
	v48 =	vmul.f32 v54, v9;
	v57 =	vadd.f32 v46, v4  }
0x491: {  	v58 =	vld [tilespmem:s18+$0x10];
	v46 =	vadd.f32 v60, v61;
	v62 =	vmul.f32 v45, v45;
	v60 =	vmul.f32 v42, v42  }
0x492: {  	v59 =	vadd.f32 v59, v2;
	v47 =	vmul.f32 v54, v10;
	v56 =	vmul.f32 v44, v44  }
0x493: {  	v61 =	vmul.f32 v46, v46;
	v48 =	vadd.f32 v57, v48;
	v60 =	vadd.f32 v60, v62  }
0x494: {  	v55 =	vadd.f32 v56, v55;
	v56 =	vmul.f32 v53, v53  }
0x495: {  	v47 =	vadd.f32 v59, v47;
	v59 =	vadd.f32 v61, v60;
	v60 =	vmul.f32 v48, v48  }
0x496: {  	v57 =	vld [tilespmem:s18+$0x30];
	v55 =	vadd.f32 v56, v55;
	v58 =	vadd.f32 v58, v3  }
0x497: {  	v61 =	vmul.f32 v54, v8;
	v56 =	vadd.f32 v60, v59;
	v59 =	vmul.f32 v47, v47  }
0x498: {  	v60 =	vadd.f32 v49, v1  }
0x499: {  	v62 =	vmul.f32 v54, v14;
	v49 =	vadd.f32 v58, v61;
	v63 =	vadd.f32 v59, v56  }
0x49a: {  	(xrf2) =	vadd.scan.msk.f32 $0xffff, v55;
	v54 =	vmul.f32 v54, v15  }
0x49b: {  	v61 =	vadd.f32 v57, v0;
	v57 =	vadd.f32 v60, v62;
	v62 =	vmul.f32 v49, v49;
	_ =	sdelay $0x1  }
0x49c: {  	v54 =	vadd.f32 v61, v54;
	v55 =	vadd.f32 v62, v63;
	v60 =	vmul.f32 v57, v57;
	v63, _, _ =	vpop (xrf2)  }
0x49d: {  	(v2sf) =	vpush v63, $0xF  }
0x49e: {  	v61 =	vmul.f32 v54, v54;
	v55 =	vadd.f32 v60, v55;
	_ =	sdelay $0x1  }
0x49f: {  	v55 =	vadd.f32 v61, v55;
	_ =	sdelay $0x1  }
0x4a0: {  	(xrf2) =	vadd.scan.msk.f32 $0xffff, v55  }
0x4a1: {  	s6 =	spop (v2sf);
	v62, _, _ =	vpop (xrf2)  }
0x4a2: {  	s6 =	smul.f32 $7.812500000e-03, s6;
	(v2sf) =	vpush v62, $0xF;
	_ =	sdelay $0x1  }
0x4a3: {  	s6 =	sadd.f32 $9.999999960e-13, s6;
	_ =	sdelay $0x1  }
0x4a4: {  	s21 =	sshrl.u32 s6, $0x1;
	s6 =	smul.f32 $-5.000000000e-01, s6  }
0x4a5: {  	s18 =	ssub.s32 $0x5F3759DF, s21  }
0x4a6: {  	s6 =	smul.f32 s18, s6;
	_ =	sdelay $0x1  }
0x4a7: {  	s6 =	smul.f32 s18, s6;
	v63, _, _ =	vpop (xrf2);
	s21 =	spop (v2sf)  }
0x4a8: {  	[tilespmem:s20+$0xFFFFFFC0] =	vst v52;
	(v2sf) =	vpush v63, $0xF;
	s21 =	smul.f32 $7.812500000e-03, s21  }
0x4a9: {  	v19 =	vmul.f32 s19, v19;
	[tilespmem:s20+$0x30] =	vst v50;
	s6 =	sadd.f32 $1.500000000e+00, s6  }
0x4aa: {  	v16 =	vmul.f32 s19, v16;
	[tilespmem:s20+$0xFFFFFFE0] =	vst v51;
	s21 =	sadd.f32 $9.999999960e-13, s21  }
0x4ab: {  	v23 =	vmul.f32 s19, v23;
	[tilespmem:s20+$0x10] =	vst v19;
	s6 =	smul.f32 s18, s6  }
0x4ac: {  	v18 =	vmul.f32 s19, v18;
	[tilespmem:s20+$0xFFFFFFF0] =	vst v16;
	s23 =	sshrl.u32 s21, $0x1;
	s21 =	smul.f32 $-5.000000000e-01, s21  }
0x4ad: {  	v16 =	vmul.f32 s19, v25;
	[tilespmem:s20+$0x20] =	vst v23;
	s18 =	ssub.s32 $0x5F3759DF, s23  }
0x4ae: {  	[tilespmem:s20+$0xFFFFFFD0] =	vst v18;
	v18 =	vmul.f32 s6, v24;
	s19 =	spop (v2sf);
	s21 =	smul.f32 s18, s21  }
0x4af: {  	[tilespmem:s20+$0x0] =	vst v16;
	v16 =	vmul.f32 s6, v32;
	s19 =	smul.f32 $7.812500000e-03, s19;
	s23 =	sadd.s32 $0x80, s29  }
0x4b0: {  	v19 =	vmul.f32 s6, v21;
	[tilespmem:s23+$0xFFFFFFC0] =	vst v18;
	s21 =	smul.f32 s18, s21  }
0x4b1: {  	v17 =	vmul.f32 s6, v17;
	s19 =	sadd.f32 $9.999999960e-13, s19;
	[tilespmem:s23+$0x30] =	vst v16  }
0x4b2: {  	v18 =	vmul.f32 s6, v27;
	[tilespmem:s23+$0xFFFFFFE0] =	vst v19;
	s20 =	sadd.f32 $1.500000000e+00, s21  }
0x4b3: {  	v16 =	vmul.f32 s6, v22;
	[tilespmem:s23+$0xFFFFFFD0] =	vst v17;
	s21 =	sshrl.u32 s19, $0x1;
	s19 =	smul.f32 $-5.000000000e-01, s19  }
0x4b4: {  	v19 =	vmul.f32 s6, v26;
	[tilespmem:s23+$0x10] =	vst v18;
	s18 =	smul.f32 s18, s20;
	s20 =	ssub.s32 $0x5F3759DF, s21  }
0x4b5: {  	[tilespmem:s23+$0xFFFFFFF0] =	vst v16;
	v16 =	vmul.f32 s6, v20;
	s21 =	smul.f32 s20, s19  }
0x4b6: {  	[tilespmem:s23+$0x20] =	vst v19;
	v17 =	vmul.f32 s18, v30  }
0x4b7: {  	[tilespmem:s23+$0x0] =	vst v16;
	s19 =	sadd.s32 $0x80, s23;
	v16 =	vmul.f32 s18, v35;
	s23 =	spop (v2sf);
	s6 =	smul.f32 s20, s21  }
0x4b8: {  	v18 =	vmul.f32 s18, v31;
	s21 =	smul.f32 $7.812500000e-03, s23;
	[tilespmem:s19+$0xFFFFFFC0] =	vst v17  }
0x4b9: {  	v17 =	vmul.f32 s18, v33;
	[tilespmem:s19+$0x30] =	vst v16;
	s6 =	sadd.f32 $1.500000000e+00, s6  }
0x4ba: {  	v16 =	vmul.f32 s18, v37;
	[tilespmem:s19+$0xFFFFFFE0] =	vst v18;
	s21 =	sadd.f32 $9.999999960e-13, s21  }
0x4bb: {  	v18 =	vmul.f32 s18, v34;
	[tilespmem:s19+$0x10] =	vst v17;
	s6 =	smul.f32 s20, s6  }
0x4bc: {  	v17 =	vmul.f32 s18, v28;
	[tilespmem:s19+$0xFFFFFFF0] =	vst v16;
	s23 =	sshrl.u32 s21, $0x1;
	s21 =	smul.f32 $-5.000000000e-01, s21  }
0x4bd: {  	v16 =	vmul.f32 s18, v29;
	[tilespmem:s19+$0x20] =	vst v18;
	s18 =	ssub.s32 $0x5F3759DF, s23  }
0x4be: {  	[tilespmem:s19+$0xFFFFFFD0] =	vst v17;
	v17 =	vmul.f32 s6, v40;
	s20 =	smul.f32 s18, s21  }
0x4bf: {  	[tilespmem:s19+$0x0] =	vst v16;
	s21 =	sadd.s32 $0x80, s19;
	v16 =	vmul.f32 s6, v53  }
0x4c0: {  	v18 =	vmul.f32 s6, v41;
	[tilespmem:s21+$0xFFFFFFC0] =	vst v17;
	s23 =	smul.f32 s18, s20  }
0x4c1: {  	v17 =	vmul.f32 s6, v43;
	[tilespmem:s21+$0x30] =	vst v16  }
0x4c2: {  	v16 =	vmul.f32 s6, v39;
	[tilespmem:s21+$0xFFFFFFE0] =	vst v18;
	s19 =	sadd.f32 $1.500000000e+00, s23  }
0x4c3: {  	v18 =	vmul.f32 s6, v44;
	[tilespmem:s21+$0x10] =	vst v17  }
0x4c4: {  	v17 =	vmul.f32 s6, v36;
	[tilespmem:s21+$0xFFFFFFF0] =	vst v16;
	s18 =	smul.f32 s18, s19  }
0x4c5: {  	v16 =	vmul.f32 s6, v38;
	[tilespmem:s21+$0x20] =	vst v18  }
0x4c6: {  	[tilespmem:s21+$0xFFFFFFD0] =	vst v17;
	v17 =	vmul.f32 s18, v45  }
0x4c7: {  	s20 =	sadd.s32 $0x80, s21;
	[tilespmem:s21+$0x0] =	vst v16;
	v16 =	vmul.f32 s18, v54  }
0x4c8: {  	v18 =	vmul.f32 s18, v46;
	[tilespmem:s20+$0xFFFFFFC0] =	vst v17  }
0x4c9: {  	v17 =	vmul.f32 s18, v49;
	[tilespmem:s20+$0x30] =	vst v16  }
0x4ca: {  	v16 =	vmul.f32 s18, v48;
	[tilespmem:s20+$0xFFFFFFE0] =	vst v18  }
0x4cb: {  	v18 =	vmul.f32 s18, v57;
	[tilespmem:s20+$0x10] =	vst v17  }
0x4cc: {  	v17 =	vmul.f32 s18, v42;
	[tilespmem:s20+$0xFFFFFFF0] =	vst v16  }
0x4cd: {  	v16 =	vmul.f32 s18, v47;
	[tilespmem:s20+$0x20] =	vst v18  }
0x4ce: {  	[tilespmem:s20+$0xFFFFFFD0] =	vst v17  }
0x4cf: {  	[tilespmem:s20+$0x0] =	vst v16  }
0x4d0: {  	[hbm4b:s13+s4] =	stream.linear.scatter [tilespmem:s28], [sflag:$0x5], $0x4000, $0x38;
	[tilespmem:$0x18900] =	vst v63  }
0x4d1: {  	s21 =	simm.s32 $0x380;
	_ =	swait.ge [sflag:s22], $0x4000  }
0x4d2: {  	v16 =	vmov s21;
	[sflag:s22] =	ssyncset.done $0x0  }
0x4d3: {  	[sflag:s22] =	ssyncadd.s32 $0xFFFFC000  }
0x4d4: {  	_ =	swait.ge [sflag:s25], $0x4000  }
0x4d5: {  	[sflag:s25] =	ssyncset.done $0x0  }
0x4d6: {  	[sflag:s25] =	ssyncadd.s32 $0xFFFFC000  }
0x4d7: {  	s23 =	simm.s32 $0xC940;
	v16 =	vld.idx.msk [tilespmem:v16+s24+$0x0], $0xffff  }
0x4d8: {  	v17 =	vld [tilespmem:s23+$0xFFFFFFC0]  }
0x4d9: {  	v18 =	vld [tilespmem:s23+$0xFFFFFFD0]  }
0x4da: {  	v19 =	vld [tilespmem:s23+$0xFFFFFFE0];
	_ =	sdelay $0x1  }
0x4db: {  	v20 =	vld [tilespmem:s23+$0xFFFFFFF0];
	v16 =	vcvt.s32.f32 v16  }
0x4dc: {  	v17 =	vadd.f32 v17, v7  }
0x4dd: {  	v23 =	vld [tilespmem:s23+$0x0];
	v18 =	vadd.f32 v18, v6;
	v21 =	vmul.f32 v16, v12;
	v22 =	vmul.f32 v16, v13  }
0x4de: {  	v19 =	vadd.f32 v19, v5  }
0x4df: {  	v24 =	vld [tilespmem:s23+$0x10];
	v25 =	vmul.f32 v16, v11;
	v42 =	vadd.f32 v21, v17;
	v18 =	vadd.f32 v18, v22  }
0x4e0: {  	v20 =	vadd.f32 v20, v4;
	v17 =	vmul.f32 v16, v9  }
0x4e1: {  	s19 =	simm.s32 $0x381;
	v43 =	vadd.f32 v19, v25;
	v22 =	vmul.f32 v42, v42;
	v26 =	vmul.f32 v18, v18  }
0x4e2: {  	v27 =	vmov s19;
	v23 =	vadd.f32 v23, v2;
	v21 =	vld [tilespmem:s23+$0x20];
	v19 =	vmul.f32 v16, v10  }
0x4e3: {  	v17 =	vadd.f32 v20, v17;
	v20 =	vld [tilespmem:s23+$0x30];
	v22 =	vadd.f32 v26, v22;
	v26 =	vmul.f32 v43, v43  }
0x4e4: {  	v24 =	vadd.f32 v24, v3;
	v28 =	vmul.f32 v16, v8;
	v25 =	vadd.f32 v23, v19  }
0x4e5: {  	v23 =	vmul.f32 v17, v17;
	v22 =	vadd.f32 v26, v22  }
0x4e6: {  	v19 =	vadd.f32 v24, v28;
	v29 =	vmul.f32 v25, v25  }
0x4e7: {  	v21 =	vadd.f32 v21, v1;
	v26 =	vmul.f32 v16, v14;
	v22 =	vadd.f32 v23, v22  }
0x4e8: {  	v16 =	vmul.f32 v16, v15;
	v20 =	vadd.f32 v20, v0  }
0x4e9: {  	s20 =	simm.s32 $0xC9C0;
	v24 =	vld.idx.msk [tilespmem:v27+s24+$0x0], $0xffff;
	v23 =	vadd.f32 v21, v26;
	v22 =	vadd.f32 v29, v22;
	v29 =	vmul.f32 v19, v19  }
0x4ea: {  	v28 =	vld [tilespmem:s20+$0xFFFFFFC0]  }
0x4eb: {  	v27 =	vld [tilespmem:s20+$0xFFFFFFD0];
	v45 =	vadd.f32 v20, v16;
	v26 =	vmul.f32 v23, v23;
	v22 =	vadd.f32 v29, v22  }
0x4ec: {  	v21 =	vld [tilespmem:s20+$0xFFFFFFE0]  }
0x4ed: {  	v16 =	vadd.f32 v26, v22;
	v22 =	vmul.f32 v45, v45  }
0x4ee: {  	v20 =	vld [tilespmem:s20+$0xFFFFFFF0];
	v29 =	vcvt.s32.f32 v24  }
0x4ef: {  	v24 =	vadd.f32 v28, v7;
	v22 =	vadd.f32 v22, v16  }
0x4f0: {  	v30 =	vld [tilespmem:s20+$0x0];
	v26 =	vadd.f32 v27, v6;
	v27 =	vmul.f32 v29, v12;
	v28 =	vmul.f32 v29, v13  }
0x4f1: {  	v21 =	vadd.f32 v21, v5;
	(xrf2) =	vadd.scan.msk.f32 $0xffff, v22  }
0x4f2: {  	v31 =	vld [tilespmem:s20+$0x10];
	v56 =	vmul.f32 v29, v11;
	v24 =	vadd.f32 v27, v24;
	v16 =	vadd.f32 v26, v28  }
0x4f3: {  	v20 =	vadd.f32 v20, v4;
	v22 =	vmul.f32 v29, v9  }
0x4f4: {  	s21 =	simm.s32 $0x382;
	v26 =	vld [tilespmem:s20+$0x20];
	v21 =	vadd.f32 v21, v56;
	v27 =	vmul.f32 v24, v24;
	v28 =	vmul.f32 v16, v16  }
0x4f5: {  	v58 =	vmov s21;
	v30 =	vadd.f32 v30, v2;
	v57 =	vmul.f32 v29, v10  }
0x4f6: {  	v59 =	vld [tilespmem:s20+$0x30];
	v27 =	vadd.f32 v28, v27;
	v28 =	vmul.f32 v21, v21;
	v22 =	vadd.f32 v20, v22  }
0x4f7: {  	v31 =	vadd.f32 v31, v3;
	v60 =	vmul.f32 v29, v8  }
0x4f8: {  	v20 =	vadd.f32 v30, v57;
	v28 =	vadd.f32 v28, v27;
	v30 =	vmul.f32 v22, v22  }
0x4f9: {  	s23 =	simm.s32 $0xCA40;
	v61 =	vmul.f32 v29, v14;
	v26 =	vadd.f32 v26, v1  }
0x4fa: {  	v40 =	vld [tilespmem:s23+$0xFFFFFFC0];
	v62 =	vmul.f32 v20, v20;
	v27 =	vadd.f32 v31, v60;
	v28 =	vadd.f32 v30, v28  }
0x4fb: {  	v63 =	vadd.f32 v59, v0;
	v29 =	vmul.f32 v29, v15;
	v31 =	vld.idx.msk [tilespmem:v58+s24+$0x0], $0xffff;
	v26 =	vadd.f32 v26, v61;
	v41, _, _ =	vpop (xrf2)  }
0x4fc: {  	v30 =	vld [tilespmem:s23+$0xFFFFFFD0];
	v35 =	vmul.f32 v27, v27;
	v28 =	vadd.f32 v62, v28;
	(v2sf) =	vpush v41, $0xF;
	_ =	sdelay $0x1  }
0x4fd: {  	v44 =	vld [tilespmem:s23+$0xFFFFFFE0];
	v32 =	vadd.f32 v63, v29;
	v46 =	vmul.f32 v26, v26;
	v28 =	vadd.f32 v35, v28;
	_ =	sdelay $0x1  }
0x4fe: {  	v29 =	vld [tilespmem:s23+$0xFFFFFFF0];
	v38 =	vcvt.s32.f32 v31;
	v31 =	vmul.f32 v32, v32;
	v28 =	vadd.f32 v46, v28  }
0x4ff: {  	v47 =	vadd.f32 v40, v7;
	v48 =	vadd.f32 v30, v6  }
0x500: {  	v50 =	vld [tilespmem:s23+$0x0];
	v30 =	vmul.f32 v38, v12;
	v49 =	vmul.f32 v38, v13;
	v31 =	vadd.f32 v31, v28  }
0x501: {  	v36 =	vadd.f32 v44, v5  }
0x502: {  	v51 =	vld [tilespmem:s23+$0x10];
	v52 =	vmul.f32 v38, v11;
	v30 =	vadd.f32 v30, v47;
	v28 =	vadd.f32 v48, v49;
	(xrf2) =	vadd.scan.msk.f32 $0xffff, v31  }
0x503: {  	v29 =	vadd.f32 v29, v4;
	v53 =	vmul.f32 v38, v9  }
0x504: {  	s19 =	simm.s32 $0x383;
	v54 =	vld [tilespmem:s23+$0x20];
	v55 =	vmul.f32 v30, v30;
	v56 =	vmul.f32 v28, v28;
	v31 =	vadd.f32 v36, v52  }
0x505: {  	v59 =	vadd.f32 v50, v2;
	v58 =	vmov s19;
	v57 =	vmul.f32 v38, v10  }
0x506: {  	s18 =	simm.s32 $0xCAC0;
	v61 =	vld [tilespmem:s23+$0x30];
	v37 =	vadd.f32 v29, v53;
	v35 =	vadd.f32 v56, v55;
	v60 =	vmul.f32 v31, v31  }
0x507: {  	v39 =	vld [tilespmem:s18+$0xFFFFFFF0];
	v62 =	vadd.f32 v51, v3;
	v63 =	vmul.f32 v38, v8  }
0x508: {  	v29 =	vadd.f32 v59, v57;
	v47 =	vld [tilespmem:s18+$0x10];
	v52 =	vmul.f32 v37, v37;
	v35 =	vadd.f32 v60, v35  }
0x509: {  	v34 =	vadd.f32 v54, v1;
	v53 =	vmul.f32 v38, v14;
	v36 =	vld [tilespmem:s18+$0x20];
	s20 =	spop (v2sf)  }
0x50a: {  	v33 =	vadd.f32 v62, v63;
	v54 =	vmul.f32 v29, v29;
	v55 =	vld.idx.msk [tilespmem:v58+s24+$0x0], $0xffff;
	v35 =	vadd.f32 v52, v35;
	s6 =	smul.f32 $7.812500000e-03, s20  }
0x50b: {  	v38 =	vmul.f32 v38, v15;
	v59 =	vadd.f32 v61, v0;
	v56 =	vld [tilespmem:s18+$0xFFFFFFD0]  }
0x50c: {  	v61 =	vmul.f32 v33, v33;
	v34 =	vadd.f32 v34, v53;
	v60 =	vld [tilespmem:s18+$0xFFFFFFC0];
	v35 =	vadd.f32 v54, v35;
	v62, _, _ =	vpop (xrf2);
	s6 =	sadd.f32 $9.999999960e-13, s6  }
0x50d: {  	v39 =	vadd.f32 v39, v4;
	v63 =	vld [tilespmem:s18+$0xFFFFFFE0];
	(v2sf) =	vpush v62, $0xF  }
0x50e: {  	v58 =	vmul.f32 v34, v34;
	v57 =	vadd.f32 v61, v35;
	v35 =	vadd.f32 v59, v38;
	s21 =	sshrl.u32 s6, $0x1;
	s6 =	smul.f32 $-5.000000000e-01, s6  }
0x50f: {  	v46 =	vadd.f32 v47, v3;
	v44 =	vadd.f32 v36, v1;
	v38 =	vcvt.s32.f32 v55;
	s19 =	ssub.s32 $0x5F3759DF, s21  }
0x510: {  	v49 =	vadd.f32 v56, v6;
	v59 =	vadd.f32 v58, v57;
	v41 =	vmul.f32 v35, v35;
	s6 =	smul.f32 s19, s6  }
0x511: {  	v47 =	vadd.f32 v60, v7;
	v61 =	vld [tilespmem:s18+$0x0];
	v40 =	vmul.f32 v38, v12;
	v60 =	vmul.f32 v38, v13  }
0x512: {  	v62 =	vadd.f32 v63, v5;
	v63 =	vmul.f32 v38, v11;
	v55 =	vadd.f32 v41, v59;
	s6 =	smul.f32 s19, s6  }
0x513: {  	s23 =	simm.s32 $0x384;
	v56 =	vmul.f32 v38, v9;
	v40 =	vadd.f32 v40, v47;
	v36 =	vadd.f32 v49, v60  }
0x514: {  	v54 =	vmov s23;
	v52 =	vmul.f32 v38, v8;
	v51 =	vmul.f32 v38, v14;
	(xrf2) =	vadd.scan.msk.f32 $0xffff, v55;
	s6 =	sadd.f32 $1.500000000e+00, s6  }
0x515: {  	v41 =	vadd.f32 v62, v63;
	v60 =	vmul.f32 v40, v40;
	v50 =	vmul.f32 v36, v36  }
0x516: {  	v47 =	vmul.f32 v38, v10;
	v39 =	vadd.f32 v39, v56;
	v61 =	vadd.f32 v61, v2;
	s19 =	smul.f32 s19, s6  }
0x517: {  	v48 =	vmul.f32 v38, v15;
	v63 =	vmul.f32 v41, v41;
	v62 =	vadd.f32 v50, v60  }
0x518: {  	v53 =	vld [tilespmem:s18+$0x30];
	s18 =	simm.s32 $0xCB40;
	v55 =	vmul.f32 v39, v39;
	v38 =	vadd.f32 v61, v47;
	v50 =	vmul.f32 s19, v42  }
0x519: {  	s29 =	simm.s32 $0x14940;
	s20 =	simm.s32 $0x14940;
	v49 =	vld [tilespmem:s18+$0x20];
	s21 =	simm.s32 $0x385;
	v45 =	vmul.f32 s19, v45;
	v42 =	vadd.f32 v63, v62;
	v47 =	vmul.f32 s19, v43  }
.LBB2_16:
0x51a: {  	p0 =	sne.s32 s21, $0x3FF;
	v43 =	vld [tilespmem:s18+$0x10];
	v56 =	vmul.f32 v38, v38;
	v46 =	vadd.f32 v46, v52;
	[tilespmem:s20+$0xFFFFFFC0] =	vst v50;
	v50 =	vmul.f32 s19, v17;
	v57 =	vmovc v40  }
0x51b: {  	s29 =	sadd.s32 $0x80, s29;
	v58 =	vmovc v21;
	v21 =	vmovc v31;
	v31 =	vmov v41;
	v17 =	vmov v22;
	v22 =	vmov v37;
	s23 =	smov.u32 s21;
	s21 =	sadd.s32 $0x1, s21  }
0x51c: {  	v41 =	vmul.f32 s19, v18;
	v37 =	vld.idx.msk [tilespmem:v54+s24+$0x0], $0xffff;
	v40 =	vadd.f32 v55, v42;
	s6 =	spop (v2sf);
	v54 =	vmul.f32 s19, v19;
	[tilespmem:s20+$0x30] =	vst v45;
	v19 =	vmovc v27  }
0x51d: {  	v25 =	vmul.f32 s19, v25;
	v27 =	vmovc v33;
	v42 =	vld [tilespmem:s18+$0xFFFFFFD0];
	v45 =	vadd.f32 v53, v0;
	s6 =	smul.f32 $7.812500000e-03, s6;
	[tilespmem:s20+$0xFFFFFFE0] =	vst v47;
	v47 =	vmul.f32 s19, v23;
	v33 =	vmovc v46  }
0x51e: {  	v51 =	vadd.f32 v44, v51;
	v52 =	vld [tilespmem:s18+$0xFFFFFFC0];
	v40 =	vadd.f32 v56, v40;
	v46 =	vmul.f32 v46, v33;
	v23, _, _ =	vpop (xrf2);
	[tilespmem:s20+$0x10] =	vst v54  }
0x51f: {  	v18 =	vmovc v16;
	v16 =	vmovc v28;
	(v2sf) =	vpush v23, $0xF;
	s6 =	sadd.f32 $9.999999960e-13, s6;
	[tilespmem:s20+$0xFFFFFFF0] =	vst v50;
	v23 =	vmov v26;
	v26 =	vmov v34  }
0x520: {  	v53 =	vmul.f32 v51, v51;
	v55 =	vadd.f32 v45, v48;
	v50 =	vld [tilespmem:s18+$0xFFFFFFE0];
	v40 =	vadd.f32 v46, v40;
	[tilespmem:s20+$0x20] =	vst v47  }
0x521: {  	v28 =	vmovc v36;
	v44 =	vadd.f32 v49, v1;
	v34 =	vmov v51;
	v46 =	vadd.f32 v43, v3;
	s19 =	sshrl.u32 s6, $0x1;
	s6 =	smul.f32 $-5.000000000e-01, s6;
	[tilespmem:s20+$0xFFFFFFD0] =	vst v41  }
0x522: {  	v43 =	vcvt.s32.f32 v37;
	v37 =	vmovc v39;
	v41 =	vld [tilespmem:s18+$0xFFFFFFF0];
	v36 =	vadd.f32 v53, v40;
	v40 =	vmul.f32 v55, v55;
	s19 =	ssub.s32 $0x5F3759DF, s19;
	[tilespmem:s20+$0x0] =	vst v25;
	s20 =	smov.u32 s29  }
0x523: {  	v42 =	vadd.f32 v42, v6;
	v25 =	vmovc v20;
	v20 =	vmovc v29;
	v29 =	vmov v38;
	v39 =	vadd.f32 v52, v7;
	s6 =	smul.f32 s19, s6  }
0x524: {  	v38 =	vmul.f32 v43, v12;
	v45 =	vmul.f32 v43, v13;
	v47 =	vld [tilespmem:s18+$0x0];
	v48 =	vadd.f32 v40, v36  }
0x525: {  	v53 =	vmul.f32 v43, v9;
	v49 =	vadd.f32 v50, v5;
	v50 =	vmul.f32 v43, v11;
	s6 =	smul.f32 s19, s6  }
0x526: {  	v40 =	vadd.f32 v38, v39;
	v36 =	vadd.f32 v42, v45;
	v38 =	vmul.f32 v43, v10;
	(xrf2) =	vadd.scan.msk.f32 $0xffff, v48  }
0x527: {  	v52 =	vmul.f32 v43, v8;
	v51 =	vmul.f32 v43, v14;
	v39 =	vadd.f32 v41, v4;
	s6 =	sadd.f32 $1.500000000e+00, s6  }
.Ltmp7:
0x528: {  	v42 =	vmul.f32 v40, v40;
	v45 =	vmul.f32 v36, v36;
	v41 =	vadd.f32 v49, v50;
	(pc) =	sbr.rel @p0 .LBB2_16-.Ltmp7, $4  }
0x529: {  	v54 =	vmov s23;
	v48 =	vmul.f32 v43, v15;
	v47 =	vadd.f32 v47, v2;
	s19 =	smul.f32 s19, s6  }
0x52a: {  	v42 =	vadd.f32 v45, v42;
	v43 =	vmul.f32 v41, v41;
	v39 =	vadd.f32 v39, v53;
	v53 =	vld [tilespmem:s18+$0x30]  }
0x52b: {  	s18 =	sadd.s32 $0x80, s18;
	v38 =	vadd.f32 v47, v38;
	v50 =	vmul.f32 s19, v24;
	v45 =	vmul.f32 s19, v32;
	v32 =	vmovc v35;
	v35 =	vmovc v55  }
0x52c: {  	v42 =	vadd.f32 v43, v42;
	v55 =	vmul.f32 v39, v39;
	v47 =	vmul.f32 s19, v58;
	v24 =	vmovc v30;
	v30 =	vmovc v57;
	v49 =	vld [tilespmem:s18+$0x20]  }
0x52d: {  	_ =	sdelay $0x3  }
0x52e: {  	v54 =	vld.idx.msk [tilespmem:v54+s24+$0x0], $0xffff  }
0x52f: {  	v56 =	vld [tilespmem:s18+$0xFFFFFFC0]  }
0x530: {  	v57 =	vld [tilespmem:s18+$0xFFFFFFD0]  }
0x531: {  	v58 =	vmul.f32 v38, v38;
	v42 =	vadd.f32 v55, v42;
	v55 =	vld [tilespmem:s18+$0xFFFFFFE0]  }
0x532: {  	v43 =	vadd.f32 v46, v52;
	v52 =	vld [tilespmem:s18+$0x10]  }
0x533: {  	v61 =	vadd.f32 v58, v42;
	v42 =	vadd.f32 v44, v51;
	v51 =	vld [tilespmem:s18+$0xFFFFFFF0];
	v44 =	vcvt.s32.f32 v54  }
0x534: {  	v53 =	vadd.f32 v53, v0;
	v62 =	vmul.f32 v43, v43;
	v7 =	vadd.f32 v56, v7  }
0x535: {  	v60 =	vld [tilespmem:s18+$0x0];
	v63 =	vadd.f32 v57, v6;
	v58 =	vmul.f32 v44, v12;
	v59 =	vmul.f32 v44, v13  }
0x536: {  	v46 =	vadd.f32 v62, v61;
	v61 =	vmul.f32 v42, v42;
	v55 =	vadd.f32 v55, v5  }
0x537: {  	v11 =	vmul.f32 v44, v11;
	v6 =	vadd.f32 v58, v7;
	v5 =	vadd.f32 v63, v59  }
0x538: {  	v57 =	vadd.f32 v52, v3;
	v9 =	vmul.f32 v44, v9;
	v62 =	vadd.f32 v51, v4  }
0x539: {  	v4 =	vadd.f32 v55, v11;
	v63 =	vmul.f32 v6, v6;
	v56 =	vmul.f32 v5, v5  }
0x53a: {  	v2 =	vadd.f32 v60, v2;
	v10 =	vmul.f32 v44, v10;
	v7 =	vadd.f32 v53, v48  }
0x53b: {  	v60 =	vld [tilespmem:s18+$0x30];
	v3 =	vadd.f32 v62, v9;
	v59 =	vmul.f32 v4, v4;
	v58 =	vadd.f32 v56, v63  }
0x53c: {  	v61 =	vadd.f32 v61, v46;
	v8 =	vmul.f32 v44, v8;
	v62 =	vmul.f32 v7, v7  }
0x53d: {  	v2 =	vadd.f32 v2, v10;
	v52 =	vmul.f32 v3, v3;
	v63 =	vadd.f32 v59, v58  }
0x53e: {  	v14 =	vmul.f32 v44, v14;
	v53 =	vadd.f32 v49, v1;
	v12 =	vadd.f32 v62, v61  }
0x53f: {  	v1 =	vadd.f32 v57, v8;
	v54 =	vmul.f32 v2, v2;
	v55 =	vadd.f32 v52, v63  }
0x540: {  	v57 =	vadd.f32 v60, v0;
	v11 =	vadd.f32 v53, v14;
	(xrf2) =	vadd.scan.msk.f32 $0xffff, v12  }
0x541: {  	v56 =	vmul.f32 v44, v15;
	v58 =	vmul.f32 v1, v1;
	v8 =	vadd.f32 v54, v55;
	_ =	sdelay $0x1  }
0x542: {  	v60 =	vmul.f32 v11, v11;
	v59, _, _ =	vpop (xrf2);
	v0 =	vadd.f32 v57, v56;
	v8 =	vadd.f32 v58, v8  }
0x543: {  	(v2sf) =	vpush v59, $0xF  }
0x544: {  	v61 =	vmul.f32 v0, v0;
	v8 =	vadd.f32 v60, v8;
	_ =	sdelay $0x1  }
0x545: {  	v8 =	vadd.f32 v61, v8;
	_ =	sdelay $0x1  }
0x546: {  	(xrf2) =	vadd.scan.msk.f32 $0xffff, v8  }
0x547: {  	s6 =	spop (v2sf);
	v62, _, _ =	vpop (xrf2)  }
0x548: {  	s6 =	smul.f32 $7.812500000e-03, s6;
	(v2sf) =	vpush v62, $0xF;
	_ =	sdelay $0x1  }
0x549: {  	s6 =	sadd.f32 $9.999999960e-13, s6;
	_ =	sdelay $0x1  }
0x54a: {  	s21 =	sshrl.u32 s6, $0x1;
	s6 =	smul.f32 $-5.000000000e-01, s6  }
0x54b: {  	s18 =	ssub.s32 $0x5F3759DF, s21  }
0x54c: {  	s6 =	smul.f32 s18, s6;
	_ =	sdelay $0x1  }
0x54d: {  	s6 =	smul.f32 s18, s6;
	s21 =	spop (v2sf);
	v63, _, _ =	vpop (xrf2)  }
0x54e: {  	[tilespmem:s20+$0xFFFFFFC0] =	vst v50;
	s21 =	smul.f32 $7.812500000e-03, s21;
	(v2sf) =	vpush v63, $0xF  }
0x54f: {  	[tilespmem:s20+$0x30] =	vst v45;
	v13 =	vmul.f32 s19, v17;
	s6 =	sadd.f32 $1.500000000e+00, s6  }
0x550: {  	[tilespmem:s20+$0xFFFFFFE0] =	vst v47;
	v17 =	vmul.f32 s19, v25;
	s21 =	sadd.f32 $9.999999960e-13, s21  }
0x551: {  	[tilespmem:s20+$0xFFFFFFF0] =	vst v13;
	v14 =	vmul.f32 s19, v23;
	s6 =	smul.f32 s18, s6  }
0x552: {  	[tilespmem:s20+$0x0] =	vst v17;
	v15 =	vmul.f32 s19, v18;
	s23 =	sshrl.u32 s21, $0x1;
	s21 =	smul.f32 $-5.000000000e-01, s21  }
0x553: {  	[tilespmem:s20+$0x20] =	vst v14;
	v12 =	vmul.f32 s19, v19;
	s18 =	ssub.s32 $0x5F3759DF, s23  }
0x554: {  	[tilespmem:s20+$0xFFFFFFD0] =	vst v15;
	v18 =	vmul.f32 s6, v24;
	s21 =	smul.f32 s18, s21;
	s19 =	spop (v2sf)  }
0x555: {  	v19 =	vmul.f32 s6, v32;
	[tilespmem:s20+$0x10] =	vst v12;
	s23 =	sadd.s32 $0x80, s29;
	s19 =	smul.f32 $7.812500000e-03, s19  }
0x556: {  	v23 =	vmul.f32 s6, v21;
	[tilespmem:s23+$0xFFFFFFC0] =	vst v18;
	s21 =	smul.f32 s18, s21  }
0x557: {  	v24 =	vmul.f32 s6, v27;
	[tilespmem:s23+$0x30] =	vst v19;
	s19 =	sadd.f32 $9.999999960e-13, s19  }
0x558: {  	v25 =	vmul.f32 s6, v22;
	[tilespmem:s23+$0xFFFFFFE0] =	vst v23;
	s20 =	sadd.f32 $1.500000000e+00, s21  }
0x559: {  	v27 =	vmul.f32 s6, v26;
	[tilespmem:s23+$0x10] =	vst v24;
	s29 =	sshrl.u32 s19, $0x1;
	s19 =	smul.f32 $-5.000000000e-01, s19  }
0x55a: {  	v32 =	vmul.f32 s6, v16;
	[tilespmem:s23+$0xFFFFFFF0] =	vst v25;
	s18 =	smul.f32 s18, s20;
	s20 =	ssub.s32 $0x5F3759DF, s29  }
0x55b: {  	v44 =	vmul.f32 s6, v20;
	[tilespmem:s23+$0x20] =	vst v27;
	s21 =	smul.f32 s20, s19  }
0x55c: {  	[tilespmem:s23+$0xFFFFFFD0] =	vst v32;
	v45 =	vmul.f32 s18, v30  }
0x55d: {  	[tilespmem:s23+$0x0] =	vst v44;
	v46 =	vmul.f32 s18, v35;
	s19 =	sadd.s32 $0x80, s23;
	s6 =	smul.f32 s20, s21;
	s29 =	spop (v2sf)  }
0x55e: {  	v47 =	vmul.f32 s18, v31;
	[tilespmem:s19+$0xFFFFFFC0] =	vst v45;
	s21 =	smul.f32 $7.812500000e-03, s29  }
0x55f: {  	v48 =	vmul.f32 s18, v33;
	[tilespmem:s19+$0x30] =	vst v46;
	s6 =	sadd.f32 $1.500000000e+00, s6  }
0x560: {  	v49 =	vmul.f32 s18, v37;
	[tilespmem:s19+$0xFFFFFFE0] =	vst v47;
	s21 =	sadd.f32 $9.999999960e-13, s21  }
0x561: {  	v50 =	vmul.f32 s18, v34;
	[tilespmem:s19+$0x10] =	vst v48;
	s6 =	smul.f32 s20, s6  }
0x562: {  	v51 =	vmul.f32 s18, v28;
	[tilespmem:s19+$0xFFFFFFF0] =	vst v49;
	s23 =	sshrl.u32 s21, $0x1;
	s21 =	smul.f32 $-5.000000000e-01, s21  }
0x563: {  	v52 =	vmul.f32 s18, v29;
	[tilespmem:s19+$0x20] =	vst v50;
	s29 =	ssub.s32 $0x5F3759DF, s23  }
0x564: {  	[tilespmem:s19+$0xFFFFFFD0] =	vst v51;
	v53 =	vmul.f32 s6, v40;
	s20 =	smul.f32 s29, s21  }
0x565: {  	[tilespmem:s19+$0x0] =	vst v52;
	v7 =	vmul.f32 s6, v7;
	s21 =	sadd.s32 $0x80, s19  }
0x566: {  	v54 =	vmul.f32 s6, v41;
	[tilespmem:s21+$0xFFFFFFC0] =	vst v53;
	s23 =	smul.f32 s29, s20  }
0x567: {  	v55 =	vmul.f32 s6, v43;
	[tilespmem:s21+$0x30] =	vst v7  }
0x568: {  	v56 =	vmul.f32 s6, v39;
	[tilespmem:s21+$0xFFFFFFE0] =	vst v54;
	s19 =	sadd.f32 $1.500000000e+00, s23  }
0x569: {  	v57 =	vmul.f32 s6, v42;
	[tilespmem:s21+$0x10] =	vst v55  }
0x56a: {  	v58 =	vmul.f32 s6, v36;
	[tilespmem:s21+$0xFFFFFFF0] =	vst v56;
	s18 =	smul.f32 s29, s19  }
0x56b: {  	v59 =	vmul.f32 s6, v38;
	[tilespmem:s21+$0x20] =	vst v57  }
0x56c: {  	[tilespmem:s21+$0xFFFFFFD0] =	vst v58;
	v6 =	vmul.f32 s18, v6  }
0x56d: {  	[tilespmem:s21+$0x0] =	vst v59;
	s29 =	sadd.s32 $0x80, s21;
	v0 =	vmul.f32 s18, v0  }
0x56e: {  	v4 =	vmul.f32 s18, v4;
	[tilespmem:s29+$0xFFFFFFC0] =	vst v6  }
0x56f: {  	v1 =	vmul.f32 s18, v1;
	[tilespmem:s29+$0x30] =	vst v0  }
0x570: {  	v60 =	vmul.f32 s18, v3;
	[tilespmem:s29+$0xFFFFFFE0] =	vst v4  }
0x571: {  	v61 =	vmul.f32 s18, v11;
	[tilespmem:s29+$0x10] =	vst v1  }
0x572: {  	v62 =	vmul.f32 s18, v5;
	[tilespmem:s29+$0xFFFFFFF0] =	vst v60  }
0x573: {  	v63 =	vmul.f32 s18, v2;
	[tilespmem:s29+$0x20] =	vst v61  }
0x574: {  	[tilespmem:s29+$0xFFFFFFD0] =	vst v62  }
0x575: {  	s0 =	sadd.s32 $0x1, s0;
	[tilespmem:s29+$0x0] =	vst v63  }
0x576: {  	[hbm4b:s14+s4] =	stream.linear.scatter [tilespmem:s31], [sflag:$0x6], $0x4000, $0x38;
	[tilespmem:$0x18900] =	vst v63  }
0x577: {  	p0 =	sne.s32 s0, s15;
	_ =	swait.ge [sflag:s2], $0x4000  }
.Ltmp8:
0x578: {  	[sflag:s2] =	ssyncset.done $0x0;
	(pc) =	sbr.rel @p0 .LBB2_1-.Ltmp8, $4  }
0x579: {  	[sflag:s2] =	ssyncadd.s32 $0xFFFFC000  }
0x57a: {  	_ =	swait.ge [sflag:s25], $0x4000  }
0x57b: {  	[sflag:s25] =	ssyncset.done $0x0  }
0x57c: {  	[sflag:s25] =	ssyncadd.s32 $0xFFFFC000  }
0x57d: {  	_ =	sfence.sel $0x180000  }
0x57e: {  	[bflag:$0x0] =	sbarrier.arrive $0xFFFF  }
0x57f: {  	_ =	strace $0x90000047  }
0x580: {  	s0 =	stileid.u32;
	[bflag:$0x2] =	sbarrier.arrive $0xFFFF  }
0x581: {  	p0 =	sne.s32 s0, $0x0;
	s0 =	rddreg [dreg:$0x4]  }
0x582: {  	s0 =	sadd.s32 @!p0 $0x100000, s0  }
0x583: {  	[sflag:s0] =	ssyncadd.tile.s32 @!p0 $0x1;
	_ =	shalt  }
.Lfunc_end2:
_tile_overlayer_lowered:
.L_overlay_start_2:
0x584: {  	(tag) =	ssettag $0x2  }
0x585: {  	s0 =	rddreg [dreg:$0x0];
	s2 =	stileid.u32  }
0x586: {  	s1 =	rddreg [dreg:$0x1];
	p0 =	sne.s32 s2, $0x0  }
0x587: {  	s3 =	rddreg [dreg:$0x2];
	[bflag:$0x3] =	sbarrier.arrive $0xFFFF;
	s2 =	simm.s32 @!p0 $0x1C07  }
0x588: {  	[timem:s3], [sflag:s2] =	dma.local @!p0 [hbm:s0], s1  }
0x589: {  	s0 =	simm.s32 @!p0 $0x7  }
0x58a: {  	_ =	swait.ge @!p0 [sflag:s0], s1  }
0x58b: {  	s1 =	ssub.s32 @!p0 $0x0, s1;
	[sflag:s0] =	ssyncset.done @!p0 $0x0  }
0x58c: {  	[sflag:s0] =	ssyncadd.s32 @!p0 s1  }
0x58d: {  	[bflag:$0x3] =	sbarrier.arrive $0xFFFF  }
0x58e: {  	_ =	shalt  }

</sc_bundles>
